<compile_context>
chip_gen: v7x
topology: tpu7x:2x2x1
jax: 0.10.2.dev20260603
libtpu: 0.0.44.dev20260713+nightly
codegen_flags: <defaults>
</compile_context>

<pallas_src>
import jax
import jax.numpy as jnp
from jax import lax
from jax.experimental import pallas as pl
from jax.experimental.pallas import tpu as pltpu
from jax.experimental.pallas import tpu_sc as plsc

BS = 16
H = 512
W = 512
PATHS = 500
NSEG = BS * PATHS
NSEG_PAD = 8192
SEG_SL = NSEG_PAD // 16
TOT = 524288
NC = 2
NS = 16
L = 16
NW = NC * NS
P = TOT // NW
VEC = P // L
GCH = 128
NG = P // GCH


def _phase1(rows, cols, segs, flat, vals_o, sums_o, cnts_o,
            r_v, c_v, s_v, idx_v, vals_v, sums_v, cnts_v, tmp_v, red_v,
            sh_sums, sh_cnts, sem):
    cid = lax.axis_index("c")
    sid = lax.axis_index("s")
    wid = cid * NS + sid
    base = pl.multiple_of(wid * P, P)

    with jax.named_scope("p1_load"):
        pltpu.sync_copy(rows.at[pl.ds(base, P)], r_v)
        pltpu.sync_copy(cols.at[pl.ds(base, P)], c_v)
        pltpu.sync_copy(segs.at[pl.ds(base, P)], s_v)

    zeros16 = jnp.zeros((L,), jnp.float32)
    ones16 = jnp.ones((L,), jnp.float32)

    with jax.named_scope("p1_zero"):
        def zbody(j, _):
            sl = pl.ds(j * L, L)
            sums_v[sl] = zeros16
            cnts_v[sl] = zeros16
            return 0
        lax.fori_loop(0, NSEG_PAD // L, zbody, 0)

    with jax.named_scope("p1_idx"):
        def ibody(j, _):
            sl = pl.ds(j * L, L)
            s = s_v[sl]
            b = (s * 8389) >> 22
            idx_v[sl] = b * (H * W) + r_v[sl] * W + c_v[sl]
            return 0
        lax.fori_loop(0, VEC, ibody, 0)

    with jax.named_scope("p1_gather"):
        def gbody(g, _):
            gsl = pl.ds(g * GCH, GCH)
            pltpu.async_copy(flat.at[idx_v.at[gsl]], vals_v.at[gsl], sem)
            return 0
        lax.fori_loop(0, NG, gbody, 0)
        pltpu.make_async_copy(flat.at[pl.ds(0, P)], vals_v, sem).wait()

    with jax.named_scope("p1_scatter"):
        def abody(j, _):
            sl = pl.ds(j * L, L)
            s = s_v[sl]
            plsc.addupdate_scatter(sums_v, [s], vals_v[sl])
            plsc.addupdate_scatter(cnts_v, [s], ones16)
            return 0
        lax.fori_loop(0, VEC, abody, 0)

    with jax.named_scope("p1_wb"):
        pltpu.sync_copy(vals_v, vals_o.at[pl.ds(base, P)])

        pltpu.sync_copy(sums_v, sh_sums.at[sid])
        pltpu.sync_copy(cnts_v, sh_cnts.at[sid])
    plsc.subcore_barrier()

    with jax.named_scope("p1_reduce"):
        off = pl.multiple_of(sid * SEG_SL, SEG_SL)
        for sh, out in ((sh_sums, sums_o), (sh_cnts, cnts_o)):
            pltpu.sync_copy(sh.at[0, pl.ds(off, SEG_SL)], red_v)
            for r0 in range(1, NS):
                pltpu.sync_copy(sh.at[r0, pl.ds(off, SEG_SL)], tmp_v)

                def rbody(j, _):
                    sl = pl.ds(j * L, L)
                    red_v[sl] = red_v[sl] + tmp_v[sl]
                    return 0
                lax.fori_loop(0, SEG_SL // L, rbody, 0)
            pltpu.sync_copy(red_v, out.at[cid, sid])


def _phase2(vals, segs, sums, cnts, part_o,
            s_v, v_v, ps_v, pc_v, means_v, rc_v, acc_v, sem):
    cid = lax.axis_index("c")
    sid = lax.axis_index("s")
    wid = cid * NS + sid
    base = pl.multiple_of(wid * P, P)

    with jax.named_scope("p2_load"):
        pltpu.sync_copy(vals.at[pl.ds(base, P)], v_v)
        pltpu.sync_copy(segs.at[pl.ds(base, P)], s_v)
        pltpu.sync_copy(sums, ps_v)
        pltpu.sync_copy(cnts, pc_v)

    with jax.named_scope("p2_means"):
        one = jnp.float32(1.0)
        for row in range(NS):
            def mbody(j, _):
                sl = pl.ds(j * L, L)
                cnt = pc_v[0, row, sl] + pc_v[1, row, sl]
                safe = jnp.maximum(cnt, one)
                dst = pl.ds(row * SEG_SL + j * L, L)
                means_v[dst] = (ps_v[0, row, sl] + ps_v[1, row, sl]) / safe
                rc_v[dst] = one / safe
                return 0
            lax.fori_loop(0, SEG_SL // L, mbody, 0)

    with jax.named_scope("p2_main"):
        def dbody(j, acc):
            sl = pl.ds(j * L, L)
            s = s_v[sl]
            m = plsc.load_gather(means_v, [s])
            rc = plsc.load_gather(rc_v, [s])
            return acc + jnp.abs(m - v_v[sl]) * rc
        acc = lax.fori_loop(0, VEC, dbody, jnp.zeros((L,), jnp.float32))
        acc_v[...] = acc
        pltpu.sync_copy(acc_v, part_o.at[wid])


def kernel(input, rows, cols, segment_ids):
    flat = input.reshape(-1)
    mesh = plsc.VectorSubcoreMesh(core_axis_name="c", subcore_axis_name="s")

    k1 = pl.kernel(
        _phase1,
        compiler_params=pltpu.CompilerParams(needs_layout_passes=False),
        out_type=(
            jax.ShapeDtypeStruct((TOT,), jnp.float32),
            jax.ShapeDtypeStruct((NC, NS, SEG_SL), jnp.float32),
            jax.ShapeDtypeStruct((NC, NS, SEG_SL), jnp.float32),
        ),
        mesh=mesh,
        scratch_types=[
            pltpu.VMEM((P,), jnp.int32),
            pltpu.VMEM((P,), jnp.int32),
            pltpu.VMEM((P,), jnp.int32),
            pltpu.VMEM((P,), jnp.int32),
            pltpu.VMEM((P,), jnp.float32),
            pltpu.VMEM((NSEG_PAD,), jnp.float32),
            pltpu.VMEM((NSEG_PAD,), jnp.float32),
            pltpu.VMEM((SEG_SL,), jnp.float32),
            pltpu.VMEM((SEG_SL,), jnp.float32),
            pltpu.VMEM_SHARED((NS, NSEG_PAD), jnp.float32),
            pltpu.VMEM_SHARED((NS, NSEG_PAD), jnp.float32),
            pltpu.SemaphoreType.DMA,
        ],
    )
    vals, sums, cnts = k1(rows, cols, segment_ids, flat)

    k2 = pl.kernel(
        _phase2,
        compiler_params=pltpu.CompilerParams(needs_layout_passes=False),
        out_type=jax.ShapeDtypeStruct((NW, L), jnp.float32),
        mesh=mesh,
        scratch_types=[
            pltpu.VMEM((P,), jnp.int32),
            pltpu.VMEM((P,), jnp.float32),
            pltpu.VMEM((NC, NS, SEG_SL), jnp.float32),
            pltpu.VMEM((NC, NS, SEG_SL), jnp.float32),
            pltpu.VMEM((NSEG_PAD,), jnp.float32),
            pltpu.VMEM((NSEG_PAD,), jnp.float32),
            pltpu.VMEM((L,), jnp.float32),
            pltpu.SemaphoreType.DMA,
        ],
    )
    part = k2(vals, segment_ids, sums, cnts)
    return jnp.sum(part) / jnp.float32(BS)

# --- scband reference (transcript-rebuilt; emitter-appended) ---
"""Pipeline reference for scband-cigloss-79774722556578 (READ-ONLY COPY).

The authoritative reference and input builder live on the scoring server;
editing this copy changes nothing except your own understanding.
"""

import jax, jax.numpy as jnp
import numpy as np

BS = 16
H = 512
W = 512
PATHS_PER_IMG = 500
NSEG = BS * PATHS_PER_IMG
TOT = 524288


def setup_inputs(seed: int = 0) -> dict:
    key = jax.random.key(seed)
    k1, k2, k3, k4 = jax.random.split(key, 4)
    x = jax.random.normal(k1, (BS, 1, H, W), dtype=jnp.float32)
    rows = jax.random.randint(k2, (TOT,), 0, H, dtype=jnp.int32)
    cols = jax.random.randint(k3, (TOT,), 0, W, dtype=jnp.int32)
    segment_ids = jnp.sort(jax.random.randint(k4, (TOT,), 0, NSEG, dtype=jnp.int32))
    return {"input": x, "rows": rows, "cols": cols, "segment_ids": segment_ids}


def reference(input, rows, cols, segment_ids):
    # Ragged per-path consistency loss (L1 deviation from per-path mean),
    # faithful to compute_CIGLoss with paths flattened into a ragged layout:
    #   segment_ids[i] = global path id (sorted); batch = segment_id // PATHS_PER_IMG
    bs = input.shape[0]
    batch_of_pix = segment_ids // PATHS_PER_IMG
    # gather pixel values along all paths (channel 0, as in the torch code)
    vals = input[batch_of_pix, 0, rows, cols]
    ones = jnp.ones_like(vals)
    counts = jax.ops.segment_sum(ones, segment_ids, num_segments=NSEG)
    sums = jax.ops.segment_sum(vals, segment_ids, num_segments=NSEG)
    counts_safe = jnp.maximum(counts, 1.0)
    path_means = sums / counts_safe  # path_mean_val per path
    # local_label - local_input, L1
    dev = jnp.abs(path_means[segment_ids] - vals)
    seg_loss = jax.ops.segment_sum(dev, segment_ids, num_segments=NSEG) / counts_safe
    seg_loss = jnp.where(counts > 0, seg_loss, 0.0)
    sum_loss = jnp.sum(seg_loss)
    return sum_loss / bs

if __name__ == "__main__":
    import jax
    _d = setup_inputs()
    print(jax.jit(kernel)(*tuple(_d.values())))

</pallas_src>

<mosaic_0001>
#map = affine_map<(d0, d1) -> (0)>
#map1 = affine_map<(d0, d1) -> (0, 0, 0)>
#map2 = affine_map<(d0, d1) -> (0, 0)>
module attributes {stable_mosaic.version = 14 : i64} {
  func.func @_phase2(%arg0: i32, %arg1: i32, %arg2: memref<524288xf32, #tpu.memory_space<hbm>>, %arg3: memref<524288xi32, #tpu.memory_space<hbm>>, %arg4: memref<2x16x512xf32, #tpu.memory_space<hbm>>, %arg5: memref<2x16x512xf32, #tpu.memory_space<hbm>>, %arg6: memref<32x16xf32, #tpu.memory_space<hbm>>, %arg7: memref<16384xi32, #tpu.memory_space<vmem>>, %arg8: memref<16384xf32, #tpu.memory_space<vmem>>, %arg9: memref<2x16x512xf32, #tpu.memory_space<vmem>>, %arg10: memref<2x16x512xf32, #tpu.memory_space<vmem>>, %arg11: memref<8192xf32, #tpu.memory_space<vmem>>, %arg12: memref<8192xf32, #tpu.memory_space<vmem>>, %arg13: memref<16xf32, #tpu.memory_space<vmem>>, %arg14: memref<!tpu.dma_semaphore, #tpu.memory_space<semaphore_mem>>) attributes {dimension_semantics = [#tpu.dimension_semantics<core_parallel>, #tpu.dimension_semantics<subcore_parallel>], iteration_bounds = array<i64: 2, 16>, scalar_prefetch = 0 : i64, scratch_operands = 8 : i64, tpu.core_type = #tpu.core_type<sc_vector_subcore>, window_params = [{transform_indices = #map}, {transform_indices = #map}, {transform_indices = #map1}, {transform_indices = #map1}, {transform_indices = #map2}]} {
    %mul3A = arith.constant 16 : i32
    %mul3A_0 = arith.muli %arg0, %mul3A : i32
    %add3A = arith.addi %mul3A_0, %arg1 : i32
    %mul3A_1 = arith.constant 16384 : i32
    %mul3A_2 = arith.muli %add3A, %mul3A_1 : i32
    %multiple_of3A = tpu.assume_multiple %mul3A_2, 16384 : i32
    "tpu.trace_start"() <{level = 10 : i32, message = "p2_load"}> : () -> ()
    "tpu.region"() ({
      %run_scoped3A = tpu.sem_alloc : memref<!tpu.dma_semaphore, #tpu.memory_space<semaphore_mem>>
      %dma_start3A = tpu.memref_slice %arg2[%multiple_of3A] : memref<524288xf32, #tpu.memory_space<hbm>> -> memref<16384xf32, #tpu.memory_space<hbm>>
      %dma_start3A_138 = tpu.memref_slice %arg2[%multiple_of3A] : memref<524288xf32, #tpu.memory_space<hbm>> -> memref<16384xf32, #tpu.memory_space<hbm>>
      tpu.enqueue_dma source(%dma_start3A_138 : memref<16384xf32, #tpu.memory_space<hbm>>) target(%arg8 : memref<16384xf32, #tpu.memory_space<vmem>>) target_semaphore(%run_scoped3A : memref<!tpu.dma_semaphore, #tpu.memory_space<semaphore_mem>>)
      %dma_wait3A = tpu.memref_slice %arg2[%multiple_of3A] : memref<524288xf32, #tpu.memory_space<hbm>> -> memref<16384xf32, #tpu.memory_space<hbm>>
      %dma_wait3A_139 = tpu.memref_slice %arg2[%multiple_of3A] : memref<524288xf32, #tpu.memory_space<hbm>> -> memref<16384xf32, #tpu.memory_space<hbm>>
      tpu.wait_dma2 semaphore(%run_scoped3A : memref<!tpu.dma_semaphore, #tpu.memory_space<semaphore_mem>>) src(%dma_wait3A_139 : memref<16384xf32, #tpu.memory_space<hbm>>) dst(%arg8 : memref<16384xf32, #tpu.memory_space<vmem>>)
      tpu.yield
    }) : () -> ()
    "tpu.region"() ({
      %run_scoped3A = tpu.sem_alloc : memref<!tpu.dma_semaphore, #tpu.memory_space<semaphore_mem>>
      %dma_start3A = tpu.memref_slice %arg3[%multiple_of3A] : memref<524288xi32, #tpu.memory_space<hbm>> -> memref<16384xi32, #tpu.memory_space<hbm>>
      %dma_start3A_138 = tpu.memref_slice %arg3[%multiple_of3A] : memref<524288xi32, #tpu.memory_space<hbm>> -> memref<16384xi32, #tpu.memory_space<hbm>>
      tpu.enqueue_dma source(%dma_start3A_138 : memref<16384xi32, #tpu.memory_space<hbm>>) target(%arg7 : memref<16384xi32, #tpu.memory_space<vmem>>) target_semaphore(%run_scoped3A : memref<!tpu.dma_semaphore, #tpu.memory_space<semaphore_mem>>)
      %dma_wait3A = tpu.memref_slice %arg3[%multiple_of3A] : memref<524288xi32, #tpu.memory_space<hbm>> -> memref<16384xi32, #tpu.memory_space<hbm>>
      %dma_wait3A_139 = tpu.memref_slice %arg3[%multiple_of3A] : memref<524288xi32, #tpu.memory_space<hbm>> -> memref<16384xi32, #tpu.memory_space<hbm>>
      tpu.wait_dma2 semaphore(%run_scoped3A : memref<!tpu.dma_semaphore, #tpu.memory_space<semaphore_mem>>) src(%dma_wait3A_139 : memref<16384xi32, #tpu.memory_space<hbm>>) dst(%arg7 : memref<16384xi32, #tpu.memory_space<vmem>>)
      tpu.yield
    }) : () -> ()
    "tpu.region"() ({
      %run_scoped3A = tpu.sem_alloc : memref<!tpu.dma_semaphore, #tpu.memory_space<semaphore_mem>>
      tpu.enqueue_dma source(%arg4 : memref<2x16x512xf32, #tpu.memory_space<hbm>>) target(%arg9 : memref<2x16x512xf32, #tpu.memory_space<vmem>>) target_semaphore(%run_scoped3A : memref<!tpu.dma_semaphore, #tpu.memory_space<semaphore_mem>>)
      tpu.wait_dma2 semaphore(%run_scoped3A : memref<!tpu.dma_semaphore, #tpu.memory_space<semaphore_mem>>) src(%arg4 : memref<2x16x512xf32, #tpu.memory_space<hbm>>) dst(%arg9 : memref<2x16x512xf32, #tpu.memory_space<vmem>>)
      tpu.yield
    }) : () -> ()
    "tpu.region"() ({
      %run_scoped3A = tpu.sem_alloc : memref<!tpu.dma_semaphore, #tpu.memory_space<semaphore_mem>>
      tpu.enqueue_dma source(%arg5 : memref<2x16x512xf32, #tpu.memory_space<hbm>>) target(%arg10 : memref<2x16x512xf32, #tpu.memory_space<vmem>>) target_semaphore(%run_scoped3A : memref<!tpu.dma_semaphore, #tpu.memory_space<semaphore_mem>>)
      tpu.wait_dma2 semaphore(%run_scoped3A : memref<!tpu.dma_semaphore, #tpu.memory_space<semaphore_mem>>) src(%arg5 : memref<2x16x512xf32, #tpu.memory_space<hbm>>) dst(%arg10 : memref<2x16x512xf32, #tpu.memory_space<vmem>>)
      tpu.yield
    }) : () -> ()
    "tpu.trace_stop"() : () -> ()
    "tpu.trace_start"() <{level = 10 : i32, message = "p2_means"}> : () -> ()
    %scan3A = arith.constant 1.000000e+00 : f32
    %scan3A_3 = arith.constant 0 : i32
    %scan3A_4 = arith.constant 0 : i32
    %scan3A_5 = arith.constant 32 : i32
    %scan3A_6 = arith.addi %scan3A_4, %scan3A_5 : i32
    %scan3A_7 = arith.constant 1 : i32
    %scan3A_8 = scf.for %scan3A_138 = %scan3A_4 to %scan3A_6 step %scan3A_7 iter_args(%scan3A_139 = %scan3A_3) -> (i32)  : i32 {
      %mul3A_140 = arith.constant 16 : i32
      %mul3A_141 = arith.muli %scan3A_138, %mul3A_140 : i32
      %get3A = arith.constant 0 : i32
      %get3A_142 = arith.constant 0 : i32
      %get3A_143 = arith.index_cast %get3A : i32 to index
      %get3A_144 = arith.index_cast %get3A_142 : i32 to index
      %get3A_145 = arith.index_cast %mul3A_141 : i32 to index
      %get3A_146 = tpu.vector_load %arg10[%get3A_143, %get3A_144, %get3A_145] {strides = array<i32>} : memref<2x16x512xf32, #tpu.memory_space<vmem>>, vector<16xf32>,
      %get3A_147 = arith.constant 1 : i32
      %get3A_148 = arith.constant 0 : i32
      %get3A_149 = arith.index_cast %get3A_147 : i32 to index
      %get3A_150 = arith.index_cast %get3A_148 : i32 to index
      %get3A_151 = arith.index_cast %mul3A_141 : i32 to index
      %get3A_152 = tpu.vector_load %arg10[%get3A_149, %get3A_150, %get3A_151] {strides = array<i32>} : memref<2x16x512xf32, #tpu.memory_space<vmem>>, vector<16xf32>,
      %add3A_153 = arith.addf %get3A_146, %get3A_152 : vector<16xf32>
      %max3A = vector.broadcast %scan3A : f32 to vector<16xf32>
      %max3A_154 = arith.maximumf %add3A_153, %max3A : vector<16xf32>
      %mul3A_155 = arith.constant 16 : i32
      %mul3A_156 = arith.muli %scan3A_138, %mul3A_155 : i32
      %add3A_157 = arith.constant 0 : i32
      %add3A_158 = arith.addi %add3A_157, %mul3A_156 : i32
      %get3A_159 = arith.constant 0 : i32
      %get3A_160 = arith.constant 0 : i32
      %get3A_161 = arith.index_cast %get3A_159 : i32 to index
      %get3A_162 = arith.index_cast %get3A_160 : i32 to index
      %get3A_163 = arith.index_cast %mul3A_141 : i32 to index
      %get3A_164 = tpu.vector_load %arg9[%get3A_161, %get3A_162, %get3A_163] {strides = array<i32>} : memref<2x16x512xf32, #tpu.memory_space<vmem>>, vector<16xf32>,
      %get3A_165 = arith.constant 1 : i32
      %get3A_166 = arith.constant 0 : i32
      %get3A_167 = arith.index_cast %get3A_165 : i32 to index
      %get3A_168 = arith.index_cast %get3A_166 : i32 to index
      %get3A_169 = arith.index_cast %mul3A_141 : i32 to index
      %get3A_170 = tpu.vector_load %arg9[%get3A_167, %get3A_168, %get3A_169] {strides = array<i32>} : memref<2x16x512xf32, #tpu.memory_space<vmem>>, vector<16xf32>,
      %add3A_171 = arith.addf %get3A_164, %get3A_170 : vector<16xf32>
      %div3A = arith.divf %add3A_171, %max3A_154 : vector<16xf32>
      %swap3A_172 = arith.index_cast %add3A_158 : i32 to index
      %swap3A_173 = tpu.vector_load %arg11[%swap3A_172] {strides = array<i32>} : memref<8192xf32, #tpu.memory_space<vmem>>, vector<16xf32>,
      tpu.vector_store %arg11[%swap3A_172], %div3A {strides = array<i32>} : memref<8192xf32, #tpu.memory_space<vmem>>, vector<16xf32>,
      %div3A_174 = vector.broadcast %scan3A : f32 to vector<16xf32>
      %div3A_175 = arith.divf %div3A_174, %max3A_154 : vector<16xf32>
      %swap3A_176 = arith.index_cast %add3A_158 : i32 to index
      %swap3A_177 = tpu.vector_load %arg12[%swap3A_176] {strides = array<i32>} : memref<8192xf32, #tpu.memory_space<vmem>>, vector<16xf32>,
      tpu.vector_store %arg12[%swap3A_176], %div3A_175 {strides = array<i32>} : memref<8192xf32, #tpu.memory_space<vmem>>, vector<16xf32>,
      %scan3A_178 = arith.constant 0 : i32
      scf.yield %scan3A_178 : i32
    }
    %scan3A_9 = arith.constant 32 : i32
    %scan3A_10 = arith.constant 1.000000e+00 : f32
    %scan3A_11 = arith.constant 0 : i32
    %scan3A_12 = arith.constant 0 : i32
    %scan3A_13 = arith.constant 32 : i32
    %scan3A_14 = arith.addi %scan3A_12, %scan3A_13 : i32
    %scan3A_15 = arith.constant 1 : i32
    %scan3A_16 = scf.for %scan3A_138 = %scan3A_12 to %scan3A_14 step %scan3A_15 iter_args(%scan3A_139 = %scan3A_11) -> (i32)  : i32 {
      %mul3A_140 = arith.constant 16 : i32
      %mul3A_141 = arith.muli %scan3A_138, %mul3A_140 : i32
      %get3A = arith.constant 0 : i32
      %get3A_142 = arith.constant 1 : i32
      %get3A_143 = arith.index_cast %get3A : i32 to index
      %get3A_144 = arith.index_cast %get3A_142 : i32 to index
      %get3A_145 = arith.index_cast %mul3A_141 : i32 to index
      %get3A_146 = tpu.vector_load %arg10[%get3A_143, %get3A_144, %get3A_145] {strides = array<i32>} : memref<2x16x512xf32, #tpu.memory_space<vmem>>, vector<16xf32>,
      %get3A_147 = arith.constant 1 : i32
      %get3A_148 = arith.constant 1 : i32
      %get3A_149 = arith.index_cast %get3A_147 : i32 to index
      %get3A_150 = arith.index_cast %get3A_148 : i32 to index
      %get3A_151 = arith.index_cast %mul3A_141 : i32 to index
      %get3A_152 = tpu.vector_load %arg10[%get3A_149, %get3A_150, %get3A_151] {strides = array<i32>} : memref<2x16x512xf32, #tpu.memory_space<vmem>>, vector<16xf32>,
      %add3A_153 = arith.addf %get3A_146, %get3A_152 : vector<16xf32>
      %max3A = vector.broadcast %scan3A_10 : f32 to vector<16xf32>
      %max3A_154 = arith.maximumf %add3A_153, %max3A : vector<16xf32>
      %mul3A_155 = arith.constant 16 : i32
      %mul3A_156 = arith.muli %scan3A_138, %mul3A_155 : i32
      %add3A_157 = arith.constant 512 : i32
      %add3A_158 = arith.addi %add3A_157, %mul3A_156 : i32
      %get3A_159 = arith.constant 0 : i32
      %get3A_160 = arith.constant 1 : i32
      %get3A_161 = arith.index_cast %get3A_159 : i32 to index
      %get3A_162 = arith.index_cast %get3A_160 : i32 to index
      %get3A_163 = arith.index_cast %mul3A_141 : i32 to index
      %get3A_164 = tpu.vector_load %arg9[%get3A_161, %get3A_162, %get3A_163] {strides = array<i32>} : memref<2x16x512xf32, #tpu.memory_space<vmem>>, vector<16xf32>,
      %get3A_165 = arith.constant 1 : i32
      %get3A_166 = arith.constant 1 : i32
      %get3A_167 = arith.index_cast %get3A_165 : i32 to index
      %get3A_168 = arith.index_cast %get3A_166 : i32 to index
      %get3A_169 = arith.index_cast %mul3A_141 : i32 to index
      %get3A_170 = tpu.vector_load %arg9[%get3A_167, %get3A_168, %get3A_169] {strides = array<i32>} : memref<2x16x512xf32, #tpu.memory_space<vmem>>, vector<16xf32>,
      %add3A_171 = arith.addf %get3A_164, %get3A_170 : vector<16xf32>
      %div3A = arith.divf %add3A_171, %max3A_154 : vector<16xf32>
      %swap3A_172 = arith.index_cast %add3A_158 : i32 to index
      %swap3A_173 = tpu.vector_load %arg11[%swap3A_172] {strides = array<i32>} : memref<8192xf32, #tpu.memory_space<vmem>>, vector<16xf32>,
      tpu.vector_store %arg11[%swap3A_172], %div3A {strides = array<i32>} : memref<8192xf32, #tpu.memory_space<vmem>>, vector<16xf32>,
      %div3A_174 = vector.broadcast %scan3A_10 : f32 to vector<16xf32>
      %div3A_175 = arith.divf %div3A_174, %max3A_154 : vector<16xf32>
      %swap3A_176 = arith.index_cast %add3A_158 : i32 to index
      %swap3A_177 = tpu.vector_load %arg12[%swap3A_176] {strides = array<i32>} : memref<8192xf32, #tpu.memory_space<vmem>>, vector<16xf32>,
      tpu.vector_store %arg12[%swap3A_176], %div3A_175 {strides = array<i32>} : memref<8192xf32, #tpu.memory_space<vmem>>, vector<16xf32>,
      %scan3A_178 = arith.constant 0 : i32
      scf.yield %scan3A_178 : i32
    }
    %scan3A_17 = arith.constant 32 : i32
    %scan3A_18 = arith.constant 1.000000e+00 : f32
    %scan3A_19 = arith.constant 0 : i32
    %scan3A_20 = arith.constant 0 : i32
    %scan3A_21 = arith.constant 32 : i32
    %scan3A_22 = arith.addi %scan3A_20, %scan3A_21 : i32
    %scan3A_23 = arith.constant 1 : i32
    %scan3A_24 = scf.for %scan3A_138 = %scan3A_20 to %scan3A_22 step %scan3A_23 iter_args(%scan3A_139 = %scan3A_19) -> (i32)  : i32 {
      %mul3A_140 = arith.constant 16 : i32
      %mul3A_141 = arith.muli %scan3A_138, %mul3A_140 : i32
      %get3A = arith.constant 0 : i32
      %get3A_142 = arith.constant 2 : i32
      %get3A_143 = arith.index_cast %get3A : i32 to index
      %get3A_144 = arith.index_cast %get3A_142 : i32 to index
      %get3A_145 = arith.index_cast %mul3A_141 : i32 to index
      %get3A_146 = tpu.vector_load %arg10[%get3A_143, %get3A_144, %get3A_145] {strides = array<i32>} : memref<2x16x512xf32, #tpu.memory_space<vmem>>, vector<16xf32>,
      %get3A_147 = arith.constant 1 : i32
      %get3A_148 = arith.constant 2 : i32
      %get3A_149 = arith.index_cast %get3A_147 : i32 to index
      %get3A_150 = arith.index_cast %get3A_148 : i32 to index
      %get3A_151 = arith.index_cast %mul3A_141 : i32 to index
      %get3A_152 = tpu.vector_load %arg10[%get3A_149, %get3A_150, %get3A_151] {strides = array<i32>} : memref<2x16x512xf32, #tpu.memory_space<vmem>>, vector<16xf32>,
      %add3A_153 = arith.addf %get3A_146, %get3A_152 : vector<16xf32>
      %max3A = vector.broadcast %scan3A_18 : f32 to vector<16xf32>
      %max3A_154 = arith.maximumf %add3A_153, %max3A : vector<16xf32>
      %mul3A_155 = arith.constant 16 : i32
      %mul3A_156 = arith.muli %scan3A_138, %mul3A_155 : i32
      %add3A_157 = arith.constant 1024 : i32
      %add3A_158 = arith.addi %add3A_157, %mul3A_156 : i32
      %get3A_159 = arith.constant 0 : i32
      %get3A_160 = arith.constant 2 : i32
      %get3A_161 = arith.index_cast %get3A_159 : i32 to index
      %get3A_162 = arith.index_cast %get3A_160 : i32 to index
      %get3A_163 = arith.index_cast %mul3A_141 : i32 to index
      %get3A_164 = tpu.vector_load %arg9[%get3A_161, %get3A_162, %get3A_163] {strides = array<i32>} : memref<2x16x512xf32, #tpu.memory_space<vmem>>, vector<16xf32>,
      %get3A_165 = arith.constant 1 : i32
      %get3A_166 = arith.constant 2 : i32
      %get3A_167 = arith.index_cast %get3A_165 : i32 to index
      %get3A_168 = arith.index_cast %get3A_166 : i32 to index
      %get3A_169 = arith.index_cast %mul3A_141 : i32 to index
      %get3A_170 = tpu.vector_load %arg9[%get3A_167, %get3A_168, %get3A_169] {strides = array<i32>} : memref<2x16x512xf32, #tpu.memory_space<vmem>>, vector<16xf32>,
      %add3A_171 = arith.addf %get3A_164, %get3A_170 : vector<16xf32>
      %div3A = arith.divf %add3A_171, %max3A_154 : vector<16xf32>
      %swap3A_172 = arith.index_cast %add3A_158 : i32 to index
      %swap3A_173 = tpu.vector_load %arg11[%swap3A_172] {strides = array<i32>} : memref<8192xf32, #tpu.memory_space<vmem>>, vector<16xf32>,
      tpu.vector_store %arg11[%swap3A_172], %div3A {strides = array<i32>} : memref<8192xf32, #tpu.memory_space<vmem>>, vector<16xf32>,
      %div3A_174 = vector.broadcast %scan3A_18 : f32 to vector<16xf32>
      %div3A_175 = arith.divf %div3A_174, %max3A_154 : vector<16xf32>
      %swap3A_176 = arith.index_cast %add3A_158 : i32 to index
      %swap3A_177 = tpu.vector_load %arg12[%swap3A_176] {strides = array<i32>} : memref<8192xf32, #tpu.memory_space<vmem>>, vector<16xf32>,
      tpu.vector_store %arg12[%swap3A_176], %div3A_175 {strides = array<i32>} : memref<8192xf32, #tpu.memory_space<vmem>>, vector<16xf32>,
      %scan3A_178 = arith.constant 0 : i32
      scf.yield %scan3A_178 : i32
    }
    %scan3A_25 = arith.constant 32 : i32
    %scan3A_26 = arith.constant 1.000000e+00 : f32
    %scan3A_27 = arith.constant 0 : i32
    %scan3A_28 = arith.constant 0 : i32
    %scan3A_29 = arith.constant 32 : i32
    %scan3A_30 = arith.addi %scan3A_28, %scan3A_29 : i32
    %scan3A_31 = arith.constant 1 : i32
    %scan3A_32 = scf.for %scan3A_138 = %scan3A_28 to %scan3A_30 step %scan3A_31 iter_args(%scan3A_139 = %scan3A_27) -> (i32)  : i32 {
      %mul3A_140 = arith.constant 16 : i32
      %mul3A_141 = arith.muli %scan3A_138, %mul3A_140 : i32
      %get3A = arith.constant 0 : i32
      %get3A_142 = arith.constant 3 : i32
      %get3A_143 = arith.index_cast %get3A : i32 to index
      %get3A_144 = arith.index_cast %get3A_142 : i32 to index
      %get3A_145 = arith.index_cast %mul3A_141 : i32 to index
      %get3A_146 = tpu.vector_load %arg10[%get3A_143, %get3A_144, %get3A_145] {strides = array<i32>} : memref<2x16x512xf32, #tpu.memory_space<vmem>>, vector<16xf32>,
      %get3A_147 = arith.constant 1 : i32
      %get3A_148 = arith.constant 3 : i32
      %get3A_149 = arith.index_cast %get3A_147 : i32 to index
      %get3A_150 = arith.index_cast %get3A_148 : i32 to index
      %get3A_151 = arith.index_cast %mul3A_141 : i32 to index
      %get3A_152 = tpu.vector_load %arg10[%get3A_149, %get3A_150, %get3A_151] {strides = array<i32>} : memref<2x16x512xf32, #tpu.memory_space<vmem>>, vector<16xf32>,
      %add3A_153 = arith.addf %get3A_146, %get3A_152 : vector<16xf32>
      %max3A = vector.broadcast %scan3A_26 : f32 to vector<16xf32>
      %max3A_154 = arith.maximumf %add3A_153, %max3A : vector<16xf32>
      %mul3A_155 = arith.constant 16 : i32
      %mul3A_156 = arith.muli %scan3A_138, %mul3A_155 : i32
      %add3A_157 = arith.constant 1536 : i32
      %add3A_158 = arith.addi %add3A_157, %mul3A_156 : i32
      %get3A_159 = arith.constant 0 : i32
      %get3A_160 = arith.constant 3 : i32
      %get3A_161 = arith.index_cast %get3A_159 : i32 to index
      %get3A_162 = arith.index_cast %get3A_160 : i32 to index
      %get3A_163 = arith.index_cast %mul3A_141 : i32 to index
      %get3A_164 = tpu.vector_load %arg9[%get3A_161, %get3A_162, %get3A_163] {strides = array<i32>} : memref<2x16x512xf32, #tpu.memory_space<vmem>>, vector<16xf32>,
      %get3A_165 = arith.constant 1 : i32
      %get3A_166 = arith.constant 3 : i32
      %get3A_167 = arith.index_cast %get3A_165 : i32 to index
      %get3A_168 = arith.index_cast %get3A_166 : i32 to index
      %get3A_169 = arith.index_cast %mul3A_141 : i32 to index
      %get3A_170 = tpu.vector_load %arg9[%get3A_167, %get3A_168, %get3A_169] {strides = array<i32>} : memref<2x16x512xf32, #tpu.memory_space<vmem>>, vector<16xf32>,
      %add3A_171 = arith.addf %get3A_164, %get3A_170 : vector<16xf32>
      %div3A = arith.divf %add3A_171, %max3A_154 : vector<16xf32>
      %swap3A_172 = arith.index_cast %add3A_158 : i32 to index
      %swap3A_173 = tpu.vector_load %arg11[%swap3A_172] {strides = array<i32>} : memref<8192xf32, #tpu.memory_space<vmem>>, vector<16xf32>,
      tpu.vector_store %arg11[%swap3A_172], %div3A {strides = array<i32>} : memref<8192xf32, #tpu.memory_space<vmem>>, vector<16xf32>,
      %div3A_174 = vector.broadcast %scan3A_26 : f32 to vector<16xf32>
      %div3A_175 = arith.divf %div3A_174, %max3A_154 : vector<16xf32>
      %swap3A_176 = arith.index_cast %add3A_158 : i32 to index
      %swap3A_177 = tpu.vector_load %arg12[%swap3A_176] {strides = array<i32>} : memref<8192xf32, #tpu.memory_space<vmem>>, vector<16xf32>,
      tpu.vector_store %arg12[%swap3A_176], %div3A_175 {strides = array<i32>} : memref<8192xf32, #tpu.memory_space<vmem>>, vector<16xf32>,
      %scan3A_178 = arith.constant 0 : i32
      scf.yield %scan3A_178 : i32
    }
    %scan3A_33 = arith.constant 32 : i32
    %scan3A_34 = arith.constant 1.000000e+00 : f32
    %scan3A_35 = arith.constant 0 : i32
    %scan3A_36 = arith.constant 0 : i32
    %scan3A_37 = arith.constant 32 : i32
    %scan3A_38 = arith.addi %scan3A_36, %scan3A_37 : i32
    %scan3A_39 = arith.constant 1 : i32
    %scan3A_40 = scf.for %scan3A_138 = %scan3A_36 to %scan3A_38 step %scan3A_39 iter_args(%scan3A_139 = %scan3A_35) -> (i32)  : i32 {
      %mul3A_140 = arith.constant 16 : i32
      %mul3A_141 = arith.muli %scan3A_138, %mul3A_140 : i32
      %get3A = arith.constant 0 : i32
      %get3A_142 = arith.constant 4 : i32
      %get3A_143 = arith.index_cast %get3A : i32 to index
      %get3A_144 = arith.index_cast %get3A_142 : i32 to index
      %get3A_145 = arith.index_cast %mul3A_141 : i32 to index
      %get3A_146 = tpu.vector_load %arg10[%get3A_143, %get3A_144, %get3A_145] {strides = array<i32>} : memref<2x16x512xf32, #tpu.memory_space<vmem>>, vector<16xf32>,
      %get3A_147 = arith.constant 1 : i32
      %get3A_148 = arith.constant 4 : i32
      %get3A_149 = arith.index_cast %get3A_147 : i32 to index
      %get3A_150 = arith.index_cast %get3A_148 : i32 to index
      %get3A_151 = arith.index_cast %mul3A_141 : i32 to index
      %get3A_152 = tpu.vector_load %arg10[%get3A_149, %get3A_150, %get3A_151] {strides = array<i32>} : memref<2x16x512xf32, #tpu.memory_space<vmem>>, vector<16xf32>,
      %add3A_153 = arith.addf %get3A_146, %get3A_152 : vector<16xf32>
      %max3A = vector.broadcast %scan3A_34 : f32 to vector<16xf32>
      %max3A_154 = arith.maximumf %add3A_153, %max3A : vector<16xf32>
      %mul3A_155 = arith.constant 16 : i32
      %mul3A_156 = arith.muli %scan3A_138, %mul3A_155 : i32
      %add3A_157 = arith.constant 2048 : i32
      %add3A_158 = arith.addi %add3A_157, %mul3A_156 : i32
      %get3A_159 = arith.constant 0 : i32
      %get3A_160 = arith.constant 4 : i32
      %get3A_161 = arith.index_cast %get3A_159 : i32 to index
      %get3A_162 = arith.index_cast %get3A_160 : i32 to index
      %get3A_163 = arith.index_cast %mul3A_141 : i32 to index
      %get3A_164 = tpu.vector_load %arg9[%get3A_161, %get3A_162, %get3A_163] {strides = array<i32>} : memref<2x16x512xf32, #tpu.memory_space<vmem>>, vector<16xf32>,
      %get3A_165 = arith.constant 1 : i32
      %get3A_166 = arith.constant 4 : i32
      %get3A_167 = arith.index_cast %get3A_165 : i32 to index
      %get3A_168 = arith.index_cast %get3A_166 : i32 to index
      %get3A_169 = arith.index_cast %mul3A_141 : i32 to index
      %get3A_170 = tpu.vector_load %arg9[%get3A_167, %get3A_168, %get3A_169] {strides = array<i32>} : memref<2x16x512xf32, #tpu.memory_space<vmem>>, vector<16xf32>,
      %add3A_171 = arith.addf %get3A_164, %get3A_170 : vector<16xf32>
      %div3A = arith.divf %add3A_171, %max3A_154 : vector<16xf32>
      %swap3A_172 = arith.index_cast %add3A_158 : i32 to index
      %swap3A_173 = tpu.vector_load %arg11[%swap3A_172] {strides = array<i32>} : memref<8192xf32, #tpu.memory_space<vmem>>, vector<16xf32>,
      tpu.vector_store %arg11[%swap3A_172], %div3A {strides = array<i32>} : memref<8192xf32, #tpu.memory_space<vmem>>, vector<16xf32>,
      %div3A_174 = vector.broadcast %scan3A_34 : f32 to vector<16xf32>
      %div3A_175 = arith.divf %div3A_174, %max3A_154 : vector<16xf32>
      %swap3A_176 = arith.index_cast %add3A_158 : i32 to index
      %swap3A_177 = tpu.vector_load %arg12[%swap3A_176] {strides = array<i32>} : memref<8192xf32, #tpu.memory_space<vmem>>, vector<16xf32>,
      tpu.vector_store %arg12[%swap3A_176], %div3A_175 {strides = array<i32>} : memref<8192xf32, #tpu.memory_space<vmem>>, vector<16xf32>,
      %scan3A_178 = arith.constant 0 : i32
      scf.yield %scan3A_178 : i32
    }
    %scan3A_41 = arith.constant 32 : i32
    %scan3A_42 = arith.constant 1.000000e+00 : f32
    %scan3A_43 = arith.constant 0 : i32
    %scan3A_44 = arith.constant 0 : i32
    %scan3A_45 = arith.constant 32 : i32
    %scan3A_46 = arith.addi %scan3A_44, %scan3A_45 : i32
    %scan3A_47 = arith.constant 1 : i32
    %scan3A_48 = scf.for %scan3A_138 = %scan3A_44 to %scan3A_46 step %scan3A_47 iter_args(%scan3A_139 = %scan3A_43) -> (i32)  : i32 {
      %mul3A_140 = arith.constant 16 : i32
      %mul3A_141 = arith.muli %scan3A_138, %mul3A_140 : i32
      %get3A = arith.constant 0 : i32
      %get3A_142 = arith.constant 5 : i32
      %get3A_143 = arith.index_cast %get3A : i32 to index
      %get3A_144 = arith.index_cast %get3A_142 : i32 to index
      %get3A_145 = arith.index_cast %mul3A_141 : i32 to index
      %get3A_146 = tpu.vector_load %arg10[%get3A_143, %get3A_144, %get3A_145] {strides = array<i32>} : memref<2x16x512xf32, #tpu.memory_space<vmem>>, vector<16xf32>,
      %get3A_147 = arith.constant 1 : i32
      %get3A_148 = arith.constant 5 : i32
      %get3A_149 = arith.index_cast %get3A_147 : i32 to index
      %get3A_150 = arith.index_cast %get3A_148 : i32 to index
      %get3A_151 = arith.index_cast %mul3A_141 : i32 to index
      %get3A_152 = tpu.vector_load %arg10[%get3A_149, %get3A_150, %get3A_151] {strides = array<i32>} : memref<2x16x512xf32, #tpu.memory_space<vmem>>, vector<16xf32>,
      %add3A_153 = arith.addf %get3A_146, %get3A_152 : vector<16xf32>
      %max3A = vector.broadcast %scan3A_42 : f32 to vector<16xf32>
      %max3A_154 = arith.maximumf %add3A_153, %max3A : vector<16xf32>
      %mul3A_155 = arith.constant 16 : i32
      %mul3A_156 = arith.muli %scan3A_138, %mul3A_155 : i32
      %add3A_157 = arith.constant 2560 : i32
      %add3A_158 = arith.addi %add3A_157, %mul3A_156 : i32
      %get3A_159 = arith.constant 0 : i32
      %get3A_160 = arith.constant 5 : i32
      %get3A_161 = arith.index_cast %get3A_159 : i32 to index
      %get3A_162 = arith.index_cast %get3A_160 : i32 to index
      %get3A_163 = arith.index_cast %mul3A_141 : i32 to index
      %get3A_164 = tpu.vector_load %arg9[%get3A_161, %get3A_162, %get3A_163] {strides = array<i32>} : memref<2x16x512xf32, #tpu.memory_space<vmem>>, vector<16xf32>,
      %get3A_165 = arith.constant 1 : i32
      %get3A_166 = arith.constant 5 : i32
      %get3A_167 = arith.index_cast %get3A_165 : i32 to index
      %get3A_168 = arith.index_cast %get3A_166 : i32 to index
      %get3A_169 = arith.index_cast %mul3A_141 : i32 to index
      %get3A_170 = tpu.vector_load %arg9[%get3A_167, %get3A_168, %get3A_169] {strides = array<i32>} : memref<2x16x512xf32, #tpu.memory_space<vmem>>, vector<16xf32>,
      %add3A_171 = arith.addf %get3A_164, %get3A_170 : vector<16xf32>
      %div3A = arith.divf %add3A_171, %max3A_154 : vector<16xf32>
      %swap3A_172 = arith.index_cast %add3A_158 : i32 to index
      %swap3A_173 = tpu.vector_load %arg11[%swap3A_172] {strides = array<i32>} : memref<8192xf32, #tpu.memory_space<vmem>>, vector<16xf32>,
      tpu.vector_store %arg11[%swap3A_172], %div3A {strides = array<i32>} : memref<8192xf32, #tpu.memory_space<vmem>>, vector<16xf32>,
      %div3A_174 = vector.broadcast %scan3A_42 : f32 to vector<16xf32>
      %div3A_175 = arith.divf %div3A_174, %max3A_154 : vector<16xf32>
      %swap3A_176 = arith.index_cast %add3A_158 : i32 to index
      %swap3A_177 = tpu.vector_load %arg12[%swap3A_176] {strides = array<i32>} : memref<8192xf32, #tpu.memory_space<vmem>>, vector<16xf32>,
      tpu.vector_store %arg12[%swap3A_176], %div3A_175 {strides = array<i32>} : memref<8192xf32, #tpu.memory_space<vmem>>, vector<16xf32>,
      %scan3A_178 = arith.constant 0 : i32
      scf.yield %scan3A_178 : i32
    }
    %scan3A_49 = arith.constant 32 : i32
    %scan3A_50 = arith.constant 1.000000e+00 : f32
    %scan3A_51 = arith.constant 0 : i32
    %scan3A_52 = arith.constant 0 : i32
    %scan3A_53 = arith.constant 32 : i32
    %scan3A_54 = arith.addi %scan3A_52, %scan3A_53 : i32
    %scan3A_55 = arith.constant 1 : i32
    %scan3A_56 = scf.for %scan3A_138 = %scan3A_52 to %scan3A_54 step %scan3A_55 iter_args(%scan3A_139 = %scan3A_51) -> (i32)  : i32 {
      %mul3A_140 = arith.constant 16 : i32
      %mul3A_141 = arith.muli %scan3A_138, %mul3A_140 : i32
      %get3A = arith.constant 0 : i32
      %get3A_142 = arith.constant 6 : i32
      %get3A_143 = arith.index_cast %get3A : i32 to index
      %get3A_144 = arith.index_cast %get3A_142 : i32 to index
      %get3A_145 = arith.index_cast %mul3A_141 : i32 to index
      %get3A_146 = tpu.vector_load %arg10[%get3A_143, %get3A_144, %get3A_145] {strides = array<i32>} : memref<2x16x512xf32, #tpu.memory_space<vmem>>, vector<16xf32>,
      %get3A_147 = arith.constant 1 : i32
      %get3A_148 = arith.constant 6 : i32
      %get3A_149 = arith.index_cast %get3A_147 : i32 to index
      %get3A_150 = arith.index_cast %get3A_148 : i32 to index
      %get3A_151 = arith.index_cast %mul3A_141 : i32 to index
      %get3A_152 = tpu.vector_load %arg10[%get3A_149, %get3A_150, %get3A_151] {strides = array<i32>} : memref<2x16x512xf32, #tpu.memory_space<vmem>>, vector<16xf32>,
      %add3A_153 = arith.addf %get3A_146, %get3A_152 : vector<16xf32>
      %max3A = vector.broadcast %scan3A_50 : f32 to vector<16xf32>
      %max3A_154 = arith.maximumf %add3A_153, %max3A : vector<16xf32>
      %mul3A_155 = arith.constant 16 : i32
      %mul3A_156 = arith.muli %scan3A_138, %mul3A_155 : i32
      %add3A_157 = arith.constant 3072 : i32
      %add3A_158 = arith.addi %add3A_157, %mul3A_156 : i32
      %get3A_159 = arith.constant 0 : i32
      %get3A_160 = arith.constant 6 : i32
      %get3A_161 = arith.index_cast %get3A_159 : i32 to index
      %get3A_162 = arith.index_cast %get3A_160 : i32 to index
      %get3A_163 = arith.index_cast %mul3A_141 : i32 to index
      %get3A_164 = tpu.vector_load %arg9[%get3A_161, %get3A_162, %get3A_163] {strides = array<i32>} : memref<2x16x512xf32, #tpu.memory_space<vmem>>, vector<16xf32>,
      %get3A_165 = arith.constant 1 : i32
      %get3A_166 = arith.constant 6 : i32
      %get3A_167 = arith.index_cast %get3A_165 : i32 to index
      %get3A_168 = arith.index_cast %get3A_166 : i32 to index
      %get3A_169 = arith.index_cast %mul3A_141 : i32 to index
      %get3A_170 = tpu.vector_load %arg9[%get3A_167, %get3A_168, %get3A_169] {strides = array<i32>} : memref<2x16x512xf32, #tpu.memory_space<vmem>>, vector<16xf32>,
      %add3A_171 = arith.addf %get3A_164, %get3A_170 : vector<16xf32>
      %div3A = arith.divf %add3A_171, %max3A_154 : vector<16xf32>
      %swap3A_172 = arith.index_cast %add3A_158 : i32 to index
      %swap3A_173 = tpu.vector_load %arg11[%swap3A_172] {strides = array<i32>} : memref<8192xf32, #tpu.memory_space<vmem>>, vector<16xf32>,
      tpu.vector_store %arg11[%swap3A_172], %div3A {strides = array<i32>} : memref<8192xf32, #tpu.memory_space<vmem>>, vector<16xf32>,
      %div3A_174 = vector.broadcast %scan3A_50 : f32 to vector<16xf32>
      %div3A_175 = arith.divf %div3A_174, %max3A_154 : vector<16xf32>
      %swap3A_176 = arith.index_cast %add3A_158 : i32 to index
      %swap3A_177 = tpu.vector_load %arg12[%swap3A_176] {strides = array<i32>} : memref<8192xf32, #tpu.memory_space<vmem>>, vector<16xf32>,
      tpu.vector_store %arg12[%swap3A_176], %div3A_175 {strides = array<i32>} : memref<8192xf32, #tpu.memory_space<vmem>>, vector<16xf32>,
      %scan3A_178 = arith.constant 0 : i32
      scf.yield %scan3A_178 : i32
    }
    %scan3A_57 = arith.constant 32 : i32
    %scan3A_58 = arith.constant 1.000000e+00 : f32
    %scan3A_59 = arith.constant 0 : i32
    %scan3A_60 = arith.constant 0 : i32
    %scan3A_61 = arith.constant 32 : i32
    %scan3A_62 = arith.addi %scan3A_60, %scan3A_61 : i32
    %scan3A_63 = arith.constant 1 : i32
    %scan3A_64 = scf.for %scan3A_138 = %scan3A_60 to %scan3A_62 step %scan3A_63 iter_args(%scan3A_139 = %scan3A_59) -> (i32)  : i32 {
      %mul3A_140 = arith.constant 16 : i32
      %mul3A_141 = arith.muli %scan3A_138, %mul3A_140 : i32
      %get3A = arith.constant 0 : i32
      %get3A_142 = arith.constant 7 : i32
      %get3A_143 = arith.index_cast %get3A : i32 to index
      %get3A_144 = arith.index_cast %get3A_142 : i32 to index
      %get3A_145 = arith.index_cast %mul3A_141 : i32 to index
      %get3A_146 = tpu.vector_load %arg10[%get3A_143, %get3A_144, %get3A_145] {strides = array<i32>} : memref<2x16x512xf32, #tpu.memory_space<vmem>>, vector<16xf32>,
      %get3A_147 = arith.constant 1 : i32
      %get3A_148 = arith.constant 7 : i32
      %get3A_149 = arith.index_cast %get3A_147 : i32 to index
      %get3A_150 = arith.index_cast %get3A_148 : i32 to index
      %get3A_151 = arith.index_cast %mul3A_141 : i32 to index
      %get3A_152 = tpu.vector_load %arg10[%get3A_149, %get3A_150, %get3A_151] {strides = array<i32>} : memref<2x16x512xf32, #tpu.memory_space<vmem>>, vector<16xf32>,
      %add3A_153 = arith.addf %get3A_146, %get3A_152 : vector<16xf32>
      %max3A = vector.broadcast %scan3A_58 : f32 to vector<16xf32>
      %max3A_154 = arith.maximumf %add3A_153, %max3A : vector<16xf32>
      %mul3A_155 = arith.constant 16 : i32
      %mul3A_156 = arith.muli %scan3A_138, %mul3A_155 : i32
      %add3A_157 = arith.constant 3584 : i32
      %add3A_158 = arith.addi %add3A_157, %mul3A_156 : i32
      %get3A_159 = arith.constant 0 : i32
      %get3A_160 = arith.constant 7 : i32
      %get3A_161 = arith.index_cast %get3A_159 : i32 to index
      %get3A_162 = arith.index_cast %get3A_160 : i32 to index
      %get3A_163 = arith.index_cast %mul3A_141 : i32 to index
      %get3A_164 = tpu.vector_load %arg9[%get3A_161, %get3A_162, %get3A_163] {strides = array<i32>} : memref<2x16x512xf32, #tpu.memory_space<vmem>>, vector<16xf32>,
      %get3A_165 = arith.constant 1 : i32
      %get3A_166 = arith.constant 7 : i32
      %get3A_167 = arith.index_cast %get3A_165 : i32 to index
      %get3A_168 = arith.index_cast %get3A_166 : i32 to index
      %get3A_169 = arith.index_cast %mul3A_141 : i32 to index
      %get3A_170 = tpu.vector_load %arg9[%get3A_167, %get3A_168, %get3A_169] {strides = array<i32>} : memref<2x16x512xf32, #tpu.memory_space<vmem>>, vector<16xf32>,
      %add3A_171 = arith.addf %get3A_164, %get3A_170 : vector<16xf32>
      %div3A = arith.divf %add3A_171, %max3A_154 : vector<16xf32>
      %swap3A_172 = arith.index_cast %add3A_158 : i32 to index
      %swap3A_173 = tpu.vector_load %arg11[%swap3A_172] {strides = array<i32>} : memref<8192xf32, #tpu.memory_space<vmem>>, vector<16xf32>,
      tpu.vector_store %arg11[%swap3A_172], %div3A {strides = array<i32>} : memref<8192xf32, #tpu.memory_space<vmem>>, vector<16xf32>,
      %div3A_174 = vector.broadcast %scan3A_58 : f32 to vector<16xf32>
      %div3A_175 = arith.divf %div3A_174, %max3A_154 : vector<16xf32>
      %swap3A_176 = arith.index_cast %add3A_158 : i32 to index
      %swap3A_177 = tpu.vector_load %arg12[%swap3A_176] {strides = array<i32>} : memref<8192xf32, #tpu.memory_space<vmem>>, vector<16xf32>,
      tpu.vector_store %arg12[%swap3A_176], %div3A_175 {strides = array<i32>} : memref<8192xf32, #tpu.memory_space<vmem>>, vector<16xf32>,
      %scan3A_178 = arith.constant 0 : i32
      scf.yield %scan3A_178 : i32
    }
    %scan3A_65 = arith.constant 32 : i32
    %scan3A_66 = arith.constant 1.000000e+00 : f32
    %scan3A_67 = arith.constant 0 : i32
    %scan3A_68 = arith.constant 0 : i32
    %scan3A_69 = arith.constant 32 : i32
    %scan3A_70 = arith.addi %scan3A_68, %scan3A_69 : i32
    %scan3A_71 = arith.constant 1 : i32
    %scan3A_72 = scf.for %scan3A_138 = %scan3A_68 to %scan3A_70 step %scan3A_71 iter_args(%scan3A_139 = %scan3A_67) -> (i32)  : i32 {
      %mul3A_140 = arith.constant 16 : i32
      %mul3A_141 = arith.muli %scan3A_138, %mul3A_140 : i32
      %get3A = arith.constant 0 : i32
      %get3A_142 = arith.constant 8 : i32
      %get3A_143 = arith.index_cast %get3A : i32 to index
      %get3A_144 = arith.index_cast %get3A_142 : i32 to index
      %get3A_145 = arith.index_cast %mul3A_141 : i32 to index
      %get3A_146 = tpu.vector_load %arg10[%get3A_143, %get3A_144, %get3A_145] {strides = array<i32>} : memref<2x16x512xf32, #tpu.memory_space<vmem>>, vector<16xf32>,
      %get3A_147 = arith.constant 1 : i32
      %get3A_148 = arith.constant 8 : i32
      %get3A_149 = arith.index_cast %get3A_147 : i32 to index
      %get3A_150 = arith.index_cast %get3A_148 : i32 to index
      %get3A_151 = arith.index_cast %mul3A_141 : i32 to index
      %get3A_152 = tpu.vector_load %arg10[%get3A_149, %get3A_150, %get3A_151] {strides = array<i32>} : memref<2x16x512xf32, #tpu.memory_space<vmem>>, vector<16xf32>,
      %add3A_153 = arith.addf %get3A_146, %get3A_152 : vector<16xf32>
      %max3A = vector.broadcast %scan3A_66 : f32 to vector<16xf32>
      %max3A_154 = arith.maximumf %add3A_153, %max3A : vector<16xf32>
      %mul3A_155 = arith.constant 16 : i32
      %mul3A_156 = arith.muli %scan3A_138, %mul3A_155 : i32
      %add3A_157 = arith.constant 4096 : i32
      %add3A_158 = arith.addi %add3A_157, %mul3A_156 : i32
      %get3A_159 = arith.constant 0 : i32
      %get3A_160 = arith.constant 8 : i32
      %get3A_161 = arith.index_cast %get3A_159 : i32 to index
      %get3A_162 = arith.index_cast %get3A_160 : i32 to index
      %get3A_163 = arith.index_cast %mul3A_141 : i32 to index
      %get3A_164 = tpu.vector_load %arg9[%get3A_161, %get3A_162, %get3A_163] {strides = array<i32>} : memref<2x16x512xf32, #tpu.memory_space<vmem>>, vector<16xf32>,
      %get3A_165 = arith.constant 1 : i32
      %get3A_166 = arith.constant 8 : i32
      %get3A_167 = arith.index_cast %get3A_165 : i32 to index
      %get3A_168 = arith.index_cast %get3A_166 : i32 to index
      %get3A_169 = arith.index_cast %mul3A_141 : i32 to index
      %get3A_170 = tpu.vector_load %arg9[%get3A_167, %get3A_168, %get3A_169] {strides = array<i32>} : memref<2x16x512xf32, #tpu.memory_space<vmem>>, vector<16xf32>,
      %add3A_171 = arith.addf %get3A_164, %get3A_170 : vector<16xf32>
      %div3A = arith.divf %add3A_171, %max3A_154 : vector<16xf32>
      %swap3A_172 = arith.index_cast %add3A_158 : i32 to index
      %swap3A_173 = tpu.vector_load %arg11[%swap3A_172] {strides = array<i32>} : memref<8192xf32, #tpu.memory_space<vmem>>, vector<16xf32>,
      tpu.vector_store %arg11[%swap3A_172], %div3A {strides = array<i32>} : memref<8192xf32, #tpu.memory_space<vmem>>, vector<16xf32>,
      %div3A_174 = vector.broadcast %scan3A_66 : f32 to vector<16xf32>
      %div3A_175 = arith.divf %div3A_174, %max3A_154 : vector<16xf32>
      %swap3A_176 = arith.index_cast %add3A_158 : i32 to index
      %swap3A_177 = tpu.vector_load %arg12[%swap3A_176] {strides = array<i32>} : memref<8192xf32, #tpu.memory_space<vmem>>, vector<16xf32>,
      tpu.vector_store %arg12[%swap3A_176], %div3A_175 {strides = array<i32>} : memref<8192xf32, #tpu.memory_space<vmem>>, vector<16xf32>,
      %scan3A_178 = arith.constant 0 : i32
      scf.yield %scan3A_178 : i32
    }
    %scan3A_73 = arith.constant 32 : i32
    %scan3A_74 = arith.constant 1.000000e+00 : f32
    %scan3A_75 = arith.constant 0 : i32
    %scan3A_76 = arith.constant 0 : i32
    %scan3A_77 = arith.constant 32 : i32
    %scan3A_78 = arith.addi %scan3A_76, %scan3A_77 : i32
    %scan3A_79 = arith.constant 1 : i32
    %scan3A_80 = scf.for %scan3A_138 = %scan3A_76 to %scan3A_78 step %scan3A_79 iter_args(%scan3A_139 = %scan3A_75) -> (i32)  : i32 {
      %mul3A_140 = arith.constant 16 : i32
      %mul3A_141 = arith.muli %scan3A_138, %mul3A_140 : i32
      %get3A = arith.constant 0 : i32
      %get3A_142 = arith.constant 9 : i32
      %get3A_143 = arith.index_cast %get3A : i32 to index
      %get3A_144 = arith.index_cast %get3A_142 : i32 to index
      %get3A_145 = arith.index_cast %mul3A_141 : i32 to index
      %get3A_146 = tpu.vector_load %arg10[%get3A_143, %get3A_144, %get3A_145] {strides = array<i32>} : memref<2x16x512xf32, #tpu.memory_space<vmem>>, vector<16xf32>,
      %get3A_147 = arith.constant 1 : i32
      %get3A_148 = arith.constant 9 : i32
      %get3A_149 = arith.index_cast %get3A_147 : i32 to index
      %get3A_150 = arith.index_cast %get3A_148 : i32 to index
      %get3A_151 = arith.index_cast %mul3A_141 : i32 to index
      %get3A_152 = tpu.vector_load %arg10[%get3A_149, %get3A_150, %get3A_151] {strides = array<i32>} : memref<2x16x512xf32, #tpu.memory_space<vmem>>, vector<16xf32>,
      %add3A_153 = arith.addf %get3A_146, %get3A_152 : vector<16xf32>
      %max3A = vector.broadcast %scan3A_74 : f32 to vector<16xf32>
      %max3A_154 = arith.maximumf %add3A_153, %max3A : vector<16xf32>
      %mul3A_155 = arith.constant 16 : i32
      %mul3A_156 = arith.muli %scan3A_138, %mul3A_155 : i32
      %add3A_157 = arith.constant 4608 : i32
      %add3A_158 = arith.addi %add3A_157, %mul3A_156 : i32
      %get3A_159 = arith.constant 0 : i32
      %get3A_160 = arith.constant 9 : i32
      %get3A_161 = arith.index_cast %get3A_159 : i32 to index
      %get3A_162 = arith.index_cast %get3A_160 : i32 to index
      %get3A_163 = arith.index_cast %mul3A_141 : i32 to index
      %get3A_164 = tpu.vector_load %arg9[%get3A_161, %get3A_162, %get3A_163] {strides = array<i32>} : memref<2x16x512xf32, #tpu.memory_space<vmem>>, vector<16xf32>,
      %get3A_165 = arith.constant 1 : i32
      %get3A_166 = arith.constant 9 : i32
      %get3A_167 = arith.index_cast %get3A_165 : i32 to index
      %get3A_168 = arith.index_cast %get3A_166 : i32 to index
      %get3A_169 = arith.index_cast %mul3A_141 : i32 to index
      %get3A_170 = tpu.vector_load %arg9[%get3A_167, %get3A_168, %get3A_169] {strides = array<i32>} : memref<2x16x512xf32, #tpu.memory_space<vmem>>, vector<16xf32>,
      %add3A_171 = arith.addf %get3A_164, %get3A_170 : vector<16xf32>
      %div3A = arith.divf %add3A_171, %max3A_154 : vector<16xf32>
      %swap3A_172 = arith.index_cast %add3A_158 : i32 to index
      %swap3A_173 = tpu.vector_load %arg11[%swap3A_172] {strides = array<i32>} : memref<8192xf32, #tpu.memory_space<vmem>>, vector<16xf32>,
      tpu.vector_store %arg11[%swap3A_172], %div3A {strides = array<i32>} : memref<8192xf32, #tpu.memory_space<vmem>>, vector<16xf32>,
      %div3A_174 = vector.broadcast %scan3A_74 : f32 to vector<16xf32>
      %div3A_175 = arith.divf %div3A_174, %max3A_154 : vector<16xf32>
      %swap3A_176 = arith.index_cast %add3A_158 : i32 to index
      %swap3A_177 = tpu.vector_load %arg12[%swap3A_176] {strides = array<i32>} : memref<8192xf32, #tpu.memory_space<vmem>>, vector<16xf32>,
      tpu.vector_store %arg12[%swap3A_176], %div3A_175 {strides = array<i32>} : memref<8192xf32, #tpu.memory_space<vmem>>, vector<16xf32>,
      %scan3A_178 = arith.constant 0 : i32
      scf.yield %scan3A_178 : i32
    }
    %scan3A_81 = arith.constant 32 : i32
    %scan3A_82 = arith.constant 1.000000e+00 : f32
    %scan3A_83 = arith.constant 0 : i32
    %scan3A_84 = arith.constant 0 : i32
    %scan3A_85 = arith.constant 32 : i32
    %scan3A_86 = arith.addi %scan3A_84, %scan3A_85 : i32
    %scan3A_87 = arith.constant 1 : i32
    %scan3A_88 = scf.for %scan3A_138 = %scan3A_84 to %scan3A_86 step %scan3A_87 iter_args(%scan3A_139 = %scan3A_83) -> (i32)  : i32 {
      %mul3A_140 = arith.constant 16 : i32
      %mul3A_141 = arith.muli %scan3A_138, %mul3A_140 : i32
      %get3A = arith.constant 0 : i32
      %get3A_142 = arith.constant 10 : i32
      %get3A_143 = arith.index_cast %get3A : i32 to index
      %get3A_144 = arith.index_cast %get3A_142 : i32 to index
      %get3A_145 = arith.index_cast %mul3A_141 : i32 to index
      %get3A_146 = tpu.vector_load %arg10[%get3A_143, %get3A_144, %get3A_145] {strides = array<i32>} : memref<2x16x512xf32, #tpu.memory_space<vmem>>, vector<16xf32>,
      %get3A_147 = arith.constant 1 : i32
      %get3A_148 = arith.constant 10 : i32
      %get3A_149 = arith.index_cast %get3A_147 : i32 to index
      %get3A_150 = arith.index_cast %get3A_148 : i32 to index
      %get3A_151 = arith.index_cast %mul3A_141 : i32 to index
      %get3A_152 = tpu.vector_load %arg10[%get3A_149, %get3A_150, %get3A_151] {strides = array<i32>} : memref<2x16x512xf32, #tpu.memory_space<vmem>>, vector<16xf32>,
      %add3A_153 = arith.addf %get3A_146, %get3A_152 : vector<16xf32>
      %max3A = vector.broadcast %scan3A_82 : f32 to vector<16xf32>
      %max3A_154 = arith.maximumf %add3A_153, %max3A : vector<16xf32>
      %mul3A_155 = arith.constant 16 : i32
      %mul3A_156 = arith.muli %scan3A_138, %mul3A_155 : i32
      %add3A_157 = arith.constant 5120 : i32
      %add3A_158 = arith.addi %add3A_157, %mul3A_156 : i32
      %get3A_159 = arith.constant 0 : i32
      %get3A_160 = arith.constant 10 : i32
      %get3A_161 = arith.index_cast %get3A_159 : i32 to index
      %get3A_162 = arith.index_cast %get3A_160 : i32 to index
      %get3A_163 = arith.index_cast %mul3A_141 : i32 to index
      %get3A_164 = tpu.vector_load %arg9[%get3A_161, %get3A_162, %get3A_163] {strides = array<i32>} : memref<2x16x512xf32, #tpu.memory_space<vmem>>, vector<16xf32>,
      %get3A_165 = arith.constant 1 : i32
      %get3A_166 = arith.constant 10 : i32
      %get3A_167 = arith.index_cast %get3A_165 : i32 to index
      %get3A_168 = arith.index_cast %get3A_166 : i32 to index
      %get3A_169 = arith.index_cast %mul3A_141 : i32 to index
      %get3A_170 = tpu.vector_load %arg9[%get3A_167, %get3A_168, %get3A_169] {strides = array<i32>} : memref<2x16x512xf32, #tpu.memory_space<vmem>>, vector<16xf32>,
      %add3A_171 = arith.addf %get3A_164, %get3A_170 : vector<16xf32>
      %div3A = arith.divf %add3A_171, %max3A_154 : vector<16xf32>
      %swap3A_172 = arith.index_cast %add3A_158 : i32 to index
      %swap3A_173 = tpu.vector_load %arg11[%swap3A_172] {strides = array<i32>} : memref<8192xf32, #tpu.memory_space<vmem>>, vector<16xf32>,
      tpu.vector_store %arg11[%swap3A_172], %div3A {strides = array<i32>} : memref<8192xf32, #tpu.memory_space<vmem>>, vector<16xf32>,
      %div3A_174 = vector.broadcast %scan3A_82 : f32 to vector<16xf32>
      %div3A_175 = arith.divf %div3A_174, %max3A_154 : vector<16xf32>
      %swap3A_176 = arith.index_cast %add3A_158 : i32 to index
      %swap3A_177 = tpu.vector_load %arg12[%swap3A_176] {strides = array<i32>} : memref<8192xf32, #tpu.memory_space<vmem>>, vector<16xf32>,
      tpu.vector_store %arg12[%swap3A_176], %div3A_175 {strides = array<i32>} : memref<8192xf32, #tpu.memory_space<vmem>>, vector<16xf32>,
      %scan3A_178 = arith.constant 0 : i32
      scf.yield %scan3A_178 : i32
    }
    %scan3A_89 = arith.constant 32 : i32
    %scan3A_90 = arith.constant 1.000000e+00 : f32
    %scan3A_91 = arith.constant 0 : i32
    %scan3A_92 = arith.constant 0 : i32
    %scan3A_93 = arith.constant 32 : i32
    %scan3A_94 = arith.addi %scan3A_92, %scan3A_93 : i32
    %scan3A_95 = arith.constant 1 : i32
    %scan3A_96 = scf.for %scan3A_138 = %scan3A_92 to %scan3A_94 step %scan3A_95 iter_args(%scan3A_139 = %scan3A_91) -> (i32)  : i32 {
      %mul3A_140 = arith.constant 16 : i32
      %mul3A_141 = arith.muli %scan3A_138, %mul3A_140 : i32
      %get3A = arith.constant 0 : i32
      %get3A_142 = arith.constant 11 : i32
      %get3A_143 = arith.index_cast %get3A : i32 to index
      %get3A_144 = arith.index_cast %get3A_142 : i32 to index
      %get3A_145 = arith.index_cast %mul3A_141 : i32 to index
      %get3A_146 = tpu.vector_load %arg10[%get3A_143, %get3A_144, %get3A_145] {strides = array<i32>} : memref<2x16x512xf32, #tpu.memory_space<vmem>>, vector<16xf32>,
      %get3A_147 = arith.constant 1 : i32
      %get3A_148 = arith.constant 11 : i32
      %get3A_149 = arith.index_cast %get3A_147 : i32 to index
      %get3A_150 = arith.index_cast %get3A_148 : i32 to index
      %get3A_151 = arith.index_cast %mul3A_141 : i32 to index
      %get3A_152 = tpu.vector_load %arg10[%get3A_149, %get3A_150, %get3A_151] {strides = array<i32>} : memref<2x16x512xf32, #tpu.memory_space<vmem>>, vector<16xf32>,
      %add3A_153 = arith.addf %get3A_146, %get3A_152 : vector<16xf32>
      %max3A = vector.broadcast %scan3A_90 : f32 to vector<16xf32>
      %max3A_154 = arith.maximumf %add3A_153, %max3A : vector<16xf32>
      %mul3A_155 = arith.constant 16 : i32
      %mul3A_156 = arith.muli %scan3A_138, %mul3A_155 : i32
      %add3A_157 = arith.constant 5632 : i32
      %add3A_158 = arith.addi %add3A_157, %mul3A_156 : i32
      %get3A_159 = arith.constant 0 : i32
      %get3A_160 = arith.constant 11 : i32
      %get3A_161 = arith.index_cast %get3A_159 : i32 to index
      %get3A_162 = arith.index_cast %get3A_160 : i32 to index
      %get3A_163 = arith.index_cast %mul3A_141 : i32 to index
      %get3A_164 = tpu.vector_load %arg9[%get3A_161, %get3A_162, %get3A_163] {strides = array<i32>} : memref<2x16x512xf32, #tpu.memory_space<vmem>>, vector<16xf32>,
      %get3A_165 = arith.constant 1 : i32
      %get3A_166 = arith.constant 11 : i32
      %get3A_167 = arith.index_cast %get3A_165 : i32 to index
      %get3A_168 = arith.index_cast %get3A_166 : i32 to index
      %get3A_169 = arith.index_cast %mul3A_141 : i32 to index
      %get3A_170 = tpu.vector_load %arg9[%get3A_167, %get3A_168, %get3A_169] {strides = array<i32>} : memref<2x16x512xf32, #tpu.memory_space<vmem>>, vector<16xf32>,
      %add3A_171 = arith.addf %get3A_164, %get3A_170 : vector<16xf32>
      %div3A = arith.divf %add3A_171, %max3A_154 : vector<16xf32>
      %swap3A_172 = arith.index_cast %add3A_158 : i32 to index
      %swap3A_173 = tpu.vector_load %arg11[%swap3A_172] {strides = array<i32>} : memref<8192xf32, #tpu.memory_space<vmem>>, vector<16xf32>,
      tpu.vector_store %arg11[%swap3A_172], %div3A {strides = array<i32>} : memref<8192xf32, #tpu.memory_space<vmem>>, vector<16xf32>,
      %div3A_174 = vector.broadcast %scan3A_90 : f32 to vector<16xf32>
      %div3A_175 = arith.divf %div3A_174, %max3A_154 : vector<16xf32>
      %swap3A_176 = arith.index_cast %add3A_158 : i32 to index
      %swap3A_177 = tpu.vector_load %arg12[%swap3A_176] {strides = array<i32>} : memref<8192xf32, #tpu.memory_space<vmem>>, vector<16xf32>,
      tpu.vector_store %arg12[%swap3A_176], %div3A_175 {strides = array<i32>} : memref<8192xf32, #tpu.memory_space<vmem>>, vector<16xf32>,
      %scan3A_178 = arith.constant 0 : i32
      scf.yield %scan3A_178 : i32
    }
    %scan3A_97 = arith.constant 32 : i32
    %scan3A_98 = arith.constant 1.000000e+00 : f32
    %scan3A_99 = arith.constant 0 : i32
    %scan3A_100 = arith.constant 0 : i32
    %scan3A_101 = arith.constant 32 : i32
    %scan3A_102 = arith.addi %scan3A_100, %scan3A_101 : i32
    %scan3A_103 = arith.constant 1 : i32
    %scan3A_104 = scf.for %scan3A_138 = %scan3A_100 to %scan3A_102 step %scan3A_103 iter_args(%scan3A_139 = %scan3A_99) -> (i32)  : i32 {
      %mul3A_140 = arith.constant 16 : i32
      %mul3A_141 = arith.muli %scan3A_138, %mul3A_140 : i32
      %get3A = arith.constant 0 : i32
      %get3A_142 = arith.constant 12 : i32
      %get3A_143 = arith.index_cast %get3A : i32 to index
      %get3A_144 = arith.index_cast %get3A_142 : i32 to index
      %get3A_145 = arith.index_cast %mul3A_141 : i32 to index
      %get3A_146 = tpu.vector_load %arg10[%get3A_143, %get3A_144, %get3A_145] {strides = array<i32>} : memref<2x16x512xf32, #tpu.memory_space<vmem>>, vector<16xf32>,
      %get3A_147 = arith.constant 1 : i32
      %get3A_148 = arith.constant 12 : i32
      %get3A_149 = arith.index_cast %get3A_147 : i32 to index
      %get3A_150 = arith.index_cast %get3A_148 : i32 to index
      %get3A_151 = arith.index_cast %mul3A_141 : i32 to index
      %get3A_152 = tpu.vector_load %arg10[%get3A_149, %get3A_150, %get3A_151] {strides = array<i32>} : memref<2x16x512xf32, #tpu.memory_space<vmem>>, vector<16xf32>,
      %add3A_153 = arith.addf %get3A_146, %get3A_152 : vector<16xf32>
      %max3A = vector.broadcast %scan3A_98 : f32 to vector<16xf32>
      %max3A_154 = arith.maximumf %add3A_153, %max3A : vector<16xf32>
      %mul3A_155 = arith.constant 16 : i32
      %mul3A_156 = arith.muli %scan3A_138, %mul3A_155 : i32
      %add3A_157 = arith.constant 6144 : i32
      %add3A_158 = arith.addi %add3A_157, %mul3A_156 : i32
      %get3A_159 = arith.constant 0 : i32
      %get3A_160 = arith.constant 12 : i32
      %get3A_161 = arith.index_cast %get3A_159 : i32 to index
      %get3A_162 = arith.index_cast %get3A_160 : i32 to index
      %get3A_163 = arith.index_cast %mul3A_141 : i32 to index
      %get3A_164 = tpu.vector_load %arg9[%get3A_161, %get3A_162, %get3A_163] {strides = array<i32>} : memref<2x16x512xf32, #tpu.memory_space<vmem>>, vector<16xf32>,
      %get3A_165 = arith.constant 1 : i32
      %get3A_166 = arith.constant 12 : i32
      %get3A_167 = arith.index_cast %get3A_165 : i32 to index
      %get3A_168 = arith.index_cast %get3A_166 : i32 to index
      %get3A_169 = arith.index_cast %mul3A_141 : i32 to index
      %get3A_170 = tpu.vector_load %arg9[%get3A_167, %get3A_168, %get3A_169] {strides = array<i32>} : memref<2x16x512xf32, #tpu.memory_space<vmem>>, vector<16xf32>,
      %add3A_171 = arith.addf %get3A_164, %get3A_170 : vector<16xf32>
      %div3A = arith.divf %add3A_171, %max3A_154 : vector<16xf32>
      %swap3A_172 = arith.index_cast %add3A_158 : i32 to index
      %swap3A_173 = tpu.vector_load %arg11[%swap3A_172] {strides = array<i32>} : memref<8192xf32, #tpu.memory_space<vmem>>, vector<16xf32>,
      tpu.vector_store %arg11[%swap3A_172], %div3A {strides = array<i32>} : memref<8192xf32, #tpu.memory_space<vmem>>, vector<16xf32>,
      %div3A_174 = vector.broadcast %scan3A_98 : f32 to vector<16xf32>
      %div3A_175 = arith.divf %div3A_174, %max3A_154 : vector<16xf32>
      %swap3A_176 = arith.index_cast %add3A_158 : i32 to index
      %swap3A_177 = tpu.vector_load %arg12[%swap3A_176] {strides = array<i32>} : memref<8192xf32, #tpu.memory_space<vmem>>, vector<16xf32>,
      tpu.vector_store %arg12[%swap3A_176], %div3A_175 {strides = array<i32>} : memref<8192xf32, #tpu.memory_space<vmem>>, vector<16xf32>,
      %scan3A_178 = arith.constant 0 : i32
      scf.yield %scan3A_178 : i32
    }
    %scan3A_105 = arith.constant 32 : i32
    %scan3A_106 = arith.constant 1.000000e+00 : f32
    %scan3A_107 = arith.constant 0 : i32
    %scan3A_108 = arith.constant 0 : i32
    %scan3A_109 = arith.constant 32 : i32
    %scan3A_110 = arith.addi %scan3A_108, %scan3A_109 : i32
    %scan3A_111 = arith.constant 1 : i32
    %scan3A_112 = scf.for %scan3A_138 = %scan3A_108 to %scan3A_110 step %scan3A_111 iter_args(%scan3A_139 = %scan3A_107) -> (i32)  : i32 {
      %mul3A_140 = arith.constant 16 : i32
      %mul3A_141 = arith.muli %scan3A_138, %mul3A_140 : i32
      %get3A = arith.constant 0 : i32
      %get3A_142 = arith.constant 13 : i32
      %get3A_143 = arith.index_cast %get3A : i32 to index
      %get3A_144 = arith.index_cast %get3A_142 : i32 to index
      %get3A_145 = arith.index_cast %mul3A_141 : i32 to index
      %get3A_146 = tpu.vector_load %arg10[%get3A_143, %get3A_144, %get3A_145] {strides = array<i32>} : memref<2x16x512xf32, #tpu.memory_space<vmem>>, vector<16xf32>,
      %get3A_147 = arith.constant 1 : i32
      %get3A_148 = arith.constant 13 : i32
      %get3A_149 = arith.index_cast %get3A_147 : i32 to index
      %get3A_150 = arith.index_cast %get3A_148 : i32 to index
      %get3A_151 = arith.index_cast %mul3A_141 : i32 to index
      %get3A_152 = tpu.vector_load %arg10[%get3A_149, %get3A_150, %get3A_151] {strides = array<i32>} : memref<2x16x512xf32, #tpu.memory_space<vmem>>, vector<16xf32>,
      %add3A_153 = arith.addf %get3A_146, %get3A_152 : vector<16xf32>
      %max3A = vector.broadcast %scan3A_106 : f32 to vector<16xf32>
      %max3A_154 = arith.maximumf %add3A_153, %max3A : vector<16xf32>
      %mul3A_155 = arith.constant 16 : i32
      %mul3A_156 = arith.muli %scan3A_138, %mul3A_155 : i32
      %add3A_157 = arith.constant 6656 : i32
      %add3A_158 = arith.addi %add3A_157, %mul3A_156 : i32
      %get3A_159 = arith.constant 0 : i32
      %get3A_160 = arith.constant 13 : i32
      %get3A_161 = arith.index_cast %get3A_159 : i32 to index
      %get3A_162 = arith.index_cast %get3A_160 : i32 to index
      %get3A_163 = arith.index_cast %mul3A_141 : i32 to index
      %get3A_164 = tpu.vector_load %arg9[%get3A_161, %get3A_162, %get3A_163] {strides = array<i32>} : memref<2x16x512xf32, #tpu.memory_space<vmem>>, vector<16xf32>,
      %get3A_165 = arith.constant 1 : i32
      %get3A_166 = arith.constant 13 : i32
      %get3A_167 = arith.index_cast %get3A_165 : i32 to index
      %get3A_168 = arith.index_cast %get3A_166 : i32 to index
      %get3A_169 = arith.index_cast %mul3A_141 : i32 to index
      %get3A_170 = tpu.vector_load %arg9[%get3A_167, %get3A_168, %get3A_169] {strides = array<i32>} : memref<2x16x512xf32, #tpu.memory_space<vmem>>, vector<16xf32>,
      %add3A_171 = arith.addf %get3A_164, %get3A_170 : vector<16xf32>
      %div3A = arith.divf %add3A_171, %max3A_154 : vector<16xf32>
      %swap3A_172 = arith.index_cast %add3A_158 : i32 to index
      %swap3A_173 = tpu.vector_load %arg11[%swap3A_172] {strides = array<i32>} : memref<8192xf32, #tpu.memory_space<vmem>>, vector<16xf32>,
      tpu.vector_store %arg11[%swap3A_172], %div3A {strides = array<i32>} : memref<8192xf32, #tpu.memory_space<vmem>>, vector<16xf32>,
      %div3A_174 = vector.broadcast %scan3A_106 : f32 to vector<16xf32>
      %div3A_175 = arith.divf %div3A_174, %max3A_154 : vector<16xf32>
      %swap3A_176 = arith.index_cast %add3A_158 : i32 to index
      %swap3A_177 = tpu.vector_load %arg12[%swap3A_176] {strides = array<i32>} : memref<8192xf32, #tpu.memory_space<vmem>>, vector<16xf32>,
      tpu.vector_store %arg12[%swap3A_176], %div3A_175 {strides = array<i32>} : memref<8192xf32, #tpu.memory_space<vmem>>, vector<16xf32>,
      %scan3A_178 = arith.constant 0 : i32
      scf.yield %scan3A_178 : i32
    }
    %scan3A_113 = arith.constant 32 : i32
    %scan3A_114 = arith.constant 1.000000e+00 : f32
    %scan3A_115 = arith.constant 0 : i32
    %scan3A_116 = arith.constant 0 : i32
    %scan3A_117 = arith.constant 32 : i32
    %scan3A_118 = arith.addi %scan3A_116, %scan3A_117 : i32
    %scan3A_119 = arith.constant 1 : i32
    %scan3A_120 = scf.for %scan3A_138 = %scan3A_116 to %scan3A_118 step %scan3A_119 iter_args(%scan3A_139 = %scan3A_115) -> (i32)  : i32 {
      %mul3A_140 = arith.constant 16 : i32
      %mul3A_141 = arith.muli %scan3A_138, %mul3A_140 : i32
      %get3A = arith.constant 0 : i32
      %get3A_142 = arith.constant 14 : i32
      %get3A_143 = arith.index_cast %get3A : i32 to index
      %get3A_144 = arith.index_cast %get3A_142 : i32 to index
      %get3A_145 = arith.index_cast %mul3A_141 : i32 to index
      %get3A_146 = tpu.vector_load %arg10[%get3A_143, %get3A_144, %get3A_145] {strides = array<i32>} : memref<2x16x512xf32, #tpu.memory_space<vmem>>, vector<16xf32>,
      %get3A_147 = arith.constant 1 : i32
      %get3A_148 = arith.constant 14 : i32
      %get3A_149 = arith.index_cast %get3A_147 : i32 to index
      %get3A_150 = arith.index_cast %get3A_148 : i32 to index
      %get3A_151 = arith.index_cast %mul3A_141 : i32 to index
      %get3A_152 = tpu.vector_load %arg10[%get3A_149, %get3A_150, %get3A_151] {strides = array<i32>} : memref<2x16x512xf32, #tpu.memory_space<vmem>>, vector<16xf32>,
      %add3A_153 = arith.addf %get3A_146, %get3A_152 : vector<16xf32>
      %max3A = vector.broadcast %scan3A_114 : f32 to vector<16xf32>
      %max3A_154 = arith.maximumf %add3A_153, %max3A : vector<16xf32>
      %mul3A_155 = arith.constant 16 : i32
      %mul3A_156 = arith.muli %scan3A_138, %mul3A_155 : i32
      %add3A_157 = arith.constant 7168 : i32
      %add3A_158 = arith.addi %add3A_157, %mul3A_156 : i32
      %get3A_159 = arith.constant 0 : i32
      %get3A_160 = arith.constant 14 : i32
      %get3A_161 = arith.index_cast %get3A_159 : i32 to index
      %get3A_162 = arith.index_cast %get3A_160 : i32 to index
      %get3A_163 = arith.index_cast %mul3A_141 : i32 to index
      %get3A_164 = tpu.vector_load %arg9[%get3A_161, %get3A_162, %get3A_163] {strides = array<i32>} : memref<2x16x512xf32, #tpu.memory_space<vmem>>, vector<16xf32>,
      %get3A_165 = arith.constant 1 : i32
      %get3A_166 = arith.constant 14 : i32
      %get3A_167 = arith.index_cast %get3A_165 : i32 to index
      %get3A_168 = arith.index_cast %get3A_166 : i32 to index
      %get3A_169 = arith.index_cast %mul3A_141 : i32 to index
      %get3A_170 = tpu.vector_load %arg9[%get3A_167, %get3A_168, %get3A_169] {strides = array<i32>} : memref<2x16x512xf32, #tpu.memory_space<vmem>>, vector<16xf32>,
      %add3A_171 = arith.addf %get3A_164, %get3A_170 : vector<16xf32>
      %div3A = arith.divf %add3A_171, %max3A_154 : vector<16xf32>
      %swap3A_172 = arith.index_cast %add3A_158 : i32 to index
      %swap3A_173 = tpu.vector_load %arg11[%swap3A_172] {strides = array<i32>} : memref<8192xf32, #tpu.memory_space<vmem>>, vector<16xf32>,
      tpu.vector_store %arg11[%swap3A_172], %div3A {strides = array<i32>} : memref<8192xf32, #tpu.memory_space<vmem>>, vector<16xf32>,
      %div3A_174 = vector.broadcast %scan3A_114 : f32 to vector<16xf32>
      %div3A_175 = arith.divf %div3A_174, %max3A_154 : vector<16xf32>
      %swap3A_176 = arith.index_cast %add3A_158 : i32 to index
      %swap3A_177 = tpu.vector_load %arg12[%swap3A_176] {strides = array<i32>} : memref<8192xf32, #tpu.memory_space<vmem>>, vector<16xf32>,
      tpu.vector_store %arg12[%swap3A_176], %div3A_175 {strides = array<i32>} : memref<8192xf32, #tpu.memory_space<vmem>>, vector<16xf32>,
      %scan3A_178 = arith.constant 0 : i32
      scf.yield %scan3A_178 : i32
    }
    %scan3A_121 = arith.constant 32 : i32
    %scan3A_122 = arith.constant 1.000000e+00 : f32
    %scan3A_123 = arith.constant 0 : i32
    %scan3A_124 = arith.constant 0 : i32
    %scan3A_125 = arith.constant 32 : i32
    %scan3A_126 = arith.addi %scan3A_124, %scan3A_125 : i32
    %scan3A_127 = arith.constant 1 : i32
    %scan3A_128 = scf.for %scan3A_138 = %scan3A_124 to %scan3A_126 step %scan3A_127 iter_args(%scan3A_139 = %scan3A_123) -> (i32)  : i32 {
      %mul3A_140 = arith.constant 16 : i32
      %mul3A_141 = arith.muli %scan3A_138, %mul3A_140 : i32
      %get3A = arith.constant 0 : i32
      %get3A_142 = arith.constant 15 : i32
      %get3A_143 = arith.index_cast %get3A : i32 to index
      %get3A_144 = arith.index_cast %get3A_142 : i32 to index
      %get3A_145 = arith.index_cast %mul3A_141 : i32 to index
      %get3A_146 = tpu.vector_load %arg10[%get3A_143, %get3A_144, %get3A_145] {strides = array<i32>} : memref<2x16x512xf32, #tpu.memory_space<vmem>>, vector<16xf32>,
      %get3A_147 = arith.constant 1 : i32
      %get3A_148 = arith.constant 15 : i32
      %get3A_149 = arith.index_cast %get3A_147 : i32 to index
      %get3A_150 = arith.index_cast %get3A_148 : i32 to index
      %get3A_151 = arith.index_cast %mul3A_141 : i32 to index
      %get3A_152 = tpu.vector_load %arg10[%get3A_149, %get3A_150, %get3A_151] {strides = array<i32>} : memref<2x16x512xf32, #tpu.memory_space<vmem>>, vector<16xf32>,
      %add3A_153 = arith.addf %get3A_146, %get3A_152 : vector<16xf32>
      %max3A = vector.broadcast %scan3A_122 : f32 to vector<16xf32>
      %max3A_154 = arith.maximumf %add3A_153, %max3A : vector<16xf32>
      %mul3A_155 = arith.constant 16 : i32
      %mul3A_156 = arith.muli %scan3A_138, %mul3A_155 : i32
      %add3A_157 = arith.constant 7680 : i32
      %add3A_158 = arith.addi %add3A_157, %mul3A_156 : i32
      %get3A_159 = arith.constant 0 : i32
      %get3A_160 = arith.constant 15 : i32
      %get3A_161 = arith.index_cast %get3A_159 : i32 to index
      %get3A_162 = arith.index_cast %get3A_160 : i32 to index
      %get3A_163 = arith.index_cast %mul3A_141 : i32 to index
      %get3A_164 = tpu.vector_load %arg9[%get3A_161, %get3A_162, %get3A_163] {strides = array<i32>} : memref<2x16x512xf32, #tpu.memory_space<vmem>>, vector<16xf32>,
      %get3A_165 = arith.constant 1 : i32
      %get3A_166 = arith.constant 15 : i32
      %get3A_167 = arith.index_cast %get3A_165 : i32 to index
      %get3A_168 = arith.index_cast %get3A_166 : i32 to index
      %get3A_169 = arith.index_cast %mul3A_141 : i32 to index
      %get3A_170 = tpu.vector_load %arg9[%get3A_167, %get3A_168, %get3A_169] {strides = array<i32>} : memref<2x16x512xf32, #tpu.memory_space<vmem>>, vector<16xf32>,
      %add3A_171 = arith.addf %get3A_164, %get3A_170 : vector<16xf32>
      %div3A = arith.divf %add3A_171, %max3A_154 : vector<16xf32>
      %swap3A_172 = arith.index_cast %add3A_158 : i32 to index
      %swap3A_173 = tpu.vector_load %arg11[%swap3A_172] {strides = array<i32>} : memref<8192xf32, #tpu.memory_space<vmem>>, vector<16xf32>,
      tpu.vector_store %arg11[%swap3A_172], %div3A {strides = array<i32>} : memref<8192xf32, #tpu.memory_space<vmem>>, vector<16xf32>,
      %div3A_174 = vector.broadcast %scan3A_122 : f32 to vector<16xf32>
      %div3A_175 = arith.divf %div3A_174, %max3A_154 : vector<16xf32>
      %swap3A_176 = arith.index_cast %add3A_158 : i32 to index
      %swap3A_177 = tpu.vector_load %arg12[%swap3A_176] {strides = array<i32>} : memref<8192xf32, #tpu.memory_space<vmem>>, vector<16xf32>,
      tpu.vector_store %arg12[%swap3A_176], %div3A_175 {strides = array<i32>} : memref<8192xf32, #tpu.memory_space<vmem>>, vector<16xf32>,
      %scan3A_178 = arith.constant 0 : i32
      scf.yield %scan3A_178 : i32
    }
    %scan3A_129 = arith.constant 32 : i32
    %broadcast_in_dim3A = arith.constant 0.000000e+00 : f32
    "tpu.trace_stop"() : () -> ()
    "tpu.trace_start"() <{level = 10 : i32, message = "p2_main"}> : () -> ()
    %broadcast_in_dim3A_130 = vector.broadcast %broadcast_in_dim3A : f32 to vector<16xf32>
    %scan3A_131 = arith.constant 0 : i32
    %scan3A_132 = arith.constant 1024 : i32
    %scan3A_133 = arith.addi %scan3A_131, %scan3A_132 : i32
    %scan3A_134 = arith.constant 1 : i32
    %scan3A_135 = scf.for %scan3A_138 = %scan3A_131 to %scan3A_133 step %scan3A_134 iter_args(%scan3A_139 = %broadcast_in_dim3A_130) -> (vector<16xf32>)  : i32 {
      %mul3A_140 = arith.constant 16 : i32
      %mul3A_141 = arith.muli %scan3A_138, %mul3A_140 : i32
      %get3A = arith.index_cast %mul3A_141 : i32 to index
      %get3A_142 = tpu.vector_load %arg7[%get3A] {strides = array<i32>} : memref<16384xi32, #tpu.memory_space<vmem>>, vector<16xi32>,
      %gather3A = tpu.vector_load_idx %arg11[%get3A_142] : memref<8192xf32, #tpu.memory_space<vmem>>[vector<16xi32>], vector<16xf32>,
      %gather3A_143 = tpu.vector_load_idx %arg12[%get3A_142] : memref<8192xf32, #tpu.memory_space<vmem>>[vector<16xi32>], vector<16xf32>,
      %get3A_144 = arith.index_cast %mul3A_141 : i32 to index
      %get3A_145 = tpu.vector_load %arg8[%get3A_144] {strides = array<i32>} : memref<16384xf32, #tpu.memory_space<vmem>>, vector<16xf32>,
      %sub3A = arith.subf %gather3A, %get3A_145 : vector<16xf32>
      %abs3A = math.absf %sub3A : vector<16xf32>
      %mul3A_146 = arith.mulf %abs3A, %gather3A_143 : vector<16xf32>
      %add3A_147 = arith.addf %scan3A_139, %mul3A_146 : vector<16xf32>
      scf.yield %add3A_147 : vector<16xf32>
    }
    %scan3A_136 = arith.constant 1024 : i32
    %swap3A = arith.constant 0 : index
    %swap3A_137 = tpu.vector_load %arg13[%swap3A] {strides = array<i32>} : memref<16xf32, #tpu.memory_space<vmem>>, vector<16xf32>,
    tpu.vector_store %arg13[%swap3A], %scan3A_135 {strides = array<i32>} : memref<16xf32, #tpu.memory_space<vmem>>, vector<16xf32>,
    "tpu.region"() ({
      %run_scoped3A = tpu.sem_alloc : memref<!tpu.dma_semaphore, #tpu.memory_space<semaphore_mem>>
      %dma_start3A = arith.constant 0 : i32
      %dma_start3A_138 = tpu.memref_slice %arg6[%add3A, %dma_start3A] : memref<32x16xf32, #tpu.memory_space<hbm>> -> memref<1x16xf32, #tpu.memory_space<hbm>>
      %dma_start3A_139 = tpu.memref_squeeze %dma_start3A_138 : memref<1x16xf32, #tpu.memory_space<hbm>> -> memref<16xf32, #tpu.memory_space<hbm>>
      %dma_start3A_140 = arith.constant 0 : i32
      %dma_start3A_141 = tpu.memref_slice %arg6[%add3A, %dma_start3A_140] : memref<32x16xf32, #tpu.memory_space<hbm>> -> memref<1x16xf32, #tpu.memory_space<hbm>>
      %dma_start3A_142 = tpu.memref_squeeze %dma_start3A_141 : memref<1x16xf32, #tpu.memory_space<hbm>> -> memref<16xf32, #tpu.memory_space<hbm>>
      tpu.enqueue_dma source(%arg13 : memref<16xf32, #tpu.memory_space<vmem>>) target(%dma_start3A_142 : memref<16xf32, #tpu.memory_space<hbm>>) target_semaphore(%run_scoped3A : memref<!tpu.dma_semaphore, #tpu.memory_space<semaphore_mem>>)
      %dma_wait3A = arith.constant 0 : i32
      %dma_wait3A_143 = tpu.memref_slice %arg6[%add3A, %dma_wait3A] : memref<32x16xf32, #tpu.memory_space<hbm>> -> memref<1x16xf32, #tpu.memory_space<hbm>>
      %dma_wait3A_144 = tpu.memref_squeeze %dma_wait3A_143 : memref<1x16xf32, #tpu.memory_space<hbm>> -> memref<16xf32, #tpu.memory_space<hbm>>
      %dma_wait3A_145 = arith.constant 0 : i32
      %dma_wait3A_146 = tpu.memref_slice %arg6[%add3A, %dma_wait3A_145] : memref<32x16xf32, #tpu.memory_space<hbm>> -> memref<1x16xf32, #tpu.memory_space<hbm>>
      %dma_wait3A_147 = tpu.memref_squeeze %dma_wait3A_146 : memref<1x16xf32, #tpu.memory_space<hbm>> -> memref<16xf32, #tpu.memory_space<hbm>>
      tpu.wait_dma2 semaphore(%run_scoped3A : memref<!tpu.dma_semaphore, #tpu.memory_space<semaphore_mem>>) src(%arg13 : memref<16xf32, #tpu.memory_space<vmem>>) dst(%dma_wait3A_147 : memref<16xf32, #tpu.memory_space<hbm>>)
      tpu.yield
    }) : () -> ()
    "tpu.trace_stop"() : () -> ()
    return
  }
}

#map = affine_map<(d0, d1) -> (0)>
#map1 = affine_map<(d0, d1) -> (0, 0, 0)>
module attributes {stable_mosaic.version = 14 : i64} {
  func.func @_phase1(%arg0: i32, %arg1: i32, %arg2: memref<524288xi32, #tpu.memory_space<hbm>>, %arg3: memref<524288xi32, #tpu.memory_space<hbm>>, %arg4: memref<524288xi32, #tpu.memory_space<hbm>>, %arg5: memref<4194304xf32, #tpu.memory_space<hbm>>, %arg6: memref<524288xf32, #tpu.memory_space<hbm>>, %arg7: memref<2x16x512xf32, #tpu.memory_space<hbm>>, %arg8: memref<2x16x512xf32, #tpu.memory_space<hbm>>, %arg9: memref<16384xi32, #tpu.memory_space<vmem>>, %arg10: memref<16384xi32, #tpu.memory_space<vmem>>, %arg11: memref<16384xi32, #tpu.memory_space<vmem>>, %arg12: memref<16384xi32, #tpu.memory_space<vmem>>, %arg13: memref<16384xf32, #tpu.memory_space<vmem>>, %arg14: memref<8192xf32, #tpu.memory_space<vmem>>, %arg15: memref<8192xf32, #tpu.memory_space<vmem>>, %arg16: memref<512xf32, #tpu.memory_space<vmem>>, %arg17: memref<512xf32, #tpu.memory_space<vmem>>, %arg18: memref<16x8192xf32, #tpu.memory_space<vmem_shared>>, %arg19: memref<16x8192xf32, #tpu.memory_space<vmem_shared>>, %arg20: memref<!tpu.dma_semaphore, #tpu.memory_space<semaphore_mem>>) attributes {dimension_semantics = [#tpu.dimension_semantics<core_parallel>, #tpu.dimension_semantics<subcore_parallel>], iteration_bounds = array<i64: 2, 16>, scalar_prefetch = 0 : i64, scratch_operands = 12 : i64, tpu.core_type = #tpu.core_type<sc_vector_subcore>, window_params = [{transform_indices = #map}, {transform_indices = #map}, {transform_indices = #map}, {transform_indices = #map}, {transform_indices = #map}, {transform_indices = #map1}, {transform_indices = #map1}]} {
    %mul3A = arith.constant 16 : i32
    %mul3A_0 = arith.muli %arg0, %mul3A : i32
    %add3A = arith.addi %mul3A_0, %arg1 : i32
    %mul3A_1 = arith.constant 16384 : i32
    %mul3A_2 = arith.muli %add3A, %mul3A_1 : i32
    %multiple_of3A = tpu.assume_multiple %mul3A_2, 16384 : i32
    "tpu.trace_start"() <{level = 10 : i32, message = "p1_load"}> : () -> ()
    "tpu.region"() ({
      %run_scoped3A_280 = tpu.sem_alloc : memref<!tpu.dma_semaphore, #tpu.memory_space<semaphore_mem>>
      %dma_start3A = tpu.memref_slice %arg2[%multiple_of3A] : memref<524288xi32, #tpu.memory_space<hbm>> -> memref<16384xi32, #tpu.memory_space<hbm>>
      %dma_start3A_281 = tpu.memref_slice %arg2[%multiple_of3A] : memref<524288xi32, #tpu.memory_space<hbm>> -> memref<16384xi32, #tpu.memory_space<hbm>>
      tpu.enqueue_dma source(%dma_start3A_281 : memref<16384xi32, #tpu.memory_space<hbm>>) target(%arg9 : memref<16384xi32, #tpu.memory_space<vmem>>) target_semaphore(%run_scoped3A_280 : memref<!tpu.dma_semaphore, #tpu.memory_space<semaphore_mem>>)
      %dma_wait3A_282 = tpu.memref_slice %arg2[%multiple_of3A] : memref<524288xi32, #tpu.memory_space<hbm>> -> memref<16384xi32, #tpu.memory_space<hbm>>
      %dma_wait3A_283 = tpu.memref_slice %arg2[%multiple_of3A] : memref<524288xi32, #tpu.memory_space<hbm>> -> memref<16384xi32, #tpu.memory_space<hbm>>
      tpu.wait_dma2 semaphore(%run_scoped3A_280 : memref<!tpu.dma_semaphore, #tpu.memory_space<semaphore_mem>>) src(%dma_wait3A_283 : memref<16384xi32, #tpu.memory_space<hbm>>) dst(%arg9 : memref<16384xi32, #tpu.memory_space<vmem>>)
      tpu.yield
    }) : () -> ()
    "tpu.region"() ({
      %run_scoped3A_280 = tpu.sem_alloc : memref<!tpu.dma_semaphore, #tpu.memory_space<semaphore_mem>>
      %dma_start3A = tpu.memref_slice %arg3[%multiple_of3A] : memref<524288xi32, #tpu.memory_space<hbm>> -> memref<16384xi32, #tpu.memory_space<hbm>>
      %dma_start3A_281 = tpu.memref_slice %arg3[%multiple_of3A] : memref<524288xi32, #tpu.memory_space<hbm>> -> memref<16384xi32, #tpu.memory_space<hbm>>
      tpu.enqueue_dma source(%dma_start3A_281 : memref<16384xi32, #tpu.memory_space<hbm>>) target(%arg10 : memref<16384xi32, #tpu.memory_space<vmem>>) target_semaphore(%run_scoped3A_280 : memref<!tpu.dma_semaphore, #tpu.memory_space<semaphore_mem>>)
      %dma_wait3A_282 = tpu.memref_slice %arg3[%multiple_of3A] : memref<524288xi32, #tpu.memory_space<hbm>> -> memref<16384xi32, #tpu.memory_space<hbm>>
      %dma_wait3A_283 = tpu.memref_slice %arg3[%multiple_of3A] : memref<524288xi32, #tpu.memory_space<hbm>> -> memref<16384xi32, #tpu.memory_space<hbm>>
      tpu.wait_dma2 semaphore(%run_scoped3A_280 : memref<!tpu.dma_semaphore, #tpu.memory_space<semaphore_mem>>) src(%dma_wait3A_283 : memref<16384xi32, #tpu.memory_space<hbm>>) dst(%arg10 : memref<16384xi32, #tpu.memory_space<vmem>>)
      tpu.yield
    }) : () -> ()
    "tpu.region"() ({
      %run_scoped3A_280 = tpu.sem_alloc : memref<!tpu.dma_semaphore, #tpu.memory_space<semaphore_mem>>
      %dma_start3A = tpu.memref_slice %arg4[%multiple_of3A] : memref<524288xi32, #tpu.memory_space<hbm>> -> memref<16384xi32, #tpu.memory_space<hbm>>
      %dma_start3A_281 = tpu.memref_slice %arg4[%multiple_of3A] : memref<524288xi32, #tpu.memory_space<hbm>> -> memref<16384xi32, #tpu.memory_space<hbm>>
      tpu.enqueue_dma source(%dma_start3A_281 : memref<16384xi32, #tpu.memory_space<hbm>>) target(%arg11 : memref<16384xi32, #tpu.memory_space<vmem>>) target_semaphore(%run_scoped3A_280 : memref<!tpu.dma_semaphore, #tpu.memory_space<semaphore_mem>>)
      %dma_wait3A_282 = tpu.memref_slice %arg4[%multiple_of3A] : memref<524288xi32, #tpu.memory_space<hbm>> -> memref<16384xi32, #tpu.memory_space<hbm>>
      %dma_wait3A_283 = tpu.memref_slice %arg4[%multiple_of3A] : memref<524288xi32, #tpu.memory_space<hbm>> -> memref<16384xi32, #tpu.memory_space<hbm>>
      tpu.wait_dma2 semaphore(%run_scoped3A_280 : memref<!tpu.dma_semaphore, #tpu.memory_space<semaphore_mem>>) src(%dma_wait3A_283 : memref<16384xi32, #tpu.memory_space<hbm>>) dst(%arg11 : memref<16384xi32, #tpu.memory_space<vmem>>)
      tpu.yield
    }) : () -> ()
    %broadcast_in_dim3A = arith.constant 0.000000e+00 : f32
    "tpu.trace_stop"() : () -> ()
    %broadcast_in_dim3A_3 = vector.broadcast %broadcast_in_dim3A : f32 to vector<16xf32>
    %broadcast_in_dim3A_4 = arith.constant 1.000000e+00 : f32
    %broadcast_in_dim3A_5 = vector.broadcast %broadcast_in_dim3A_4 : f32 to vector<16xf32>
    "tpu.trace_start"() <{level = 10 : i32, message = "p1_zero"}> : () -> ()
    %scan3A = arith.constant 0 : i32
    %scan3A_6 = arith.constant 0 : i32
    %scan3A_7 = arith.constant 512 : i32
    %scan3A_8 = arith.addi %scan3A_6, %scan3A_7 : i32
    %scan3A_9 = arith.constant 1 : i32
    %scan3A_10 = scf.for %scan3A_280 = %scan3A_6 to %scan3A_8 step %scan3A_9 iter_args(%scan3A_281 = %scan3A) -> (i32)  : i32 {
      %mul3A_282 = arith.constant 16 : i32
      %mul3A_283 = arith.muli %scan3A_280, %mul3A_282 : i32
      %swap3A = arith.index_cast %mul3A_283 : i32 to index
      %swap3A_284 = tpu.vector_load %arg14[%swap3A] {strides = array<i32>} : memref<8192xf32, #tpu.memory_space<vmem>>, vector<16xf32>,
      tpu.vector_store %arg14[%swap3A], %broadcast_in_dim3A_3 {strides = array<i32>} : memref<8192xf32, #tpu.memory_space<vmem>>, vector<16xf32>,
      %swap3A_285 = arith.index_cast %mul3A_283 : i32 to index
      %swap3A_286 = tpu.vector_load %arg15[%swap3A_285] {strides = array<i32>} : memref<8192xf32, #tpu.memory_space<vmem>>, vector<16xf32>,
      tpu.vector_store %arg15[%swap3A_285], %broadcast_in_dim3A_3 {strides = array<i32>} : memref<8192xf32, #tpu.memory_space<vmem>>, vector<16xf32>,
      %scan3A_287 = arith.constant 0 : i32
      scf.yield %scan3A_287 : i32
    }
    %scan3A_11 = arith.constant 512 : i32
    "tpu.trace_stop"() : () -> ()
    "tpu.trace_start"() <{level = 10 : i32, message = "p1_idx"}> : () -> ()
    %scan3A_12 = arith.constant 0 : i32
    %scan3A_13 = arith.constant 0 : i32
    %scan3A_14 = arith.constant 1024 : i32
    %scan3A_15 = arith.addi %scan3A_13, %scan3A_14 : i32
    %scan3A_16 = arith.constant 1 : i32
    %scan3A_17 = scf.for %scan3A_280 = %scan3A_13 to %scan3A_15 step %scan3A_16 iter_args(%scan3A_281 = %scan3A_12) -> (i32)  : i32 {
      %mul3A_282 = arith.constant 16 : i32
      %mul3A_283 = arith.muli %scan3A_280, %mul3A_282 : i32
      %get3A = arith.index_cast %mul3A_283 : i32 to index
      %get3A_284 = tpu.vector_load %arg11[%get3A] {strides = array<i32>} : memref<16384xi32, #tpu.memory_space<vmem>>, vector<16xi32>,
      %mul3A_285 = arith.constant 8389 : i32
      %mul3A_286 = vector.broadcast %mul3A_285 : i32 to vector<16xi32>
      %mul3A_287 = arith.muli %get3A_284, %mul3A_286 : vector<16xi32>
      %shift_right_arithmetic3A = arith.constant 22 : i32
      %shift_right_arithmetic3A_288 = vector.broadcast %shift_right_arithmetic3A : i32 to vector<16xi32>
      %shift_right_arithmetic3A_289 = arith.shrsi %mul3A_287, %shift_right_arithmetic3A_288 : vector<16xi32>
      %mul3A_290 = arith.constant 262144 : i32
      %mul3A_291 = vector.broadcast %mul3A_290 : i32 to vector<16xi32>
      %mul3A_292 = arith.muli %shift_right_arithmetic3A_289, %mul3A_291 : vector<16xi32>
      %get3A_293 = arith.index_cast %mul3A_283 : i32 to index
      %get3A_294 = tpu.vector_load %arg9[%get3A_293] {strides = array<i32>} : memref<16384xi32, #tpu.memory_space<vmem>>, vector<16xi32>,
      %mul3A_295 = arith.constant 512 : i32
      %mul3A_296 = vector.broadcast %mul3A_295 : i32 to vector<16xi32>
      %mul3A_297 = arith.muli %get3A_294, %mul3A_296 : vector<16xi32>
      %add3A_298 = arith.addi %mul3A_292, %mul3A_297 : vector<16xi32>
      %get3A_299 = arith.index_cast %mul3A_283 : i32 to index
      %get3A_300 = tpu.vector_load %arg10[%get3A_299] {strides = array<i32>} : memref<16384xi32, #tpu.memory_space<vmem>>, vector<16xi32>,
      %add3A_301 = arith.addi %add3A_298, %get3A_300 : vector<16xi32>
      %swap3A = arith.index_cast %mul3A_283 : i32 to index
      %swap3A_302 = tpu.vector_load %arg12[%swap3A] {strides = array<i32>} : memref<16384xi32, #tpu.memory_space<vmem>>, vector<16xi32>,
      tpu.vector_store %arg12[%swap3A], %add3A_301 {strides = array<i32>} : memref<16384xi32, #tpu.memory_space<vmem>>, vector<16xi32>,
      %scan3A_303 = arith.constant 0 : i32
      scf.yield %scan3A_303 : i32
    }
    %scan3A_18 = arith.constant 1024 : i32
    "tpu.trace_stop"() : () -> ()
    "tpu.trace_start"() <{level = 10 : i32, message = "p1_gather"}> : () -> ()
    %scan3A_19 = arith.constant 0 : i32
    %scan3A_20 = arith.constant 0 : i32
    %scan3A_21 = arith.constant 128 : i32
    %scan3A_22 = arith.addi %scan3A_20, %scan3A_21 : i32
    %scan3A_23 = arith.constant 1 : i32
    %scan3A_24 = scf.for %scan3A_280 = %scan3A_20 to %scan3A_22 step %scan3A_23 iter_args(%scan3A_281 = %scan3A_19) -> (i32)  : i32 {
      %mul3A_282 = arith.constant 128 : i32
      %mul3A_283 = arith.muli %scan3A_280, %mul3A_282 : i32
      %dma_start3A = tpu.memref_slice %arg13[%mul3A_283] : memref<16384xf32, #tpu.memory_space<vmem>> -> memref<128xf32, #tpu.memory_space<vmem>>
      %dma_start3A_284 = tpu.memref_slice %arg12[%mul3A_283] : memref<16384xi32, #tpu.memory_space<vmem>> -> memref<128xi32, #tpu.memory_space<vmem>>
      %dma_start3A_285 = arith.constant 0 : i32
      %dma_start3A_286 = tpu.memref_slice %arg5[%dma_start3A_285] : memref<4194304xf32, #tpu.memory_space<hbm>> -> memref<4194304xf32, #tpu.memory_space<hbm>>
      tpu.enqueue_indirect_dma source(%dma_start3A_286 : memref<4194304xf32, #tpu.memory_space<hbm>>) target(%dma_start3A : memref<128xf32, #tpu.memory_space<vmem>>) offsets(%dma_start3A_284 : memref<128xi32, #tpu.memory_space<vmem>>) semaphore(%arg20 : memref<!tpu.dma_semaphore, #tpu.memory_space<semaphore_mem>>)
      %scan3A_287 = arith.constant 0 : i32
      scf.yield %scan3A_287 : i32
    }
    %scan3A_25 = arith.constant 128 : i32
    %dma_wait3A = arith.constant 0 : i32
    %dma_wait3A_26 = tpu.memref_slice %arg5[%dma_wait3A] : memref<4194304xf32, #tpu.memory_space<hbm>> -> memref<16384xf32, #tpu.memory_space<hbm>>
    %dma_wait3A_27 = arith.constant 0 : i32
    %dma_wait3A_28 = tpu.memref_slice %arg5[%dma_wait3A_27] : memref<4194304xf32, #tpu.memory_space<hbm>> -> memref<16384xf32, #tpu.memory_space<hbm>>
    tpu.wait_dma2 semaphore(%arg20 : memref<!tpu.dma_semaphore, #tpu.memory_space<semaphore_mem>>) src(%dma_wait3A_28 : memref<16384xf32, #tpu.memory_space<hbm>>) dst(%arg13 : memref<16384xf32, #tpu.memory_space<vmem>>)
    "tpu.trace_stop"() : () -> ()
    "tpu.trace_start"() <{level = 10 : i32, message = "p1_scatter"}> : () -> ()
    %scan3A_29 = arith.constant 0 : i32
    %scan3A_30 = arith.constant 0 : i32
    %scan3A_31 = arith.constant 1024 : i32
    %scan3A_32 = arith.addi %scan3A_30, %scan3A_31 : i32
    %scan3A_33 = arith.constant 1 : i32
    %scan3A_34 = scf.for %scan3A_280 = %scan3A_30 to %scan3A_32 step %scan3A_33 iter_args(%scan3A_281 = %scan3A_29) -> (i32)  : i32 {
      %mul3A_282 = arith.constant 16 : i32
      %mul3A_283 = arith.muli %scan3A_280, %mul3A_282 : i32
      %get3A = arith.index_cast %mul3A_283 : i32 to index
      %get3A_284 = tpu.vector_load %arg11[%get3A] {strides = array<i32>} : memref<16384xi32, #tpu.memory_space<vmem>>, vector<16xi32>,
      %get3A_285 = arith.index_cast %mul3A_283 : i32 to index
      %get3A_286 = tpu.vector_load %arg13[%get3A_285] {strides = array<i32>} : memref<16384xf32, #tpu.memory_space<vmem>>, vector<16xf32>,
      tpu.vector_store_idx %arg14[%get3A_284], %get3A_286 {add = true} : memref<8192xf32, #tpu.memory_space<vmem>>[vector<16xi32>], vector<16xf32>,
      tpu.vector_store_idx %arg15[%get3A_284], %broadcast_in_dim3A_5 {add = true} : memref<8192xf32, #tpu.memory_space<vmem>>[vector<16xi32>], vector<16xf32>,
      %scan3A_287 = arith.constant 0 : i32
      scf.yield %scan3A_287 : i32
    }
    %scan3A_35 = arith.constant 1024 : i32
    "tpu.trace_stop"() : () -> ()
    "tpu.trace_start"() <{level = 10 : i32, message = "p1_wb"}> : () -> ()
    "tpu.region"() ({
      %run_scoped3A_280 = tpu.sem_alloc : memref<!tpu.dma_semaphore, #tpu.memory_space<semaphore_mem>>
      %dma_start3A = tpu.memref_slice %arg6[%multiple_of3A] : memref<524288xf32, #tpu.memory_space<hbm>> -> memref<16384xf32, #tpu.memory_space<hbm>>
      %dma_start3A_281 = tpu.memref_slice %arg6[%multiple_of3A] : memref<524288xf32, #tpu.memory_space<hbm>> -> memref<16384xf32, #tpu.memory_space<hbm>>
      tpu.enqueue_dma source(%arg13 : memref<16384xf32, #tpu.memory_space<vmem>>) target(%dma_start3A_281 : memref<16384xf32, #tpu.memory_space<hbm>>) target_semaphore(%run_scoped3A_280 : memref<!tpu.dma_semaphore, #tpu.memory_space<semaphore_mem>>)
      %dma_wait3A_282 = tpu.memref_slice %arg6[%multiple_of3A] : memref<524288xf32, #tpu.memory_space<hbm>> -> memref<16384xf32, #tpu.memory_space<hbm>>
      %dma_wait3A_283 = tpu.memref_slice %arg6[%multiple_of3A] : memref<524288xf32, #tpu.memory_space<hbm>> -> memref<16384xf32, #tpu.memory_space<hbm>>
      tpu.wait_dma2 semaphore(%run_scoped3A_280 : memref<!tpu.dma_semaphore, #tpu.memory_space<semaphore_mem>>) src(%arg13 : memref<16384xf32, #tpu.memory_space<vmem>>) dst(%dma_wait3A_283 : memref<16384xf32, #tpu.memory_space<hbm>>)
      tpu.yield
    }) : () -> ()
    "tpu.region"() ({
      %run_scoped3A_280 = tpu.sem_alloc : memref<!tpu.dma_semaphore, #tpu.memory_space<semaphore_mem>>
      %dma_start3A = arith.constant 0 : i32
      %dma_start3A_281 = tpu.memref_slice %arg18[%arg1, %dma_start3A] : memref<16x8192xf32, #tpu.memory_space<vmem_shared>> -> memref<1x8192xf32, #tpu.memory_space<vmem_shared>>
      %dma_start3A_282 = tpu.memref_squeeze %dma_start3A_281 : memref<1x8192xf32, #tpu.memory_space<vmem_shared>> -> memref<8192xf32, #tpu.memory_space<vmem_shared>>
      %dma_start3A_283 = arith.constant 0 : i32
      %dma_start3A_284 = tpu.memref_slice %arg18[%arg1, %dma_start3A_283] : memref<16x8192xf32, #tpu.memory_space<vmem_shared>> -> memref<1x8192xf32, #tpu.memory_space<vmem_shared>>
      %dma_start3A_285 = tpu.memref_squeeze %dma_start3A_284 : memref<1x8192xf32, #tpu.memory_space<vmem_shared>> -> memref<8192xf32, #tpu.memory_space<vmem_shared>>
      tpu.enqueue_dma source(%arg14 : memref<8192xf32, #tpu.memory_space<vmem>>) target(%dma_start3A_285 : memref<8192xf32, #tpu.memory_space<vmem_shared>>) target_semaphore(%run_scoped3A_280 : memref<!tpu.dma_semaphore, #tpu.memory_space<semaphore_mem>>)
      %dma_wait3A_286 = arith.constant 0 : i32
      %dma_wait3A_287 = tpu.memref_slice %arg18[%arg1, %dma_wait3A_286] : memref<16x8192xf32, #tpu.memory_space<vmem_shared>> -> memref<1x8192xf32, #tpu.memory_space<vmem_shared>>
      %dma_wait3A_288 = tpu.memref_squeeze %dma_wait3A_287 : memref<1x8192xf32, #tpu.memory_space<vmem_shared>> -> memref<8192xf32, #tpu.memory_space<vmem_shared>>
      %dma_wait3A_289 = arith.constant 0 : i32
      %dma_wait3A_290 = tpu.memref_slice %arg18[%arg1, %dma_wait3A_289] : memref<16x8192xf32, #tpu.memory_space<vmem_shared>> -> memref<1x8192xf32, #tpu.memory_space<vmem_shared>>
      %dma_wait3A_291 = tpu.memref_squeeze %dma_wait3A_290 : memref<1x8192xf32, #tpu.memory_space<vmem_shared>> -> memref<8192xf32, #tpu.memory_space<vmem_shared>>
      tpu.wait_dma2 semaphore(%run_scoped3A_280 : memref<!tpu.dma_semaphore, #tpu.memory_space<semaphore_mem>>) src(%arg14 : memref<8192xf32, #tpu.memory_space<vmem>>) dst(%dma_wait3A_291 : memref<8192xf32, #tpu.memory_space<vmem_shared>>)
      tpu.yield
    }) : () -> ()
    "tpu.region"() ({
      %run_scoped3A_280 = tpu.sem_alloc : memref<!tpu.dma_semaphore, #tpu.memory_space<semaphore_mem>>
      %dma_start3A = arith.constant 0 : i32
      %dma_start3A_281 = tpu.memref_slice %arg19[%arg1, %dma_start3A] : memref<16x8192xf32, #tpu.memory_space<vmem_shared>> -> memref<1x8192xf32, #tpu.memory_space<vmem_shared>>
      %dma_start3A_282 = tpu.memref_squeeze %dma_start3A_281 : memref<1x8192xf32, #tpu.memory_space<vmem_shared>> -> memref<8192xf32, #tpu.memory_space<vmem_shared>>
      %dma_start3A_283 = arith.constant 0 : i32
      %dma_start3A_284 = tpu.memref_slice %arg19[%arg1, %dma_start3A_283] : memref<16x8192xf32, #tpu.memory_space<vmem_shared>> -> memref<1x8192xf32, #tpu.memory_space<vmem_shared>>
      %dma_start3A_285 = tpu.memref_squeeze %dma_start3A_284 : memref<1x8192xf32, #tpu.memory_space<vmem_shared>> -> memref<8192xf32, #tpu.memory_space<vmem_shared>>
      tpu.enqueue_dma source(%arg15 : memref<8192xf32, #tpu.memory_space<vmem>>) target(%dma_start3A_285 : memref<8192xf32, #tpu.memory_space<vmem_shared>>) target_semaphore(%run_scoped3A_280 : memref<!tpu.dma_semaphore, #tpu.memory_space<semaphore_mem>>)
      %dma_wait3A_286 = arith.constant 0 : i32
      %dma_wait3A_287 = tpu.memref_slice %arg19[%arg1, %dma_wait3A_286] : memref<16x8192xf32, #tpu.memory_space<vmem_shared>> -> memref<1x8192xf32, #tpu.memory_space<vmem_shared>>
      %dma_wait3A_288 = tpu.memref_squeeze %dma_wait3A_287 : memref<1x8192xf32, #tpu.memory_space<vmem_shared>> -> memref<8192xf32, #tpu.memory_space<vmem_shared>>
      %dma_wait3A_289 = arith.constant 0 : i32
      %dma_wait3A_290 = tpu.memref_slice %arg19[%arg1, %dma_wait3A_289] : memref<16x8192xf32, #tpu.memory_space<vmem_shared>> -> memref<1x8192xf32, #tpu.memory_space<vmem_shared>>
      %dma_wait3A_291 = tpu.memref_squeeze %dma_wait3A_290 : memref<1x8192xf32, #tpu.memory_space<vmem_shared>> -> memref<8192xf32, #tpu.memory_space<vmem_shared>>
      tpu.wait_dma2 semaphore(%run_scoped3A_280 : memref<!tpu.dma_semaphore, #tpu.memory_space<semaphore_mem>>) src(%arg15 : memref<8192xf32, #tpu.memory_space<vmem>>) dst(%dma_wait3A_291 : memref<8192xf32, #tpu.memory_space<vmem_shared>>)
      tpu.yield
    }) : () -> ()
    "tpu.trace_stop"() : () -> ()
    %barrier3A = arith.constant 0 : index
    tpu.barrier barrier_id(%barrier3A)
    "tpu.trace_start"() <{level = 10 : i32, message = "p1_reduce"}> : () -> ()
    %mul3A_36 = arith.constant 512 : i32
    %mul3A_37 = arith.muli %arg1, %mul3A_36 : i32
    %multiple_of3A_38 = tpu.assume_multiple %mul3A_37, 512 : i32
    %run_scoped3A = arith.constant 0 : i32
    "tpu.region"() ({
      %run_scoped3A_280 = tpu.sem_alloc : memref<!tpu.dma_semaphore, #tpu.memory_space<semaphore_mem>>
      %dma_start3A = tpu.memref_slice %arg18[%run_scoped3A, %multiple_of3A_38] : memref<16x8192xf32, #tpu.memory_space<vmem_shared>> -> memref<1x512xf32, #tpu.memory_space<vmem_shared>>
      %dma_start3A_281 = tpu.memref_squeeze %dma_start3A : memref<1x512xf32, #tpu.memory_space<vmem_shared>> -> memref<512xf32, #tpu.memory_space<vmem_shared>>
      %dma_start3A_282 = tpu.memref_slice %arg18[%run_scoped3A, %multiple_of3A_38] : memref<16x8192xf32, #tpu.memory_space<vmem_shared>> -> memref<1x512xf32, #tpu.memory_space<vmem_shared>>
      %dma_start3A_283 = tpu.memref_squeeze %dma_start3A_282 : memref<1x512xf32, #tpu.memory_space<vmem_shared>> -> memref<512xf32, #tpu.memory_space<vmem_shared>>
      tpu.enqueue_dma source(%dma_start3A_283 : memref<512xf32, #tpu.memory_space<vmem_shared>>) target(%arg17 : memref<512xf32, #tpu.memory_space<vmem>>) target_semaphore(%run_scoped3A_280 : memref<!tpu.dma_semaphore, #tpu.memory_space<semaphore_mem>>)
      %dma_wait3A_284 = tpu.memref_slice %arg18[%run_scoped3A, %multiple_of3A_38] : memref<16x8192xf32, #tpu.memory_space<vmem_shared>> -> memref<1x512xf32, #tpu.memory_space<vmem_shared>>
      %dma_wait3A_285 = tpu.memref_squeeze %dma_wait3A_284 : memref<1x512xf32, #tpu.memory_space<vmem_shared>> -> memref<512xf32, #tpu.memory_space<vmem_shared>>
      %dma_wait3A_286 = tpu.memref_slice %arg18[%run_scoped3A, %multiple_of3A_38] : memref<16x8192xf32, #tpu.memory_space<vmem_shared>> -> memref<1x512xf32, #tpu.memory_space<vmem_shared>>
      %dma_wait3A_287 = tpu.memref_squeeze %dma_wait3A_286 : memref<1x512xf32, #tpu.memory_space<vmem_shared>> -> memref<512xf32, #tpu.memory_space<vmem_shared>>
      tpu.wait_dma2 semaphore(%run_scoped3A_280 : memref<!tpu.dma_semaphore, #tpu.memory_space<semaphore_mem>>) src(%dma_wait3A_287 : memref<512xf32, #tpu.memory_space<vmem_shared>>) dst(%arg17 : memref<512xf32, #tpu.memory_space<vmem>>)
      tpu.yield
    }) : () -> ()
    %run_scoped3A_39 = arith.constant 1 : i32
    "tpu.region"() ({
      %run_scoped3A_280 = tpu.sem_alloc : memref<!tpu.dma_semaphore, #tpu.memory_space<semaphore_mem>>
      %dma_start3A = tpu.memref_slice %arg18[%run_scoped3A_39, %multiple_of3A_38] : memref<16x8192xf32, #tpu.memory_space<vmem_shared>> -> memref<1x512xf32, #tpu.memory_space<vmem_shared>>
      %dma_start3A_281 = tpu.memref_squeeze %dma_start3A : memref<1x512xf32, #tpu.memory_space<vmem_shared>> -> memref<512xf32, #tpu.memory_space<vmem_shared>>
      %dma_start3A_282 = tpu.memref_slice %arg18[%run_scoped3A_39, %multiple_of3A_38] : memref<16x8192xf32, #tpu.memory_space<vmem_shared>> -> memref<1x512xf32, #tpu.memory_space<vmem_shared>>
      %dma_start3A_283 = tpu.memref_squeeze %dma_start3A_282 : memref<1x512xf32, #tpu.memory_space<vmem_shared>> -> memref<512xf32, #tpu.memory_space<vmem_shared>>
      tpu.enqueue_dma source(%dma_start3A_283 : memref<512xf32, #tpu.memory_space<vmem_shared>>) target(%arg16 : memref<512xf32, #tpu.memory_space<vmem>>) target_semaphore(%run_scoped3A_280 : memref<!tpu.dma_semaphore, #tpu.memory_space<semaphore_mem>>)
      %dma_wait3A_284 = tpu.memref_slice %arg18[%run_scoped3A_39, %multiple_of3A_38] : memref<16x8192xf32, #tpu.memory_space<vmem_shared>> -> memref<1x512xf32, #tpu.memory_space<vmem_shared>>
      %dma_wait3A_285 = tpu.memref_squeeze %dma_wait3A_284 : memref<1x512xf32, #tpu.memory_space<vmem_shared>> -> memref<512xf32, #tpu.memory_space<vmem_shared>>
      %dma_wait3A_286 = tpu.memref_slice %arg18[%run_scoped3A_39, %multiple_of3A_38] : memref<16x8192xf32, #tpu.memory_space<vmem_shared>> -> memref<1x512xf32, #tpu.memory_space<vmem_shared>>
      %dma_wait3A_287 = tpu.memref_squeeze %dma_wait3A_286 : memref<1x512xf32, #tpu.memory_space<vmem_shared>> -> memref<512xf32, #tpu.memory_space<vmem_shared>>
      tpu.wait_dma2 semaphore(%run_scoped3A_280 : memref<!tpu.dma_semaphore, #tpu.memory_space<semaphore_mem>>) src(%dma_wait3A_287 : memref<512xf32, #tpu.memory_space<vmem_shared>>) dst(%arg16 : memref<512xf32, #tpu.memory_space<vmem>>)
      tpu.yield
    }) : () -> ()
    %scan3A_40 = arith.constant 0 : i32
    %scan3A_41 = arith.constant 0 : i32
    %scan3A_42 = arith.constant 32 : i32
    %scan3A_43 = arith.addi %scan3A_41, %scan3A_42 : i32
    %scan3A_44 = arith.constant 1 : i32
    %scan3A_45 = scf.for %scan3A_280 = %scan3A_41 to %scan3A_43 step %scan3A_44 iter_args(%scan3A_281 = %scan3A_40) -> (i32)  : i32 {
      %mul3A_282 = arith.constant 16 : i32
      %mul3A_283 = arith.muli %scan3A_280, %mul3A_282 : i32
      %get3A = arith.index_cast %mul3A_283 : i32 to index
      %get3A_284 = tpu.vector_load %arg17[%get3A] {strides = array<i32>} : memref<512xf32, #tpu.memory_space<vmem>>, vector<16xf32>,
      %get3A_285 = arith.index_cast %mul3A_283 : i32 to index
      %get3A_286 = tpu.vector_load %arg16[%get3A_285] {strides = array<i32>} : memref<512xf32, #tpu.memory_space<vmem>>, vector<16xf32>,
      %add3A_287 = arith.addf %get3A_284, %get3A_286 : vector<16xf32>
      %swap3A = arith.index_cast %mul3A_283 : i32 to index
      %swap3A_288 = tpu.vector_load %arg17[%swap3A] {strides = array<i32>} : memref<512xf32, #tpu.memory_space<vmem>>, vector<16xf32>,
      tpu.vector_store %arg17[%swap3A], %add3A_287 {strides = array<i32>} : memref<512xf32, #tpu.memory_space<vmem>>, vector<16xf32>,
      %scan3A_289 = arith.constant 0 : i32
      scf.yield %scan3A_289 : i32
    }
    %scan3A_46 = arith.constant 32 : i32
    %run_scoped3A_47 = arith.constant 2 : i32
    "tpu.region"() ({
      %run_scoped3A_280 = tpu.sem_alloc : memref<!tpu.dma_semaphore, #tpu.memory_space<semaphore_mem>>
      %dma_start3A = tpu.memref_slice %arg18[%run_scoped3A_47, %multiple_of3A_38] : memref<16x8192xf32, #tpu.memory_space<vmem_shared>> -> memref<1x512xf32, #tpu.memory_space<vmem_shared>>
      %dma_start3A_281 = tpu.memref_squeeze %dma_start3A : memref<1x512xf32, #tpu.memory_space<vmem_shared>> -> memref<512xf32, #tpu.memory_space<vmem_shared>>
      %dma_start3A_282 = tpu.memref_slice %arg18[%run_scoped3A_47, %multiple_of3A_38] : memref<16x8192xf32, #tpu.memory_space<vmem_shared>> -> memref<1x512xf32, #tpu.memory_space<vmem_shared>>
      %dma_start3A_283 = tpu.memref_squeeze %dma_start3A_282 : memref<1x512xf32, #tpu.memory_space<vmem_shared>> -> memref<512xf32, #tpu.memory_space<vmem_shared>>
      tpu.enqueue_dma source(%dma_start3A_283 : memref<512xf32, #tpu.memory_space<vmem_shared>>) target(%arg16 : memref<512xf32, #tpu.memory_space<vmem>>) target_semaphore(%run_scoped3A_280 : memref<!tpu.dma_semaphore, #tpu.memory_space<semaphore_mem>>)
      %dma_wait3A_284 = tpu.memref_slice %arg18[%run_scoped3A_47, %multiple_of3A_38] : memref<16x8192xf32, #tpu.memory_space<vmem_shared>> -> memref<1x512xf32, #tpu.memory_space<vmem_shared>>
      %dma_wait3A_285 = tpu.memref_squeeze %dma_wait3A_284 : memref<1x512xf32, #tpu.memory_space<vmem_shared>> -> memref<512xf32, #tpu.memory_space<vmem_shared>>
      %dma_wait3A_286 = tpu.memref_slice %arg18[%run_scoped3A_47, %multiple_of3A_38] : memref<16x8192xf32, #tpu.memory_space<vmem_shared>> -> memref<1x512xf32, #tpu.memory_space<vmem_shared>>
      %dma_wait3A_287 = tpu.memref_squeeze %dma_wait3A_286 : memref<1x512xf32, #tpu.memory_space<vmem_shared>> -> memref<512xf32, #tpu.memory_space<vmem_shared>>
      tpu.wait_dma2 semaphore(%run_scoped3A_280 : memref<!tpu.dma_semaphore, #tpu.memory_space<semaphore_mem>>) src(%dma_wait3A_287 : memref<512xf32, #tpu.memory_space<vmem_shared>>) dst(%arg16 : memref<512xf32, #tpu.memory_space<vmem>>)
      tpu.yield
    }) : () -> ()
    %scan3A_48 = arith.constant 0 : i32
    %scan3A_49 = arith.constant 0 : i32
    %scan3A_50 = arith.constant 32 : i32
    %scan3A_51 = arith.addi %scan3A_49, %scan3A_50 : i32
    %scan3A_52 = arith.constant 1 : i32
    %scan3A_53 = scf.for %scan3A_280 = %scan3A_49 to %scan3A_51 step %scan3A_52 iter_args(%scan3A_281 = %scan3A_48) -> (i32)  : i32 {
      %mul3A_282 = arith.constant 16 : i32
      %mul3A_283 = arith.muli %scan3A_280, %mul3A_282 : i32
      %get3A = arith.index_cast %mul3A_283 : i32 to index
      %get3A_284 = tpu.vector_load %arg17[%get3A] {strides = array<i32>} : memref<512xf32, #tpu.memory_space<vmem>>, vector<16xf32>,
      %get3A_285 = arith.index_cast %mul3A_283 : i32 to index
      %get3A_286 = tpu.vector_load %arg16[%get3A_285] {strides = array<i32>} : memref<512xf32, #tpu.memory_space<vmem>>, vector<16xf32>,
      %add3A_287 = arith.addf %get3A_284, %get3A_286 : vector<16xf32>
      %swap3A = arith.index_cast %mul3A_283 : i32 to index
      %swap3A_288 = tpu.vector_load %arg17[%swap3A] {strides = array<i32>} : memref<512xf32, #tpu.memory_space<vmem>>, vector<16xf32>,
      tpu.vector_store %arg17[%swap3A], %add3A_287 {strides = array<i32>} : memref<512xf32, #tpu.memory_space<vmem>>, vector<16xf32>,
      %scan3A_289 = arith.constant 0 : i32
      scf.yield %scan3A_289 : i32
    }
    %scan3A_54 = arith.constant 32 : i32
    %run_scoped3A_55 = arith.constant 3 : i32
    "tpu.region"() ({
      %run_scoped3A_280 = tpu.sem_alloc : memref<!tpu.dma_semaphore, #tpu.memory_space<semaphore_mem>>
      %dma_start3A = tpu.memref_slice %arg18[%run_scoped3A_55, %multiple_of3A_38] : memref<16x8192xf32, #tpu.memory_space<vmem_shared>> -> memref<1x512xf32, #tpu.memory_space<vmem_shared>>
      %dma_start3A_281 = tpu.memref_squeeze %dma_start3A : memref<1x512xf32, #tpu.memory_space<vmem_shared>> -> memref<512xf32, #tpu.memory_space<vmem_shared>>
      %dma_start3A_282 = tpu.memref_slice %arg18[%run_scoped3A_55, %multiple_of3A_38] : memref<16x8192xf32, #tpu.memory_space<vmem_shared>> -> memref<1x512xf32, #tpu.memory_space<vmem_shared>>
      %dma_start3A_283 = tpu.memref_squeeze %dma_start3A_282 : memref<1x512xf32, #tpu.memory_space<vmem_shared>> -> memref<512xf32, #tpu.memory_space<vmem_shared>>
      tpu.enqueue_dma source(%dma_start3A_283 : memref<512xf32, #tpu.memory_space<vmem_shared>>) target(%arg16 : memref<512xf32, #tpu.memory_space<vmem>>) target_semaphore(%run_scoped3A_280 : memref<!tpu.dma_semaphore, #tpu.memory_space<semaphore_mem>>)
      %dma_wait3A_284 = tpu.memref_slice %arg18[%run_scoped3A_55, %multiple_of3A_38] : memref<16x8192xf32, #tpu.memory_space<vmem_shared>> -> memref<1x512xf32, #tpu.memory_space<vmem_shared>>
      %dma_wait3A_285 = tpu.memref_squeeze %dma_wait3A_284 : memref<1x512xf32, #tpu.memory_space<vmem_shared>> -> memref<512xf32, #tpu.memory_space<vmem_shared>>
      %dma_wait3A_286 = tpu.memref_slice %arg18[%run_scoped3A_55, %multiple_of3A_38] : memref<16x8192xf32, #tpu.memory_space<vmem_shared>> -> memref<1x512xf32, #tpu.memory_space<vmem_shared>>
      %dma_wait3A_287 = tpu.memref_squeeze %dma_wait3A_286 : memref<1x512xf32, #tpu.memory_space<vmem_shared>> -> memref<512xf32, #tpu.memory_space<vmem_shared>>
      tpu.wait_dma2 semaphore(%run_scoped3A_280 : memref<!tpu.dma_semaphore, #tpu.memory_space<semaphore_mem>>) src(%dma_wait3A_287 : memref<512xf32, #tpu.memory_space<vmem_shared>>) dst(%arg16 : memref<512xf32, #tpu.memory_space<vmem>>)
      tpu.yield
    }) : () -> ()
    %scan3A_56 = arith.constant 0 : i32
    %scan3A_57 = arith.constant 0 : i32
    %scan3A_58 = arith.constant 32 : i32
    %scan3A_59 = arith.addi %scan3A_57, %scan3A_58 : i32
    %scan3A_60 = arith.constant 1 : i32
    %scan3A_61 = scf.for %scan3A_280 = %scan3A_57 to %scan3A_59 step %scan3A_60 iter_args(%scan3A_281 = %scan3A_56) -> (i32)  : i32 {
      %mul3A_282 = arith.constant 16 : i32
      %mul3A_283 = arith.muli %scan3A_280, %mul3A_282 : i32
      %get3A = arith.index_cast %mul3A_283 : i32 to index
      %get3A_284 = tpu.vector_load %arg17[%get3A] {strides = array<i32>} : memref<512xf32, #tpu.memory_space<vmem>>, vector<16xf32>,
      %get3A_285 = arith.index_cast %mul3A_283 : i32 to index
      %get3A_286 = tpu.vector_load %arg16[%get3A_285] {strides = array<i32>} : memref<512xf32, #tpu.memory_space<vmem>>, vector<16xf32>,
      %add3A_287 = arith.addf %get3A_284, %get3A_286 : vector<16xf32>
      %swap3A = arith.index_cast %mul3A_283 : i32 to index
      %swap3A_288 = tpu.vector_load %arg17[%swap3A] {strides = array<i32>} : memref<512xf32, #tpu.memory_space<vmem>>, vector<16xf32>,
      tpu.vector_store %arg17[%swap3A], %add3A_287 {strides = array<i32>} : memref<512xf32, #tpu.memory_space<vmem>>, vector<16xf32>,
      %scan3A_289 = arith.constant 0 : i32
      scf.yield %scan3A_289 : i32
    }
    %scan3A_62 = arith.constant 32 : i32
    %run_scoped3A_63 = arith.constant 4 : i32
    "tpu.region"() ({
      %run_scoped3A_280 = tpu.sem_alloc : memref<!tpu.dma_semaphore, #tpu.memory_space<semaphore_mem>>
      %dma_start3A = tpu.memref_slice %arg18[%run_scoped3A_63, %multiple_of3A_38] : memref<16x8192xf32, #tpu.memory_space<vmem_shared>> -> memref<1x512xf32, #tpu.memory_space<vmem_shared>>
      %dma_start3A_281 = tpu.memref_squeeze %dma_start3A : memref<1x512xf32, #tpu.memory_space<vmem_shared>> -> memref<512xf32, #tpu.memory_space<vmem_shared>>
      %dma_start3A_282 = tpu.memref_slice %arg18[%run_scoped3A_63, %multiple_of3A_38] : memref<16x8192xf32, #tpu.memory_space<vmem_shared>> -> memref<1x512xf32, #tpu.memory_space<vmem_shared>>
      %dma_start3A_283 = tpu.memref_squeeze %dma_start3A_282 : memref<1x512xf32, #tpu.memory_space<vmem_shared>> -> memref<512xf32, #tpu.memory_space<vmem_shared>>
      tpu.enqueue_dma source(%dma_start3A_283 : memref<512xf32, #tpu.memory_space<vmem_shared>>) target(%arg16 : memref<512xf32, #tpu.memory_space<vmem>>) target_semaphore(%run_scoped3A_280 : memref<!tpu.dma_semaphore, #tpu.memory_space<semaphore_mem>>)
      %dma_wait3A_284 = tpu.memref_slice %arg18[%run_scoped3A_63, %multiple_of3A_38] : memref<16x8192xf32, #tpu.memory_space<vmem_shared>> -> memref<1x512xf32, #tpu.memory_space<vmem_shared>>
      %dma_wait3A_285 = tpu.memref_squeeze %dma_wait3A_284 : memref<1x512xf32, #tpu.memory_space<vmem_shared>> -> memref<512xf32, #tpu.memory_space<vmem_shared>>
      %dma_wait3A_286 = tpu.memref_slice %arg18[%run_scoped3A_63, %multiple_of3A_38] : memref<16x8192xf32, #tpu.memory_space<vmem_shared>> -> memref<1x512xf32, #tpu.memory_space<vmem_shared>>
      %dma_wait3A_287 = tpu.memref_squeeze %dma_wait3A_286 : memref<1x512xf32, #tpu.memory_space<vmem_shared>> -> memref<512xf32, #tpu.memory_space<vmem_shared>>
      tpu.wait_dma2 semaphore(%run_scoped3A_280 : memref<!tpu.dma_semaphore, #tpu.memory_space<semaphore_mem>>) src(%dma_wait3A_287 : memref<512xf32, #tpu.memory_space<vmem_shared>>) dst(%arg16 : memref<512xf32, #tpu.memory_space<vmem>>)
      tpu.yield
    }) : () -> ()
    %scan3A_64 = arith.constant 0 : i32
    %scan3A_65 = arith.constant 0 : i32
    %scan3A_66 = arith.constant 32 : i32
    %scan3A_67 = arith.addi %scan3A_65, %scan3A_66 : i32
    %scan3A_68 = arith.constant 1 : i32
    %scan3A_69 = scf.for %scan3A_280 = %scan3A_65 to %scan3A_67 step %scan3A_68 iter_args(%scan3A_281 = %scan3A_64) -> (i32)  : i32 {
      %mul3A_282 = arith.constant 16 : i32
      %mul3A_283 = arith.muli %scan3A_280, %mul3A_282 : i32
      %get3A = arith.index_cast %mul3A_283 : i32 to index
      %get3A_284 = tpu.vector_load %arg17[%get3A] {strides = array<i32>} : memref<512xf32, #tpu.memory_space<vmem>>, vector<16xf32>,
      %get3A_285 = arith.index_cast %mul3A_283 : i32 to index
      %get3A_286 = tpu.vector_load %arg16[%get3A_285] {strides = array<i32>} : memref<512xf32, #tpu.memory_space<vmem>>, vector<16xf32>,
      %add3A_287 = arith.addf %get3A_284, %get3A_286 : vector<16xf32>
      %swap3A = arith.index_cast %mul3A_283 : i32 to index
      %swap3A_288 = tpu.vector_load %arg17[%swap3A] {strides = array<i32>} : memref<512xf32, #tpu.memory_space<vmem>>, vector<16xf32>,
      tpu.vector_store %arg17[%swap3A], %add3A_287 {strides = array<i32>} : memref<512xf32, #tpu.memory_space<vmem>>, vector<16xf32>,
      %scan3A_289 = arith.constant 0 : i32
      scf.yield %scan3A_289 : i32
    }
    %scan3A_70 = arith.constant 32 : i32
    %run_scoped3A_71 = arith.constant 5 : i32
    "tpu.region"() ({
      %run_scoped3A_280 = tpu.sem_alloc : memref<!tpu.dma_semaphore, #tpu.memory_space<semaphore_mem>>
      %dma_start3A = tpu.memref_slice %arg18[%run_scoped3A_71, %multiple_of3A_38] : memref<16x8192xf32, #tpu.memory_space<vmem_shared>> -> memref<1x512xf32, #tpu.memory_space<vmem_shared>>
      %dma_start3A_281 = tpu.memref_squeeze %dma_start3A : memref<1x512xf32, #tpu.memory_space<vmem_shared>> -> memref<512xf32, #tpu.memory_space<vmem_shared>>
      %dma_start3A_282 = tpu.memref_slice %arg18[%run_scoped3A_71, %multiple_of3A_38] : memref<16x8192xf32, #tpu.memory_space<vmem_shared>> -> memref<1x512xf32, #tpu.memory_space<vmem_shared>>
      %dma_start3A_283 = tpu.memref_squeeze %dma_start3A_282 : memref<1x512xf32, #tpu.memory_space<vmem_shared>> -> memref<512xf32, #tpu.memory_space<vmem_shared>>
      tpu.enqueue_dma source(%dma_start3A_283 : memref<512xf32, #tpu.memory_space<vmem_shared>>) target(%arg16 : memref<512xf32, #tpu.memory_space<vmem>>) target_semaphore(%run_scoped3A_280 : memref<!tpu.dma_semaphore, #tpu.memory_space<semaphore_mem>>)
      %dma_wait3A_284 = tpu.memref_slice %arg18[%run_scoped3A_71, %multiple_of3A_38] : memref<16x8192xf32, #tpu.memory_space<vmem_shared>> -> memref<1x512xf32, #tpu.memory_space<vmem_shared>>
      %dma_wait3A_285 = tpu.memref_squeeze %dma_wait3A_284 : memref<1x512xf32, #tpu.memory_space<vmem_shared>> -> memref<512xf32, #tpu.memory_space<vmem_shared>>
      %dma_wait3A_286 = tpu.memref_slice %arg18[%run_scoped3A_71, %multiple_of3A_38] : memref<16x8192xf32, #tpu.memory_space<vmem_shared>> -> memref<1x512xf32, #tpu.memory_space<vmem_shared>>
      %dma_wait3A_287 = tpu.memref_squeeze %dma_wait3A_286 : memref<1x512xf32, #tpu.memory_space<vmem_shared>> -> memref<512xf32, #tpu.memory_space<vmem_shared>>
      tpu.wait_dma2 semaphore(%run_scoped3A_280 : memref<!tpu.dma_semaphore, #tpu.memory_space<semaphore_mem>>) src(%dma_wait3A_287 : memref<512xf32, #tpu.memory_space<vmem_shared>>) dst(%arg16 : memref<512xf32, #tpu.memory_space<vmem>>)
      tpu.yield
    }) : () -> ()
    %scan3A_72 = arith.constant 0 : i32
    %scan3A_73 = arith.constant 0 : i32
    %scan3A_74 = arith.constant 32 : i32
    %scan3A_75 = arith.addi %scan3A_73, %scan3A_74 : i32
    %scan3A_76 = arith.constant 1 : i32
    %scan3A_77 = scf.for %scan3A_280 = %scan3A_73 to %scan3A_75 step %scan3A_76 iter_args(%scan3A_281 = %scan3A_72) -> (i32)  : i32 {
      %mul3A_282 = arith.constant 16 : i32
      %mul3A_283 = arith.muli %scan3A_280, %mul3A_282 : i32
      %get3A = arith.index_cast %mul3A_283 : i32 to index
      %get3A_284 = tpu.vector_load %arg17[%get3A] {strides = array<i32>} : memref<512xf32, #tpu.memory_space<vmem>>, vector<16xf32>,
      %get3A_285 = arith.index_cast %mul3A_283 : i32 to index
      %get3A_286 = tpu.vector_load %arg16[%get3A_285] {strides = array<i32>} : memref<512xf32, #tpu.memory_space<vmem>>, vector<16xf32>,
      %add3A_287 = arith.addf %get3A_284, %get3A_286 : vector<16xf32>
      %swap3A = arith.index_cast %mul3A_283 : i32 to index
      %swap3A_288 = tpu.vector_load %arg17[%swap3A] {strides = array<i32>} : memref<512xf32, #tpu.memory_space<vmem>>, vector<16xf32>,
      tpu.vector_store %arg17[%swap3A], %add3A_287 {strides = array<i32>} : memref<512xf32, #tpu.memory_space<vmem>>, vector<16xf32>,
      %scan3A_289 = arith.constant 0 : i32
      scf.yield %scan3A_289 : i32
    }
    %scan3A_78 = arith.constant 32 : i32
    %run_scoped3A_79 = arith.constant 6 : i32
    "tpu.region"() ({
      %run_scoped3A_280 = tpu.sem_alloc : memref<!tpu.dma_semaphore, #tpu.memory_space<semaphore_mem>>
      %dma_start3A = tpu.memref_slice %arg18[%run_scoped3A_79, %multiple_of3A_38] : memref<16x8192xf32, #tpu.memory_space<vmem_shared>> -> memref<1x512xf32, #tpu.memory_space<vmem_shared>>
      %dma_start3A_281 = tpu.memref_squeeze %dma_start3A : memref<1x512xf32, #tpu.memory_space<vmem_shared>> -> memref<512xf32, #tpu.memory_space<vmem_shared>>
      %dma_start3A_282 = tpu.memref_slice %arg18[%run_scoped3A_79, %multiple_of3A_38] : memref<16x8192xf32, #tpu.memory_space<vmem_shared>> -> memref<1x512xf32, #tpu.memory_space<vmem_shared>>
      %dma_start3A_283 = tpu.memref_squeeze %dma_start3A_282 : memref<1x512xf32, #tpu.memory_space<vmem_shared>> -> memref<512xf32, #tpu.memory_space<vmem_shared>>
      tpu.enqueue_dma source(%dma_start3A_283 : memref<512xf32, #tpu.memory_space<vmem_shared>>) target(%arg16 : memref<512xf32, #tpu.memory_space<vmem>>) target_semaphore(%run_scoped3A_280 : memref<!tpu.dma_semaphore, #tpu.memory_space<semaphore_mem>>)
      %dma_wait3A_284 = tpu.memref_slice %arg18[%run_scoped3A_79, %multiple_of3A_38] : memref<16x8192xf32, #tpu.memory_space<vmem_shared>> -> memref<1x512xf32, #tpu.memory_space<vmem_shared>>
      %dma_wait3A_285 = tpu.memref_squeeze %dma_wait3A_284 : memref<1x512xf32, #tpu.memory_space<vmem_shared>> -> memref<512xf32, #tpu.memory_space<vmem_shared>>
      %dma_wait3A_286 = tpu.memref_slice %arg18[%run_scoped3A_79, %multiple_of3A_38] : memref<16x8192xf32, #tpu.memory_space<vmem_shared>> -> memref<1x512xf32, #tpu.memory_space<vmem_shared>>
      %dma_wait3A_287 = tpu.memref_squeeze %dma_wait3A_286 : memref<1x512xf32, #tpu.memory_space<vmem_shared>> -> memref<512xf32, #tpu.memory_space<vmem_shared>>
      tpu.wait_dma2 semaphore(%run_scoped3A_280 : memref<!tpu.dma_semaphore, #tpu.memory_space<semaphore_mem>>) src(%dma_wait3A_287 : memref<512xf32, #tpu.memory_space<vmem_shared>>) dst(%arg16 : memref<512xf32, #tpu.memory_space<vmem>>)
      tpu.yield
    }) : () -> ()
    %scan3A_80 = arith.constant 0 : i32
    %scan3A_81 = arith.constant 0 : i32
    %scan3A_82 = arith.constant 32 : i32
    %scan3A_83 = arith.addi %scan3A_81, %scan3A_82 : i32
    %scan3A_84 = arith.constant 1 : i32
    %scan3A_85 = scf.for %scan3A_280 = %scan3A_81 to %scan3A_83 step %scan3A_84 iter_args(%scan3A_281 = %scan3A_80) -> (i32)  : i32 {
      %mul3A_282 = arith.constant 16 : i32
      %mul3A_283 = arith.muli %scan3A_280, %mul3A_282 : i32
      %get3A = arith.index_cast %mul3A_283 : i32 to index
      %get3A_284 = tpu.vector_load %arg17[%get3A] {strides = array<i32>} : memref<512xf32, #tpu.memory_space<vmem>>, vector<16xf32>,
      %get3A_285 = arith.index_cast %mul3A_283 : i32 to index
      %get3A_286 = tpu.vector_load %arg16[%get3A_285] {strides = array<i32>} : memref<512xf32, #tpu.memory_space<vmem>>, vector<16xf32>,
      %add3A_287 = arith.addf %get3A_284, %get3A_286 : vector<16xf32>
      %swap3A = arith.index_cast %mul3A_283 : i32 to index
      %swap3A_288 = tpu.vector_load %arg17[%swap3A] {strides = array<i32>} : memref<512xf32, #tpu.memory_space<vmem>>, vector<16xf32>,
      tpu.vector_store %arg17[%swap3A], %add3A_287 {strides = array<i32>} : memref<512xf32, #tpu.memory_space<vmem>>, vector<16xf32>,
      %scan3A_289 = arith.constant 0 : i32
      scf.yield %scan3A_289 : i32
    }
    %scan3A_86 = arith.constant 32 : i32
    %run_scoped3A_87 = arith.constant 7 : i32
    "tpu.region"() ({
      %run_scoped3A_280 = tpu.sem_alloc : memref<!tpu.dma_semaphore, #tpu.memory_space<semaphore_mem>>
      %dma_start3A = tpu.memref_slice %arg18[%run_scoped3A_87, %multiple_of3A_38] : memref<16x8192xf32, #tpu.memory_space<vmem_shared>> -> memref<1x512xf32, #tpu.memory_space<vmem_shared>>
      %dma_start3A_281 = tpu.memref_squeeze %dma_start3A : memref<1x512xf32, #tpu.memory_space<vmem_shared>> -> memref<512xf32, #tpu.memory_space<vmem_shared>>
      %dma_start3A_282 = tpu.memref_slice %arg18[%run_scoped3A_87, %multiple_of3A_38] : memref<16x8192xf32, #tpu.memory_space<vmem_shared>> -> memref<1x512xf32, #tpu.memory_space<vmem_shared>>
      %dma_start3A_283 = tpu.memref_squeeze %dma_start3A_282 : memref<1x512xf32, #tpu.memory_space<vmem_shared>> -> memref<512xf32, #tpu.memory_space<vmem_shared>>
      tpu.enqueue_dma source(%dma_start3A_283 : memref<512xf32, #tpu.memory_space<vmem_shared>>) target(%arg16 : memref<512xf32, #tpu.memory_space<vmem>>) target_semaphore(%run_scoped3A_280 : memref<!tpu.dma_semaphore, #tpu.memory_space<semaphore_mem>>)
      %dma_wait3A_284 = tpu.memref_slice %arg18[%run_scoped3A_87, %multiple_of3A_38] : memref<16x8192xf32, #tpu.memory_space<vmem_shared>> -> memref<1x512xf32, #tpu.memory_space<vmem_shared>>
      %dma_wait3A_285 = tpu.memref_squeeze %dma_wait3A_284 : memref<1x512xf32, #tpu.memory_space<vmem_shared>> -> memref<512xf32, #tpu.memory_space<vmem_shared>>
      %dma_wait3A_286 = tpu.memref_slice %arg18[%run_scoped3A_87, %multiple_of3A_38] : memref<16x8192xf32, #tpu.memory_space<vmem_shared>> -> memref<1x512xf32, #tpu.memory_space<vmem_shared>>
      %dma_wait3A_287 = tpu.memref_squeeze %dma_wait3A_286 : memref<1x512xf32, #tpu.memory_space<vmem_shared>> -> memref<512xf32, #tpu.memory_space<vmem_shared>>
      tpu.wait_dma2 semaphore(%run_scoped3A_280 : memref<!tpu.dma_semaphore, #tpu.memory_space<semaphore_mem>>) src(%dma_wait3A_287 : memref<512xf32, #tpu.memory_space<vmem_shared>>) dst(%arg16 : memref<512xf32, #tpu.memory_space<vmem>>)
      tpu.yield
    }) : () -> ()
    %scan3A_88 = arith.constant 0 : i32
    %scan3A_89 = arith.constant 0 : i32
    %scan3A_90 = arith.constant 32 : i32
    %scan3A_91 = arith.addi %scan3A_89, %scan3A_90 : i32
    %scan3A_92 = arith.constant 1 : i32
    %scan3A_93 = scf.for %scan3A_280 = %scan3A_89 to %scan3A_91 step %scan3A_92 iter_args(%scan3A_281 = %scan3A_88) -> (i32)  : i32 {
      %mul3A_282 = arith.constant 16 : i32
      %mul3A_283 = arith.muli %scan3A_280, %mul3A_282 : i32
      %get3A = arith.index_cast %mul3A_283 : i32 to index
      %get3A_284 = tpu.vector_load %arg17[%get3A] {strides = array<i32>} : memref<512xf32, #tpu.memory_space<vmem>>, vector<16xf32>,
      %get3A_285 = arith.index_cast %mul3A_283 : i32 to index
      %get3A_286 = tpu.vector_load %arg16[%get3A_285] {strides = array<i32>} : memref<512xf32, #tpu.memory_space<vmem>>, vector<16xf32>,
      %add3A_287 = arith.addf %get3A_284, %get3A_286 : vector<16xf32>
      %swap3A = arith.index_cast %mul3A_283 : i32 to index
      %swap3A_288 = tpu.vector_load %arg17[%swap3A] {strides = array<i32>} : memref<512xf32, #tpu.memory_space<vmem>>, vector<16xf32>,
      tpu.vector_store %arg17[%swap3A], %add3A_287 {strides = array<i32>} : memref<512xf32, #tpu.memory_space<vmem>>, vector<16xf32>,
      %scan3A_289 = arith.constant 0 : i32
      scf.yield %scan3A_289 : i32
    }
    %scan3A_94 = arith.constant 32 : i32
    %run_scoped3A_95 = arith.constant 8 : i32
    "tpu.region"() ({
      %run_scoped3A_280 = tpu.sem_alloc : memref<!tpu.dma_semaphore, #tpu.memory_space<semaphore_mem>>
      %dma_start3A = tpu.memref_slice %arg18[%run_scoped3A_95, %multiple_of3A_38] : memref<16x8192xf32, #tpu.memory_space<vmem_shared>> -> memref<1x512xf32, #tpu.memory_space<vmem_shared>>
      %dma_start3A_281 = tpu.memref_squeeze %dma_start3A : memref<1x512xf32, #tpu.memory_space<vmem_shared>> -> memref<512xf32, #tpu.memory_space<vmem_shared>>
      %dma_start3A_282 = tpu.memref_slice %arg18[%run_scoped3A_95, %multiple_of3A_38] : memref<16x8192xf32, #tpu.memory_space<vmem_shared>> -> memref<1x512xf32, #tpu.memory_space<vmem_shared>>
      %dma_start3A_283 = tpu.memref_squeeze %dma_start3A_282 : memref<1x512xf32, #tpu.memory_space<vmem_shared>> -> memref<512xf32, #tpu.memory_space<vmem_shared>>
      tpu.enqueue_dma source(%dma_start3A_283 : memref<512xf32, #tpu.memory_space<vmem_shared>>) target(%arg16 : memref<512xf32, #tpu.memory_space<vmem>>) target_semaphore(%run_scoped3A_280 : memref<!tpu.dma_semaphore, #tpu.memory_space<semaphore_mem>>)
      %dma_wait3A_284 = tpu.memref_slice %arg18[%run_scoped3A_95, %multiple_of3A_38] : memref<16x8192xf32, #tpu.memory_space<vmem_shared>> -> memref<1x512xf32, #tpu.memory_space<vmem_shared>>
      %dma_wait3A_285 = tpu.memref_squeeze %dma_wait3A_284 : memref<1x512xf32, #tpu.memory_space<vmem_shared>> -> memref<512xf32, #tpu.memory_space<vmem_shared>>
      %dma_wait3A_286 = tpu.memref_slice %arg18[%run_scoped3A_95, %multiple_of3A_38] : memref<16x8192xf32, #tpu.memory_space<vmem_shared>> -> memref<1x512xf32, #tpu.memory_space<vmem_shared>>
      %dma_wait3A_287 = tpu.memref_squeeze %dma_wait3A_286 : memref<1x512xf32, #tpu.memory_space<vmem_shared>> -> memref<512xf32, #tpu.memory_space<vmem_shared>>
      tpu.wait_dma2 semaphore(%run_scoped3A_280 : memref<!tpu.dma_semaphore, #tpu.memory_space<semaphore_mem>>) src(%dma_wait3A_287 : memref<512xf32, #tpu.memory_space<vmem_shared>>) dst(%arg16 : memref<512xf32, #tpu.memory_space<vmem>>)
      tpu.yield
    }) : () -> ()
    %scan3A_96 = arith.constant 0 : i32
    %scan3A_97 = arith.constant 0 : i32
    %scan3A_98 = arith.constant 32 : i32
    %scan3A_99 = arith.addi %scan3A_97, %scan3A_98 : i32
    %scan3A_100 = arith.constant 1 : i32
    %scan3A_101 = scf.for %scan3A_280 = %scan3A_97 to %scan3A_99 step %scan3A_100 iter_args(%scan3A_281 = %scan3A_96) -> (i32)  : i32 {
      %mul3A_282 = arith.constant 16 : i32
      %mul3A_283 = arith.muli %scan3A_280, %mul3A_282 : i32
      %get3A = arith.index_cast %mul3A_283 : i32 to index
      %get3A_284 = tpu.vector_load %arg17[%get3A] {strides = array<i32>} : memref<512xf32, #tpu.memory_space<vmem>>, vector<16xf32>,
      %get3A_285 = arith.index_cast %mul3A_283 : i32 to index
      %get3A_286 = tpu.vector_load %arg16[%get3A_285] {strides = array<i32>} : memref<512xf32, #tpu.memory_space<vmem>>, vector<16xf32>,
      %add3A_287 = arith.addf %get3A_284, %get3A_286 : vector<16xf32>
      %swap3A = arith.index_cast %mul3A_283 : i32 to index
      %swap3A_288 = tpu.vector_load %arg17[%swap3A] {strides = array<i32>} : memref<512xf32, #tpu.memory_space<vmem>>, vector<16xf32>,
      tpu.vector_store %arg17[%swap3A], %add3A_287 {strides = array<i32>} : memref<512xf32, #tpu.memory_space<vmem>>, vector<16xf32>,
      %scan3A_289 = arith.constant 0 : i32
      scf.yield %scan3A_289 : i32
    }
    %scan3A_102 = arith.constant 32 : i32
    %run_scoped3A_103 = arith.constant 9 : i32
    "tpu.region"() ({
      %run_scoped3A_280 = tpu.sem_alloc : memref<!tpu.dma_semaphore, #tpu.memory_space<semaphore_mem>>
      %dma_start3A = tpu.memref_slice %arg18[%run_scoped3A_103, %multiple_of3A_38] : memref<16x8192xf32, #tpu.memory_space<vmem_shared>> -> memref<1x512xf32, #tpu.memory_space<vmem_shared>>
      %dma_start3A_281 = tpu.memref_squeeze %dma_start3A : memref<1x512xf32, #tpu.memory_space<vmem_shared>> -> memref<512xf32, #tpu.memory_space<vmem_shared>>
      %dma_start3A_282 = tpu.memref_slice %arg18[%run_scoped3A_103, %multiple_of3A_38] : memref<16x8192xf32, #tpu.memory_space<vmem_shared>> -> memref<1x512xf32, #tpu.memory_space<vmem_shared>>
      %dma_start3A_283 = tpu.memref_squeeze %dma_start3A_282 : memref<1x512xf32, #tpu.memory_space<vmem_shared>> -> memref<512xf32, #tpu.memory_space<vmem_shared>>
      tpu.enqueue_dma source(%dma_start3A_283 : memref<512xf32, #tpu.memory_space<vmem_shared>>) target(%arg16 : memref<512xf32, #tpu.memory_space<vmem>>) target_semaphore(%run_scoped3A_280 : memref<!tpu.dma_semaphore, #tpu.memory_space<semaphore_mem>>)
      %dma_wait3A_284 = tpu.memref_slice %arg18[%run_scoped3A_103, %multiple_of3A_38] : memref<16x8192xf32, #tpu.memory_space<vmem_shared>> -> memref<1x512xf32, #tpu.memory_space<vmem_shared>>
      %dma_wait3A_285 = tpu.memref_squeeze %dma_wait3A_284 : memref<1x512xf32, #tpu.memory_space<vmem_shared>> -> memref<512xf32, #tpu.memory_space<vmem_shared>>
      %dma_wait3A_286 = tpu.memref_slice %arg18[%run_scoped3A_103, %multiple_of3A_38] : memref<16x8192xf32, #tpu.memory_space<vmem_shared>> -> memref<1x512xf32, #tpu.memory_space<vmem_shared>>
      %dma_wait3A_287 = tpu.memref_squeeze %dma_wait3A_286 : memref<1x512xf32, #tpu.memory_space<vmem_shared>> -> memref<512xf32, #tpu.memory_space<vmem_shared>>
      tpu.wait_dma2 semaphore(%run_scoped3A_280 : memref<!tpu.dma_semaphore, #tpu.memory_space<semaphore_mem>>) src(%dma_wait3A_287 : memref<512xf32, #tpu.memory_space<vmem_shared>>) dst(%arg16 : memref<512xf32, #tpu.memory_space<vmem>>)
      tpu.yield
    }) : () -> ()
    %scan3A_104 = arith.constant 0 : i32
    %scan3A_105 = arith.constant 0 : i32
    %scan3A_106 = arith.constant 32 : i32
    %scan3A_107 = arith.addi %scan3A_105, %scan3A_106 : i32
    %scan3A_108 = arith.constant 1 : i32
    %scan3A_109 = scf.for %scan3A_280 = %scan3A_105 to %scan3A_107 step %scan3A_108 iter_args(%scan3A_281 = %scan3A_104) -> (i32)  : i32 {
      %mul3A_282 = arith.constant 16 : i32
      %mul3A_283 = arith.muli %scan3A_280, %mul3A_282 : i32
      %get3A = arith.index_cast %mul3A_283 : i32 to index
      %get3A_284 = tpu.vector_load %arg17[%get3A] {strides = array<i32>} : memref<512xf32, #tpu.memory_space<vmem>>, vector<16xf32>,
      %get3A_285 = arith.index_cast %mul3A_283 : i32 to index
      %get3A_286 = tpu.vector_load %arg16[%get3A_285] {strides = array<i32>} : memref<512xf32, #tpu.memory_space<vmem>>, vector<16xf32>,
      %add3A_287 = arith.addf %get3A_284, %get3A_286 : vector<16xf32>
      %swap3A = arith.index_cast %mul3A_283 : i32 to index
      %swap3A_288 = tpu.vector_load %arg17[%swap3A] {strides = array<i32>} : memref<512xf32, #tpu.memory_space<vmem>>, vector<16xf32>,
      tpu.vector_store %arg17[%swap3A], %add3A_287 {strides = array<i32>} : memref<512xf32, #tpu.memory_space<vmem>>, vector<16xf32>,
      %scan3A_289 = arith.constant 0 : i32
      scf.yield %scan3A_289 : i32
    }
    %scan3A_110 = arith.constant 32 : i32
    %run_scoped3A_111 = arith.constant 10 : i32
    "tpu.region"() ({
      %run_scoped3A_280 = tpu.sem_alloc : memref<!tpu.dma_semaphore, #tpu.memory_space<semaphore_mem>>
      %dma_start3A = tpu.memref_slice %arg18[%run_scoped3A_111, %multiple_of3A_38] : memref<16x8192xf32, #tpu.memory_space<vmem_shared>> -> memref<1x512xf32, #tpu.memory_space<vmem_shared>>
      %dma_start3A_281 = tpu.memref_squeeze %dma_start3A : memref<1x512xf32, #tpu.memory_space<vmem_shared>> -> memref<512xf32, #tpu.memory_space<vmem_shared>>
      %dma_start3A_282 = tpu.memref_slice %arg18[%run_scoped3A_111, %multiple_of3A_38] : memref<16x8192xf32, #tpu.memory_space<vmem_shared>> -> memref<1x512xf32, #tpu.memory_space<vmem_shared>>
      %dma_start3A_283 = tpu.memref_squeeze %dma_start3A_282 : memref<1x512xf32, #tpu.memory_space<vmem_shared>> -> memref<512xf32, #tpu.memory_space<vmem_shared>>
      tpu.enqueue_dma source(%dma_start3A_283 : memref<512xf32, #tpu.memory_space<vmem_shared>>) target(%arg16 : memref<512xf32, #tpu.memory_space<vmem>>) target_semaphore(%run_scoped3A_280 : memref<!tpu.dma_semaphore, #tpu.memory_space<semaphore_mem>>)
      %dma_wait3A_284 = tpu.memref_slice %arg18[%run_scoped3A_111, %multiple_of3A_38] : memref<16x8192xf32, #tpu.memory_space<vmem_shared>> -> memref<1x512xf32, #tpu.memory_space<vmem_shared>>
      %dma_wait3A_285 = tpu.memref_squeeze %dma_wait3A_284 : memref<1x512xf32, #tpu.memory_space<vmem_shared>> -> memref<512xf32, #tpu.memory_space<vmem_shared>>
      %dma_wait3A_286 = tpu.memref_slice %arg18[%run_scoped3A_111, %multiple_of3A_38] : memref<16x8192xf32, #tpu.memory_space<vmem_shared>> -> memref<1x512xf32, #tpu.memory_space<vmem_shared>>
      %dma_wait3A_287 = tpu.memref_squeeze %dma_wait3A_286 : memref<1x512xf32, #tpu.memory_space<vmem_shared>> -> memref<512xf32, #tpu.memory_space<vmem_shared>>
      tpu.wait_dma2 semaphore(%run_scoped3A_280 : memref<!tpu.dma_semaphore, #tpu.memory_space<semaphore_mem>>) src(%dma_wait3A_287 : memref<512xf32, #tpu.memory_space<vmem_shared>>) dst(%arg16 : memref<512xf32, #tpu.memory_space<vmem>>)
      tpu.yield
    }) : () -> ()
    %scan3A_112 = arith.constant 0 : i32
    %scan3A_113 = arith.constant 0 : i32
    %scan3A_114 = arith.constant 32 : i32
    %scan3A_115 = arith.addi %scan3A_113, %scan3A_114 : i32
    %scan3A_116 = arith.constant 1 : i32
    %scan3A_117 = scf.for %scan3A_280 = %scan3A_113 to %scan3A_115 step %scan3A_116 iter_args(%scan3A_281 = %scan3A_112) -> (i32)  : i32 {
      %mul3A_282 = arith.constant 16 : i32
      %mul3A_283 = arith.muli %scan3A_280, %mul3A_282 : i32
      %get3A = arith.index_cast %mul3A_283 : i32 to index
      %get3A_284 = tpu.vector_load %arg17[%get3A] {strides = array<i32>} : memref<512xf32, #tpu.memory_space<vmem>>, vector<16xf32>,
      %get3A_285 = arith.index_cast %mul3A_283 : i32 to index
      %get3A_286 = tpu.vector_load %arg16[%get3A_285] {strides = array<i32>} : memref<512xf32, #tpu.memory_space<vmem>>, vector<16xf32>,
      %add3A_287 = arith.addf %get3A_284, %get3A_286 : vector<16xf32>
      %swap3A = arith.index_cast %mul3A_283 : i32 to index
      %swap3A_288 = tpu.vector_load %arg17[%swap3A] {strides = array<i32>} : memref<512xf32, #tpu.memory_space<vmem>>, vector<16xf32>,
      tpu.vector_store %arg17[%swap3A], %add3A_287 {strides = array<i32>} : memref<512xf32, #tpu.memory_space<vmem>>, vector<16xf32>,
      %scan3A_289 = arith.constant 0 : i32
      scf.yield %scan3A_289 : i32
    }
    %scan3A_118 = arith.constant 32 : i32
    %run_scoped3A_119 = arith.constant 11 : i32
    "tpu.region"() ({
      %run_scoped3A_280 = tpu.sem_alloc : memref<!tpu.dma_semaphore, #tpu.memory_space<semaphore_mem>>
      %dma_start3A = tpu.memref_slice %arg18[%run_scoped3A_119, %multiple_of3A_38] : memref<16x8192xf32, #tpu.memory_space<vmem_shared>> -> memref<1x512xf32, #tpu.memory_space<vmem_shared>>
      %dma_start3A_281 = tpu.memref_squeeze %dma_start3A : memref<1x512xf32, #tpu.memory_space<vmem_shared>> -> memref<512xf32, #tpu.memory_space<vmem_shared>>
      %dma_start3A_282 = tpu.memref_slice %arg18[%run_scoped3A_119, %multiple_of3A_38] : memref<16x8192xf32, #tpu.memory_space<vmem_shared>> -> memref<1x512xf32, #tpu.memory_space<vmem_shared>>
      %dma_start3A_283 = tpu.memref_squeeze %dma_start3A_282 : memref<1x512xf32, #tpu.memory_space<vmem_shared>> -> memref<512xf32, #tpu.memory_space<vmem_shared>>
      tpu.enqueue_dma source(%dma_start3A_283 : memref<512xf32, #tpu.memory_space<vmem_shared>>) target(%arg16 : memref<512xf32, #tpu.memory_space<vmem>>) target_semaphore(%run_scoped3A_280 : memref<!tpu.dma_semaphore, #tpu.memory_space<semaphore_mem>>)
      %dma_wait3A_284 = tpu.memref_slice %arg18[%run_scoped3A_119, %multiple_of3A_38] : memref<16x8192xf32, #tpu.memory_space<vmem_shared>> -> memref<1x512xf32, #tpu.memory_space<vmem_shared>>
      %dma_wait3A_285 = tpu.memref_squeeze %dma_wait3A_284 : memref<1x512xf32, #tpu.memory_space<vmem_shared>> -> memref<512xf32, #tpu.memory_space<vmem_shared>>
      %dma_wait3A_286 = tpu.memref_slice %arg18[%run_scoped3A_119, %multiple_of3A_38] : memref<16x8192xf32, #tpu.memory_space<vmem_shared>> -> memref<1x512xf32, #tpu.memory_space<vmem_shared>>
      %dma_wait3A_287 = tpu.memref_squeeze %dma_wait3A_286 : memref<1x512xf32, #tpu.memory_space<vmem_shared>> -> memref<512xf32, #tpu.memory_space<vmem_shared>>
      tpu.wait_dma2 semaphore(%run_scoped3A_280 : memref<!tpu.dma_semaphore, #tpu.memory_space<semaphore_mem>>) src(%dma_wait3A_287 : memref<512xf32, #tpu.memory_space<vmem_shared>>) dst(%arg16 : memref<512xf32, #tpu.memory_space<vmem>>)
      tpu.yield
    }) : () -> ()
    %scan3A_120 = arith.constant 0 : i32
    %scan3A_121 = arith.constant 0 : i32
    %scan3A_122 = arith.constant 32 : i32
    %scan3A_123 = arith.addi %scan3A_121, %scan3A_122 : i32
    %scan3A_124 = arith.constant 1 : i32
    %scan3A_125 = scf.for %scan3A_280 = %scan3A_121 to %scan3A_123 step %scan3A_124 iter_args(%scan3A_281 = %scan3A_120) -> (i32)  : i32 {
      %mul3A_282 = arith.constant 16 : i32
      %mul3A_283 = arith.muli %scan3A_280, %mul3A_282 : i32
      %get3A = arith.index_cast %mul3A_283 : i32 to index
      %get3A_284 = tpu.vector_load %arg17[%get3A] {strides = array<i32>} : memref<512xf32, #tpu.memory_space<vmem>>, vector<16xf32>,
      %get3A_285 = arith.index_cast %mul3A_283 : i32 to index
      %get3A_286 = tpu.vector_load %arg16[%get3A_285] {strides = array<i32>} : memref<512xf32, #tpu.memory_space<vmem>>, vector<16xf32>,
      %add3A_287 = arith.addf %get3A_284, %get3A_286 : vector<16xf32>
      %swap3A = arith.index_cast %mul3A_283 : i32 to index
      %swap3A_288 = tpu.vector_load %arg17[%swap3A] {strides = array<i32>} : memref<512xf32, #tpu.memory_space<vmem>>, vector<16xf32>,
      tpu.vector_store %arg17[%swap3A], %add3A_287 {strides = array<i32>} : memref<512xf32, #tpu.memory_space<vmem>>, vector<16xf32>,
      %scan3A_289 = arith.constant 0 : i32
      scf.yield %scan3A_289 : i32
    }
    %scan3A_126 = arith.constant 32 : i32
    %run_scoped3A_127 = arith.constant 12 : i32
    "tpu.region"() ({
      %run_scoped3A_280 = tpu.sem_alloc : memref<!tpu.dma_semaphore, #tpu.memory_space<semaphore_mem>>
      %dma_start3A = tpu.memref_slice %arg18[%run_scoped3A_127, %multiple_of3A_38] : memref<16x8192xf32, #tpu.memory_space<vmem_shared>> -> memref<1x512xf32, #tpu.memory_space<vmem_shared>>
      %dma_start3A_281 = tpu.memref_squeeze %dma_start3A : memref<1x512xf32, #tpu.memory_space<vmem_shared>> -> memref<512xf32, #tpu.memory_space<vmem_shared>>
      %dma_start3A_282 = tpu.memref_slice %arg18[%run_scoped3A_127, %multiple_of3A_38] : memref<16x8192xf32, #tpu.memory_space<vmem_shared>> -> memref<1x512xf32, #tpu.memory_space<vmem_shared>>
      %dma_start3A_283 = tpu.memref_squeeze %dma_start3A_282 : memref<1x512xf32, #tpu.memory_space<vmem_shared>> -> memref<512xf32, #tpu.memory_space<vmem_shared>>
      tpu.enqueue_dma source(%dma_start3A_283 : memref<512xf32, #tpu.memory_space<vmem_shared>>) target(%arg16 : memref<512xf32, #tpu.memory_space<vmem>>) target_semaphore(%run_scoped3A_280 : memref<!tpu.dma_semaphore, #tpu.memory_space<semaphore_mem>>)
      %dma_wait3A_284 = tpu.memref_slice %arg18[%run_scoped3A_127, %multiple_of3A_38] : memref<16x8192xf32, #tpu.memory_space<vmem_shared>> -> memref<1x512xf32, #tpu.memory_space<vmem_shared>>
      %dma_wait3A_285 = tpu.memref_squeeze %dma_wait3A_284 : memref<1x512xf32, #tpu.memory_space<vmem_shared>> -> memref<512xf32, #tpu.memory_space<vmem_shared>>
      %dma_wait3A_286 = tpu.memref_slice %arg18[%run_scoped3A_127, %multiple_of3A_38] : memref<16x8192xf32, #tpu.memory_space<vmem_shared>> -> memref<1x512xf32, #tpu.memory_space<vmem_shared>>
      %dma_wait3A_287 = tpu.memref_squeeze %dma_wait3A_286 : memref<1x512xf32, #tpu.memory_space<vmem_shared>> -> memref<512xf32, #tpu.memory_space<vmem_shared>>
      tpu.wait_dma2 semaphore(%run_scoped3A_280 : memref<!tpu.dma_semaphore, #tpu.memory_space<semaphore_mem>>) src(%dma_wait3A_287 : memref<512xf32, #tpu.memory_space<vmem_shared>>) dst(%arg16 : memref<512xf32, #tpu.memory_space<vmem>>)
      tpu.yield
    }) : () -> ()
    %scan3A_128 = arith.constant 0 : i32
    %scan3A_129 = arith.constant 0 : i32
    %scan3A_130 = arith.constant 32 : i32
    %scan3A_131 = arith.addi %scan3A_129, %scan3A_130 : i32
    %scan3A_132 = arith.constant 1 : i32
    %scan3A_133 = scf.for %scan3A_280 = %scan3A_129 to %scan3A_131 step %scan3A_132 iter_args(%scan3A_281 = %scan3A_128) -> (i32)  : i32 {
      %mul3A_282 = arith.constant 16 : i32
      %mul3A_283 = arith.muli %scan3A_280, %mul3A_282 : i32
      %get3A = arith.index_cast %mul3A_283 : i32 to index
      %get3A_284 = tpu.vector_load %arg17[%get3A] {strides = array<i32>} : memref<512xf32, #tpu.memory_space<vmem>>, vector<16xf32>,
      %get3A_285 = arith.index_cast %mul3A_283 : i32 to index
      %get3A_286 = tpu.vector_load %arg16[%get3A_285] {strides = array<i32>} : memref<512xf32, #tpu.memory_space<vmem>>, vector<16xf32>,
      %add3A_287 = arith.addf %get3A_284, %get3A_286 : vector<16xf32>
      %swap3A = arith.index_cast %mul3A_283 : i32 to index
      %swap3A_288 = tpu.vector_load %arg17[%swap3A] {strides = array<i32>} : memref<512xf32, #tpu.memory_space<vmem>>, vector<16xf32>,
      tpu.vector_store %arg17[%swap3A], %add3A_287 {strides = array<i32>} : memref<512xf32, #tpu.memory_space<vmem>>, vector<16xf32>,
      %scan3A_289 = arith.constant 0 : i32
      scf.yield %scan3A_289 : i32
    }
    %scan3A_134 = arith.constant 32 : i32
    %run_scoped3A_135 = arith.constant 13 : i32
    "tpu.region"() ({
      %run_scoped3A_280 = tpu.sem_alloc : memref<!tpu.dma_semaphore, #tpu.memory_space<semaphore_mem>>
      %dma_start3A = tpu.memref_slice %arg18[%run_scoped3A_135, %multiple_of3A_38] : memref<16x8192xf32, #tpu.memory_space<vmem_shared>> -> memref<1x512xf32, #tpu.memory_space<vmem_shared>>
      %dma_start3A_281 = tpu.memref_squeeze %dma_start3A : memref<1x512xf32, #tpu.memory_space<vmem_shared>> -> memref<512xf32, #tpu.memory_space<vmem_shared>>
      %dma_start3A_282 = tpu.memref_slice %arg18[%run_scoped3A_135, %multiple_of3A_38] : memref<16x8192xf32, #tpu.memory_space<vmem_shared>> -> memref<1x512xf32, #tpu.memory_space<vmem_shared>>
      %dma_start3A_283 = tpu.memref_squeeze %dma_start3A_282 : memref<1x512xf32, #tpu.memory_space<vmem_shared>> -> memref<512xf32, #tpu.memory_space<vmem_shared>>
      tpu.enqueue_dma source(%dma_start3A_283 : memref<512xf32, #tpu.memory_space<vmem_shared>>) target(%arg16 : memref<512xf32, #tpu.memory_space<vmem>>) target_semaphore(%run_scoped3A_280 : memref<!tpu.dma_semaphore, #tpu.memory_space<semaphore_mem>>)
      %dma_wait3A_284 = tpu.memref_slice %arg18[%run_scoped3A_135, %multiple_of3A_38] : memref<16x8192xf32, #tpu.memory_space<vmem_shared>> -> memref<1x512xf32, #tpu.memory_space<vmem_shared>>
      %dma_wait3A_285 = tpu.memref_squeeze %dma_wait3A_284 : memref<1x512xf32, #tpu.memory_space<vmem_shared>> -> memref<512xf32, #tpu.memory_space<vmem_shared>>
      %dma_wait3A_286 = tpu.memref_slice %arg18[%run_scoped3A_135, %multiple_of3A_38] : memref<16x8192xf32, #tpu.memory_space<vmem_shared>> -> memref<1x512xf32, #tpu.memory_space<vmem_shared>>
      %dma_wait3A_287 = tpu.memref_squeeze %dma_wait3A_286 : memref<1x512xf32, #tpu.memory_space<vmem_shared>> -> memref<512xf32, #tpu.memory_space<vmem_shared>>
      tpu.wait_dma2 semaphore(%run_scoped3A_280 : memref<!tpu.dma_semaphore, #tpu.memory_space<semaphore_mem>>) src(%dma_wait3A_287 : memref<512xf32, #tpu.memory_space<vmem_shared>>) dst(%arg16 : memref<512xf32, #tpu.memory_space<vmem>>)
      tpu.yield
    }) : () -> ()
    %scan3A_136 = arith.constant 0 : i32
    %scan3A_137 = arith.constant 0 : i32
    %scan3A_138 = arith.constant 32 : i32
    %scan3A_139 = arith.addi %scan3A_137, %scan3A_138 : i32
    %scan3A_140 = arith.constant 1 : i32
    %scan3A_141 = scf.for %scan3A_280 = %scan3A_137 to %scan3A_139 step %scan3A_140 iter_args(%scan3A_281 = %scan3A_136) -> (i32)  : i32 {
      %mul3A_282 = arith.constant 16 : i32
      %mul3A_283 = arith.muli %scan3A_280, %mul3A_282 : i32
      %get3A = arith.index_cast %mul3A_283 : i32 to index
      %get3A_284 = tpu.vector_load %arg17[%get3A] {strides = array<i32>} : memref<512xf32, #tpu.memory_space<vmem>>, vector<16xf32>,
      %get3A_285 = arith.index_cast %mul3A_283 : i32 to index
      %get3A_286 = tpu.vector_load %arg16[%get3A_285] {strides = array<i32>} : memref<512xf32, #tpu.memory_space<vmem>>, vector<16xf32>,
      %add3A_287 = arith.addf %get3A_284, %get3A_286 : vector<16xf32>
      %swap3A = arith.index_cast %mul3A_283 : i32 to index
      %swap3A_288 = tpu.vector_load %arg17[%swap3A] {strides = array<i32>} : memref<512xf32, #tpu.memory_space<vmem>>, vector<16xf32>,
      tpu.vector_store %arg17[%swap3A], %add3A_287 {strides = array<i32>} : memref<512xf32, #tpu.memory_space<vmem>>, vector<16xf32>,
      %scan3A_289 = arith.constant 0 : i32
      scf.yield %scan3A_289 : i32
    }
    %scan3A_142 = arith.constant 32 : i32
    %run_scoped3A_143 = arith.constant 14 : i32
    "tpu.region"() ({
      %run_scoped3A_280 = tpu.sem_alloc : memref<!tpu.dma_semaphore, #tpu.memory_space<semaphore_mem>>
      %dma_start3A = tpu.memref_slice %arg18[%run_scoped3A_143, %multiple_of3A_38] : memref<16x8192xf32, #tpu.memory_space<vmem_shared>> -> memref<1x512xf32, #tpu.memory_space<vmem_shared>>
      %dma_start3A_281 = tpu.memref_squeeze %dma_start3A : memref<1x512xf32, #tpu.memory_space<vmem_shared>> -> memref<512xf32, #tpu.memory_space<vmem_shared>>
      %dma_start3A_282 = tpu.memref_slice %arg18[%run_scoped3A_143, %multiple_of3A_38] : memref<16x8192xf32, #tpu.memory_space<vmem_shared>> -> memref<1x512xf32, #tpu.memory_space<vmem_shared>>
      %dma_start3A_283 = tpu.memref_squeeze %dma_start3A_282 : memref<1x512xf32, #tpu.memory_space<vmem_shared>> -> memref<512xf32, #tpu.memory_space<vmem_shared>>
      tpu.enqueue_dma source(%dma_start3A_283 : memref<512xf32, #tpu.memory_space<vmem_shared>>) target(%arg16 : memref<512xf32, #tpu.memory_space<vmem>>) target_semaphore(%run_scoped3A_280 : memref<!tpu.dma_semaphore, #tpu.memory_space<semaphore_mem>>)
      %dma_wait3A_284 = tpu.memref_slice %arg18[%run_scoped3A_143, %multiple_of3A_38] : memref<16x8192xf32, #tpu.memory_space<vmem_shared>> -> memref<1x512xf32, #tpu.memory_space<vmem_shared>>
      %dma_wait3A_285 = tpu.memref_squeeze %dma_wait3A_284 : memref<1x512xf32, #tpu.memory_space<vmem_shared>> -> memref<512xf32, #tpu.memory_space<vmem_shared>>
      %dma_wait3A_286 = tpu.memref_slice %arg18[%run_scoped3A_143, %multiple_of3A_38] : memref<16x8192xf32, #tpu.memory_space<vmem_shared>> -> memref<1x512xf32, #tpu.memory_space<vmem_shared>>
      %dma_wait3A_287 = tpu.memref_squeeze %dma_wait3A_286 : memref<1x512xf32, #tpu.memory_space<vmem_shared>> -> memref<512xf32, #tpu.memory_space<vmem_shared>>
      tpu.wait_dma2 semaphore(%run_scoped3A_280 : memref<!tpu.dma_semaphore, #tpu.memory_space<semaphore_mem>>) src(%dma_wait3A_287 : memref<512xf32, #tpu.memory_space<vmem_shared>>) dst(%arg16 : memref<512xf32, #tpu.memory_space<vmem>>)
      tpu.yield
    }) : () -> ()
    %scan3A_144 = arith.constant 0 : i32
    %scan3A_145 = arith.constant 0 : i32
    %scan3A_146 = arith.constant 32 : i32
    %scan3A_147 = arith.addi %scan3A_145, %scan3A_146 : i32
    %scan3A_148 = arith.constant 1 : i32
    %scan3A_149 = scf.for %scan3A_280 = %scan3A_145 to %scan3A_147 step %scan3A_148 iter_args(%scan3A_281 = %scan3A_144) -> (i32)  : i32 {
      %mul3A_282 = arith.constant 16 : i32
      %mul3A_283 = arith.muli %scan3A_280, %mul3A_282 : i32
      %get3A = arith.index_cast %mul3A_283 : i32 to index
      %get3A_284 = tpu.vector_load %arg17[%get3A] {strides = array<i32>} : memref<512xf32, #tpu.memory_space<vmem>>, vector<16xf32>,
      %get3A_285 = arith.index_cast %mul3A_283 : i32 to index
      %get3A_286 = tpu.vector_load %arg16[%get3A_285] {strides = array<i32>} : memref<512xf32, #tpu.memory_space<vmem>>, vector<16xf32>,
      %add3A_287 = arith.addf %get3A_284, %get3A_286 : vector<16xf32>
      %swap3A = arith.index_cast %mul3A_283 : i32 to index
      %swap3A_288 = tpu.vector_load %arg17[%swap3A] {strides = array<i32>} : memref<512xf32, #tpu.memory_space<vmem>>, vector<16xf32>,
      tpu.vector_store %arg17[%swap3A], %add3A_287 {strides = array<i32>} : memref<512xf32, #tpu.memory_space<vmem>>, vector<16xf32>,
      %scan3A_289 = arith.constant 0 : i32
      scf.yield %scan3A_289 : i32
    }
    %scan3A_150 = arith.constant 32 : i32
    %run_scoped3A_151 = arith.constant 15 : i32
    "tpu.region"() ({
      %run_scoped3A_280 = tpu.sem_alloc : memref<!tpu.dma_semaphore, #tpu.memory_space<semaphore_mem>>
      %dma_start3A = tpu.memref_slice %arg18[%run_scoped3A_151, %multiple_of3A_38] : memref<16x8192xf32, #tpu.memory_space<vmem_shared>> -> memref<1x512xf32, #tpu.memory_space<vmem_shared>>
      %dma_start3A_281 = tpu.memref_squeeze %dma_start3A : memref<1x512xf32, #tpu.memory_space<vmem_shared>> -> memref<512xf32, #tpu.memory_space<vmem_shared>>
      %dma_start3A_282 = tpu.memref_slice %arg18[%run_scoped3A_151, %multiple_of3A_38] : memref<16x8192xf32, #tpu.memory_space<vmem_shared>> -> memref<1x512xf32, #tpu.memory_space<vmem_shared>>
      %dma_start3A_283 = tpu.memref_squeeze %dma_start3A_282 : memref<1x512xf32, #tpu.memory_space<vmem_shared>> -> memref<512xf32, #tpu.memory_space<vmem_shared>>
      tpu.enqueue_dma source(%dma_start3A_283 : memref<512xf32, #tpu.memory_space<vmem_shared>>) target(%arg16 : memref<512xf32, #tpu.memory_space<vmem>>) target_semaphore(%run_scoped3A_280 : memref<!tpu.dma_semaphore, #tpu.memory_space<semaphore_mem>>)
      %dma_wait3A_284 = tpu.memref_slice %arg18[%run_scoped3A_151, %multiple_of3A_38] : memref<16x8192xf32, #tpu.memory_space<vmem_shared>> -> memref<1x512xf32, #tpu.memory_space<vmem_shared>>
      %dma_wait3A_285 = tpu.memref_squeeze %dma_wait3A_284 : memref<1x512xf32, #tpu.memory_space<vmem_shared>> -> memref<512xf32, #tpu.memory_space<vmem_shared>>
      %dma_wait3A_286 = tpu.memref_slice %arg18[%run_scoped3A_151, %multiple_of3A_38] : memref<16x8192xf32, #tpu.memory_space<vmem_shared>> -> memref<1x512xf32, #tpu.memory_space<vmem_shared>>
      %dma_wait3A_287 = tpu.memref_squeeze %dma_wait3A_286 : memref<1x512xf32, #tpu.memory_space<vmem_shared>> -> memref<512xf32, #tpu.memory_space<vmem_shared>>
      tpu.wait_dma2 semaphore(%run_scoped3A_280 : memref<!tpu.dma_semaphore, #tpu.memory_space<semaphore_mem>>) src(%dma_wait3A_287 : memref<512xf32, #tpu.memory_space<vmem_shared>>) dst(%arg16 : memref<512xf32, #tpu.memory_space<vmem>>)
      tpu.yield
    }) : () -> ()
    %scan3A_152 = arith.constant 0 : i32
    %scan3A_153 = arith.constant 0 : i32
    %scan3A_154 = arith.constant 32 : i32
    %scan3A_155 = arith.addi %scan3A_153, %scan3A_154 : i32
    %scan3A_156 = arith.constant 1 : i32
    %scan3A_157 = scf.for %scan3A_280 = %scan3A_153 to %scan3A_155 step %scan3A_156 iter_args(%scan3A_281 = %scan3A_152) -> (i32)  : i32 {
      %mul3A_282 = arith.constant 16 : i32
      %mul3A_283 = arith.muli %scan3A_280, %mul3A_282 : i32
      %get3A = arith.index_cast %mul3A_283 : i32 to index
      %get3A_284 = tpu.vector_load %arg17[%get3A] {strides = array<i32>} : memref<512xf32, #tpu.memory_space<vmem>>, vector<16xf32>,
      %get3A_285 = arith.index_cast %mul3A_283 : i32 to index
      %get3A_286 = tpu.vector_load %arg16[%get3A_285] {strides = array<i32>} : memref<512xf32, #tpu.memory_space<vmem>>, vector<16xf32>,
      %add3A_287 = arith.addf %get3A_284, %get3A_286 : vector<16xf32>
      %swap3A = arith.index_cast %mul3A_283 : i32 to index
      %swap3A_288 = tpu.vector_load %arg17[%swap3A] {strides = array<i32>} : memref<512xf32, #tpu.memory_space<vmem>>, vector<16xf32>,
      tpu.vector_store %arg17[%swap3A], %add3A_287 {strides = array<i32>} : memref<512xf32, #tpu.memory_space<vmem>>, vector<16xf32>,
      %scan3A_289 = arith.constant 0 : i32
      scf.yield %scan3A_289 : i32
    }
    %scan3A_158 = arith.constant 32 : i32
    "tpu.region"() ({
      %run_scoped3A_280 = tpu.sem_alloc : memref<!tpu.dma_semaphore, #tpu.memory_space<semaphore_mem>>
      %dma_start3A = arith.constant 0 : i32
      %dma_start3A_281 = tpu.memref_slice %arg7[%arg0, %arg1, %dma_start3A] : memref<2x16x512xf32, #tpu.memory_space<hbm>> -> memref<1x1x512xf32, #tpu.memory_space<hbm>>
      %dma_start3A_282 = tpu.memref_squeeze %dma_start3A_281 : memref<1x1x512xf32, #tpu.memory_space<hbm>> -> memref<512xf32, #tpu.memory_space<hbm>>
      %dma_start3A_283 = arith.constant 0 : i32
      %dma_start3A_284 = tpu.memref_slice %arg7[%arg0, %arg1, %dma_start3A_283] : memref<2x16x512xf32, #tpu.memory_space<hbm>> -> memref<1x1x512xf32, #tpu.memory_space<hbm>>
      %dma_start3A_285 = tpu.memref_squeeze %dma_start3A_284 : memref<1x1x512xf32, #tpu.memory_space<hbm>> -> memref<512xf32, #tpu.memory_space<hbm>>
      tpu.enqueue_dma source(%arg17 : memref<512xf32, #tpu.memory_space<vmem>>) target(%dma_start3A_285 : memref<512xf32, #tpu.memory_space<hbm>>) target_semaphore(%run_scoped3A_280 : memref<!tpu.dma_semaphore, #tpu.memory_space<semaphore_mem>>)
      %dma_wait3A_286 = arith.constant 0 : i32
      %dma_wait3A_287 = tpu.memref_slice %arg7[%arg0, %arg1, %dma_wait3A_286] : memref<2x16x512xf32, #tpu.memory_space<hbm>> -> memref<1x1x512xf32, #tpu.memory_space<hbm>>
      %dma_wait3A_288 = tpu.memref_squeeze %dma_wait3A_287 : memref<1x1x512xf32, #tpu.memory_space<hbm>> -> memref<512xf32, #tpu.memory_space<hbm>>
      %dma_wait3A_289 = arith.constant 0 : i32
      %dma_wait3A_290 = tpu.memref_slice %arg7[%arg0, %arg1, %dma_wait3A_289] : memref<2x16x512xf32, #tpu.memory_space<hbm>> -> memref<1x1x512xf32, #tpu.memory_space<hbm>>
      %dma_wait3A_291 = tpu.memref_squeeze %dma_wait3A_290 : memref<1x1x512xf32, #tpu.memory_space<hbm>> -> memref<512xf32, #tpu.memory_space<hbm>>
      tpu.wait_dma2 semaphore(%run_scoped3A_280 : memref<!tpu.dma_semaphore, #tpu.memory_space<semaphore_mem>>) src(%arg17 : memref<512xf32, #tpu.memory_space<vmem>>) dst(%dma_wait3A_291 : memref<512xf32, #tpu.memory_space<hbm>>)
      tpu.yield
    }) : () -> ()
    %run_scoped3A_159 = arith.constant 0 : i32
    "tpu.region"() ({
      %run_scoped3A_280 = tpu.sem_alloc : memref<!tpu.dma_semaphore, #tpu.memory_space<semaphore_mem>>
      %dma_start3A = tpu.memref_slice %arg19[%run_scoped3A_159, %multiple_of3A_38] : memref<16x8192xf32, #tpu.memory_space<vmem_shared>> -> memref<1x512xf32, #tpu.memory_space<vmem_shared>>
      %dma_start3A_281 = tpu.memref_squeeze %dma_start3A : memref<1x512xf32, #tpu.memory_space<vmem_shared>> -> memref<512xf32, #tpu.memory_space<vmem_shared>>
      %dma_start3A_282 = tpu.memref_slice %arg19[%run_scoped3A_159, %multiple_of3A_38] : memref<16x8192xf32, #tpu.memory_space<vmem_shared>> -> memref<1x512xf32, #tpu.memory_space<vmem_shared>>
      %dma_start3A_283 = tpu.memref_squeeze %dma_start3A_282 : memref<1x512xf32, #tpu.memory_space<vmem_shared>> -> memref<512xf32, #tpu.memory_space<vmem_shared>>
      tpu.enqueue_dma source(%dma_start3A_283 : memref<512xf32, #tpu.memory_space<vmem_shared>>) target(%arg17 : memref<512xf32, #tpu.memory_space<vmem>>) target_semaphore(%run_scoped3A_280 : memref<!tpu.dma_semaphore, #tpu.memory_space<semaphore_mem>>)
      %dma_wait3A_284 = tpu.memref_slice %arg19[%run_scoped3A_159, %multiple_of3A_38] : memref<16x8192xf32, #tpu.memory_space<vmem_shared>> -> memref<1x512xf32, #tpu.memory_space<vmem_shared>>
      %dma_wait3A_285 = tpu.memref_squeeze %dma_wait3A_284 : memref<1x512xf32, #tpu.memory_space<vmem_shared>> -> memref<512xf32, #tpu.memory_space<vmem_shared>>
      %dma_wait3A_286 = tpu.memref_slice %arg19[%run_scoped3A_159, %multiple_of3A_38] : memref<16x8192xf32, #tpu.memory_space<vmem_shared>> -> memref<1x512xf32, #tpu.memory_space<vmem_shared>>
      %dma_wait3A_287 = tpu.memref_squeeze %dma_wait3A_286 : memref<1x512xf32, #tpu.memory_space<vmem_shared>> -> memref<512xf32, #tpu.memory_space<vmem_shared>>
      tpu.wait_dma2 semaphore(%run_scoped3A_280 : memref<!tpu.dma_semaphore, #tpu.memory_space<semaphore_mem>>) src(%dma_wait3A_287 : memref<512xf32, #tpu.memory_space<vmem_shared>>) dst(%arg17 : memref<512xf32, #tpu.memory_space<vmem>>)
      tpu.yield
    }) : () -> ()
    %run_scoped3A_160 = arith.constant 1 : i32
    "tpu.region"() ({
      %run_scoped3A_280 = tpu.sem_alloc : memref<!tpu.dma_semaphore, #tpu.memory_space<semaphore_mem>>
      %dma_start3A = tpu.memref_slice %arg19[%run_scoped3A_160, %multiple_of3A_38] : memref<16x8192xf32, #tpu.memory_space<vmem_shared>> -> memref<1x512xf32, #tpu.memory_space<vmem_shared>>
      %dma_start3A_281 = tpu.memref_squeeze %dma_start3A : memref<1x512xf32, #tpu.memory_space<vmem_shared>> -> memref<512xf32, #tpu.memory_space<vmem_shared>>
      %dma_start3A_282 = tpu.memref_slice %arg19[%run_scoped3A_160, %multiple_of3A_38] : memref<16x8192xf32, #tpu.memory_space<vmem_shared>> -> memref<1x512xf32, #tpu.memory_space<vmem_shared>>
      %dma_start3A_283 = tpu.memref_squeeze %dma_start3A_282 : memref<1x512xf32, #tpu.memory_space<vmem_shared>> -> memref<512xf32, #tpu.memory_space<vmem_shared>>
      tpu.enqueue_dma source(%dma_start3A_283 : memref<512xf32, #tpu.memory_space<vmem_shared>>) target(%arg16 : memref<512xf32, #tpu.memory_space<vmem>>) target_semaphore(%run_scoped3A_280 : memref<!tpu.dma_semaphore, #tpu.memory_space<semaphore_mem>>)
      %dma_wait3A_284 = tpu.memref_slice %arg19[%run_scoped3A_160, %multiple_of3A_38] : memref<16x8192xf32, #tpu.memory_space<vmem_shared>> -> memref<1x512xf32, #tpu.memory_space<vmem_shared>>
      %dma_wait3A_285 = tpu.memref_squeeze %dma_wait3A_284 : memref<1x512xf32, #tpu.memory_space<vmem_shared>> -> memref<512xf32, #tpu.memory_space<vmem_shared>>
      %dma_wait3A_286 = tpu.memref_slice %arg19[%run_scoped3A_160, %multiple_of3A_38] : memref<16x8192xf32, #tpu.memory_space<vmem_shared>> -> memref<1x512xf32, #tpu.memory_space<vmem_shared>>
      %dma_wait3A_287 = tpu.memref_squeeze %dma_wait3A_286 : memref<1x512xf32, #tpu.memory_space<vmem_shared>> -> memref<512xf32, #tpu.memory_space<vmem_shared>>
      tpu.wait_dma2 semaphore(%run_scoped3A_280 : memref<!tpu.dma_semaphore, #tpu.memory_space<semaphore_mem>>) src(%dma_wait3A_287 : memref<512xf32, #tpu.memory_space<vmem_shared>>) dst(%arg16 : memref<512xf32, #tpu.memory_space<vmem>>)
      tpu.yield
    }) : () -> ()
    %scan3A_161 = arith.constant 0 : i32
    %scan3A_162 = arith.constant 0 : i32
    %scan3A_163 = arith.constant 32 : i32
    %scan3A_164 = arith.addi %scan3A_162, %scan3A_163 : i32
    %scan3A_165 = arith.constant 1 : i32
    %scan3A_166 = scf.for %scan3A_280 = %scan3A_162 to %scan3A_164 step %scan3A_165 iter_args(%scan3A_281 = %scan3A_161) -> (i32)  : i32 {
      %mul3A_282 = arith.constant 16 : i32
      %mul3A_283 = arith.muli %scan3A_280, %mul3A_282 : i32
      %get3A = arith.index_cast %mul3A_283 : i32 to index
      %get3A_284 = tpu.vector_load %arg17[%get3A] {strides = array<i32>} : memref<512xf32, #tpu.memory_space<vmem>>, vector<16xf32>,
      %get3A_285 = arith.index_cast %mul3A_283 : i32 to index
      %get3A_286 = tpu.vector_load %arg16[%get3A_285] {strides = array<i32>} : memref<512xf32, #tpu.memory_space<vmem>>, vector<16xf32>,
      %add3A_287 = arith.addf %get3A_284, %get3A_286 : vector<16xf32>
      %swap3A = arith.index_cast %mul3A_283 : i32 to index
      %swap3A_288 = tpu.vector_load %arg17[%swap3A] {strides = array<i32>} : memref<512xf32, #tpu.memory_space<vmem>>, vector<16xf32>,
      tpu.vector_store %arg17[%swap3A], %add3A_287 {strides = array<i32>} : memref<512xf32, #tpu.memory_space<vmem>>, vector<16xf32>,
      %scan3A_289 = arith.constant 0 : i32
      scf.yield %scan3A_289 : i32
    }
    %scan3A_167 = arith.constant 32 : i32
    %run_scoped3A_168 = arith.constant 2 : i32
    "tpu.region"() ({
      %run_scoped3A_280 = tpu.sem_alloc : memref<!tpu.dma_semaphore, #tpu.memory_space<semaphore_mem>>
      %dma_start3A = tpu.memref_slice %arg19[%run_scoped3A_168, %multiple_of3A_38] : memref<16x8192xf32, #tpu.memory_space<vmem_shared>> -> memref<1x512xf32, #tpu.memory_space<vmem_shared>>
      %dma_start3A_281 = tpu.memref_squeeze %dma_start3A : memref<1x512xf32, #tpu.memory_space<vmem_shared>> -> memref<512xf32, #tpu.memory_space<vmem_shared>>
      %dma_start3A_282 = tpu.memref_slice %arg19[%run_scoped3A_168, %multiple_of3A_38] : memref<16x8192xf32, #tpu.memory_space<vmem_shared>> -> memref<1x512xf32, #tpu.memory_space<vmem_shared>>
      %dma_start3A_283 = tpu.memref_squeeze %dma_start3A_282 : memref<1x512xf32, #tpu.memory_space<vmem_shared>> -> memref<512xf32, #tpu.memory_space<vmem_shared>>
      tpu.enqueue_dma source(%dma_start3A_283 : memref<512xf32, #tpu.memory_space<vmem_shared>>) target(%arg16 : memref<512xf32, #tpu.memory_space<vmem>>) target_semaphore(%run_scoped3A_280 : memref<!tpu.dma_semaphore, #tpu.memory_space<semaphore_mem>>)
      %dma_wait3A_284 = tpu.memref_slice %arg19[%run_scoped3A_168, %multiple_of3A_38] : memref<16x8192xf32, #tpu.memory_space<vmem_shared>> -> memref<1x512xf32, #tpu.memory_space<vmem_shared>>
      %dma_wait3A_285 = tpu.memref_squeeze %dma_wait3A_284 : memref<1x512xf32, #tpu.memory_space<vmem_shared>> -> memref<512xf32, #tpu.memory_space<vmem_shared>>
      %dma_wait3A_286 = tpu.memref_slice %arg19[%run_scoped3A_168, %multiple_of3A_38] : memref<16x8192xf32, #tpu.memory_space<vmem_shared>> -> memref<1x512xf32, #tpu.memory_space<vmem_shared>>
      %dma_wait3A_287 = tpu.memref_squeeze %dma_wait3A_286 : memref<1x512xf32, #tpu.memory_space<vmem_shared>> -> memref<512xf32, #tpu.memory_space<vmem_shared>>
      tpu.wait_dma2 semaphore(%run_scoped3A_280 : memref<!tpu.dma_semaphore, #tpu.memory_space<semaphore_mem>>) src(%dma_wait3A_287 : memref<512xf32, #tpu.memory_space<vmem_shared>>) dst(%arg16 : memref<512xf32, #tpu.memory_space<vmem>>)
      tpu.yield
    }) : () -> ()
    %scan3A_169 = arith.constant 0 : i32
    %scan3A_170 = arith.constant 0 : i32
    %scan3A_171 = arith.constant 32 : i32
    %scan3A_172 = arith.addi %scan3A_170, %scan3A_171 : i32
    %scan3A_173 = arith.constant 1 : i32
    %scan3A_174 = scf.for %scan3A_280 = %scan3A_170 to %scan3A_172 step %scan3A_173 iter_args(%scan3A_281 = %scan3A_169) -> (i32)  : i32 {
      %mul3A_282 = arith.constant 16 : i32
      %mul3A_283 = arith.muli %scan3A_280, %mul3A_282 : i32
      %get3A = arith.index_cast %mul3A_283 : i32 to index
      %get3A_284 = tpu.vector_load %arg17[%get3A] {strides = array<i32>} : memref<512xf32, #tpu.memory_space<vmem>>, vector<16xf32>,
      %get3A_285 = arith.index_cast %mul3A_283 : i32 to index
      %get3A_286 = tpu.vector_load %arg16[%get3A_285] {strides = array<i32>} : memref<512xf32, #tpu.memory_space<vmem>>, vector<16xf32>,
      %add3A_287 = arith.addf %get3A_284, %get3A_286 : vector<16xf32>
      %swap3A = arith.index_cast %mul3A_283 : i32 to index
      %swap3A_288 = tpu.vector_load %arg17[%swap3A] {strides = array<i32>} : memref<512xf32, #tpu.memory_space<vmem>>, vector<16xf32>,
      tpu.vector_store %arg17[%swap3A], %add3A_287 {strides = array<i32>} : memref<512xf32, #tpu.memory_space<vmem>>, vector<16xf32>,
      %scan3A_289 = arith.constant 0 : i32
      scf.yield %scan3A_289 : i32
    }
    %scan3A_175 = arith.constant 32 : i32
    %run_scoped3A_176 = arith.constant 3 : i32
    "tpu.region"() ({
      %run_scoped3A_280 = tpu.sem_alloc : memref<!tpu.dma_semaphore, #tpu.memory_space<semaphore_mem>>
      %dma_start3A = tpu.memref_slice %arg19[%run_scoped3A_176, %multiple_of3A_38] : memref<16x8192xf32, #tpu.memory_space<vmem_shared>> -> memref<1x512xf32, #tpu.memory_space<vmem_shared>>
      %dma_start3A_281 = tpu.memref_squeeze %dma_start3A : memref<1x512xf32, #tpu.memory_space<vmem_shared>> -> memref<512xf32, #tpu.memory_space<vmem_shared>>
      %dma_start3A_282 = tpu.memref_slice %arg19[%run_scoped3A_176, %multiple_of3A_38] : memref<16x8192xf32, #tpu.memory_space<vmem_shared>> -> memref<1x512xf32, #tpu.memory_space<vmem_shared>>
      %dma_start3A_283 = tpu.memref_squeeze %dma_start3A_282 : memref<1x512xf32, #tpu.memory_space<vmem_shared>> -> memref<512xf32, #tpu.memory_space<vmem_shared>>
      tpu.enqueue_dma source(%dma_start3A_283 : memref<512xf32, #tpu.memory_space<vmem_shared>>) target(%arg16 : memref<512xf32, #tpu.memory_space<vmem>>) target_semaphore(%run_scoped3A_280 : memref<!tpu.dma_semaphore, #tpu.memory_space<semaphore_mem>>)
      %dma_wait3A_284 = tpu.memref_slice %arg19[%run_scoped3A_176, %multiple_of3A_38] : memref<16x8192xf32, #tpu.memory_space<vmem_shared>> -> memref<1x512xf32, #tpu.memory_space<vmem_shared>>
      %dma_wait3A_285 = tpu.memref_squeeze %dma_wait3A_284 : memref<1x512xf32, #tpu.memory_space<vmem_shared>> -> memref<512xf32, #tpu.memory_space<vmem_shared>>
      %dma_wait3A_286 = tpu.memref_slice %arg19[%run_scoped3A_176, %multiple_of3A_38] : memref<16x8192xf32, #tpu.memory_space<vmem_shared>> -> memref<1x512xf32, #tpu.memory_space<vmem_shared>>
      %dma_wait3A_287 = tpu.memref_squeeze %dma_wait3A_286 : memref<1x512xf32, #tpu.memory_space<vmem_shared>> -> memref<512xf32, #tpu.memory_space<vmem_shared>>
      tpu.wait_dma2 semaphore(%run_scoped3A_280 : memref<!tpu.dma_semaphore, #tpu.memory_space<semaphore_mem>>) src(%dma_wait3A_287 : memref<512xf32, #tpu.memory_space<vmem_shared>>) dst(%arg16 : memref<512xf32, #tpu.memory_space<vmem>>)
      tpu.yield
    }) : () -> ()
    %scan3A_177 = arith.constant 0 : i32
    %scan3A_178 = arith.constant 0 : i32
    %scan3A_179 = arith.constant 32 : i32
    %scan3A_180 = arith.addi %scan3A_178, %scan3A_179 : i32
    %scan3A_181 = arith.constant 1 : i32
    %scan3A_182 = scf.for %scan3A_280 = %scan3A_178 to %scan3A_180 step %scan3A_181 iter_args(%scan3A_281 = %scan3A_177) -> (i32)  : i32 {
      %mul3A_282 = arith.constant 16 : i32
      %mul3A_283 = arith.muli %scan3A_280, %mul3A_282 : i32
      %get3A = arith.index_cast %mul3A_283 : i32 to index
      %get3A_284 = tpu.vector_load %arg17[%get3A] {strides = array<i32>} : memref<512xf32, #tpu.memory_space<vmem>>, vector<16xf32>,
      %get3A_285 = arith.index_cast %mul3A_283 : i32 to index
      %get3A_286 = tpu.vector_load %arg16[%get3A_285] {strides = array<i32>} : memref<512xf32, #tpu.memory_space<vmem>>, vector<16xf32>,
      %add3A_287 = arith.addf %get3A_284, %get3A_286 : vector<16xf32>
      %swap3A = arith.index_cast %mul3A_283 : i32 to index
      %swap3A_288 = tpu.vector_load %arg17[%swap3A] {strides = array<i32>} : memref<512xf32, #tpu.memory_space<vmem>>, vector<16xf32>,
      tpu.vector_store %arg17[%swap3A], %add3A_287 {strides = array<i32>} : memref<512xf32, #tpu.memory_space<vmem>>, vector<16xf32>,
      %scan3A_289 = arith.constant 0 : i32
      scf.yield %scan3A_289 : i32
    }
    %scan3A_183 = arith.constant 32 : i32
    %run_scoped3A_184 = arith.constant 4 : i32
    "tpu.region"() ({
      %run_scoped3A_280 = tpu.sem_alloc : memref<!tpu.dma_semaphore, #tpu.memory_space<semaphore_mem>>
      %dma_start3A = tpu.memref_slice %arg19[%run_scoped3A_184, %multiple_of3A_38] : memref<16x8192xf32, #tpu.memory_space<vmem_shared>> -> memref<1x512xf32, #tpu.memory_space<vmem_shared>>
      %dma_start3A_281 = tpu.memref_squeeze %dma_start3A : memref<1x512xf32, #tpu.memory_space<vmem_shared>> -> memref<512xf32, #tpu.memory_space<vmem_shared>>
      %dma_start3A_282 = tpu.memref_slice %arg19[%run_scoped3A_184, %multiple_of3A_38] : memref<16x8192xf32, #tpu.memory_space<vmem_shared>> -> memref<1x512xf32, #tpu.memory_space<vmem_shared>>
      %dma_start3A_283 = tpu.memref_squeeze %dma_start3A_282 : memref<1x512xf32, #tpu.memory_space<vmem_shared>> -> memref<512xf32, #tpu.memory_space<vmem_shared>>
      tpu.enqueue_dma source(%dma_start3A_283 : memref<512xf32, #tpu.memory_space<vmem_shared>>) target(%arg16 : memref<512xf32, #tpu.memory_space<vmem>>) target_semaphore(%run_scoped3A_280 : memref<!tpu.dma_semaphore, #tpu.memory_space<semaphore_mem>>)
      %dma_wait3A_284 = tpu.memref_slice %arg19[%run_scoped3A_184, %multiple_of3A_38] : memref<16x8192xf32, #tpu.memory_space<vmem_shared>> -> memref<1x512xf32, #tpu.memory_space<vmem_shared>>
      %dma_wait3A_285 = tpu.memref_squeeze %dma_wait3A_284 : memref<1x512xf32, #tpu.memory_space<vmem_shared>> -> memref<512xf32, #tpu.memory_space<vmem_shared>>
      %dma_wait3A_286 = tpu.memref_slice %arg19[%run_scoped3A_184, %multiple_of3A_38] : memref<16x8192xf32, #tpu.memory_space<vmem_shared>> -> memref<1x512xf32, #tpu.memory_space<vmem_shared>>
      %dma_wait3A_287 = tpu.memref_squeeze %dma_wait3A_286 : memref<1x512xf32, #tpu.memory_space<vmem_shared>> -> memref<512xf32, #tpu.memory_space<vmem_shared>>
      tpu.wait_dma2 semaphore(%run_scoped3A_280 : memref<!tpu.dma_semaphore, #tpu.memory_space<semaphore_mem>>) src(%dma_wait3A_287 : memref<512xf32, #tpu.memory_space<vmem_shared>>) dst(%arg16 : memref<512xf32, #tpu.memory_space<vmem>>)
      tpu.yield
    }) : () -> ()
    %scan3A_185 = arith.constant 0 : i32
    %scan3A_186 = arith.constant 0 : i32
    %scan3A_187 = arith.constant 32 : i32
    %scan3A_188 = arith.addi %scan3A_186, %scan3A_187 : i32
    %scan3A_189 = arith.constant 1 : i32
    %scan3A_190 = scf.for %scan3A_280 = %scan3A_186 to %scan3A_188 step %scan3A_189 iter_args(%scan3A_281 = %scan3A_185) -> (i32)  : i32 {
      %mul3A_282 = arith.constant 16 : i32
      %mul3A_283 = arith.muli %scan3A_280, %mul3A_282 : i32
      %get3A = arith.index_cast %mul3A_283 : i32 to index
      %get3A_284 = tpu.vector_load %arg17[%get3A] {strides = array<i32>} : memref<512xf32, #tpu.memory_space<vmem>>, vector<16xf32>,
      %get3A_285 = arith.index_cast %mul3A_283 : i32 to index
      %get3A_286 = tpu.vector_load %arg16[%get3A_285] {strides = array<i32>} : memref<512xf32, #tpu.memory_space<vmem>>, vector<16xf32>,
      %add3A_287 = arith.addf %get3A_284, %get3A_286 : vector<16xf32>
      %swap3A = arith.index_cast %mul3A_283 : i32 to index
      %swap3A_288 = tpu.vector_load %arg17[%swap3A] {strides = array<i32>} : memref<512xf32, #tpu.memory_space<vmem>>, vector<16xf32>,
      tpu.vector_store %arg17[%swap3A], %add3A_287 {strides = array<i32>} : memref<512xf32, #tpu.memory_space<vmem>>, vector<16xf32>,
      %scan3A_289 = arith.constant 0 : i32
      scf.yield %scan3A_289 : i32
    }
    %scan3A_191 = arith.constant 32 : i32
    %run_scoped3A_192 = arith.constant 5 : i32
    "tpu.region"() ({
      %run_scoped3A_280 = tpu.sem_alloc : memref<!tpu.dma_semaphore, #tpu.memory_space<semaphore_mem>>
      %dma_start3A = tpu.memref_slice %arg19[%run_scoped3A_192, %multiple_of3A_38] : memref<16x8192xf32, #tpu.memory_space<vmem_shared>> -> memref<1x512xf32, #tpu.memory_space<vmem_shared>>
      %dma_start3A_281 = tpu.memref_squeeze %dma_start3A : memref<1x512xf32, #tpu.memory_space<vmem_shared>> -> memref<512xf32, #tpu.memory_space<vmem_shared>>
      %dma_start3A_282 = tpu.memref_slice %arg19[%run_scoped3A_192, %multiple_of3A_38] : memref<16x8192xf32, #tpu.memory_space<vmem_shared>> -> memref<1x512xf32, #tpu.memory_space<vmem_shared>>
      %dma_start3A_283 = tpu.memref_squeeze %dma_start3A_282 : memref<1x512xf32, #tpu.memory_space<vmem_shared>> -> memref<512xf32, #tpu.memory_space<vmem_shared>>
      tpu.enqueue_dma source(%dma_start3A_283 : memref<512xf32, #tpu.memory_space<vmem_shared>>) target(%arg16 : memref<512xf32, #tpu.memory_space<vmem>>) target_semaphore(%run_scoped3A_280 : memref<!tpu.dma_semaphore, #tpu.memory_space<semaphore_mem>>)
      %dma_wait3A_284 = tpu.memref_slice %arg19[%run_scoped3A_192, %multiple_of3A_38] : memref<16x8192xf32, #tpu.memory_space<vmem_shared>> -> memref<1x512xf32, #tpu.memory_space<vmem_shared>>
      %dma_wait3A_285 = tpu.memref_squeeze %dma_wait3A_284 : memref<1x512xf32, #tpu.memory_space<vmem_shared>> -> memref<512xf32, #tpu.memory_space<vmem_shared>>
      %dma_wait3A_286 = tpu.memref_slice %arg19[%run_scoped3A_192, %multiple_of3A_38] : memref<16x8192xf32, #tpu.memory_space<vmem_shared>> -> memref<1x512xf32, #tpu.memory_space<vmem_shared>>
      %dma_wait3A_287 = tpu.memref_squeeze %dma_wait3A_286 : memref<1x512xf32, #tpu.memory_space<vmem_shared>> -> memref<512xf32, #tpu.memory_space<vmem_shared>>
      tpu.wait_dma2 semaphore(%run_scoped3A_280 : memref<!tpu.dma_semaphore, #tpu.memory_space<semaphore_mem>>) src(%dma_wait3A_287 : memref<512xf32, #tpu.memory_space<vmem_shared>>) dst(%arg16 : memref<512xf32, #tpu.memory_space<vmem>>)
      tpu.yield
    }) : () -> ()
    %scan3A_193 = arith.constant 0 : i32
    %scan3A_194 = arith.constant 0 : i32
    %scan3A_195 = arith.constant 32 : i32
    %scan3A_196 = arith.addi %scan3A_194, %scan3A_195 : i32
    %scan3A_197 = arith.constant 1 : i32
    %scan3A_198 = scf.for %scan3A_280 = %scan3A_194 to %scan3A_196 step %scan3A_197 iter_args(%scan3A_281 = %scan3A_193) -> (i32)  : i32 {
      %mul3A_282 = arith.constant 16 : i32
      %mul3A_283 = arith.muli %scan3A_280, %mul3A_282 : i32
      %get3A = arith.index_cast %mul3A_283 : i32 to index
      %get3A_284 = tpu.vector_load %arg17[%get3A] {strides = array<i32>} : memref<512xf32, #tpu.memory_space<vmem>>, vector<16xf32>,
      %get3A_285 = arith.index_cast %mul3A_283 : i32 to index
      %get3A_286 = tpu.vector_load %arg16[%get3A_285] {strides = array<i32>} : memref<512xf32, #tpu.memory_space<vmem>>, vector<16xf32>,
      %add3A_287 = arith.addf %get3A_284, %get3A_286 : vector<16xf32>
      %swap3A = arith.index_cast %mul3A_283 : i32 to index
      %swap3A_288 = tpu.vector_load %arg17[%swap3A] {strides = array<i32>} : memref<512xf32, #tpu.memory_space<vmem>>, vector<16xf32>,
      tpu.vector_store %arg17[%swap3A], %add3A_287 {strides = array<i32>} : memref<512xf32, #tpu.memory_space<vmem>>, vector<16xf32>,
      %scan3A_289 = arith.constant 0 : i32
      scf.yield %scan3A_289 : i32
    }
    %scan3A_199 = arith.constant 32 : i32
    %run_scoped3A_200 = arith.constant 6 : i32
    "tpu.region"() ({
      %run_scoped3A_280 = tpu.sem_alloc : memref<!tpu.dma_semaphore, #tpu.memory_space<semaphore_mem>>
      %dma_start3A = tpu.memref_slice %arg19[%run_scoped3A_200, %multiple_of3A_38] : memref<16x8192xf32, #tpu.memory_space<vmem_shared>> -> memref<1x512xf32, #tpu.memory_space<vmem_shared>>
      %dma_start3A_281 = tpu.memref_squeeze %dma_start3A : memref<1x512xf32, #tpu.memory_space<vmem_shared>> -> memref<512xf32, #tpu.memory_space<vmem_shared>>
      %dma_start3A_282 = tpu.memref_slice %arg19[%run_scoped3A_200, %multiple_of3A_38] : memref<16x8192xf32, #tpu.memory_space<vmem_shared>> -> memref<1x512xf32, #tpu.memory_space<vmem_shared>>
      %dma_start3A_283 = tpu.memref_squeeze %dma_start3A_282 : memref<1x512xf32, #tpu.memory_space<vmem_shared>> -> memref<512xf32, #tpu.memory_space<vmem_shared>>
      tpu.enqueue_dma source(%dma_start3A_283 : memref<512xf32, #tpu.memory_space<vmem_shared>>) target(%arg16 : memref<512xf32, #tpu.memory_space<vmem>>) target_semaphore(%run_scoped3A_280 : memref<!tpu.dma_semaphore, #tpu.memory_space<semaphore_mem>>)
      %dma_wait3A_284 = tpu.memref_slice %arg19[%run_scoped3A_200, %multiple_of3A_38] : memref<16x8192xf32, #tpu.memory_space<vmem_shared>> -> memref<1x512xf32, #tpu.memory_space<vmem_shared>>
      %dma_wait3A_285 = tpu.memref_squeeze %dma_wait3A_284 : memref<1x512xf32, #tpu.memory_space<vmem_shared>> -> memref<512xf32, #tpu.memory_space<vmem_shared>>
      %dma_wait3A_286 = tpu.memref_slice %arg19[%run_scoped3A_200, %multiple_of3A_38] : memref<16x8192xf32, #tpu.memory_space<vmem_shared>> -> memref<1x512xf32, #tpu.memory_space<vmem_shared>>
      %dma_wait3A_287 = tpu.memref_squeeze %dma_wait3A_286 : memref<1x512xf32, #tpu.memory_space<vmem_shared>> -> memref<512xf32, #tpu.memory_space<vmem_shared>>
      tpu.wait_dma2 semaphore(%run_scoped3A_280 : memref<!tpu.dma_semaphore, #tpu.memory_space<semaphore_mem>>) src(%dma_wait3A_287 : memref<512xf32, #tpu.memory_space<vmem_shared>>) dst(%arg16 : memref<512xf32, #tpu.memory_space<vmem>>)
      tpu.yield
    }) : () -> ()
    %scan3A_201 = arith.constant 0 : i32
    %scan3A_202 = arith.constant 0 : i32
    %scan3A_203 = arith.constant 32 : i32
    %scan3A_204 = arith.addi %scan3A_202, %scan3A_203 : i32
    %scan3A_205 = arith.constant 1 : i32
    %scan3A_206 = scf.for %scan3A_280 = %scan3A_202 to %scan3A_204 step %scan3A_205 iter_args(%scan3A_281 = %scan3A_201) -> (i32)  : i32 {
      %mul3A_282 = arith.constant 16 : i32
      %mul3A_283 = arith.muli %scan3A_280, %mul3A_282 : i32
      %get3A = arith.index_cast %mul3A_283 : i32 to index
      %get3A_284 = tpu.vector_load %arg17[%get3A] {strides = array<i32>} : memref<512xf32, #tpu.memory_space<vmem>>, vector<16xf32>,
      %get3A_285 = arith.index_cast %mul3A_283 : i32 to index
      %get3A_286 = tpu.vector_load %arg16[%get3A_285] {strides = array<i32>} : memref<512xf32, #tpu.memory_space<vmem>>, vector<16xf32>,
      %add3A_287 = arith.addf %get3A_284, %get3A_286 : vector<16xf32>
      %swap3A = arith.index_cast %mul3A_283 : i32 to index
      %swap3A_288 = tpu.vector_load %arg17[%swap3A] {strides = array<i32>} : memref<512xf32, #tpu.memory_space<vmem>>, vector<16xf32>,
      tpu.vector_store %arg17[%swap3A], %add3A_287 {strides = array<i32>} : memref<512xf32, #tpu.memory_space<vmem>>, vector<16xf32>,
      %scan3A_289 = arith.constant 0 : i32
      scf.yield %scan3A_289 : i32
    }
    %scan3A_207 = arith.constant 32 : i32
    %run_scoped3A_208 = arith.constant 7 : i32
    "tpu.region"() ({
      %run_scoped3A_280 = tpu.sem_alloc : memref<!tpu.dma_semaphore, #tpu.memory_space<semaphore_mem>>
      %dma_start3A = tpu.memref_slice %arg19[%run_scoped3A_208, %multiple_of3A_38] : memref<16x8192xf32, #tpu.memory_space<vmem_shared>> -> memref<1x512xf32, #tpu.memory_space<vmem_shared>>
      %dma_start3A_281 = tpu.memref_squeeze %dma_start3A : memref<1x512xf32, #tpu.memory_space<vmem_shared>> -> memref<512xf32, #tpu.memory_space<vmem_shared>>
      %dma_start3A_282 = tpu.memref_slice %arg19[%run_scoped3A_208, %multiple_of3A_38] : memref<16x8192xf32, #tpu.memory_space<vmem_shared>> -> memref<1x512xf32, #tpu.memory_space<vmem_shared>>
      %dma_start3A_283 = tpu.memref_squeeze %dma_start3A_282 : memref<1x512xf32, #tpu.memory_space<vmem_shared>> -> memref<512xf32, #tpu.memory_space<vmem_shared>>
      tpu.enqueue_dma source(%dma_start3A_283 : memref<512xf32, #tpu.memory_space<vmem_shared>>) target(%arg16 : memref<512xf32, #tpu.memory_space<vmem>>) target_semaphore(%run_scoped3A_280 : memref<!tpu.dma_semaphore, #tpu.memory_space<semaphore_mem>>)
      %dma_wait3A_284 = tpu.memref_slice %arg19[%run_scoped3A_208, %multiple_of3A_38] : memref<16x8192xf32, #tpu.memory_space<vmem_shared>> -> memref<1x512xf32, #tpu.memory_space<vmem_shared>>
      %dma_wait3A_285 = tpu.memref_squeeze %dma_wait3A_284 : memref<1x512xf32, #tpu.memory_space<vmem_shared>> -> memref<512xf32, #tpu.memory_space<vmem_shared>>
      %dma_wait3A_286 = tpu.memref_slice %arg19[%run_scoped3A_208, %multiple_of3A_38] : memref<16x8192xf32, #tpu.memory_space<vmem_shared>> -> memref<1x512xf32, #tpu.memory_space<vmem_shared>>
      %dma_wait3A_287 = tpu.memref_squeeze %dma_wait3A_286 : memref<1x512xf32, #tpu.memory_space<vmem_shared>> -> memref<512xf32, #tpu.memory_space<vmem_shared>>
      tpu.wait_dma2 semaphore(%run_scoped3A_280 : memref<!tpu.dma_semaphore, #tpu.memory_space<semaphore_mem>>) src(%dma_wait3A_287 : memref<512xf32, #tpu.memory_space<vmem_shared>>) dst(%arg16 : memref<512xf32, #tpu.memory_space<vmem>>)
      tpu.yield
    }) : () -> ()
    %scan3A_209 = arith.constant 0 : i32
    %scan3A_210 = arith.constant 0 : i32
    %scan3A_211 = arith.constant 32 : i32
    %scan3A_212 = arith.addi %scan3A_210, %scan3A_211 : i32
    %scan3A_213 = arith.constant 1 : i32
    %scan3A_214 = scf.for %scan3A_280 = %scan3A_210 to %scan3A_212 step %scan3A_213 iter_args(%scan3A_281 = %scan3A_209) -> (i32)  : i32 {
      %mul3A_282 = arith.constant 16 : i32
      %mul3A_283 = arith.muli %scan3A_280, %mul3A_282 : i32
      %get3A = arith.index_cast %mul3A_283 : i32 to index
      %get3A_284 = tpu.vector_load %arg17[%get3A] {strides = array<i32>} : memref<512xf32, #tpu.memory_space<vmem>>, vector<16xf32>,
      %get3A_285 = arith.index_cast %mul3A_283 : i32 to index
      %get3A_286 = tpu.vector_load %arg16[%get3A_285] {strides = array<i32>} : memref<512xf32, #tpu.memory_space<vmem>>, vector<16xf32>,
      %add3A_287 = arith.addf %get3A_284, %get3A_286 : vector<16xf32>
      %swap3A = arith.index_cast %mul3A_283 : i32 to index
      %swap3A_288 = tpu.vector_load %arg17[%swap3A] {strides = array<i32>} : memref<512xf32, #tpu.memory_space<vmem>>, vector<16xf32>,
      tpu.vector_store %arg17[%swap3A], %add3A_287 {strides = array<i32>} : memref<512xf32, #tpu.memory_space<vmem>>, vector<16xf32>,
      %scan3A_289 = arith.constant 0 : i32
      scf.yield %scan3A_289 : i32
    }
    %scan3A_215 = arith.constant 32 : i32
    %run_scoped3A_216 = arith.constant 8 : i32
    "tpu.region"() ({
      %run_scoped3A_280 = tpu.sem_alloc : memref<!tpu.dma_semaphore, #tpu.memory_space<semaphore_mem>>
      %dma_start3A = tpu.memref_slice %arg19[%run_scoped3A_216, %multiple_of3A_38] : memref<16x8192xf32, #tpu.memory_space<vmem_shared>> -> memref<1x512xf32, #tpu.memory_space<vmem_shared>>
      %dma_start3A_281 = tpu.memref_squeeze %dma_start3A : memref<1x512xf32, #tpu.memory_space<vmem_shared>> -> memref<512xf32, #tpu.memory_space<vmem_shared>>
      %dma_start3A_282 = tpu.memref_slice %arg19[%run_scoped3A_216, %multiple_of3A_38] : memref<16x8192xf32, #tpu.memory_space<vmem_shared>> -> memref<1x512xf32, #tpu.memory_space<vmem_shared>>
      %dma_start3A_283 = tpu.memref_squeeze %dma_start3A_282 : memref<1x512xf32, #tpu.memory_space<vmem_shared>> -> memref<512xf32, #tpu.memory_space<vmem_shared>>
      tpu.enqueue_dma source(%dma_start3A_283 : memref<512xf32, #tpu.memory_space<vmem_shared>>) target(%arg16 : memref<512xf32, #tpu.memory_space<vmem>>) target_semaphore(%run_scoped3A_280 : memref<!tpu.dma_semaphore, #tpu.memory_space<semaphore_mem>>)
      %dma_wait3A_284 = tpu.memref_slice %arg19[%run_scoped3A_216, %multiple_of3A_38] : memref<16x8192xf32, #tpu.memory_space<vmem_shared>> -> memref<1x512xf32, #tpu.memory_space<vmem_shared>>
      %dma_wait3A_285 = tpu.memref_squeeze %dma_wait3A_284 : memref<1x512xf32, #tpu.memory_space<vmem_shared>> -> memref<512xf32, #tpu.memory_space<vmem_shared>>
      %dma_wait3A_286 = tpu.memref_slice %arg19[%run_scoped3A_216, %multiple_of3A_38] : memref<16x8192xf32, #tpu.memory_space<vmem_shared>> -> memref<1x512xf32, #tpu.memory_space<vmem_shared>>
      %dma_wait3A_287 = tpu.memref_squeeze %dma_wait3A_286 : memref<1x512xf32, #tpu.memory_space<vmem_shared>> -> memref<512xf32, #tpu.memory_space<vmem_shared>>
      tpu.wait_dma2 semaphore(%run_scoped3A_280 : memref<!tpu.dma_semaphore, #tpu.memory_space<semaphore_mem>>) src(%dma_wait3A_287 : memref<512xf32, #tpu.memory_space<vmem_shared>>) dst(%arg16 : memref<512xf32, #tpu.memory_space<vmem>>)
      tpu.yield
    }) : () -> ()
    %scan3A_217 = arith.constant 0 : i32
    %scan3A_218 = arith.constant 0 : i32
    %scan3A_219 = arith.constant 32 : i32
    %scan3A_220 = arith.addi %scan3A_218, %scan3A_219 : i32
    %scan3A_221 = arith.constant 1 : i32
    %scan3A_222 = scf.for %scan3A_280 = %scan3A_218 to %scan3A_220 step %scan3A_221 iter_args(%scan3A_281 = %scan3A_217) -> (i32)  : i32 {
      %mul3A_282 = arith.constant 16 : i32
      %mul3A_283 = arith.muli %scan3A_280, %mul3A_282 : i32
      %get3A = arith.index_cast %mul3A_283 : i32 to index
      %get3A_284 = tpu.vector_load %arg17[%get3A] {strides = array<i32>} : memref<512xf32, #tpu.memory_space<vmem>>, vector<16xf32>,
      %get3A_285 = arith.index_cast %mul3A_283 : i32 to index
      %get3A_286 = tpu.vector_load %arg16[%get3A_285] {strides = array<i32>} : memref<512xf32, #tpu.memory_space<vmem>>, vector<16xf32>,
      %add3A_287 = arith.addf %get3A_284, %get3A_286 : vector<16xf32>
      %swap3A = arith.index_cast %mul3A_283 : i32 to index
      %swap3A_288 = tpu.vector_load %arg17[%swap3A] {strides = array<i32>} : memref<512xf32, #tpu.memory_space<vmem>>, vector<16xf32>,
      tpu.vector_store %arg17[%swap3A], %add3A_287 {strides = array<i32>} : memref<512xf32, #tpu.memory_space<vmem>>, vector<16xf32>,
      %scan3A_289 = arith.constant 0 : i32
      scf.yield %scan3A_289 : i32
    }
    %scan3A_223 = arith.constant 32 : i32
    %run_scoped3A_224 = arith.constant 9 : i32
    "tpu.region"() ({
      %run_scoped3A_280 = tpu.sem_alloc : memref<!tpu.dma_semaphore, #tpu.memory_space<semaphore_mem>>
      %dma_start3A = tpu.memref_slice %arg19[%run_scoped3A_224, %multiple_of3A_38] : memref<16x8192xf32, #tpu.memory_space<vmem_shared>> -> memref<1x512xf32, #tpu.memory_space<vmem_shared>>
      %dma_start3A_281 = tpu.memref_squeeze %dma_start3A : memref<1x512xf32, #tpu.memory_space<vmem_shared>> -> memref<512xf32, #tpu.memory_space<vmem_shared>>
      %dma_start3A_282 = tpu.memref_slice %arg19[%run_scoped3A_224, %multiple_of3A_38] : memref<16x8192xf32, #tpu.memory_space<vmem_shared>> -> memref<1x512xf32, #tpu.memory_space<vmem_shared>>
      %dma_start3A_283 = tpu.memref_squeeze %dma_start3A_282 : memref<1x512xf32, #tpu.memory_space<vmem_shared>> -> memref<512xf32, #tpu.memory_space<vmem_shared>>
      tpu.enqueue_dma source(%dma_start3A_283 : memref<512xf32, #tpu.memory_space<vmem_shared>>) target(%arg16 : memref<512xf32, #tpu.memory_space<vmem>>) target_semaphore(%run_scoped3A_280 : memref<!tpu.dma_semaphore, #tpu.memory_space<semaphore_mem>>)
      %dma_wait3A_284 = tpu.memref_slice %arg19[%run_scoped3A_224, %multiple_of3A_38] : memref<16x8192xf32, #tpu.memory_space<vmem_shared>> -> memref<1x512xf32, #tpu.memory_space<vmem_shared>>
      %dma_wait3A_285 = tpu.memref_squeeze %dma_wait3A_284 : memref<1x512xf32, #tpu.memory_space<vmem_shared>> -> memref<512xf32, #tpu.memory_space<vmem_shared>>
      %dma_wait3A_286 = tpu.memref_slice %arg19[%run_scoped3A_224, %multiple_of3A_38] : memref<16x8192xf32, #tpu.memory_space<vmem_shared>> -> memref<1x512xf32, #tpu.memory_space<vmem_shared>>
      %dma_wait3A_287 = tpu.memref_squeeze %dma_wait3A_286 : memref<1x512xf32, #tpu.memory_space<vmem_shared>> -> memref<512xf32, #tpu.memory_space<vmem_shared>>
      tpu.wait_dma2 semaphore(%run_scoped3A_280 : memref<!tpu.dma_semaphore, #tpu.memory_space<semaphore_mem>>) src(%dma_wait3A_287 : memref<512xf32, #tpu.memory_space<vmem_shared>>) dst(%arg16 : memref<512xf32, #tpu.memory_space<vmem>>)
      tpu.yield
    }) : () -> ()
    %scan3A_225 = arith.constant 0 : i32
    %scan3A_226 = arith.constant 0 : i32
    %scan3A_227 = arith.constant 32 : i32
    %scan3A_228 = arith.addi %scan3A_226, %scan3A_227 : i32
    %scan3A_229 = arith.constant 1 : i32
    %scan3A_230 = scf.for %scan3A_280 = %scan3A_226 to %scan3A_228 step %scan3A_229 iter_args(%scan3A_281 = %scan3A_225) -> (i32)  : i32 {
      %mul3A_282 = arith.constant 16 : i32
      %mul3A_283 = arith.muli %scan3A_280, %mul3A_282 : i32
      %get3A = arith.index_cast %mul3A_283 : i32 to index
      %get3A_284 = tpu.vector_load %arg17[%get3A] {strides = array<i32>} : memref<512xf32, #tpu.memory_space<vmem>>, vector<16xf32>,
      %get3A_285 = arith.index_cast %mul3A_283 : i32 to index
      %get3A_286 = tpu.vector_load %arg16[%get3A_285] {strides = array<i32>} : memref<512xf32, #tpu.memory_space<vmem>>, vector<16xf32>,
      %add3A_287 = arith.addf %get3A_284, %get3A_286 : vector<16xf32>
      %swap3A = arith.index_cast %mul3A_283 : i32 to index
      %swap3A_288 = tpu.vector_load %arg17[%swap3A] {strides = array<i32>} : memref<512xf32, #tpu.memory_space<vmem>>, vector<16xf32>,
      tpu.vector_store %arg17[%swap3A], %add3A_287 {strides = array<i32>} : memref<512xf32, #tpu.memory_space<vmem>>, vector<16xf32>,
      %scan3A_289 = arith.constant 0 : i32
      scf.yield %scan3A_289 : i32
    }
    %scan3A_231 = arith.constant 32 : i32
    %run_scoped3A_232 = arith.constant 10 : i32
    "tpu.region"() ({
      %run_scoped3A_280 = tpu.sem_alloc : memref<!tpu.dma_semaphore, #tpu.memory_space<semaphore_mem>>
      %dma_start3A = tpu.memref_slice %arg19[%run_scoped3A_232, %multiple_of3A_38] : memref<16x8192xf32, #tpu.memory_space<vmem_shared>> -> memref<1x512xf32, #tpu.memory_space<vmem_shared>>
      %dma_start3A_281 = tpu.memref_squeeze %dma_start3A : memref<1x512xf32, #tpu.memory_space<vmem_shared>> -> memref<512xf32, #tpu.memory_space<vmem_shared>>
      %dma_start3A_282 = tpu.memref_slice %arg19[%run_scoped3A_232, %multiple_of3A_38] : memref<16x8192xf32, #tpu.memory_space<vmem_shared>> -> memref<1x512xf32, #tpu.memory_space<vmem_shared>>
      %dma_start3A_283 = tpu.memref_squeeze %dma_start3A_282 : memref<1x512xf32, #tpu.memory_space<vmem_shared>> -> memref<512xf32, #tpu.memory_space<vmem_shared>>
      tpu.enqueue_dma source(%dma_start3A_283 : memref<512xf32, #tpu.memory_space<vmem_shared>>) target(%arg16 : memref<512xf32, #tpu.memory_space<vmem>>) target_semaphore(%run_scoped3A_280 : memref<!tpu.dma_semaphore, #tpu.memory_space<semaphore_mem>>)
      %dma_wait3A_284 = tpu.memref_slice %arg19[%run_scoped3A_232, %multiple_of3A_38] : memref<16x8192xf32, #tpu.memory_space<vmem_shared>> -> memref<1x512xf32, #tpu.memory_space<vmem_shared>>
      %dma_wait3A_285 = tpu.memref_squeeze %dma_wait3A_284 : memref<1x512xf32, #tpu.memory_space<vmem_shared>> -> memref<512xf32, #tpu.memory_space<vmem_shared>>
      %dma_wait3A_286 = tpu.memref_slice %arg19[%run_scoped3A_232, %multiple_of3A_38] : memref<16x8192xf32, #tpu.memory_space<vmem_shared>> -> memref<1x512xf32, #tpu.memory_space<vmem_shared>>
      %dma_wait3A_287 = tpu.memref_squeeze %dma_wait3A_286 : memref<1x512xf32, #tpu.memory_space<vmem_shared>> -> memref<512xf32, #tpu.memory_space<vmem_shared>>
      tpu.wait_dma2 semaphore(%run_scoped3A_280 : memref<!tpu.dma_semaphore, #tpu.memory_space<semaphore_mem>>) src(%dma_wait3A_287 : memref<512xf32, #tpu.memory_space<vmem_shared>>) dst(%arg16 : memref<512xf32, #tpu.memory_space<vmem>>)
      tpu.yield
    }) : () -> ()
    %scan3A_233 = arith.constant 0 : i32
    %scan3A_234 = arith.constant 0 : i32
    %scan3A_235 = arith.constant 32 : i32
    %scan3A_236 = arith.addi %scan3A_234, %scan3A_235 : i32
    %scan3A_237 = arith.constant 1 : i32
    %scan3A_238 = scf.for %scan3A_280 = %scan3A_234 to %scan3A_236 step %scan3A_237 iter_args(%scan3A_281 = %scan3A_233) -> (i32)  : i32 {
      %mul3A_282 = arith.constant 16 : i32
      %mul3A_283 = arith.muli %scan3A_280, %mul3A_282 : i32
      %get3A = arith.index_cast %mul3A_283 : i32 to index
      %get3A_284 = tpu.vector_load %arg17[%get3A] {strides = array<i32>} : memref<512xf32, #tpu.memory_space<vmem>>, vector<16xf32>,
      %get3A_285 = arith.index_cast %mul3A_283 : i32 to index
      %get3A_286 = tpu.vector_load %arg16[%get3A_285] {strides = array<i32>} : memref<512xf32, #tpu.memory_space<vmem>>, vector<16xf32>,
      %add3A_287 = arith.addf %get3A_284, %get3A_286 : vector<16xf32>
      %swap3A = arith.index_cast %mul3A_283 : i32 to index
      %swap3A_288 = tpu.vector_load %arg17[%swap3A] {strides = array<i32>} : memref<512xf32, #tpu.memory_space<vmem>>, vector<16xf32>,
      tpu.vector_store %arg17[%swap3A], %add3A_287 {strides = array<i32>} : memref<512xf32, #tpu.memory_space<vmem>>, vector<16xf32>,
      %scan3A_289 = arith.constant 0 : i32
      scf.yield %scan3A_289 : i32
    }
    %scan3A_239 = arith.constant 32 : i32
    %run_scoped3A_240 = arith.constant 11 : i32
    "tpu.region"() ({
      %run_scoped3A_280 = tpu.sem_alloc : memref<!tpu.dma_semaphore, #tpu.memory_space<semaphore_mem>>
      %dma_start3A = tpu.memref_slice %arg19[%run_scoped3A_240, %multiple_of3A_38] : memref<16x8192xf32, #tpu.memory_space<vmem_shared>> -> memref<1x512xf32, #tpu.memory_space<vmem_shared>>
      %dma_start3A_281 = tpu.memref_squeeze %dma_start3A : memref<1x512xf32, #tpu.memory_space<vmem_shared>> -> memref<512xf32, #tpu.memory_space<vmem_shared>>
      %dma_start3A_282 = tpu.memref_slice %arg19[%run_scoped3A_240, %multiple_of3A_38] : memref<16x8192xf32, #tpu.memory_space<vmem_shared>> -> memref<1x512xf32, #tpu.memory_space<vmem_shared>>
      %dma_start3A_283 = tpu.memref_squeeze %dma_start3A_282 : memref<1x512xf32, #tpu.memory_space<vmem_shared>> -> memref<512xf32, #tpu.memory_space<vmem_shared>>
      tpu.enqueue_dma source(%dma_start3A_283 : memref<512xf32, #tpu.memory_space<vmem_shared>>) target(%arg16 : memref<512xf32, #tpu.memory_space<vmem>>) target_semaphore(%run_scoped3A_280 : memref<!tpu.dma_semaphore, #tpu.memory_space<semaphore_mem>>)
      %dma_wait3A_284 = tpu.memref_slice %arg19[%run_scoped3A_240, %multiple_of3A_38] : memref<16x8192xf32, #tpu.memory_space<vmem_shared>> -> memref<1x512xf32, #tpu.memory_space<vmem_shared>>
      %dma_wait3A_285 = tpu.memref_squeeze %dma_wait3A_284 : memref<1x512xf32, #tpu.memory_space<vmem_shared>> -> memref<512xf32, #tpu.memory_space<vmem_shared>>
      %dma_wait3A_286 = tpu.memref_slice %arg19[%run_scoped3A_240, %multiple_of3A_38] : memref<16x8192xf32, #tpu.memory_space<vmem_shared>> -> memref<1x512xf32, #tpu.memory_space<vmem_shared>>
      %dma_wait3A_287 = tpu.memref_squeeze %dma_wait3A_286 : memref<1x512xf32, #tpu.memory_space<vmem_shared>> -> memref<512xf32, #tpu.memory_space<vmem_shared>>
      tpu.wait_dma2 semaphore(%run_scoped3A_280 : memref<!tpu.dma_semaphore, #tpu.memory_space<semaphore_mem>>) src(%dma_wait3A_287 : memref<512xf32, #tpu.memory_space<vmem_shared>>) dst(%arg16 : memref<512xf32, #tpu.memory_space<vmem>>)
      tpu.yield
    }) : () -> ()
    %scan3A_241 = arith.constant 0 : i32
    %scan3A_242 = arith.constant 0 : i32
    %scan3A_243 = arith.constant 32 : i32
    %scan3A_244 = arith.addi %scan3A_242, %scan3A_243 : i32
    %scan3A_245 = arith.constant 1 : i32
    %scan3A_246 = scf.for %scan3A_280 = %scan3A_242 to %scan3A_244 step %scan3A_245 iter_args(%scan3A_281 = %scan3A_241) -> (i32)  : i32 {
      %mul3A_282 = arith.constant 16 : i32
      %mul3A_283 = arith.muli %scan3A_280, %mul3A_282 : i32
      %get3A = arith.index_cast %mul3A_283 : i32 to index
      %get3A_284 = tpu.vector_load %arg17[%get3A] {strides = array<i32>} : memref<512xf32, #tpu.memory_space<vmem>>, vector<16xf32>,
      %get3A_285 = arith.index_cast %mul3A_283 : i32 to index
      %get3A_286 = tpu.vector_load %arg16[%get3A_285] {strides = array<i32>} : memref<512xf32, #tpu.memory_space<vmem>>, vector<16xf32>,
      %add3A_287 = arith.addf %get3A_284, %get3A_286 : vector<16xf32>
      %swap3A = arith.index_cast %mul3A_283 : i32 to index
      %swap3A_288 = tpu.vector_load %arg17[%swap3A] {strides = array<i32>} : memref<512xf32, #tpu.memory_space<vmem>>, vector<16xf32>,
      tpu.vector_store %arg17[%swap3A], %add3A_287 {strides = array<i32>} : memref<512xf32, #tpu.memory_space<vmem>>, vector<16xf32>,
      %scan3A_289 = arith.constant 0 : i32
      scf.yield %scan3A_289 : i32
    }
    %scan3A_247 = arith.constant 32 : i32
    %run_scoped3A_248 = arith.constant 12 : i32
    "tpu.region"() ({
      %run_scoped3A_280 = tpu.sem_alloc : memref<!tpu.dma_semaphore, #tpu.memory_space<semaphore_mem>>
      %dma_start3A = tpu.memref_slice %arg19[%run_scoped3A_248, %multiple_of3A_38] : memref<16x8192xf32, #tpu.memory_space<vmem_shared>> -> memref<1x512xf32, #tpu.memory_space<vmem_shared>>
      %dma_start3A_281 = tpu.memref_squeeze %dma_start3A : memref<1x512xf32, #tpu.memory_space<vmem_shared>> -> memref<512xf32, #tpu.memory_space<vmem_shared>>
      %dma_start3A_282 = tpu.memref_slice %arg19[%run_scoped3A_248, %multiple_of3A_38] : memref<16x8192xf32, #tpu.memory_space<vmem_shared>> -> memref<1x512xf32, #tpu.memory_space<vmem_shared>>
      %dma_start3A_283 = tpu.memref_squeeze %dma_start3A_282 : memref<1x512xf32, #tpu.memory_space<vmem_shared>> -> memref<512xf32, #tpu.memory_space<vmem_shared>>
      tpu.enqueue_dma source(%dma_start3A_283 : memref<512xf32, #tpu.memory_space<vmem_shared>>) target(%arg16 : memref<512xf32, #tpu.memory_space<vmem>>) target_semaphore(%run_scoped3A_280 : memref<!tpu.dma_semaphore, #tpu.memory_space<semaphore_mem>>)
      %dma_wait3A_284 = tpu.memref_slice %arg19[%run_scoped3A_248, %multiple_of3A_38] : memref<16x8192xf32, #tpu.memory_space<vmem_shared>> -> memref<1x512xf32, #tpu.memory_space<vmem_shared>>
      %dma_wait3A_285 = tpu.memref_squeeze %dma_wait3A_284 : memref<1x512xf32, #tpu.memory_space<vmem_shared>> -> memref<512xf32, #tpu.memory_space<vmem_shared>>
      %dma_wait3A_286 = tpu.memref_slice %arg19[%run_scoped3A_248, %multiple_of3A_38] : memref<16x8192xf32, #tpu.memory_space<vmem_shared>> -> memref<1x512xf32, #tpu.memory_space<vmem_shared>>
      %dma_wait3A_287 = tpu.memref_squeeze %dma_wait3A_286 : memref<1x512xf32, #tpu.memory_space<vmem_shared>> -> memref<512xf32, #tpu.memory_space<vmem_shared>>
      tpu.wait_dma2 semaphore(%run_scoped3A_280 : memref<!tpu.dma_semaphore, #tpu.memory_space<semaphore_mem>>) src(%dma_wait3A_287 : memref<512xf32, #tpu.memory_space<vmem_shared>>) dst(%arg16 : memref<512xf32, #tpu.memory_space<vmem>>)
      tpu.yield
    }) : () -> ()
    %scan3A_249 = arith.constant 0 : i32
    %scan3A_250 = arith.constant 0 : i32
    %scan3A_251 = arith.constant 32 : i32
    %scan3A_252 = arith.addi %scan3A_250, %scan3A_251 : i32
    %scan3A_253 = arith.constant 1 : i32
    %scan3A_254 = scf.for %scan3A_280 = %scan3A_250 to %scan3A_252 step %scan3A_253 iter_args(%scan3A_281 = %scan3A_249) -> (i32)  : i32 {
      %mul3A_282 = arith.constant 16 : i32
      %mul3A_283 = arith.muli %scan3A_280, %mul3A_282 : i32
      %get3A = arith.index_cast %mul3A_283 : i32 to index
      %get3A_284 = tpu.vector_load %arg17[%get3A] {strides = array<i32>} : memref<512xf32, #tpu.memory_space<vmem>>, vector<16xf32>,
      %get3A_285 = arith.index_cast %mul3A_283 : i32 to index
      %get3A_286 = tpu.vector_load %arg16[%get3A_285] {strides = array<i32>} : memref<512xf32, #tpu.memory_space<vmem>>, vector<16xf32>,
      %add3A_287 = arith.addf %get3A_284, %get3A_286 : vector<16xf32>
      %swap3A = arith.index_cast %mul3A_283 : i32 to index
      %swap3A_288 = tpu.vector_load %arg17[%swap3A] {strides = array<i32>} : memref<512xf32, #tpu.memory_space<vmem>>, vector<16xf32>,
      tpu.vector_store %arg17[%swap3A], %add3A_287 {strides = array<i32>} : memref<512xf32, #tpu.memory_space<vmem>>, vector<16xf32>,
      %scan3A_289 = arith.constant 0 : i32
      scf.yield %scan3A_289 : i32
    }
    %scan3A_255 = arith.constant 32 : i32
    %run_scoped3A_256 = arith.constant 13 : i32
    "tpu.region"() ({
      %run_scoped3A_280 = tpu.sem_alloc : memref<!tpu.dma_semaphore, #tpu.memory_space<semaphore_mem>>
      %dma_start3A = tpu.memref_slice %arg19[%run_scoped3A_256, %multiple_of3A_38] : memref<16x8192xf32, #tpu.memory_space<vmem_shared>> -> memref<1x512xf32, #tpu.memory_space<vmem_shared>>
      %dma_start3A_281 = tpu.memref_squeeze %dma_start3A : memref<1x512xf32, #tpu.memory_space<vmem_shared>> -> memref<512xf32, #tpu.memory_space<vmem_shared>>
      %dma_start3A_282 = tpu.memref_slice %arg19[%run_scoped3A_256, %multiple_of3A_38] : memref<16x8192xf32, #tpu.memory_space<vmem_shared>> -> memref<1x512xf32, #tpu.memory_space<vmem_shared>>
      %dma_start3A_283 = tpu.memref_squeeze %dma_start3A_282 : memref<1x512xf32, #tpu.memory_space<vmem_shared>> -> memref<512xf32, #tpu.memory_space<vmem_shared>>
      tpu.enqueue_dma source(%dma_start3A_283 : memref<512xf32, #tpu.memory_space<vmem_shared>>) target(%arg16 : memref<512xf32, #tpu.memory_space<vmem>>) target_semaphore(%run_scoped3A_280 : memref<!tpu.dma_semaphore, #tpu.memory_space<semaphore_mem>>)
      %dma_wait3A_284 = tpu.memref_slice %arg19[%run_scoped3A_256, %multiple_of3A_38] : memref<16x8192xf32, #tpu.memory_space<vmem_shared>> -> memref<1x512xf32, #tpu.memory_space<vmem_shared>>
      %dma_wait3A_285 = tpu.memref_squeeze %dma_wait3A_284 : memref<1x512xf32, #tpu.memory_space<vmem_shared>> -> memref<512xf32, #tpu.memory_space<vmem_shared>>
      %dma_wait3A_286 = tpu.memref_slice %arg19[%run_scoped3A_256, %multiple_of3A_38] : memref<16x8192xf32, #tpu.memory_space<vmem_shared>> -> memref<1x512xf32, #tpu.memory_space<vmem_shared>>
      %dma_wait3A_287 = tpu.memref_squeeze %dma_wait3A_286 : memref<1x512xf32, #tpu.memory_space<vmem_shared>> -> memref<512xf32, #tpu.memory_space<vmem_shared>>
      tpu.wait_dma2 semaphore(%run_scoped3A_280 : memref<!tpu.dma_semaphore, #tpu.memory_space<semaphore_mem>>) src(%dma_wait3A_287 : memref<512xf32, #tpu.memory_space<vmem_shared>>) dst(%arg16 : memref<512xf32, #tpu.memory_space<vmem>>)
      tpu.yield
    }) : () -> ()
    %scan3A_257 = arith.constant 0 : i32
    %scan3A_258 = arith.constant 0 : i32
    %scan3A_259 = arith.constant 32 : i32
    %scan3A_260 = arith.addi %scan3A_258, %scan3A_259 : i32
    %scan3A_261 = arith.constant 1 : i32
    %scan3A_262 = scf.for %scan3A_280 = %scan3A_258 to %scan3A_260 step %scan3A_261 iter_args(%scan3A_281 = %scan3A_257) -> (i32)  : i32 {
      %mul3A_282 = arith.constant 16 : i32
      %mul3A_283 = arith.muli %scan3A_280, %mul3A_282 : i32
      %get3A = arith.index_cast %mul3A_283 : i32 to index
      %get3A_284 = tpu.vector_load %arg17[%get3A] {strides = array<i32>} : memref<512xf32, #tpu.memory_space<vmem>>, vector<16xf32>,
      %get3A_285 = arith.index_cast %mul3A_283 : i32 to index
      %get3A_286 = tpu.vector_load %arg16[%get3A_285] {strides = array<i32>} : memref<512xf32, #tpu.memory_space<vmem>>, vector<16xf32>,
      %add3A_287 = arith.addf %get3A_284, %get3A_286 : vector<16xf32>
      %swap3A = arith.index_cast %mul3A_283 : i32 to index
      %swap3A_288 = tpu.vector_load %arg17[%swap3A] {strides = array<i32>} : memref<512xf32, #tpu.memory_space<vmem>>, vector<16xf32>,
      tpu.vector_store %arg17[%swap3A], %add3A_287 {strides = array<i32>} : memref<512xf32, #tpu.memory_space<vmem>>, vector<16xf32>,
      %scan3A_289 = arith.constant 0 : i32
      scf.yield %scan3A_289 : i32
    }
    %scan3A_263 = arith.constant 32 : i32
    %run_scoped3A_264 = arith.constant 14 : i32
    "tpu.region"() ({
      %run_scoped3A_280 = tpu.sem_alloc : memref<!tpu.dma_semaphore, #tpu.memory_space<semaphore_mem>>
      %dma_start3A = tpu.memref_slice %arg19[%run_scoped3A_264, %multiple_of3A_38] : memref<16x8192xf32, #tpu.memory_space<vmem_shared>> -> memref<1x512xf32, #tpu.memory_space<vmem_shared>>
      %dma_start3A_281 = tpu.memref_squeeze %dma_start3A : memref<1x512xf32, #tpu.memory_space<vmem_shared>> -> memref<512xf32, #tpu.memory_space<vmem_shared>>
      %dma_start3A_282 = tpu.memref_slice %arg19[%run_scoped3A_264, %multiple_of3A_38] : memref<16x8192xf32, #tpu.memory_space<vmem_shared>> -> memref<1x512xf32, #tpu.memory_space<vmem_shared>>
      %dma_start3A_283 = tpu.memref_squeeze %dma_start3A_282 : memref<1x512xf32, #tpu.memory_space<vmem_shared>> -> memref<512xf32, #tpu.memory_space<vmem_shared>>
      tpu.enqueue_dma source(%dma_start3A_283 : memref<512xf32, #tpu.memory_space<vmem_shared>>) target(%arg16 : memref<512xf32, #tpu.memory_space<vmem>>) target_semaphore(%run_scoped3A_280 : memref<!tpu.dma_semaphore, #tpu.memory_space<semaphore_mem>>)
      %dma_wait3A_284 = tpu.memref_slice %arg19[%run_scoped3A_264, %multiple_of3A_38] : memref<16x8192xf32, #tpu.memory_space<vmem_shared>> -> memref<1x512xf32, #tpu.memory_space<vmem_shared>>
      %dma_wait3A_285 = tpu.memref_squeeze %dma_wait3A_284 : memref<1x512xf32, #tpu.memory_space<vmem_shared>> -> memref<512xf32, #tpu.memory_space<vmem_shared>>
      %dma_wait3A_286 = tpu.memref_slice %arg19[%run_scoped3A_264, %multiple_of3A_38] : memref<16x8192xf32, #tpu.memory_space<vmem_shared>> -> memref<1x512xf32, #tpu.memory_space<vmem_shared>>
      %dma_wait3A_287 = tpu.memref_squeeze %dma_wait3A_286 : memref<1x512xf32, #tpu.memory_space<vmem_shared>> -> memref<512xf32, #tpu.memory_space<vmem_shared>>
      tpu.wait_dma2 semaphore(%run_scoped3A_280 : memref<!tpu.dma_semaphore, #tpu.memory_space<semaphore_mem>>) src(%dma_wait3A_287 : memref<512xf32, #tpu.memory_space<vmem_shared>>) dst(%arg16 : memref<512xf32, #tpu.memory_space<vmem>>)
      tpu.yield
    }) : () -> ()
    %scan3A_265 = arith.constant 0 : i32
    %scan3A_266 = arith.constant 0 : i32
    %scan3A_267 = arith.constant 32 : i32
    %scan3A_268 = arith.addi %scan3A_266, %scan3A_267 : i32
    %scan3A_269 = arith.constant 1 : i32
    %scan3A_270 = scf.for %scan3A_280 = %scan3A_266 to %scan3A_268 step %scan3A_269 iter_args(%scan3A_281 = %scan3A_265) -> (i32)  : i32 {
      %mul3A_282 = arith.constant 16 : i32
      %mul3A_283 = arith.muli %scan3A_280, %mul3A_282 : i32
      %get3A = arith.index_cast %mul3A_283 : i32 to index
      %get3A_284 = tpu.vector_load %arg17[%get3A] {strides = array<i32>} : memref<512xf32, #tpu.memory_space<vmem>>, vector<16xf32>,
      %get3A_285 = arith.index_cast %mul3A_283 : i32 to index
      %get3A_286 = tpu.vector_load %arg16[%get3A_285] {strides = array<i32>} : memref<512xf32, #tpu.memory_space<vmem>>, vector<16xf32>,
      %add3A_287 = arith.addf %get3A_284, %get3A_286 : vector<16xf32>
      %swap3A = arith.index_cast %mul3A_283 : i32 to index
      %swap3A_288 = tpu.vector_load %arg17[%swap3A] {strides = array<i32>} : memref<512xf32, #tpu.memory_space<vmem>>, vector<16xf32>,
      tpu.vector_store %arg17[%swap3A], %add3A_287 {strides = array<i32>} : memref<512xf32, #tpu.memory_space<vmem>>, vector<16xf32>,
      %scan3A_289 = arith.constant 0 : i32
      scf.yield %scan3A_289 : i32
    }
    %scan3A_271 = arith.constant 32 : i32
    %run_scoped3A_272 = arith.constant 15 : i32
    "tpu.region"() ({
      %run_scoped3A_280 = tpu.sem_alloc : memref<!tpu.dma_semaphore, #tpu.memory_space<semaphore_mem>>
      %dma_start3A = tpu.memref_slice %arg19[%run_scoped3A_272, %multiple_of3A_38] : memref<16x8192xf32, #tpu.memory_space<vmem_shared>> -> memref<1x512xf32, #tpu.memory_space<vmem_shared>>
      %dma_start3A_281 = tpu.memref_squeeze %dma_start3A : memref<1x512xf32, #tpu.memory_space<vmem_shared>> -> memref<512xf32, #tpu.memory_space<vmem_shared>>
      %dma_start3A_282 = tpu.memref_slice %arg19[%run_scoped3A_272, %multiple_of3A_38] : memref<16x8192xf32, #tpu.memory_space<vmem_shared>> -> memref<1x512xf32, #tpu.memory_space<vmem_shared>>
      %dma_start3A_283 = tpu.memref_squeeze %dma_start3A_282 : memref<1x512xf32, #tpu.memory_space<vmem_shared>> -> memref<512xf32, #tpu.memory_space<vmem_shared>>
      tpu.enqueue_dma source(%dma_start3A_283 : memref<512xf32, #tpu.memory_space<vmem_shared>>) target(%arg16 : memref<512xf32, #tpu.memory_space<vmem>>) target_semaphore(%run_scoped3A_280 : memref<!tpu.dma_semaphore, #tpu.memory_space<semaphore_mem>>)
      %dma_wait3A_284 = tpu.memref_slice %arg19[%run_scoped3A_272, %multiple_of3A_38] : memref<16x8192xf32, #tpu.memory_space<vmem_shared>> -> memref<1x512xf32, #tpu.memory_space<vmem_shared>>
      %dma_wait3A_285 = tpu.memref_squeeze %dma_wait3A_284 : memref<1x512xf32, #tpu.memory_space<vmem_shared>> -> memref<512xf32, #tpu.memory_space<vmem_shared>>
      %dma_wait3A_286 = tpu.memref_slice %arg19[%run_scoped3A_272, %multiple_of3A_38] : memref<16x8192xf32, #tpu.memory_space<vmem_shared>> -> memref<1x512xf32, #tpu.memory_space<vmem_shared>>
      %dma_wait3A_287 = tpu.memref_squeeze %dma_wait3A_286 : memref<1x512xf32, #tpu.memory_space<vmem_shared>> -> memref<512xf32, #tpu.memory_space<vmem_shared>>
      tpu.wait_dma2 semaphore(%run_scoped3A_280 : memref<!tpu.dma_semaphore, #tpu.memory_space<semaphore_mem>>) src(%dma_wait3A_287 : memref<512xf32, #tpu.memory_space<vmem_shared>>) dst(%arg16 : memref<512xf32, #tpu.memory_space<vmem>>)
      tpu.yield
    }) : () -> ()
    %scan3A_273 = arith.constant 0 : i32
    %scan3A_274 = arith.constant 0 : i32
    %scan3A_275 = arith.constant 32 : i32
    %scan3A_276 = arith.addi %scan3A_274, %scan3A_275 : i32
    %scan3A_277 = arith.constant 1 : i32
    %scan3A_278 = scf.for %scan3A_280 = %scan3A_274 to %scan3A_276 step %scan3A_277 iter_args(%scan3A_281 = %scan3A_273) -> (i32)  : i32 {
      %mul3A_282 = arith.constant 16 : i32
      %mul3A_283 = arith.muli %scan3A_280, %mul3A_282 : i32
      %get3A = arith.index_cast %mul3A_283 : i32 to index
      %get3A_284 = tpu.vector_load %arg17[%get3A] {strides = array<i32>} : memref<512xf32, #tpu.memory_space<vmem>>, vector<16xf32>,
      %get3A_285 = arith.index_cast %mul3A_283 : i32 to index
      %get3A_286 = tpu.vector_load %arg16[%get3A_285] {strides = array<i32>} : memref<512xf32, #tpu.memory_space<vmem>>, vector<16xf32>,
      %add3A_287 = arith.addf %get3A_284, %get3A_286 : vector<16xf32>
      %swap3A = arith.index_cast %mul3A_283 : i32 to index
      %swap3A_288 = tpu.vector_load %arg17[%swap3A] {strides = array<i32>} : memref<512xf32, #tpu.memory_space<vmem>>, vector<16xf32>,
      tpu.vector_store %arg17[%swap3A], %add3A_287 {strides = array<i32>} : memref<512xf32, #tpu.memory_space<vmem>>, vector<16xf32>,
      %scan3A_289 = arith.constant 0 : i32
      scf.yield %scan3A_289 : i32
    }
    %scan3A_279 = arith.constant 32 : i32
    "tpu.region"() ({
      %run_scoped3A_280 = tpu.sem_alloc : memref<!tpu.dma_semaphore, #tpu.memory_space<semaphore_mem>>
      %dma_start3A = arith.constant 0 : i32
      %dma_start3A_281 = tpu.memref_slice %arg8[%arg0, %arg1, %dma_start3A] : memref<2x16x512xf32, #tpu.memory_space<hbm>> -> memref<1x1x512xf32, #tpu.memory_space<hbm>>
      %dma_start3A_282 = tpu.memref_squeeze %dma_start3A_281 : memref<1x1x512xf32, #tpu.memory_space<hbm>> -> memref<512xf32, #tpu.memory_space<hbm>>
      %dma_start3A_283 = arith.constant 0 : i32
      %dma_start3A_284 = tpu.memref_slice %arg8[%arg0, %arg1, %dma_start3A_283] : memref<2x16x512xf32, #tpu.memory_space<hbm>> -> memref<1x1x512xf32, #tpu.memory_space<hbm>>
      %dma_start3A_285 = tpu.memref_squeeze %dma_start3A_284 : memref<1x1x512xf32, #tpu.memory_space<hbm>> -> memref<512xf32, #tpu.memory_space<hbm>>
      tpu.enqueue_dma source(%arg17 : memref<512xf32, #tpu.memory_space<vmem>>) target(%dma_start3A_285 : memref<512xf32, #tpu.memory_space<hbm>>) target_semaphore(%run_scoped3A_280 : memref<!tpu.dma_semaphore, #tpu.memory_space<semaphore_mem>>)
      %dma_wait3A_286 = arith.constant 0 : i32
      %dma_wait3A_287 = tpu.memref_slice %arg8[%arg0, %arg1, %dma_wait3A_286] : memref<2x16x512xf32, #tpu.memory_space<hbm>> -> memref<1x1x512xf32, #tpu.memory_space<hbm>>
      %dma_wait3A_288 = tpu.memref_squeeze %dma_wait3A_287 : memref<1x1x512xf32, #tpu.memory_space<hbm>> -> memref<512xf32, #tpu.memory_space<hbm>>
      %dma_wait3A_289 = arith.constant 0 : i32
      %dma_wait3A_290 = tpu.memref_slice %arg8[%arg0, %arg1, %dma_wait3A_289] : memref<2x16x512xf32, #tpu.memory_space<hbm>> -> memref<1x1x512xf32, #tpu.memory_space<hbm>>
      %dma_wait3A_291 = tpu.memref_squeeze %dma_wait3A_290 : memref<1x1x512xf32, #tpu.memory_space<hbm>> -> memref<512xf32, #tpu.memory_space<hbm>>
      tpu.wait_dma2 semaphore(%run_scoped3A_280 : memref<!tpu.dma_semaphore, #tpu.memory_space<semaphore_mem>>) src(%arg17 : memref<512xf32, #tpu.memory_space<vmem>>) dst(%dma_wait3A_291 : memref<512xf32, #tpu.memory_space<hbm>>)
      tpu.yield
    }) : () -> ()
    "tpu.trace_stop"() : () -> ()
    return
  }
}

</mosaic_0001>

<sc_bundles>
// kernel: kernel.4.cloned.1.call-start
scs
__scs_entry_jumppad:
0x0: {  	(pc) =	sbr.rel $0x88, $3  }
0x1: {  	(tag) =	ssettag $0x0;
	lr =	simm.s32 $0x1  }
0x2: {  	[smem:$0x3F9D] =	sst lr;
	_ =	strace $0xD0000000  }
0x3: {  	_ = 	snop  }
0x4: {  	_ = 	snop  }
0x5: {  	_ = 	snop  }
0x6: {  	_ = 	snop  }
0x7: {  	_ = 	snop  }
__scs_overlays_trampoline_lowered:
0x8: {  	[smem:$0x3FAC] =	sst s0  }
0x9: {  	[smem:$0x3FAD] =	sst s1  }
0xa: {  	[smem:$0x3FAE] =	sst s2  }
0xb: {  	[smem:$0x3FAF] =	sst s3  }
0xc: {  	[smem:$0x3FB0] =	sst s4  }
0xd: {  	[smem:$0x3FB1] =	sst s5  }
0xe: {  	[smem:$0x3FB2] =	sst s6  }
0xf: {  	[smem:$0x3FB3] =	sst s7  }
0x10: {  	[smem:$0x3FB4] =	sst s8  }
0x11: {  	[smem:$0x3FB5] =	sst s9;
	s0 =	simm.s32 @!p0 $0x0  }
0x12: {  	s1 =	sld [smem:$0x3F9B];
	s0 =	simm.s32 @p0 $0x1  }
0x13: {  	[smem:$0x3FB6] =	sst s0;
	s0 =	simm.s32 @!p1 $0x0  }
0x14: {  	s2 =	sld [smem:$0x3F9A];
	s0 =	simm.s32 @p1 $0x1  }
0x15: {  	[smem:$0x3FB7] =	sst s0;
	s0 =	simm.s32 @!p2 $0x0  }
0x16: {  	s3 =	sld [smem:$0x3FDB];
	s0 =	simm.s32 @p2 $0x1  }
0x17: {  	s4 =	simm.s32 $0x1BF5;
	[smem:$0x3FB9] =	sst s0  }
0x18: {  	s0 =	sld [smem:$0x3F9C];
	_ =	swait.ge [sflag:s4], $0x0  }
0x19: {  	s7 =	sld [smem:$0x3F9D]  }
0x1a: {  	s8 =	sadd.s32 $0xFFFFE003, lr  }
0x1b: {  	s9 =	sadd.s32 $0xFFFFFEF7, lr;
	s5 =	simm.s32 $0xFFFFFFFF;
	p2 =	slt.u32 s8, $0xFFFFF086  }
0x1c: {  	p1 =	slt.u32 s9, $0xF7A;
	s5 =	simm.s32 @!p2 $0x0  }
0x1d: {  	s5 =	simm.s32 @p1 $0x1;
	p0 =	seq.s32 s7, s2  }
0x1e: {  	s7 =	smul.u32 @!p0 $0xF7A, s2;
	p2 =	seq.s32 @!p0 s5, $0x0  }
0x1f: {  	s9 =	smul.u32 $0xF7A, s1;
	s8 =	simm.s32 @!p0 $0x1BF5;
	p2 =	por !p2, p0  }
0x20: {  	[sflag:s8] =	ssyncset.s32 @!p0 $0xFFFFF086;
	s6 =	sadd.s32 @!p0 s3, s7;
	s7 =	simm.s32 @!p0 $0x108  }
0x21: {  	s3 =	sadd.s32 s3, s9;
	s6 =	sadd.s32 @!p0 $0x88, s6;
	s7 =	simm.s32 @p2 $0x1082  }
0x22: {  	[simem:s7], [sflag:s8] =	dma.local @!p0 [hbm:s6], $0xF7A  }
0x23: {  	s9 =	sor.u32 $0xD0000000, s2;
	s6 =	simm.s32 $0x108;
	_ =	swait.ge @!p0 [sflag:s8], $0x0  }
0x24: {  	s3 =	sadd.s32 $0x88, s3;
	s6 =	simm.s32 @!p1 $0x1082;
	[sflag:s4] =	ssyncset.s32 $0xFFFFF086  }
0x25: {  	[simem:s6], [sflag:s4] =	dma.local [hbm:s3], $0xF7A  }
0x26: {  	[smem:$0x3F9D] =	sst s1;
	(tag) =	ssettag s2;
	_ =	strace s9  }
0x27: {  	s1 =	sld [smem:$0x3FAD]  }
0x28: {  	s2 =	sld [smem:$0x3FAE]  }
0x29: {  	s4 =	sld [smem:$0x3FB0]  }
0x2a: {  	p0 =	seq.s32 s5, $0x0;
	s5 =	sld [smem:$0x3FB1]  }
0x2b: {  	s6 =	sld [smem:$0x3FB2]  }
0x2c: {  	s7 =	sld [smem:$0x3FB3]  }
0x2d: {  	s3 =	simm.s32 $0x108;
	s8 =	sld [smem:$0x3FB4]  }
0x2e: {  	s3 =	simm.s32 @!p0 $0x1082;
	s9 =	sld [smem:$0x3FB5]  }
0x2f: {  	lr =	sadd.s32 s0, s3;
	s0 =	sld [smem:$0x3FAC]  }
0x30: {  	s3 =	sld [smem:$0x3FAF]  }
0x31: {  	[smem:$0x3FB8] =	sst s10  }
0x32: {  	s10 =	sld [smem:$0x3FB6];
	_ =	sdelay $0x3  }
0x33: {  	p0 =	seq.s32 s10, $0x1;
	s10 =	sld [smem:$0x3FB8];
	_ =	sdelay $0x3  }
0x34: {  	[smem:$0x3FB8] =	sst s10  }
0x35: {  	s10 =	sld [smem:$0x3FB7];
	_ =	sdelay $0x3  }
0x36: {  	p1 =	seq.s32 s10, $0x1;
	s10 =	sld [smem:$0x3FB8];
	_ =	sdelay $0x3  }
0x37: {  	[smem:$0x3FB8] =	sst s10  }
0x38: {  	s10 =	sld [smem:$0x3FB9]  }
0x39: {  	_ = 	snop;
	(pc) =	sbr.ind lr, $3  }
0x3a: {  	_ = 	snop  }
0x3b: {  	_ = 	snop  }
0x3c: {  	p2 =	seq.s32 s10, $0x1;
	s10 =	sld [smem:$0x3FB8]  }
0x3d: {  	_ =	shalt  }
0x3e: {  	_ =	shalt  }
0x3f: {  	_ =	shalt  }
0x40: {  	_ =	shalt  }
0x41: {  	_ =	shalt  }
0x42: {  	_ =	shalt  }
0x43: {  	_ =	shalt  }
0x44: {  	_ =	shalt  }
0x45: {  	_ =	shalt  }
0x46: {  	_ =	shalt  }
0x47: {  	_ =	shalt  }
0x48: {  	_ =	shalt  }
0x49: {  	_ =	shalt  }
0x4a: {  	_ =	shalt  }
0x4b: {  	_ =	shalt  }
0x4c: {  	_ =	shalt  }
0x4d: {  	_ =	shalt  }
0x4e: {  	_ =	shalt  }
0x4f: {  	_ =	shalt  }
0x50: {  	_ =	shalt  }
0x51: {  	_ =	shalt  }
0x52: {  	_ =	shalt  }
0x53: {  	_ =	shalt  }
0x54: {  	_ =	shalt  }
0x55: {  	_ =	shalt  }
0x56: {  	_ =	shalt  }
0x57: {  	_ =	shalt  }
0x58: {  	_ =	shalt  }
0x59: {  	_ =	shalt  }
0x5a: {  	_ =	shalt  }
0x5b: {  	_ =	shalt  }
0x5c: {  	_ =	shalt  }
0x5d: {  	_ =	shalt  }
0x5e: {  	_ =	shalt  }
0x5f: {  	_ =	shalt  }
0x60: {  	_ =	shalt  }
0x61: {  	_ =	shalt  }
0x62: {  	_ =	shalt  }
0x63: {  	_ =	shalt  }
0x64: {  	_ =	shalt  }
0x65: {  	_ =	shalt  }
0x66: {  	_ =	shalt  }
0x67: {  	_ =	shalt  }
0x68: {  	_ =	shalt  }
0x69: {  	_ =	shalt  }
0x6a: {  	_ =	shalt  }
0x6b: {  	_ =	shalt  }
0x6c: {  	_ =	shalt  }
0x6d: {  	_ =	shalt  }
0x6e: {  	_ =	shalt  }
0x6f: {  	_ =	shalt  }
0x70: {  	_ =	shalt  }
0x71: {  	_ =	shalt  }
0x72: {  	_ =	shalt  }
0x73: {  	_ =	shalt  }
0x74: {  	_ =	shalt  }
0x75: {  	_ =	shalt  }
0x76: {  	_ =	shalt  }
0x77: {  	_ =	shalt  }
0x78: {  	_ =	shalt  }
0x79: {  	_ =	shalt  }
0x7a: {  	_ =	shalt  }
0x7b: {  	_ =	shalt  }
0x7c: {  	_ =	shalt  }
0x7d: {  	_ =	shalt  }
0x7e: {  	_ =	shalt  }
0x7f: {  	_ =	shalt  }
0x80: {  	_ =	shalt  }
0x81: {  	_ =	shalt  }
0x82: {  	_ =	shalt  }
0x83: {  	_ =	shalt  }
0x84: {  	_ =	shalt  }
0x85: {  	_ =	shalt  }
0x86: {  	_ =	shalt  }
0x87: {  	_ =	shalt  }
.Lfunc_end0:
.L_simem_size_0:
called_computation_lowered:
.L_overlay_start_0:
0x88: {  	s2 =	sld [smem:$0x3FD9]  }
0x89: {  	s3 =	sld [smem:$0x3FFE];
	_ =	sdelay $0x1  }
0x8a: {  	s1 =	srdreg.scid  }
0x8b: {  	s0 =	sand.u32 $0x1, s1  }
0x8c: {  	s17 =	sshll.u32 s0, $0xA;
	s2 =	sadd.s32 s3, s2  }
0x8d: {  	s2 =	sadd.s32 s2, s17  }
0x8e: {  	[smem:$0x3FC4] =	sst s2  }
0x8f: {  	_ = 	snop  }
0x90: {  	s2 =	sld [smem:$0x3FC8]  }
0x91: {  	s18 =	sld [smem:$0x3FC7]  }
0x92: {  	s4 =	sld [smem:$0x3FC6];
	(tm) =	ssettm $0x1  }
0x93: {  	s5 =	sld [smem:$0x3FFB];
	_ =	sdelay $0x3  }
0x94: {  	_ =	strace s5  }
0x95: {  	s5 =	sld [smem:$0x3FFC];
	_ =	sdelay $0x3  }
0x96: {  	_ =	strace s5  }
0x97: {  	s5 =	sld [smem:$0x3FFD];
	_ =	sdelay $0x3  }
0x98: {  	_ =	strace s5  }
0x99: {  	_ =	strace $0x8FFFFFFF  }
0x9a: {  	s19 =	sld [smem:$0x3FDB];
	_ =	sdelay $0x1  }
0x9b: {  	s6 =	simm.s32 $_scs_section_size  }
0x9c: {  	s7 =	simm.s32 $_size__tile_overlayer_lowered;
	s8 =	simm.s32 $_tile_overlayer_lowered  }
0x9d: {  	s22 =	simm.s32 $0x1BFF;
	s21 =	sshll.u32 s8, $0x1;
	s5 =	sadd.s32 s6, s19  }
0x9e: {  	s9 =	simm.s32 $0x0;
	s20 =	sshll.u32 s7, $0x1;
	s7 =	sadd.s32 s21, s5  }
0x9f: {  	[timem:s9], [sflag:s22] =	dma.local [hbm:s7], s20  }
0xa0: {  	_ =	swait.ge [sflag:s22], s20  }
0xa1: {  	s6 =	ssub.s32 $0x0, s20;
	[sflag:s22] =	ssyncset.done $0x0  }
0xa2: {  	[sflag:s22] =	ssyncadd.s32 s6;
	_ =	sdelay $0x1  }
0xa3: {  	s23 =	simm.s32 $0x1B8B  }
0xa4: {  	_ =	swait.ge [sflag:s23], $0x1  }
0xa5: {  	[sflag:s23] =	ssyncset.done $0x0  }
0xa6: {  	s25 =	simm.s32 $0x1B8E;
	s24 =	sld [smem:$0x3FFE];
	[sflag:s23] =	ssyncadd.s32 $0xFFFFFFFF  }
0xa7: {  	s26 =	simm.s32 $execute0_lowered;
	[smem:$0x3FD2] =	sst s25  }
0xa8: {  	s7 =	sshll.u32 s26, $0x1;
	_ =	strace $0x80000046;
	[dreg:$0x1] =	wrdreg $0xFFFFFFFF  }
0xa9: {  	s28 =	simm.s32 $_size_execute0_lowered;
	s5 =	sadd.s32 s5, s7;
	[dreg:$0x0] =	wrdreg $0x0  }
0xaa: {  	s7 =	sshll.u32 s28, $0x1;
	[dreg:$0x2] =	wrdreg s5  }
0xab: {  	[dreg:$0x3] =	wrdreg s7  }
0xac: {  	[dreg:$0x4] =	wrdreg $0xC0  }
0xad: {  	_ =	task [dreg:s9], $0x5FFFF  }
0xae: {  	[dreg:$0x1] =	wrdreg $0xFFFFFFFF  }
0xaf: {  	[dreg:$0x0] =	wrdreg $0x60  }
0xb0: {  	[dreg:$0x2] =	wrdreg s2  }
0xb1: {  	[dreg:$0x3] =	wrdreg s18  }
0xb2: {  	[dreg:$0x4] =	wrdreg s4  }
0xb3: {  	[dreg:$0x5] =	wrdreg s24  }
0xb4: {  	[dreg:$0x6] =	wrdreg $0x184000  }
0xb5: {  	[dreg:$0x7] =	wrdreg $0x1A4000  }
0xb6: {  	[dreg:$0x8] =	wrdreg $0x9  }
0xb7: {  	_ =	task.clear_ibuf [dreg:s9], $0x9FFFF;
	_ =	strace $0x90000046  }
0xb8: {  	s29 =	simm.s32 $0x9;
	_ =	strace $0x8000004F  }
0xb9: {  	_ =	swait.ge [sflag:s29], $0x1  }
0xba: {  	[sflag:s29] =	ssyncadd.s32 $0xFFFFFFFF  }
0xbb: {  	_ =	strace $0x9000004F  }
0xbc: {  	_ =	sfence  }
0xbd: {  	s30 =	sld [smem:$0x0];
	_ =	sdelay $0x2  }
0xbe: {  	s31 =	sshll.u32 s1, $0xD;
	s1 =	sshrl.u32 s1, $0x2  }
0xbf: {  	s3 =	sand.u32 $0x4000, s31;
	s1 =	sadd.s32 s1, s30  }
0xc0: {  	s0 =	sor.u32 s3, s0;
	s1 =	sshll.u32 s1, $0x11  }
0xc1: {  	s0 =	sor.u32 s1, s0  }
0xc2: {  	s0 =	sadd.s32 $0x8F2B, s0  }
0xc3: {  	[sflag:s0] =	ssyncadd.remote.s32 $0x1  }
0xc4: {  	_ =	sfence.sel $0xFFFF  }
0xc5: {  	[dreg:$0x0] =	wrdreg $0xFFFFFFFF;
	(pc) =	sbr.abs _section_cstart, $3  }
0xc6: {  	[dreg:$0x1] =	wrdreg $0xFFFFFFFF  }
0xc7: {  	_ =	task.clear_ibuf [dreg:s9], $0x2FFFF;
	_ =	strace $0x9FFFFFFF  }
0xc8: {  	(tm) =	ssettm $0x7FFFFFFF  }
0xc9: {  	_ =	shalt  }
tec
execute0_lowered:
.L_overlay_start_1:
0x0: {  	(tag) =	ssettag $0x1  }
0x1: {  	s0 =	rddreg [dreg:$0x4];
	s1 =	srdreg.scid  }
0x2: {  	s5 =	rddreg [dreg:$0x5];
	s8 =	stileid.u32  }
0x3: {  	s2 =	sand.u32 $0x1, s1;
	s1 =	simm.s32 $0x0;
	s4 =	sshll.u32 s8, $0xB  }
0x4: {  	s22 =	sshrl.u32 s8, $0x3;
	s23 =	sshll.u32 s8, $0x7;
	s26 =	sshll.u32 s8, $0xC  }
0x5: {  	s3 =	sshll.u32 s2, $0xF;
	[smem:$0x7FF] =	sst s1;
	s6 =	sshll.u32 s2, $0xD  }
0x6: {  	s7 =	sshll.u32 s22, $0xC;
	s2 =	ssub.s32 $0x2, s2;
	s14 =	sadd.s32 s26, s0  }
0x7: {  	s8 =	sor.u32 $0x280, s26;
	s11 =	sor.u32 $0x300, s26;
	s9 =	sor.u32 s4, s3  }
0x8: {  	s4 =	sand.u32 $0x380, s23;
	s6 =	sor.u32 s6, s7;
	s24 =	sshrl.u32 s2, $0x1  }
0x9: {  	s3 =	sshll.u32 s22, $0x10;
	[dreg:$0x9] =	wrdreg s14;
	s18 =	sadd.s32 s8, s0  }
0xa: {  	s7 =	sor.u32 $0x200, s26;
	s19 =	sadd.s32 s11, s0;
	[dreg:$0xe] =	wrdreg s18  }
0xb: {  	s14 =	sor.u32 $0x10000, s26;
	s8 =	sadd.s32 s8, s5;
	[dreg:$0xf] =	wrdreg s19  }
0xc: {  	s10 =	sor.u32 s4, s6;
	s12 =	sadd.s32 s7, s0;
	[dreg:$0x1e] =	wrdreg s8  }
0xd: {  	s13 =	ssub.s32 s2, s24;
	s20 =	sadd.s32 s14, s0;
	[dreg:$0xd] =	wrdreg s12  }
0xe: {  	s25 =	sor.u32 s4, s3;
	s7 =	sadd.s32 s7, s5;
	[dreg:$0x11] =	wrdreg s20  }
0xf: {  	s6 =	sor.u32 $0x180, s26;
	s4 =	sadd.s32 s25, s0;
	[dreg:$0x1d] =	wrdreg s7  }
0x10: {  	s18 =	sor.u32 $0x10200, s26;
	s2 =	sadd.s32 s25, s5;
	[dreg:$0x7] =	wrdreg s4  }
0x11: {  	s24 =	sor.u32 $0x10280, s26;
	s17 =	sadd.s32 s6, s0;
	[dreg:$0x8] =	wrdreg s2  }
0x12: {  	s29 =	sadd.s32 s14, s5;
	s23 =	sadd.s32 s18, s0;
	[dreg:$0xc] =	wrdreg s17  }
0x13: {  	s20 =	sor.u32 $0x10300, s26;
	s6 =	sadd.s32 s6, s5;
	[dreg:$0x15] =	wrdreg s23  }
0x14: {  	s2 =	sor.u32 $0x80, s26;
	s25 =	sadd.s32 s20, s0;
	[dreg:$0x1c] =	wrdreg s6  }
0x15: {  	s4 =	sor.u32 $0x100, s26;
	s15 =	sadd.s32 s2, s0;
	[dreg:$0x17] =	wrdreg s25  }
0x16: {  	s17 =	sor.u32 $0x10180, s26;
	s16 =	sadd.s32 s4, s0;
	[dreg:$0xa] =	wrdreg s15  }
0x17: {  	s14 =	simm.s32 $0x2;
	s22 =	sadd.s32 s17, s0;
	[dreg:$0xb] =	wrdreg s16  }
0x18: {  	s12 =	sor.u32 $0x380, s26;
	s3 =	sadd.s32 s2, s5;
	[dreg:$0x14] =	wrdreg s22  }
0x19: {  	s13 =	smax.u32 s13, $0x1;
	s4 =	sadd.s32 s4, s5;
	[dreg:$0x1a] =	wrdreg s3  }
0x1a: {  	s28 =	sadd.s32 s12, s5;
	s2 =	sadd.s32 s18, s5;
	[dreg:$0x1b] =	wrdreg s4  }
0x1b: {  	s18 =	simm.s32 $0x16000;
	s16 =	sadd.s32 s12, s0;
	s12 =	rddreg [dreg:$0x0]  }
0x1c: {  	s15 =	sor.u32 $0x10080, s26;
	s22 =	sadd.s32 s24, s0;
	[dreg:$0x10] =	wrdreg s16  }
0x1d: {  	s3 =	sadd.s32 s24, s5;
	s4 =	sadd.s32 s20, s5;
	[dreg:$0x16] =	wrdreg s22  }
0x1e: {  	s21 =	sadd.s32 s15, s0;
	s30 =	sadd.s32 s15, s5;
	s15 =	rddreg [dreg:$0x1]  }
0x1f: {  	s24 =	sshrl.u32 s10, $0x3;
	s20 =	simm.s32 $0x18200;
	s22 =	rddreg [dreg:$0x3]  }
0x20: {  	s16 =	sor.u32 $0x10100, s26;
	s6 =	sadd.s32 s12, s9;
	[dreg:$0x12] =	wrdreg s21  }
0x21: {  	s19 =	sadd.s32 s16, s0;
	s21 =	sor.u32 $0x10380, s26;
	s26 =	sadd.s32 s26, s5  }
0x22: {  	s31 =	sadd.s32 s16, s5;
	s7 =	sadd.s32 s15, s9;
	s23 =	sadd.s32 s9, s22  }
0x23: {  	s25 =	sadd.s32 s24, s22;
	s15 =	simm.s32 $0x80;
	[dreg:$0x13] =	wrdreg s19  }
0x24: {  	s16 =	simm.s32 $0x1;
	s0 =	sadd.s32 s21, s0;
	[dreg:$0x19] =	wrdreg s26  }
0x25: {  	s26 =	sadd.s32 s11, s5;
	s10 =	sadd.s32 $0x80800, s23;
	s11 =	sadd.s32 $0x90800, s25  }
0x26: {  	s12 =	sadd.s32 $0x91000, s25;
	s19 =	simm.s32 $0x400;
	[dreg:$0x18] =	wrdreg s0  }
0x27: {  	s0 =	sadd.s32 s17, s5;
	s17 =	rddreg [dreg:$0x2];
	s5 =	sadd.s32 s21, s5  }
0x28: {  	s21 =	simm.s32 $0x18000;
	_ =	strace $0x80000047;
	s8 =	sadd.s32 s17, s9  }
0x29: {  	v0 =	vimm.f32 $0.0e+00;
	v1 =	vimm.f32 $1.000000000e+00;
	s9 =	sadd.s32 $0x800, s22;
	s17 =	simm.s32 $0x14000;
	s22 =	simm.s32 $0x0  }
.LBB2_1:
0x2a: {  	_ =	strace $0x80000048  }
0x2b: {  	[tilespmem:s1], [sflag:$0x2] =	stream.linear.gather [hbm4b:s6+s1], $0x4000, $0x200038;
	[tilespmem:$0x1C400] =	vst v63  }
0x2c: {  	_ =	swait.ge [sflag:s14], $0x4000  }
0x2d: {  	[sflag:s14] =	ssyncset.done $0x0  }
0x2e: {  	s23 =	simm.s32 $0x4000;
	[sflag:s14] =	ssyncadd.s32 $0xFFFFC000  }
0x2f: {  	[tilespmem:s23], [sflag:$0x2] =	stream.linear.gather [hbm4b:s7+s1], $0x4000, $0x200038;
	[tilespmem:$0x1C400] =	vst v63  }
0x30: {  	_ =	swait.ge [sflag:s14], $0x4000  }
0x31: {  	[sflag:s14] =	ssyncset.done $0x0  }
0x32: {  	s25 =	simm.s32 $0x8000;
	[sflag:s14] =	ssyncadd.s32 $0xFFFFC000  }
0x33: {  	[tilespmem:s25], [sflag:$0x2] =	stream.linear.gather [hbm4b:s8+s1], $0x4000, $0x200038;
	[tilespmem:$0x1C400] =	vst v63  }
0x34: {  	_ =	swait.ge [sflag:s14], $0x4000  }
0x35: {  	[sflag:s14] =	ssyncset.done $0x0  }
0x36: {  	[sflag:s14] =	ssyncadd.s32 $0xFFFFC000  }
0x37: {  	_ =	strace $0x90000048  }
0x38: {  	s24 =	simm.s32 $0x0;
	s23 =	simm.s32 $0x40;
	_ =	strace $0x80000049  }
.LBB2_2:
0x39: {  	p0 =	sne.s32 s23, $0x7FC0;
	[tilespmem:s24+$0x14000] =	vst v0;
	s25 =	smov.u32 s23;
	s23 =	sadd.s32 $0x40, s23  }
.Ltmp0:
0x3a: {  	[tilespmem:s24+$0x16000] =	vst v0;
	(pc) =	sbr.rel @p0 .LBB2_2-.Ltmp0, $2  }
0x3b: {  	_ =	sdelay $0x2  }
0x3c: {  	s24 =	sshra.s32 s25, $0x2  }
0x3d: {  	[tilespmem:s24+$0x14000] =	vst v0  }
0x3e: {  	[tilespmem:s24+$0x16000] =	vst v0  }
0x3f: {  	_ =	strace $0x90000049  }
0x40: {  	s23 =	simm.s32 $0x0;
	_ =	strace $0x8000004A  }
0x41: {  	v4 =	vld [tilespmem:s23+$0x8000];
	_ =	sdelay $0x1  }
0x42: {  	v2 =	vld [tilespmem:s23+$0x0]  }
0x43: {  	v3 =	vld [tilespmem:s23+$0x4000]  }
0x44: {  	s24 =	simm.s32 $0x40  }
.LBB2_4:
0x45: {  	s25 =	sshra.s32 s24, $0x2;
	p0 =	sne.s32 s24, $0xFFC0;
	s24 =	sadd.s32 $0x40, s24;
	v5 =	vmul.u32 $0x20C5, v4  }
.Ltmp1:
0x46: {  	v4 =	vld [tilespmem:s25+$0x8000];
	(pc) =	sbr.rel @p0 .LBB2_4-.Ltmp1, $4  }
0x47: {  	v5 =	vshra.s32 v5, $0x4;
	v6 =	vshll.u32 v2, $0x9  }
0x48: {  	v2 =	vld [tilespmem:s25+$0x0];
	v5 =	vand.u32 $0xFFFC0000, v5;
	v6 =	vadd.s32 v6, v3  }
0x49: {  	v3 =	vld [tilespmem:s25+$0x4000];
	v5 =	vadd.s32 v5, v6  }
0x4a: {  	[tilespmem:s23+$0xC000] =	vst v5;
	s23 =	smov.u32 s25  }
0x4b: {  	v4 =	vmul.u32 $0x20C5, v4;
	_ =	sdelay $0x1  }
0x4c: {  	v4 =	vshra.s32 v4, $0x4;
	v2 =	vshll.u32 v2, $0x9  }
0x4d: {  	v4 =	vand.u32 $0xFFFC0000, v4;
	v2 =	vadd.s32 v2, v3  }
0x4e: {  	v2 =	vadd.s32 v4, v2  }
0x4f: {  	[tilespmem:s23+$0xC000] =	vst v2  }
0x50: {  	s24 =	simm.s32 $0x10000;
	_ =	strace $0x9000004A  }
0x51: {  	s25 =	simm.s32 $0xC000;
	s23 =	simm.s32 $0x200;
	_ =	strace $0x8000004B  }
.LBB2_6:
0x52: {  	[tilespmem:s24], [sflag:$0x1] =	stream.indirect.gather [hbm4b:s9+s15], $0x1, s25, s15, $0x2000b8;
	[tilespmem:$0x1C400] =	vst v63  }
0x53: {  	s24 =	smov.u32 s23;
	p0 =	sne.s32 s23, $0xFE00  }
.Ltmp2:
0x54: {  	s23 =	sadd.s32 $0x200, s23;
	(pc) =	sbr.rel @p0 .LBB2_6-.Ltmp2, $3  }
0x55: {  	_ =	sdelay $0x1  }
0x56: {  	s25 =	sshra.s32 s24, $0x2  }
0x57: {  	s24 =	sadd.s32 $0x10000, s25;
	s25 =	sadd.s32 $0xC000, s25  }
0x58: {  	[tilespmem:s24], [sflag:$0x1] =	stream.indirect.gather [hbm4b:s9+s15], $0x1, s25, s15, $0x2000b8;
	[tilespmem:$0x1C400] =	vst v63  }
0x59: {  	_ =	swait.ge [sflag:s16], $0x4000  }
0x5a: {  	[sflag:s16] =	ssyncset.done $0x0  }
0x5b: {  	[sflag:s16] =	ssyncadd.s32 $0xFFFFC000  }
0x5c: {  	_ =	strace $0x9000004B  }
0x5d: {  	s24 =	simm.s32 $0x0;
	_ =	strace $0x8000004C  }
0x5e: {  	s23 =	simm.s32 $0x40;
	v2 =	vld [tilespmem:s24+$0x8000]  }
.LBB2_8:
0x5f: {  	p0 =	sne.s32 s23, $0xFFC0;
	_ =	sdelay $0x1  }
0x60: {  	v3 =	vld [tilespmem:s24+$0x10000];
	_ =	sdelay $0x2  }
.Ltmp3:
0x61: {  	(pc) =	sbr.rel @p0 .LBB2_8-.Ltmp3, $4  }
0x62: {  	_ = 	snop  }
0x63: {  	[tilespmem:v2+s17+$0x0] =	vst.idx.add.f32.msk $0xffff, v3  }
0x64: {  	s24 =	sshra.s32 s23, $0x2;
	[tilespmem:v2+s18+$0x0] =	vst.idx.add.f32.msk $0xffff, v1  }
0x65: {  	s23 =	sadd.s32 $0x40, s23;
	v2 =	vld [tilespmem:s24+$0x8000]  }
0x66: {  	_ =	sdelay $0x2  }
0x67: {  	v3 =	vld [tilespmem:s24+$0x10000];
	_ =	sdelay $0x4  }
0x68: {  	[tilespmem:v2+s17+$0x0] =	vst.idx.add.f32.msk $0xffff, v3  }
0x69: {  	[tilespmem:v2+s18+$0x0] =	vst.idx.add.f32.msk $0xffff, v1  }
0x6a: {  	_ =	strace $0x9000004C  }
0x6b: {  	s23 =	simm.s32 $0x0;
	s25 =	simm.s32 $0x10000;
	_ =	strace $0x8000004D  }
0x6c: {  	[hbm4b:s10+s23] =	stream.linear.scatter [tilespmem:s25], [sflag:$0x2], $0x4000, $0x200038;
	[tilespmem:$0x1C400] =	vst v63  }
0x6d: {  	_ =	swait.ge [sflag:s14], $0x4000  }
0x6e: {  	[sflag:s14] =	ssyncset.done $0x0  }
0x6f: {  	s24 =	rddreg [dreg:$0x7];
	[sflag:s14] =	ssyncadd.s32 $0xFFFFC000  }
0x70: {  	[spmem:s24] =	stream.strided.scatter [tilespmem:s17], [sflag:$0x2], $0x2000, s19, s15, $0x200038;
	[tilespmem:$0x1C400] =	vst v63  }
0x71: {  	_ =	swait.ge [sflag:s14], $0x2000  }
0x72: {  	[sflag:s14] =	ssyncset.done $0x0  }
0x73: {  	s25 =	rddreg [dreg:$0x8];
	[sflag:s14] =	ssyncadd.s32 $0xFFFFE000  }
0x74: {  	[spmem:s25] =	stream.strided.scatter [tilespmem:s18], [sflag:$0x2], $0x2000, s19, s15, $0x200038;
	[tilespmem:$0x1C400] =	vst v63  }
0x75: {  	_ =	swait.ge [sflag:s14], $0x2000  }
0x76: {  	[sflag:s14] =	ssyncset.done $0x0  }
0x77: {  	[sflag:s14] =	ssyncadd.s32 $0xFFFFE000  }
0x78: {  	_ =	strace $0x9000004D  }
0x79: {  	[bflag:$0x0] =	sbarrier.arrive $0xFFFF  }
0x7a: {  	_ =	strace $0x8000004E  }
0x7b: {  	s24 =	rddreg [dreg:$0x9]  }
0x7c: {  	[tilespmem:s20], [sflag:$0x2] =	stream.strided.gather [spmem:s24], $0x200, s19, s15, $0x200038;
	[tilespmem:$0x1C400] =	vst v63  }
0x7d: {  	_ =	swait.ge [sflag:s14], $0x200  }
0x7e: {  	[sflag:s14] =	ssyncset.done $0x0  }
0x7f: {  	s25 =	rddreg [dreg:$0xa];
	[sflag:s14] =	ssyncadd.s32 $0xFFFFFE00  }
0x80: {  	[tilespmem:s21], [sflag:$0x2] =	stream.strided.gather [spmem:s25], $0x200, s19, s15, $0x200038;
	[tilespmem:$0x1C400] =	vst v63  }
0x81: {  	_ =	swait.ge [sflag:s14], $0x200  }
0x82: {  	[sflag:s14] =	ssyncset.done $0x0  }
0x83: {  	s23 =	simm.s32 $0x0;
	[sflag:s14] =	ssyncadd.s32 $0xFFFFFE00  }
0x84: {  	s24 =	simm.s32 $0x40;
	v2 =	vld [tilespmem:s23+$0x18000]  }
.LBB2_10:
0x85: {  	p0 =	sne.s32 s24, $0x7C0;
	v3 =	vld [tilespmem:s23+$0x18200];
	_ =	sdelay $0x2  }
.Ltmp4:
0x86: {  	(pc) =	sbr.rel @p0 .LBB2_10-.Ltmp4, $4  }
0x87: {  	_ = 	snop  }
0x88: {  	v3 =	vadd.f32 v2, v3  }
0x89: {  	s25 =	sshra.s32 s24, $0x2  }
0x8a: {  	s24 =	sadd.s32 $0x40, s24;
	v2 =	vld [tilespmem:s25+$0x18000];
	[tilespmem:s23+$0x18200] =	vst v3;
	s23 =	smov.u32 s25  }
0x8b: {  	v3 =	vld [tilespmem:s23+$0x18200];
	_ =	sdelay $0x4  }
0x8c: {  	v2 =	vadd.f32 v2, v3;
	_ =	sdelay $0x1  }
0x8d: {  	s25 =	rddreg [dreg:$0xb];
	[tilespmem:s23+$0x18200] =	vst v2  }
0x8e: {  	[tilespmem:s21], [sflag:$0x2] =	stream.strided.gather [spmem:s25], $0x200, s19, s15, $0x200038;
	[tilespmem:$0x1C400] =	vst v63  }
0x8f: {  	_ =	swait.ge [sflag:s14], $0x200  }
0x90: {  	[sflag:s14] =	ssyncset.done $0x0  }
0x91: {  	s23 =	simm.s32 $0x0;
	[sflag:s14] =	ssyncadd.s32 $0xFFFFFE00  }
0x92: {  	s24 =	simm.s32 $0x40;
	v2 =	vld [tilespmem:s23+$0x18000]  }
.LBB2_12:
0x93: {  	p0 =	sne.s32 s24, $0x7C0;
	v3 =	vld [tilespmem:s23+$0x18200];
	_ =	sdelay $0x2  }
.Ltmp5:
0x94: {  	(pc) =	sbr.rel @p0 .LBB2_12-.Ltmp5, $4  }
0x95: {  	_ = 	snop  }
0x96: {  	v3 =	vadd.f32 v2, v3  }
0x97: {  	s25 =	sshra.s32 s24, $0x2  }
0x98: {  	s24 =	sadd.s32 $0x40, s24;
	v2 =	vld [tilespmem:s25+$0x18000];
	[tilespmem:s23+$0x18200] =	vst v3;
	s23 =	smov.u32 s25  }
0x99: {  	v3 =	vld [tilespmem:s23+$0x18200];
	_ =	sdelay $0x4  }
0x9a: {  	v2 =	vadd.f32 v2, v3;
	_ =	sdelay $0x1  }
0x9b: {  	s25 =	rddreg [dreg:$0xc];
	[tilespmem:s23+$0x18200] =	vst v2  }
0x9c: {  	[tilespmem:s21], [sflag:$0x2] =	stream.strided.gather [spmem:s25], $0x200, s19, s15, $0x200038;
	[tilespmem:$0x1C400] =	vst v63  }
0x9d: {  	_ =	swait.ge [sflag:s14], $0x200  }
0x9e: {  	[sflag:s14] =	ssyncset.done $0x0  }
0x9f: {  	s23 =	simm.s32 $0x0;
	[sflag:s14] =	ssyncadd.s32 $0xFFFFFE00  }
0xa0: {  	s24 =	simm.s32 $0x40;
	v2 =	vld [tilespmem:s23+$0x18000]  }
.LBB2_14:
0xa1: {  	p0 =	sne.s32 s24, $0x7C0;
	v3 =	vld [tilespmem:s23+$0x18200];
	_ =	sdelay $0x2  }
.Ltmp6:
0xa2: {  	(pc) =	sbr.rel @p0 .LBB2_14-.Ltmp6, $4  }
0xa3: {  	_ = 	snop  }
0xa4: {  	v3 =	vadd.f32 v2, v3  }
0xa5: {  	s25 =	sshra.s32 s24, $0x2  }
0xa6: {  	s24 =	sadd.s32 $0x40, s24;
	v2 =	vld [tilespmem:s25+$0x18000];
	[tilespmem:s23+$0x18200] =	vst v3;
	s23 =	smov.u32 s25  }
0xa7: {  	v3 =	vld [tilespmem:s23+$0x18200];
	_ =	sdelay $0x4  }
0xa8: {  	v2 =	vadd.f32 v2, v3;
	_ =	sdelay $0x1  }
0xa9: {  	s25 =	rddreg [dreg:$0xd];
	[tilespmem:s23+$0x18200] =	vst v2  }
0xaa: {  	[tilespmem:s21], [sflag:$0x2] =	stream.strided.gather [spmem:s25], $0x200, s19, s15, $0x200038;
	[tilespmem:$0x1C400] =	vst v63  }
0xab: {  	_ =	swait.ge [sflag:s14], $0x200  }
0xac: {  	[sflag:s14] =	ssyncset.done $0x0  }
0xad: {  	s23 =	simm.s32 $0x0;
	[sflag:s14] =	ssyncadd.s32 $0xFFFFFE00  }
0xae: {  	s24 =	simm.s32 $0x40;
	v2 =	vld [tilespmem:s23+$0x18000]  }
.LBB2_16:
0xaf: {  	p0 =	sne.s32 s24, $0x7C0;
	v3 =	vld [tilespmem:s23+$0x18200];
	_ =	sdelay $0x2  }
.Ltmp7:
0xb0: {  	(pc) =	sbr.rel @p0 .LBB2_16-.Ltmp7, $4  }
0xb1: {  	_ = 	snop  }
0xb2: {  	v3 =	vadd.f32 v2, v3  }
0xb3: {  	s25 =	sshra.s32 s24, $0x2  }
0xb4: {  	s24 =	sadd.s32 $0x40, s24;
	v2 =	vld [tilespmem:s25+$0x18000];
	[tilespmem:s23+$0x18200] =	vst v3;
	s23 =	smov.u32 s25  }
0xb5: {  	v3 =	vld [tilespmem:s23+$0x18200];
	_ =	sdelay $0x4  }
0xb6: {  	v2 =	vadd.f32 v2, v3;
	_ =	sdelay $0x1  }
0xb7: {  	s25 =	rddreg [dreg:$0xe];
	[tilespmem:s23+$0x18200] =	vst v2  }
0xb8: {  	[tilespmem:s21], [sflag:$0x2] =	stream.strided.gather [spmem:s25], $0x200, s19, s15, $0x200038;
	[tilespmem:$0x1C400] =	vst v63  }
0xb9: {  	_ =	swait.ge [sflag:s14], $0x200  }
0xba: {  	[sflag:s14] =	ssyncset.done $0x0  }
0xbb: {  	s23 =	simm.s32 $0x0;
	[sflag:s14] =	ssyncadd.s32 $0xFFFFFE00  }
0xbc: {  	s24 =	simm.s32 $0x40;
	v2 =	vld [tilespmem:s23+$0x18000]  }
.LBB2_18:
0xbd: {  	p0 =	sne.s32 s24, $0x7C0;
	v3 =	vld [tilespmem:s23+$0x18200];
	_ =	sdelay $0x2  }
.Ltmp8:
0xbe: {  	(pc) =	sbr.rel @p0 .LBB2_18-.Ltmp8, $4  }
0xbf: {  	_ = 	snop  }
0xc0: {  	v3 =	vadd.f32 v2, v3  }
0xc1: {  	s25 =	sshra.s32 s24, $0x2  }
0xc2: {  	s24 =	sadd.s32 $0x40, s24;
	v2 =	vld [tilespmem:s25+$0x18000];
	[tilespmem:s23+$0x18200] =	vst v3;
	s23 =	smov.u32 s25  }
0xc3: {  	v3 =	vld [tilespmem:s23+$0x18200];
	_ =	sdelay $0x4  }
0xc4: {  	v2 =	vadd.f32 v2, v3;
	_ =	sdelay $0x1  }
0xc5: {  	s25 =	rddreg [dreg:$0xf];
	[tilespmem:s23+$0x18200] =	vst v2  }
0xc6: {  	[tilespmem:s21], [sflag:$0x2] =	stream.strided.gather [spmem:s25], $0x200, s19, s15, $0x200038;
	[tilespmem:$0x1C400] =	vst v63  }
0xc7: {  	_ =	swait.ge [sflag:s14], $0x200  }
0xc8: {  	[sflag:s14] =	ssyncset.done $0x0  }
0xc9: {  	s23 =	simm.s32 $0x0;
	[sflag:s14] =	ssyncadd.s32 $0xFFFFFE00  }
0xca: {  	s24 =	simm.s32 $0x40;
	v2 =	vld [tilespmem:s23+$0x18000]  }
.LBB2_20:
0xcb: {  	p0 =	sne.s32 s24, $0x7C0;
	v3 =	vld [tilespmem:s23+$0x18200];
	_ =	sdelay $0x2  }
.Ltmp9:
0xcc: {  	(pc) =	sbr.rel @p0 .LBB2_20-.Ltmp9, $4  }
0xcd: {  	_ = 	snop  }
0xce: {  	v3 =	vadd.f32 v2, v3  }
0xcf: {  	s25 =	sshra.s32 s24, $0x2  }
0xd0: {  	s24 =	sadd.s32 $0x40, s24;
	v2 =	vld [tilespmem:s25+$0x18000];
	[tilespmem:s23+$0x18200] =	vst v3;
	s23 =	smov.u32 s25  }
0xd1: {  	v3 =	vld [tilespmem:s23+$0x18200];
	_ =	sdelay $0x4  }
0xd2: {  	v2 =	vadd.f32 v2, v3;
	_ =	sdelay $0x1  }
0xd3: {  	s25 =	rddreg [dreg:$0x10];
	[tilespmem:s23+$0x18200] =	vst v2  }
0xd4: {  	[tilespmem:s21], [sflag:$0x2] =	stream.strided.gather [spmem:s25], $0x200, s19, s15, $0x200038;
	[tilespmem:$0x1C400] =	vst v63  }
0xd5: {  	_ =	swait.ge [sflag:s14], $0x200  }
0xd6: {  	[sflag:s14] =	ssyncset.done $0x0  }
0xd7: {  	s23 =	simm.s32 $0x0;
	[sflag:s14] =	ssyncadd.s32 $0xFFFFFE00  }
0xd8: {  	s24 =	simm.s32 $0x40;
	v2 =	vld [tilespmem:s23+$0x18000]  }
.LBB2_22:
0xd9: {  	p0 =	sne.s32 s24, $0x7C0;
	v3 =	vld [tilespmem:s23+$0x18200];
	_ =	sdelay $0x2  }
.Ltmp10:
0xda: {  	(pc) =	sbr.rel @p0 .LBB2_22-.Ltmp10, $4  }
0xdb: {  	_ = 	snop  }
0xdc: {  	v3 =	vadd.f32 v2, v3  }
0xdd: {  	s25 =	sshra.s32 s24, $0x2  }
0xde: {  	s24 =	sadd.s32 $0x40, s24;
	v2 =	vld [tilespmem:s25+$0x18000];
	[tilespmem:s23+$0x18200] =	vst v3;
	s23 =	smov.u32 s25  }
0xdf: {  	v3 =	vld [tilespmem:s23+$0x18200];
	_ =	sdelay $0x4  }
0xe0: {  	v2 =	vadd.f32 v2, v3;
	_ =	sdelay $0x1  }
0xe1: {  	s25 =	rddreg [dreg:$0x11];
	[tilespmem:s23+$0x18200] =	vst v2  }
0xe2: {  	[tilespmem:s21], [sflag:$0x2] =	stream.strided.gather [spmem:s25], $0x200, s19, s15, $0x200038;
	[tilespmem:$0x1C400] =	vst v63  }
0xe3: {  	_ =	swait.ge [sflag:s14], $0x200  }
0xe4: {  	[sflag:s14] =	ssyncset.done $0x0  }
0xe5: {  	s23 =	simm.s32 $0x0;
	[sflag:s14] =	ssyncadd.s32 $0xFFFFFE00  }
0xe6: {  	s24 =	simm.s32 $0x40;
	v2 =	vld [tilespmem:s23+$0x18000]  }
.LBB2_24:
0xe7: {  	p0 =	sne.s32 s24, $0x7C0;
	v3 =	vld [tilespmem:s23+$0x18200];
	_ =	sdelay $0x2  }
.Ltmp11:
0xe8: {  	(pc) =	sbr.rel @p0 .LBB2_24-.Ltmp11, $4  }
0xe9: {  	_ = 	snop  }
0xea: {  	v3 =	vadd.f32 v2, v3  }
0xeb: {  	s25 =	sshra.s32 s24, $0x2  }
0xec: {  	s24 =	sadd.s32 $0x40, s24;
	v2 =	vld [tilespmem:s25+$0x18000];
	[tilespmem:s23+$0x18200] =	vst v3;
	s23 =	smov.u32 s25  }
0xed: {  	v3 =	vld [tilespmem:s23+$0x18200];
	_ =	sdelay $0x4  }
0xee: {  	v2 =	vadd.f32 v2, v3;
	_ =	sdelay $0x1  }
0xef: {  	s25 =	rddreg [dreg:$0x12];
	[tilespmem:s23+$0x18200] =	vst v2  }
0xf0: {  	[tilespmem:s21], [sflag:$0x2] =	stream.strided.gather [spmem:s25], $0x200, s19, s15, $0x200038;
	[tilespmem:$0x1C400] =	vst v63  }
0xf1: {  	_ =	swait.ge [sflag:s14], $0x200  }
0xf2: {  	[sflag:s14] =	ssyncset.done $0x0  }
0xf3: {  	s23 =	simm.s32 $0x0;
	[sflag:s14] =	ssyncadd.s32 $0xFFFFFE00  }
0xf4: {  	s24 =	simm.s32 $0x40;
	v2 =	vld [tilespmem:s23+$0x18000]  }
.LBB2_26:
0xf5: {  	p0 =	sne.s32 s24, $0x7C0;
	v3 =	vld [tilespmem:s23+$0x18200];
	_ =	sdelay $0x2  }
.Ltmp12:
0xf6: {  	(pc) =	sbr.rel @p0 .LBB2_26-.Ltmp12, $4  }
0xf7: {  	_ = 	snop  }
0xf8: {  	v3 =	vadd.f32 v2, v3  }
0xf9: {  	s25 =	sshra.s32 s24, $0x2  }
0xfa: {  	s24 =	sadd.s32 $0x40, s24;
	v2 =	vld [tilespmem:s25+$0x18000];
	[tilespmem:s23+$0x18200] =	vst v3;
	s23 =	smov.u32 s25  }
0xfb: {  	v3 =	vld [tilespmem:s23+$0x18200];
	_ =	sdelay $0x4  }
0xfc: {  	v2 =	vadd.f32 v2, v3;
	_ =	sdelay $0x1  }
0xfd: {  	s25 =	rddreg [dreg:$0x13];
	[tilespmem:s23+$0x18200] =	vst v2  }
0xfe: {  	[tilespmem:s21], [sflag:$0x2] =	stream.strided.gather [spmem:s25], $0x200, s19, s15, $0x200038;
	[tilespmem:$0x1C400] =	vst v63  }
0xff: {  	_ =	swait.ge [sflag:s14], $0x200  }
0x100: {  	[sflag:s14] =	ssyncset.done $0x0  }
0x101: {  	s23 =	simm.s32 $0x0;
	[sflag:s14] =	ssyncadd.s32 $0xFFFFFE00  }
0x102: {  	s24 =	simm.s32 $0x40;
	v2 =	vld [tilespmem:s23+$0x18000]  }
.LBB2_28:
0x103: {  	p0 =	sne.s32 s24, $0x7C0;
	v3 =	vld [tilespmem:s23+$0x18200];
	_ =	sdelay $0x2  }
.Ltmp13:
0x104: {  	(pc) =	sbr.rel @p0 .LBB2_28-.Ltmp13, $4  }
0x105: {  	_ = 	snop  }
0x106: {  	v3 =	vadd.f32 v2, v3  }
0x107: {  	s25 =	sshra.s32 s24, $0x2  }
0x108: {  	s24 =	sadd.s32 $0x40, s24;
	v2 =	vld [tilespmem:s25+$0x18000];
	[tilespmem:s23+$0x18200] =	vst v3;
	s23 =	smov.u32 s25  }
0x109: {  	v3 =	vld [tilespmem:s23+$0x18200];
	_ =	sdelay $0x4  }
0x10a: {  	v2 =	vadd.f32 v2, v3;
	_ =	sdelay $0x1  }
0x10b: {  	s25 =	rddreg [dreg:$0x14];
	[tilespmem:s23+$0x18200] =	vst v2  }
0x10c: {  	[tilespmem:s21], [sflag:$0x2] =	stream.strided.gather [spmem:s25], $0x200, s19, s15, $0x200038;
	[tilespmem:$0x1C400] =	vst v63  }
0x10d: {  	_ =	swait.ge [sflag:s14], $0x200  }
0x10e: {  	[sflag:s14] =	ssyncset.done $0x0  }
0x10f: {  	s23 =	simm.s32 $0x0;
	[sflag:s14] =	ssyncadd.s32 $0xFFFFFE00  }
0x110: {  	s24 =	simm.s32 $0x40;
	v2 =	vld [tilespmem:s23+$0x18000]  }
.LBB2_30:
0x111: {  	p0 =	sne.s32 s24, $0x7C0;
	v3 =	vld [tilespmem:s23+$0x18200];
	_ =	sdelay $0x2  }
.Ltmp14:
0x112: {  	(pc) =	sbr.rel @p0 .LBB2_30-.Ltmp14, $4  }
0x113: {  	_ = 	snop  }
0x114: {  	v3 =	vadd.f32 v2, v3  }
0x115: {  	s25 =	sshra.s32 s24, $0x2  }
0x116: {  	s24 =	sadd.s32 $0x40, s24;
	v2 =	vld [tilespmem:s25+$0x18000];
	[tilespmem:s23+$0x18200] =	vst v3;
	s23 =	smov.u32 s25  }
0x117: {  	v3 =	vld [tilespmem:s23+$0x18200];
	_ =	sdelay $0x4  }
0x118: {  	v2 =	vadd.f32 v2, v3;
	_ =	sdelay $0x1  }
0x119: {  	s25 =	rddreg [dreg:$0x15];
	[tilespmem:s23+$0x18200] =	vst v2  }
0x11a: {  	[tilespmem:s21], [sflag:$0x2] =	stream.strided.gather [spmem:s25], $0x200, s19, s15, $0x200038;
	[tilespmem:$0x1C400] =	vst v63  }
0x11b: {  	_ =	swait.ge [sflag:s14], $0x200  }
0x11c: {  	[sflag:s14] =	ssyncset.done $0x0  }
0x11d: {  	s23 =	simm.s32 $0x0;
	[sflag:s14] =	ssyncadd.s32 $0xFFFFFE00  }
0x11e: {  	s24 =	simm.s32 $0x40;
	v2 =	vld [tilespmem:s23+$0x18000]  }
.LBB2_32:
0x11f: {  	p0 =	sne.s32 s24, $0x7C0;
	v3 =	vld [tilespmem:s23+$0x18200];
	_ =	sdelay $0x2  }
.Ltmp15:
0x120: {  	(pc) =	sbr.rel @p0 .LBB2_32-.Ltmp15, $4  }
0x121: {  	_ = 	snop  }
0x122: {  	v3 =	vadd.f32 v2, v3  }
0x123: {  	s25 =	sshra.s32 s24, $0x2  }
0x124: {  	s24 =	sadd.s32 $0x40, s24;
	v2 =	vld [tilespmem:s25+$0x18000];
	[tilespmem:s23+$0x18200] =	vst v3;
	s23 =	smov.u32 s25  }
0x125: {  	v3 =	vld [tilespmem:s23+$0x18200];
	_ =	sdelay $0x4  }
0x126: {  	v2 =	vadd.f32 v2, v3;
	_ =	sdelay $0x1  }
0x127: {  	s25 =	rddreg [dreg:$0x16];
	[tilespmem:s23+$0x18200] =	vst v2  }
0x128: {  	[tilespmem:s21], [sflag:$0x2] =	stream.strided.gather [spmem:s25], $0x200, s19, s15, $0x200038;
	[tilespmem:$0x1C400] =	vst v63  }
0x129: {  	_ =	swait.ge [sflag:s14], $0x200  }
0x12a: {  	[sflag:s14] =	ssyncset.done $0x0  }
0x12b: {  	s23 =	simm.s32 $0x0;
	[sflag:s14] =	ssyncadd.s32 $0xFFFFFE00  }
0x12c: {  	s24 =	simm.s32 $0x40;
	v2 =	vld [tilespmem:s23+$0x18000]  }
.LBB2_34:
0x12d: {  	p0 =	sne.s32 s24, $0x7C0;
	v3 =	vld [tilespmem:s23+$0x18200];
	_ =	sdelay $0x2  }
.Ltmp16:
0x12e: {  	(pc) =	sbr.rel @p0 .LBB2_34-.Ltmp16, $4  }
0x12f: {  	_ = 	snop  }
0x130: {  	v3 =	vadd.f32 v2, v3  }
0x131: {  	s25 =	sshra.s32 s24, $0x2  }
0x132: {  	s24 =	sadd.s32 $0x40, s24;
	v2 =	vld [tilespmem:s25+$0x18000];
	[tilespmem:s23+$0x18200] =	vst v3;
	s23 =	smov.u32 s25  }
0x133: {  	v3 =	vld [tilespmem:s23+$0x18200];
	_ =	sdelay $0x4  }
0x134: {  	v2 =	vadd.f32 v2, v3;
	_ =	sdelay $0x1  }
0x135: {  	s25 =	rddreg [dreg:$0x17];
	[tilespmem:s23+$0x18200] =	vst v2  }
0x136: {  	[tilespmem:s21], [sflag:$0x2] =	stream.strided.gather [spmem:s25], $0x200, s19, s15, $0x200038;
	[tilespmem:$0x1C400] =	vst v63  }
0x137: {  	_ =	swait.ge [sflag:s14], $0x200  }
0x138: {  	[sflag:s14] =	ssyncset.done $0x0  }
0x139: {  	s23 =	simm.s32 $0x0;
	[sflag:s14] =	ssyncadd.s32 $0xFFFFFE00  }
0x13a: {  	s24 =	simm.s32 $0x40;
	v2 =	vld [tilespmem:s23+$0x18000]  }
.LBB2_36:
0x13b: {  	p0 =	sne.s32 s24, $0x7C0;
	v3 =	vld [tilespmem:s23+$0x18200];
	_ =	sdelay $0x2  }
.Ltmp17:
0x13c: {  	(pc) =	sbr.rel @p0 .LBB2_36-.Ltmp17, $4  }
0x13d: {  	_ = 	snop  }
0x13e: {  	v3 =	vadd.f32 v2, v3  }
0x13f: {  	s25 =	sshra.s32 s24, $0x2  }
0x140: {  	s24 =	sadd.s32 $0x40, s24;
	v2 =	vld [tilespmem:s25+$0x18000];
	[tilespmem:s23+$0x18200] =	vst v3;
	s23 =	smov.u32 s25  }
0x141: {  	v3 =	vld [tilespmem:s23+$0x18200];
	_ =	sdelay $0x4  }
0x142: {  	v2 =	vadd.f32 v2, v3;
	_ =	sdelay $0x1  }
0x143: {  	s25 =	rddreg [dreg:$0x18];
	[tilespmem:s23+$0x18200] =	vst v2  }
0x144: {  	[tilespmem:s21], [sflag:$0x2] =	stream.strided.gather [spmem:s25], $0x200, s19, s15, $0x200038;
	[tilespmem:$0x1C400] =	vst v63  }
0x145: {  	_ =	swait.ge [sflag:s14], $0x200  }
0x146: {  	[sflag:s14] =	ssyncset.done $0x0  }
0x147: {  	s23 =	simm.s32 $0x0;
	[sflag:s14] =	ssyncadd.s32 $0xFFFFFE00  }
0x148: {  	s24 =	simm.s32 $0x40;
	v2 =	vld [tilespmem:s23+$0x18000]  }
.LBB2_38:
0x149: {  	p0 =	sne.s32 s24, $0x7C0;
	v3 =	vld [tilespmem:s23+$0x18200];
	_ =	sdelay $0x2  }
.Ltmp18:
0x14a: {  	(pc) =	sbr.rel @p0 .LBB2_38-.Ltmp18, $4  }
0x14b: {  	_ = 	snop  }
0x14c: {  	v3 =	vadd.f32 v2, v3  }
0x14d: {  	s25 =	sshra.s32 s24, $0x2  }
0x14e: {  	s24 =	sadd.s32 $0x40, s24;
	v2 =	vld [tilespmem:s25+$0x18000];
	[tilespmem:s23+$0x18200] =	vst v3;
	s23 =	smov.u32 s25  }
0x14f: {  	v3 =	vld [tilespmem:s23+$0x18200];
	_ =	sdelay $0x4  }
0x150: {  	v2 =	vadd.f32 v2, v3;
	_ =	sdelay $0x1  }
0x151: {  	[tilespmem:s23+$0x18200] =	vst v2  }
0x152: {  	[hbm4b:s11+s15] =	stream.strided.scatter [tilespmem:s20], [sflag:$0x2], $0x200, s19, s15, $0x200038;
	[tilespmem:$0x1C400] =	vst v63  }
0x153: {  	_ =	swait.ge [sflag:s14], $0x200  }
0x154: {  	[sflag:s14] =	ssyncset.done $0x0  }
0x155: {  	s24 =	rddreg [dreg:$0x19];
	[sflag:s14] =	ssyncadd.s32 $0xFFFFFE00  }
0x156: {  	[tilespmem:s20], [sflag:$0x2] =	stream.strided.gather [spmem:s24], $0x200, s19, s15, $0x200038;
	[tilespmem:$0x1C400] =	vst v63  }
0x157: {  	_ =	swait.ge [sflag:s14], $0x200  }
0x158: {  	[sflag:s14] =	ssyncset.done $0x0  }
0x159: {  	s25 =	rddreg [dreg:$0x1a];
	[sflag:s14] =	ssyncadd.s32 $0xFFFFFE00  }
0x15a: {  	[tilespmem:s21], [sflag:$0x2] =	stream.strided.gather [spmem:s25], $0x200, s19, s15, $0x200038;
	[tilespmem:$0x1C400] =	vst v63  }
0x15b: {  	_ =	swait.ge [sflag:s14], $0x200  }
0x15c: {  	[sflag:s14] =	ssyncset.done $0x0  }
0x15d: {  	s23 =	simm.s32 $0x0;
	[sflag:s14] =	ssyncadd.s32 $0xFFFFFE00  }
0x15e: {  	s24 =	simm.s32 $0x40;
	v2 =	vld [tilespmem:s23+$0x18000]  }
.LBB2_40:
0x15f: {  	p0 =	sne.s32 s24, $0x7C0;
	v3 =	vld [tilespmem:s23+$0x18200];
	_ =	sdelay $0x2  }
.Ltmp19:
0x160: {  	(pc) =	sbr.rel @p0 .LBB2_40-.Ltmp19, $4  }
0x161: {  	_ = 	snop  }
0x162: {  	v3 =	vadd.f32 v2, v3  }
0x163: {  	s25 =	sshra.s32 s24, $0x2  }
0x164: {  	s24 =	sadd.s32 $0x40, s24;
	v2 =	vld [tilespmem:s25+$0x18000];
	[tilespmem:s23+$0x18200] =	vst v3;
	s23 =	smov.u32 s25  }
0x165: {  	v3 =	vld [tilespmem:s23+$0x18200];
	_ =	sdelay $0x4  }
0x166: {  	v2 =	vadd.f32 v2, v3;
	_ =	sdelay $0x1  }
0x167: {  	s25 =	rddreg [dreg:$0x1b];
	[tilespmem:s23+$0x18200] =	vst v2  }
0x168: {  	[tilespmem:s21], [sflag:$0x2] =	stream.strided.gather [spmem:s25], $0x200, s19, s15, $0x200038;
	[tilespmem:$0x1C400] =	vst v63  }
0x169: {  	_ =	swait.ge [sflag:s14], $0x200  }
0x16a: {  	[sflag:s14] =	ssyncset.done $0x0  }
0x16b: {  	s23 =	simm.s32 $0x0;
	[sflag:s14] =	ssyncadd.s32 $0xFFFFFE00  }
0x16c: {  	s24 =	simm.s32 $0x40;
	v2 =	vld [tilespmem:s23+$0x18000]  }
.LBB2_42:
0x16d: {  	p0 =	sne.s32 s24, $0x7C0;
	v3 =	vld [tilespmem:s23+$0x18200];
	_ =	sdelay $0x2  }
.Ltmp20:
0x16e: {  	(pc) =	sbr.rel @p0 .LBB2_42-.Ltmp20, $4  }
0x16f: {  	_ = 	snop  }
0x170: {  	v3 =	vadd.f32 v2, v3  }
0x171: {  	s25 =	sshra.s32 s24, $0x2  }
0x172: {  	s24 =	sadd.s32 $0x40, s24;
	v2 =	vld [tilespmem:s25+$0x18000];
	[tilespmem:s23+$0x18200] =	vst v3;
	s23 =	smov.u32 s25  }
0x173: {  	v3 =	vld [tilespmem:s23+$0x18200];
	_ =	sdelay $0x4  }
0x174: {  	v2 =	vadd.f32 v2, v3;
	_ =	sdelay $0x1  }
0x175: {  	s25 =	rddreg [dreg:$0x1c];
	[tilespmem:s23+$0x18200] =	vst v2  }
0x176: {  	[tilespmem:s21], [sflag:$0x2] =	stream.strided.gather [spmem:s25], $0x200, s19, s15, $0x200038;
	[tilespmem:$0x1C400] =	vst v63  }
0x177: {  	_ =	swait.ge [sflag:s14], $0x200  }
0x178: {  	[sflag:s14] =	ssyncset.done $0x0  }
0x179: {  	s23 =	simm.s32 $0x0;
	[sflag:s14] =	ssyncadd.s32 $0xFFFFFE00  }
0x17a: {  	s24 =	simm.s32 $0x40;
	v2 =	vld [tilespmem:s23+$0x18000]  }
.LBB2_44:
0x17b: {  	p0 =	sne.s32 s24, $0x7C0;
	v3 =	vld [tilespmem:s23+$0x18200];
	_ =	sdelay $0x2  }
.Ltmp21:
0x17c: {  	(pc) =	sbr.rel @p0 .LBB2_44-.Ltmp21, $4  }
0x17d: {  	_ = 	snop  }
0x17e: {  	v3 =	vadd.f32 v2, v3  }
0x17f: {  	s25 =	sshra.s32 s24, $0x2  }
0x180: {  	s24 =	sadd.s32 $0x40, s24;
	v2 =	vld [tilespmem:s25+$0x18000];
	[tilespmem:s23+$0x18200] =	vst v3;
	s23 =	smov.u32 s25  }
0x181: {  	v3 =	vld [tilespmem:s23+$0x18200];
	_ =	sdelay $0x4  }
0x182: {  	v2 =	vadd.f32 v2, v3;
	_ =	sdelay $0x1  }
0x183: {  	s25 =	rddreg [dreg:$0x1d];
	[tilespmem:s23+$0x18200] =	vst v2  }
0x184: {  	[tilespmem:s21], [sflag:$0x2] =	stream.strided.gather [spmem:s25], $0x200, s19, s15, $0x200038;
	[tilespmem:$0x1C400] =	vst v63  }
0x185: {  	_ =	swait.ge [sflag:s14], $0x200  }
0x186: {  	[sflag:s14] =	ssyncset.done $0x0  }
0x187: {  	s23 =	simm.s32 $0x0;
	[sflag:s14] =	ssyncadd.s32 $0xFFFFFE00  }
0x188: {  	s24 =	simm.s32 $0x40;
	v2 =	vld [tilespmem:s23+$0x18000]  }
.LBB2_46:
0x189: {  	p0 =	sne.s32 s24, $0x7C0;
	v3 =	vld [tilespmem:s23+$0x18200];
	_ =	sdelay $0x2  }
.Ltmp22:
0x18a: {  	(pc) =	sbr.rel @p0 .LBB2_46-.Ltmp22, $4  }
0x18b: {  	_ = 	snop  }
0x18c: {  	v3 =	vadd.f32 v2, v3  }
0x18d: {  	s25 =	sshra.s32 s24, $0x2  }
0x18e: {  	s24 =	sadd.s32 $0x40, s24;
	v2 =	vld [tilespmem:s25+$0x18000];
	[tilespmem:s23+$0x18200] =	vst v3;
	s23 =	smov.u32 s25  }
0x18f: {  	v3 =	vld [tilespmem:s23+$0x18200];
	_ =	sdelay $0x4  }
0x190: {  	v2 =	vadd.f32 v2, v3;
	_ =	sdelay $0x1  }
0x191: {  	s25 =	rddreg [dreg:$0x1e];
	[tilespmem:s23+$0x18200] =	vst v2  }
0x192: {  	[tilespmem:s21], [sflag:$0x2] =	stream.strided.gather [spmem:s25], $0x200, s19, s15, $0x200038;
	[tilespmem:$0x1C400] =	vst v63  }
0x193: {  	_ =	swait.ge [sflag:s14], $0x200  }
0x194: {  	[sflag:s14] =	ssyncset.done $0x0  }
0x195: {  	s23 =	simm.s32 $0x0;
	[sflag:s14] =	ssyncadd.s32 $0xFFFFFE00  }
0x196: {  	s24 =	simm.s32 $0x40;
	v2 =	vld [tilespmem:s23+$0x18000]  }
.LBB2_48:
0x197: {  	p0 =	sne.s32 s24, $0x7C0;
	v3 =	vld [tilespmem:s23+$0x18200];
	_ =	sdelay $0x2  }
.Ltmp23:
0x198: {  	(pc) =	sbr.rel @p0 .LBB2_48-.Ltmp23, $4  }
0x199: {  	_ = 	snop  }
0x19a: {  	v3 =	vadd.f32 v2, v3  }
0x19b: {  	s25 =	sshra.s32 s24, $0x2  }
0x19c: {  	s24 =	sadd.s32 $0x40, s24;
	v2 =	vld [tilespmem:s25+$0x18000];
	[tilespmem:s23+$0x18200] =	vst v3;
	s23 =	smov.u32 s25  }
0x19d: {  	v3 =	vld [tilespmem:s23+$0x18200];
	_ =	sdelay $0x4  }
0x19e: {  	v2 =	vadd.f32 v2, v3;
	_ =	sdelay $0x1  }
0x19f: {  	[tilespmem:s23+$0x18200] =	vst v2  }
0x1a0: {  	[tilespmem:s21], [sflag:$0x2] =	stream.strided.gather [spmem:s26], $0x200, s19, s15, $0x200038;
	[tilespmem:$0x1C400] =	vst v63  }
0x1a1: {  	_ =	swait.ge [sflag:s14], $0x200  }
0x1a2: {  	[sflag:s14] =	ssyncset.done $0x0  }
0x1a3: {  	s23 =	simm.s32 $0x0;
	[sflag:s14] =	ssyncadd.s32 $0xFFFFFE00  }
0x1a4: {  	s24 =	simm.s32 $0x40;
	v2 =	vld [tilespmem:s23+$0x18000]  }
.LBB2_50:
0x1a5: {  	p0 =	sne.s32 s24, $0x7C0;
	v3 =	vld [tilespmem:s23+$0x18200];
	_ =	sdelay $0x2  }
.Ltmp24:
0x1a6: {  	(pc) =	sbr.rel @p0 .LBB2_50-.Ltmp24, $4  }
0x1a7: {  	_ = 	snop  }
0x1a8: {  	v3 =	vadd.f32 v2, v3  }
0x1a9: {  	s25 =	sshra.s32 s24, $0x2  }
0x1aa: {  	s24 =	sadd.s32 $0x40, s24;
	v2 =	vld [tilespmem:s25+$0x18000];
	[tilespmem:s23+$0x18200] =	vst v3;
	s23 =	smov.u32 s25  }
0x1ab: {  	v3 =	vld [tilespmem:s23+$0x18200];
	_ =	sdelay $0x4  }
0x1ac: {  	v2 =	vadd.f32 v2, v3;
	_ =	sdelay $0x1  }
0x1ad: {  	[tilespmem:s23+$0x18200] =	vst v2  }
0x1ae: {  	[tilespmem:s21], [sflag:$0x2] =	stream.strided.gather [spmem:s28], $0x200, s19, s15, $0x200038;
	[tilespmem:$0x1C400] =	vst v63  }
0x1af: {  	_ =	swait.ge [sflag:s14], $0x200  }
0x1b0: {  	[sflag:s14] =	ssyncset.done $0x0  }
0x1b1: {  	s23 =	simm.s32 $0x0;
	[sflag:s14] =	ssyncadd.s32 $0xFFFFFE00  }
0x1b2: {  	s24 =	simm.s32 $0x40;
	v2 =	vld [tilespmem:s23+$0x18000]  }
.LBB2_52:
0x1b3: {  	p0 =	sne.s32 s24, $0x7C0;
	v3 =	vld [tilespmem:s23+$0x18200];
	_ =	sdelay $0x2  }
.Ltmp25:
0x1b4: {  	(pc) =	sbr.rel @p0 .LBB2_52-.Ltmp25, $4  }
0x1b5: {  	_ = 	snop  }
0x1b6: {  	v3 =	vadd.f32 v2, v3  }
0x1b7: {  	s25 =	sshra.s32 s24, $0x2  }
0x1b8: {  	s24 =	sadd.s32 $0x40, s24;
	v2 =	vld [tilespmem:s25+$0x18000];
	[tilespmem:s23+$0x18200] =	vst v3;
	s23 =	smov.u32 s25  }
0x1b9: {  	v3 =	vld [tilespmem:s23+$0x18200];
	_ =	sdelay $0x4  }
0x1ba: {  	v2 =	vadd.f32 v2, v3;
	_ =	sdelay $0x1  }
0x1bb: {  	[tilespmem:s23+$0x18200] =	vst v2  }
0x1bc: {  	[tilespmem:s21], [sflag:$0x2] =	stream.strided.gather [spmem:s29], $0x200, s19, s15, $0x200038;
	[tilespmem:$0x1C400] =	vst v63  }
0x1bd: {  	_ =	swait.ge [sflag:s14], $0x200  }
0x1be: {  	[sflag:s14] =	ssyncset.done $0x0  }
0x1bf: {  	s23 =	simm.s32 $0x0;
	[sflag:s14] =	ssyncadd.s32 $0xFFFFFE00  }
0x1c0: {  	s24 =	simm.s32 $0x40;
	v2 =	vld [tilespmem:s23+$0x18000]  }
.LBB2_54:
0x1c1: {  	p0 =	sne.s32 s24, $0x7C0;
	v3 =	vld [tilespmem:s23+$0x18200];
	_ =	sdelay $0x2  }
.Ltmp26:
0x1c2: {  	(pc) =	sbr.rel @p0 .LBB2_54-.Ltmp26, $4  }
0x1c3: {  	_ = 	snop  }
0x1c4: {  	v3 =	vadd.f32 v2, v3  }
0x1c5: {  	s25 =	sshra.s32 s24, $0x2  }
0x1c6: {  	s24 =	sadd.s32 $0x40, s24;
	v2 =	vld [tilespmem:s25+$0x18000];
	[tilespmem:s23+$0x18200] =	vst v3;
	s23 =	smov.u32 s25  }
0x1c7: {  	v3 =	vld [tilespmem:s23+$0x18200];
	_ =	sdelay $0x4  }
0x1c8: {  	v2 =	vadd.f32 v2, v3;
	_ =	sdelay $0x1  }
0x1c9: {  	[tilespmem:s23+$0x18200] =	vst v2  }
0x1ca: {  	[tilespmem:s21], [sflag:$0x2] =	stream.strided.gather [spmem:s30], $0x200, s19, s15, $0x200038;
	[tilespmem:$0x1C400] =	vst v63  }
0x1cb: {  	_ =	swait.ge [sflag:s14], $0x200  }
0x1cc: {  	[sflag:s14] =	ssyncset.done $0x0  }
0x1cd: {  	s23 =	simm.s32 $0x0;
	[sflag:s14] =	ssyncadd.s32 $0xFFFFFE00  }
0x1ce: {  	s24 =	simm.s32 $0x40;
	v2 =	vld [tilespmem:s23+$0x18000]  }
.LBB2_56:
0x1cf: {  	p0 =	sne.s32 s24, $0x7C0;
	v3 =	vld [tilespmem:s23+$0x18200];
	_ =	sdelay $0x2  }
.Ltmp27:
0x1d0: {  	(pc) =	sbr.rel @p0 .LBB2_56-.Ltmp27, $4  }
0x1d1: {  	_ = 	snop  }
0x1d2: {  	v3 =	vadd.f32 v2, v3  }
0x1d3: {  	s25 =	sshra.s32 s24, $0x2  }
0x1d4: {  	s24 =	sadd.s32 $0x40, s24;
	v2 =	vld [tilespmem:s25+$0x18000];
	[tilespmem:s23+$0x18200] =	vst v3;
	s23 =	smov.u32 s25  }
0x1d5: {  	v3 =	vld [tilespmem:s23+$0x18200];
	_ =	sdelay $0x4  }
0x1d6: {  	v2 =	vadd.f32 v2, v3;
	_ =	sdelay $0x1  }
0x1d7: {  	[tilespmem:s23+$0x18200] =	vst v2  }
0x1d8: {  	[tilespmem:s21], [sflag:$0x2] =	stream.strided.gather [spmem:s31], $0x200, s19, s15, $0x200038;
	[tilespmem:$0x1C400] =	vst v63  }
0x1d9: {  	_ =	swait.ge [sflag:s14], $0x200  }
0x1da: {  	[sflag:s14] =	ssyncset.done $0x0  }
0x1db: {  	s23 =	simm.s32 $0x0;
	[sflag:s14] =	ssyncadd.s32 $0xFFFFFE00  }
0x1dc: {  	s24 =	simm.s32 $0x40;
	v2 =	vld [tilespmem:s23+$0x18000]  }
.LBB2_58:
0x1dd: {  	p0 =	sne.s32 s24, $0x7C0;
	v3 =	vld [tilespmem:s23+$0x18200];
	_ =	sdelay $0x2  }
.Ltmp28:
0x1de: {  	(pc) =	sbr.rel @p0 .LBB2_58-.Ltmp28, $4  }
0x1df: {  	_ = 	snop  }
0x1e0: {  	v3 =	vadd.f32 v2, v3  }
0x1e1: {  	s25 =	sshra.s32 s24, $0x2  }
0x1e2: {  	s24 =	sadd.s32 $0x40, s24;
	v2 =	vld [tilespmem:s25+$0x18000];
	[tilespmem:s23+$0x18200] =	vst v3;
	s23 =	smov.u32 s25  }
0x1e3: {  	v3 =	vld [tilespmem:s23+$0x18200];
	_ =	sdelay $0x4  }
0x1e4: {  	v2 =	vadd.f32 v2, v3;
	_ =	sdelay $0x1  }
0x1e5: {  	[tilespmem:s23+$0x18200] =	vst v2  }
0x1e6: {  	[tilespmem:s21], [sflag:$0x2] =	stream.strided.gather [spmem:s0], $0x200, s19, s15, $0x200038;
	[tilespmem:$0x1C400] =	vst v63  }
0x1e7: {  	_ =	swait.ge [sflag:s14], $0x200  }
0x1e8: {  	[sflag:s14] =	ssyncset.done $0x0  }
0x1e9: {  	s23 =	simm.s32 $0x0;
	[sflag:s14] =	ssyncadd.s32 $0xFFFFFE00  }
0x1ea: {  	s24 =	simm.s32 $0x40;
	v2 =	vld [tilespmem:s23+$0x18000]  }
.LBB2_60:
0x1eb: {  	p0 =	sne.s32 s24, $0x7C0;
	v3 =	vld [tilespmem:s23+$0x18200];
	_ =	sdelay $0x2  }
.Ltmp29:
0x1ec: {  	(pc) =	sbr.rel @p0 .LBB2_60-.Ltmp29, $4  }
0x1ed: {  	_ = 	snop  }
0x1ee: {  	v3 =	vadd.f32 v2, v3  }
0x1ef: {  	s25 =	sshra.s32 s24, $0x2  }
0x1f0: {  	s24 =	sadd.s32 $0x40, s24;
	v2 =	vld [tilespmem:s25+$0x18000];
	[tilespmem:s23+$0x18200] =	vst v3;
	s23 =	smov.u32 s25  }
0x1f1: {  	v3 =	vld [tilespmem:s23+$0x18200];
	_ =	sdelay $0x4  }
0x1f2: {  	v2 =	vadd.f32 v2, v3;
	_ =	sdelay $0x1  }
0x1f3: {  	[tilespmem:s23+$0x18200] =	vst v2  }
0x1f4: {  	[tilespmem:s21], [sflag:$0x2] =	stream.strided.gather [spmem:s2], $0x200, s19, s15, $0x200038;
	[tilespmem:$0x1C400] =	vst v63  }
0x1f5: {  	_ =	swait.ge [sflag:s14], $0x200  }
0x1f6: {  	[sflag:s14] =	ssyncset.done $0x0  }
0x1f7: {  	s23 =	simm.s32 $0x0;
	[sflag:s14] =	ssyncadd.s32 $0xFFFFFE00  }
0x1f8: {  	s24 =	simm.s32 $0x40;
	v2 =	vld [tilespmem:s23+$0x18000]  }
.LBB2_62:
0x1f9: {  	p0 =	sne.s32 s24, $0x7C0;
	v3 =	vld [tilespmem:s23+$0x18200];
	_ =	sdelay $0x2  }
.Ltmp30:
0x1fa: {  	(pc) =	sbr.rel @p0 .LBB2_62-.Ltmp30, $4  }
0x1fb: {  	_ = 	snop  }
0x1fc: {  	v3 =	vadd.f32 v2, v3  }
0x1fd: {  	s25 =	sshra.s32 s24, $0x2  }
0x1fe: {  	s24 =	sadd.s32 $0x40, s24;
	v2 =	vld [tilespmem:s25+$0x18000];
	[tilespmem:s23+$0x18200] =	vst v3;
	s23 =	smov.u32 s25  }
0x1ff: {  	v3 =	vld [tilespmem:s23+$0x18200];
	_ =	sdelay $0x4  }
0x200: {  	v2 =	vadd.f32 v2, v3;
	_ =	sdelay $0x1  }
0x201: {  	[tilespmem:s23+$0x18200] =	vst v2  }
0x202: {  	[tilespmem:s21], [sflag:$0x2] =	stream.strided.gather [spmem:s3], $0x200, s19, s15, $0x200038;
	[tilespmem:$0x1C400] =	vst v63  }
0x203: {  	_ =	swait.ge [sflag:s14], $0x200  }
0x204: {  	[sflag:s14] =	ssyncset.done $0x0  }
0x205: {  	s23 =	simm.s32 $0x0;
	[sflag:s14] =	ssyncadd.s32 $0xFFFFFE00  }
0x206: {  	s24 =	simm.s32 $0x40;
	v2 =	vld [tilespmem:s23+$0x18000]  }
.LBB2_64:
0x207: {  	p0 =	sne.s32 s24, $0x7C0;
	v3 =	vld [tilespmem:s23+$0x18200];
	_ =	sdelay $0x2  }
.Ltmp31:
0x208: {  	(pc) =	sbr.rel @p0 .LBB2_64-.Ltmp31, $4  }
0x209: {  	_ = 	snop  }
0x20a: {  	v3 =	vadd.f32 v2, v3  }
0x20b: {  	s25 =	sshra.s32 s24, $0x2  }
0x20c: {  	s24 =	sadd.s32 $0x40, s24;
	v2 =	vld [tilespmem:s25+$0x18000];
	[tilespmem:s23+$0x18200] =	vst v3;
	s23 =	smov.u32 s25  }
0x20d: {  	v3 =	vld [tilespmem:s23+$0x18200];
	_ =	sdelay $0x4  }
0x20e: {  	v2 =	vadd.f32 v2, v3;
	_ =	sdelay $0x1  }
0x20f: {  	[tilespmem:s23+$0x18200] =	vst v2  }
0x210: {  	[tilespmem:s21], [sflag:$0x2] =	stream.strided.gather [spmem:s4], $0x200, s19, s15, $0x200038;
	[tilespmem:$0x1C400] =	vst v63  }
0x211: {  	_ =	swait.ge [sflag:s14], $0x200  }
0x212: {  	[sflag:s14] =	ssyncset.done $0x0  }
0x213: {  	s23 =	simm.s32 $0x0;
	[sflag:s14] =	ssyncadd.s32 $0xFFFFFE00  }
0x214: {  	s24 =	simm.s32 $0x40;
	v2 =	vld [tilespmem:s23+$0x18000]  }
.LBB2_66:
0x215: {  	p0 =	sne.s32 s24, $0x7C0;
	v3 =	vld [tilespmem:s23+$0x18200];
	_ =	sdelay $0x2  }
.Ltmp32:
0x216: {  	(pc) =	sbr.rel @p0 .LBB2_66-.Ltmp32, $4  }
0x217: {  	_ = 	snop  }
0x218: {  	v3 =	vadd.f32 v2, v3  }
0x219: {  	s25 =	sshra.s32 s24, $0x2  }
0x21a: {  	s24 =	sadd.s32 $0x40, s24;
	v2 =	vld [tilespmem:s25+$0x18000];
	[tilespmem:s23+$0x18200] =	vst v3;
	s23 =	smov.u32 s25  }
0x21b: {  	v3 =	vld [tilespmem:s23+$0x18200];
	_ =	sdelay $0x4  }
0x21c: {  	v2 =	vadd.f32 v2, v3;
	_ =	sdelay $0x1  }
0x21d: {  	[tilespmem:s23+$0x18200] =	vst v2  }
0x21e: {  	[tilespmem:s21], [sflag:$0x2] =	stream.strided.gather [spmem:s5], $0x200, s19, s15, $0x200038;
	[tilespmem:$0x1C400] =	vst v63  }
0x21f: {  	_ =	swait.ge [sflag:s14], $0x200  }
0x220: {  	[sflag:s14] =	ssyncset.done $0x0  }
0x221: {  	s23 =	simm.s32 $0x0;
	[sflag:s14] =	ssyncadd.s32 $0xFFFFFE00  }
0x222: {  	s24 =	simm.s32 $0x40;
	v2 =	vld [tilespmem:s23+$0x18000]  }
.LBB2_68:
0x223: {  	p0 =	sne.s32 s24, $0x7C0;
	v3 =	vld [tilespmem:s23+$0x18200];
	_ =	sdelay $0x2  }
.Ltmp33:
0x224: {  	(pc) =	sbr.rel @p0 .LBB2_68-.Ltmp33, $4  }
0x225: {  	_ = 	snop  }
0x226: {  	v3 =	vadd.f32 v2, v3  }
0x227: {  	s25 =	sshra.s32 s24, $0x2  }
0x228: {  	s24 =	sadd.s32 $0x40, s24;
	v2 =	vld [tilespmem:s25+$0x18000];
	[tilespmem:s23+$0x18200] =	vst v3;
	s23 =	smov.u32 s25  }
0x229: {  	v3 =	vld [tilespmem:s23+$0x18200];
	_ =	sdelay $0x4  }
0x22a: {  	v2 =	vadd.f32 v2, v3  }
0x22b: {  	s22 =	sadd.s32 $0x1, s22  }
0x22c: {  	p0 =	sne.s32 s22, s13;
	[tilespmem:s23+$0x18200] =	vst v2  }
0x22d: {  	[hbm4b:s12+s15] =	stream.strided.scatter [tilespmem:s20], [sflag:$0x2], $0x200, s19, s15, $0x200038;
	[tilespmem:$0x1C400] =	vst v63  }
.Ltmp34:
0x22e: {  	_ = 	snop;
	(pc) =	sbr.rel @p0 .LBB2_1-.Ltmp34, $4  }
0x22f: {  	_ =	swait.ge [sflag:s14], $0x200  }
0x230: {  	[sflag:s14] =	ssyncset.done $0x0  }
0x231: {  	[sflag:s14] =	ssyncadd.s32 $0xFFFFFE00  }
0x232: {  	_ =	strace $0x9000004E  }
0x233: {  	_ =	sfence.sel $0x180000  }
0x234: {  	[bflag:$0x0] =	sbarrier.arrive $0xFFFF  }
0x235: {  	_ =	strace $0x90000047  }
0x236: {  	s0 =	stileid.u32;
	[bflag:$0x2] =	sbarrier.arrive $0xFFFF  }
0x237: {  	p0 =	sne.s32 s0, $0x0;
	s0 =	rddreg [dreg:$0x6]  }
0x238: {  	s0 =	sadd.s32 @!p0 $0x100000, s0  }
0x239: {  	[sflag:s0] =	ssyncadd.tile.s32 @!p0 $0x1;
	_ =	shalt  }
.Lfunc_end2:
_tile_overlayer_lowered:
.L_overlay_start_2:
0x23a: {  	(tag) =	ssettag $0x2  }
0x23b: {  	s0 =	rddreg [dreg:$0x0];
	s2 =	stileid.u32  }
0x23c: {  	s1 =	rddreg [dreg:$0x1];
	p0 =	sne.s32 s2, $0x0  }
0x23d: {  	s3 =	rddreg [dreg:$0x2];
	[bflag:$0x3] =	sbarrier.arrive $0xFFFF;
	s2 =	simm.s32 @!p0 $0x1C02  }
0x23e: {  	[timem:s3], [sflag:s2] =	dma.local @!p0 [hbm:s0], s1  }
0x23f: {  	s0 =	simm.s32 @!p0 $0x2  }
0x240: {  	_ =	swait.ge @!p0 [sflag:s0], s1  }
0x241: {  	s1 =	ssub.s32 @!p0 $0x0, s1;
	[sflag:s0] =	ssyncset.done @!p0 $0x0  }
0x242: {  	[sflag:s0] =	ssyncadd.s32 @!p0 s1  }
0x243: {  	[bflag:$0x3] =	sbarrier.arrive $0xFFFF  }
0x244: {  	_ =	shalt  }

// kernel: kernel.7.cloned.1.call-start
scs
__scs_entry_jumppad:
0x0: {  	(pc) =	sbr.rel $0x88, $3  }
0x1: {  	(tag) =	ssettag $0x0;
	lr =	simm.s32 $0x1  }
0x2: {  	[smem:$0x3F9D] =	sst lr;
	_ =	strace $0xD0000000  }
0x3: {  	_ = 	snop  }
0x4: {  	_ = 	snop  }
0x5: {  	_ = 	snop  }
0x6: {  	_ = 	snop  }
0x7: {  	_ = 	snop  }
__scs_overlays_trampoline_lowered:
0x8: {  	[smem:$0x3FAC] =	sst s0  }
0x9: {  	[smem:$0x3FAD] =	sst s1  }
0xa: {  	[smem:$0x3FAE] =	sst s2  }
0xb: {  	[smem:$0x3FAF] =	sst s3  }
0xc: {  	[smem:$0x3FB0] =	sst s4  }
0xd: {  	[smem:$0x3FB1] =	sst s5  }
0xe: {  	[smem:$0x3FB2] =	sst s6  }
0xf: {  	[smem:$0x3FB3] =	sst s7  }
0x10: {  	[smem:$0x3FB4] =	sst s8  }
0x11: {  	[smem:$0x3FB5] =	sst s9;
	s0 =	simm.s32 @!p0 $0x0  }
0x12: {  	s1 =	sld [smem:$0x3F9B];
	s0 =	simm.s32 @p0 $0x1  }
0x13: {  	[smem:$0x3FB6] =	sst s0;
	s0 =	simm.s32 @!p1 $0x0  }
0x14: {  	s2 =	sld [smem:$0x3F9A];
	s0 =	simm.s32 @p1 $0x1  }
0x15: {  	[smem:$0x3FB7] =	sst s0;
	s0 =	simm.s32 @!p2 $0x0  }
0x16: {  	s3 =	sld [smem:$0x3FDB];
	s0 =	simm.s32 @p2 $0x1  }
0x17: {  	s4 =	simm.s32 $0x1BF5;
	[smem:$0x3FB9] =	sst s0  }
0x18: {  	s0 =	sld [smem:$0x3F9C];
	_ =	swait.ge [sflag:s4], $0x0  }
0x19: {  	s7 =	sld [smem:$0x3F9D]  }
0x1a: {  	s8 =	sadd.s32 $0xFFFFE003, lr  }
0x1b: {  	s9 =	sadd.s32 $0xFFFFFEF7, lr;
	s5 =	simm.s32 $0xFFFFFFFF;
	p2 =	slt.u32 s8, $0xFFFFF086  }
0x1c: {  	p1 =	slt.u32 s9, $0xF7A;
	s5 =	simm.s32 @!p2 $0x0  }
0x1d: {  	s5 =	simm.s32 @p1 $0x1;
	p0 =	seq.s32 s7, s2  }
0x1e: {  	s7 =	smul.u32 @!p0 $0xF7A, s2;
	p2 =	seq.s32 @!p0 s5, $0x0  }
0x1f: {  	s9 =	smul.u32 $0xF7A, s1;
	s8 =	simm.s32 @!p0 $0x1BF5;
	p2 =	por !p2, p0  }
0x20: {  	[sflag:s8] =	ssyncset.s32 @!p0 $0xFFFFF086;
	s6 =	sadd.s32 @!p0 s3, s7;
	s7 =	simm.s32 @!p0 $0x108  }
0x21: {  	s3 =	sadd.s32 s3, s9;
	s6 =	sadd.s32 @!p0 $0x88, s6;
	s7 =	simm.s32 @p2 $0x1082  }
0x22: {  	[simem:s7], [sflag:s8] =	dma.local @!p0 [hbm:s6], $0xF7A  }
0x23: {  	s9 =	sor.u32 $0xD0000000, s2;
	s6 =	simm.s32 $0x108;
	_ =	swait.ge @!p0 [sflag:s8], $0x0  }
0x24: {  	s3 =	sadd.s32 $0x88, s3;
	s6 =	simm.s32 @!p1 $0x1082;
	[sflag:s4] =	ssyncset.s32 $0xFFFFF086  }
0x25: {  	[simem:s6], [sflag:s4] =	dma.local [hbm:s3], $0xF7A  }
0x26: {  	[smem:$0x3F9D] =	sst s1;
	(tag) =	ssettag s2;
	_ =	strace s9  }
0x27: {  	s1 =	sld [smem:$0x3FAD]  }
0x28: {  	s2 =	sld [smem:$0x3FAE]  }
0x29: {  	s4 =	sld [smem:$0x3FB0]  }
0x2a: {  	p0 =	seq.s32 s5, $0x0;
	s5 =	sld [smem:$0x3FB1]  }
0x2b: {  	s6 =	sld [smem:$0x3FB2]  }
0x2c: {  	s7 =	sld [smem:$0x3FB3]  }
0x2d: {  	s3 =	simm.s32 $0x108;
	s8 =	sld [smem:$0x3FB4]  }
0x2e: {  	s3 =	simm.s32 @!p0 $0x1082;
	s9 =	sld [smem:$0x3FB5]  }
0x2f: {  	lr =	sadd.s32 s0, s3;
	s0 =	sld [smem:$0x3FAC]  }
0x30: {  	s3 =	sld [smem:$0x3FAF]  }
0x31: {  	[smem:$0x3FB8] =	sst s10  }
0x32: {  	s10 =	sld [smem:$0x3FB6];
	_ =	sdelay $0x3  }
0x33: {  	p0 =	seq.s32 s10, $0x1;
	s10 =	sld [smem:$0x3FB8];
	_ =	sdelay $0x3  }
0x34: {  	[smem:$0x3FB8] =	sst s10  }
0x35: {  	s10 =	sld [smem:$0x3FB7];
	_ =	sdelay $0x3  }
0x36: {  	p1 =	seq.s32 s10, $0x1;
	s10 =	sld [smem:$0x3FB8];
	_ =	sdelay $0x3  }
0x37: {  	[smem:$0x3FB8] =	sst s10  }
0x38: {  	s10 =	sld [smem:$0x3FB9]  }
0x39: {  	_ = 	snop;
	(pc) =	sbr.ind lr, $3  }
0x3a: {  	_ = 	snop  }
0x3b: {  	_ = 	snop  }
0x3c: {  	p2 =	seq.s32 s10, $0x1;
	s10 =	sld [smem:$0x3FB8]  }
0x3d: {  	_ =	shalt  }
0x3e: {  	_ =	shalt  }
0x3f: {  	_ =	shalt  }
0x40: {  	_ =	shalt  }
0x41: {  	_ =	shalt  }
0x42: {  	_ =	shalt  }
0x43: {  	_ =	shalt  }
0x44: {  	_ =	shalt  }
0x45: {  	_ =	shalt  }
0x46: {  	_ =	shalt  }
0x47: {  	_ =	shalt  }
0x48: {  	_ =	shalt  }
0x49: {  	_ =	shalt  }
0x4a: {  	_ =	shalt  }
0x4b: {  	_ =	shalt  }
0x4c: {  	_ =	shalt  }
0x4d: {  	_ =	shalt  }
0x4e: {  	_ =	shalt  }
0x4f: {  	_ =	shalt  }
0x50: {  	_ =	shalt  }
0x51: {  	_ =	shalt  }
0x52: {  	_ =	shalt  }
0x53: {  	_ =	shalt  }
0x54: {  	_ =	shalt  }
0x55: {  	_ =	shalt  }
0x56: {  	_ =	shalt  }
0x57: {  	_ =	shalt  }
0x58: {  	_ =	shalt  }
0x59: {  	_ =	shalt  }
0x5a: {  	_ =	shalt  }
0x5b: {  	_ =	shalt  }
0x5c: {  	_ =	shalt  }
0x5d: {  	_ =	shalt  }
0x5e: {  	_ =	shalt  }
0x5f: {  	_ =	shalt  }
0x60: {  	_ =	shalt  }
0x61: {  	_ =	shalt  }
0x62: {  	_ =	shalt  }
0x63: {  	_ =	shalt  }
0x64: {  	_ =	shalt  }
0x65: {  	_ =	shalt  }
0x66: {  	_ =	shalt  }
0x67: {  	_ =	shalt  }
0x68: {  	_ =	shalt  }
0x69: {  	_ =	shalt  }
0x6a: {  	_ =	shalt  }
0x6b: {  	_ =	shalt  }
0x6c: {  	_ =	shalt  }
0x6d: {  	_ =	shalt  }
0x6e: {  	_ =	shalt  }
0x6f: {  	_ =	shalt  }
0x70: {  	_ =	shalt  }
0x71: {  	_ =	shalt  }
0x72: {  	_ =	shalt  }
0x73: {  	_ =	shalt  }
0x74: {  	_ =	shalt  }
0x75: {  	_ =	shalt  }
0x76: {  	_ =	shalt  }
0x77: {  	_ =	shalt  }
0x78: {  	_ =	shalt  }
0x79: {  	_ =	shalt  }
0x7a: {  	_ =	shalt  }
0x7b: {  	_ =	shalt  }
0x7c: {  	_ =	shalt  }
0x7d: {  	_ =	shalt  }
0x7e: {  	_ =	shalt  }
0x7f: {  	_ =	shalt  }
0x80: {  	_ =	shalt  }
0x81: {  	_ =	shalt  }
0x82: {  	_ =	shalt  }
0x83: {  	_ =	shalt  }
0x84: {  	_ =	shalt  }
0x85: {  	_ =	shalt  }
0x86: {  	_ =	shalt  }
0x87: {  	_ =	shalt  }
.Lfunc_end0:
.L_simem_size_0:
called_computation.1_lowered:
.L_overlay_start_0:
0x88: {  	s2 =	sld [smem:$0x3FD9]  }
0x89: {  	s3 =	sld [smem:$0x3FFE];
	_ =	sdelay $0x1  }
0x8a: {  	s1 =	srdreg.scid  }
0x8b: {  	s0 =	sand.u32 $0x1, s1  }
0x8c: {  	s17 =	sshll.u32 s0, $0xA;
	s2 =	sadd.s32 s3, s2  }
0x8d: {  	s2 =	sadd.s32 s2, s17  }
0x8e: {  	[smem:$0x3FC4] =	sst s2  }
0x8f: {  	_ = 	snop  }
0x90: {  	s2 =	sld [smem:$0x3FC6];
	(tm) =	ssettm $0x1  }
0x91: {  	s18 =	sld [smem:$0x3FFB];
	_ =	sdelay $0x3  }
0x92: {  	_ =	strace s18  }
0x93: {  	s3 =	sld [smem:$0x3FFC];
	_ =	sdelay $0x3  }
0x94: {  	_ =	strace s3  }
0x95: {  	s3 =	sld [smem:$0x3FFD];
	_ =	sdelay $0x3  }
0x96: {  	_ =	strace s3  }
0x97: {  	_ =	strace $0x8FFFFFFF  }
0x98: {  	s19 =	sld [smem:$0x3FDB];
	_ =	sdelay $0x1  }
0x99: {  	s4 =	simm.s32 $_scs_section_size  }
0x9a: {  	s5 =	simm.s32 $_size__tile_overlayer_lowered;
	s6 =	simm.s32 $_tile_overlayer_lowered  }
0x9b: {  	s22 =	simm.s32 $0x1BFF;
	s21 =	sshll.u32 s6, $0x1;
	s3 =	sadd.s32 s4, s19  }
0x9c: {  	s7 =	simm.s32 $0x0;
	s20 =	sshll.u32 s5, $0x1;
	s5 =	sadd.s32 s21, s3  }
0x9d: {  	[timem:s7], [sflag:s22] =	dma.local [hbm:s5], s20  }
0x9e: {  	_ =	swait.ge [sflag:s22], s20  }
0x9f: {  	s4 =	ssub.s32 $0x0, s20;
	[sflag:s22] =	ssyncset.done $0x0  }
0xa0: {  	[sflag:s22] =	ssyncadd.s32 s4;
	_ =	sdelay $0x1  }
0xa1: {  	s23 =	simm.s32 $0x1B8B  }
0xa2: {  	_ =	swait.ge [sflag:s23], $0x1  }
0xa3: {  	[sflag:s23] =	ssyncset.done $0x0  }
0xa4: {  	s25 =	simm.s32 $0x1B8E;
	s24 =	sld [smem:$0x3FFE];
	[sflag:s23] =	ssyncadd.s32 $0xFFFFFFFF  }
0xa5: {  	s26 =	simm.s32 $execute0_lowered;
	[smem:$0x3FD2] =	sst s25  }
0xa6: {  	s5 =	sshll.u32 s26, $0x1;
	_ =	strace $0x80000050;
	[dreg:$0x1] =	wrdreg $0xFFFFFFFF  }
0xa7: {  	s28 =	simm.s32 $_size_execute0_lowered;
	s3 =	sadd.s32 s3, s5;
	[dreg:$0x0] =	wrdreg $0x0  }
0xa8: {  	s5 =	sshll.u32 s28, $0x1;
	[dreg:$0x2] =	wrdreg s3  }
0xa9: {  	[dreg:$0x3] =	wrdreg s5  }
0xaa: {  	[dreg:$0x4] =	wrdreg $0xC0  }
0xab: {  	_ =	task [dreg:s7], $0x5FFFF  }
0xac: {  	[dreg:$0x1] =	wrdreg $0xFFFFFFFF  }
0xad: {  	[dreg:$0x0] =	wrdreg $0x60  }
0xae: {  	[dreg:$0x2] =	wrdreg s24  }
0xaf: {  	[dreg:$0x3] =	wrdreg s2  }
0xb0: {  	[dreg:$0x4] =	wrdreg $0x9  }
0xb1: {  	_ =	task.clear_ibuf [dreg:s7], $0x5FFFF;
	_ =	strace $0x90000050  }
0xb2: {  	s29 =	simm.s32 $0x9;
	_ =	strace $0x80000055  }
0xb3: {  	_ =	swait.ge [sflag:s29], $0x1  }
0xb4: {  	[sflag:s29] =	ssyncadd.s32 $0xFFFFFFFF  }
0xb5: {  	_ =	strace $0x90000055  }
0xb6: {  	_ =	sfence  }
0xb7: {  	s30 =	sld [smem:$0x0];
	_ =	sdelay $0x2  }
0xb8: {  	s31 =	sshll.u32 s1, $0xD;
	s1 =	sshrl.u32 s1, $0x2  }
0xb9: {  	s3 =	sand.u32 $0x4000, s31;
	s1 =	sadd.s32 s1, s30  }
0xba: {  	s0 =	sor.u32 s3, s0;
	s1 =	sshll.u32 s1, $0x11  }
0xbb: {  	s0 =	sor.u32 s1, s0  }
0xbc: {  	s0 =	sadd.s32 $0x8F2B, s0  }
0xbd: {  	[sflag:s0] =	ssyncadd.remote.s32 $0x1  }
0xbe: {  	_ =	sfence.sel $0xFFFF  }
0xbf: {  	[dreg:$0x0] =	wrdreg $0xFFFFFFFF;
	(pc) =	sbr.abs _section_cstart, $3  }
0xc0: {  	[dreg:$0x1] =	wrdreg $0xFFFFFFFF  }
0xc1: {  	_ =	task.clear_ibuf [dreg:s7], $0x2FFFF;
	_ =	strace $0x9FFFFFFF  }
0xc2: {  	(tm) =	ssettm $0x7FFFFFFF  }
0xc3: {  	_ =	shalt  }
tec
execute0_lowered:
.L_overlay_start_1:
0x0: {  	(tag) =	ssettag $0x1  }
0x1: {  	s4 =	rddreg [dreg:$0x0]  }
0x2: {  	s6 =	rddreg [dreg:$0x1];
	s1 =	srdreg.scid  }
0x3: {  	s0 =	rddreg [dreg:$0x2];
	s2 =	simm.s32 $0x0;
	s12 =	simm.s32 $0xC000  }
0x4: {  	s13 =	simm.s32 $0x10000;
	s14 =	simm.s32 $0x12000;
	s15 =	simm.s32 $0x14000  }
0x5: {  	s16 =	simm.s32 $0x0;
	s5 =	sand.u32 $0x1, s1;
	[smem:$0x7FF] =	sst s2  }
0x6: {  	s1 =	stileid.u32;
	s3 =	sshll.u32 s5, $0x4;
	_ =	strace $0x80000051  }
0x7: {  	s10 =	sshll.u32 s1, $0x4;
	s5 =	ssub.s32 $0x2, s5;
	s7 =	sor.u32 s1, s3  }
0x8: {  	s3 =	sadd.s32 $0x90800, s4;
	s10 =	sand.u32 $0x70, s10;
	s11 =	sshrl.u32 s5, $0x1  }
0x9: {  	s8 =	sshll.u32 s7, $0xB;
	s7 =	sshll.u32 s7, $0x4;
	s10 =	sadd.s32 s10, s4  }
0xa: {  	s11 =	ssub.s32 s5, s11;
	s9 =	sadd.s32 s8, s4;
	s7 =	sand.u32 $0x180, s7  }
0xb: {  	s4 =	sadd.s32 $0x91000, s4;
	s6 =	sadd.s32 s6, s8;
	s8 =	smax.u32 s11, $0x1  }
0xc: {  	s11 =	simm.s32 $0x8000;
	s7 =	sadd.s32 s7, s10;
	s5 =	sadd.s32 $0x80800, s9  }
0xd: {  	s9 =	simm.s32 $0x4000;
	s10 =	simm.s32 $0x1;
	s7 =	sadd.s32 $0x800, s7  }
.LBB2_1:
0xe: {  	_ =	strace $0x80000052  }
0xf: {  	[tilespmem:s9], [sflag:$0x1] =	stream.linear.gather [hbm4b:s5+s2], $0x4000, $0x200038;
	[tilespmem:$0x14080] =	vst v63  }
0x10: {  	_ =	swait.ge [sflag:s10], $0x4000  }
0x11: {  	[sflag:s10] =	ssyncset.done $0x0  }
0x12: {  	[sflag:s10] =	ssyncadd.s32 $0xFFFFC000  }
0x13: {  	[tilespmem:s2], [sflag:$0x1] =	stream.linear.gather [hbm4b:s6+s2], $0x4000, $0x200038;
	[tilespmem:$0x14080] =	vst v63  }
0x14: {  	_ =	swait.ge [sflag:s10], $0x4000  }
0x15: {  	[sflag:s10] =	ssyncset.done $0x0  }
0x16: {  	[sflag:s10] =	ssyncadd.s32 $0xFFFFC000  }
0x17: {  	[tilespmem:s11], [sflag:$0x1] =	stream.linear.gather [hbm4b:s3+s2], $0x4000, $0x200038;
	[tilespmem:$0x14080] =	vst v63  }
0x18: {  	_ =	swait.ge [sflag:s10], $0x4000  }
0x19: {  	[sflag:s10] =	ssyncset.done $0x0  }
0x1a: {  	[sflag:s10] =	ssyncadd.s32 $0xFFFFC000  }
0x1b: {  	[tilespmem:s12], [sflag:$0x1] =	stream.linear.gather [hbm4b:s4+s2], $0x4000, $0x200038;
	[tilespmem:$0x14080] =	vst v63  }
0x1c: {  	_ =	swait.ge [sflag:s10], $0x4000  }
0x1d: {  	[sflag:s10] =	ssyncset.done $0x0  }
0x1e: {  	[sflag:s10] =	ssyncadd.s32 $0xFFFFC000  }
0x1f: {  	s17 =	sand.u32 $0x70, s2;
	s18 =	sand.u32 $0xC00, s2;
	_ =	strace $0x90000052  }
0x20: {  	s17 =	sor.u32 s17, s18;
	_ =	strace $0x80000053  }
0x21: {  	v0 =	vld [tilespmem:s17+$0xE000]  }
0x22: {  	v1 =	vld [tilespmem:s17+$0xC000];
	_ =	sdelay $0x4  }
0x23: {  	v0 =	vadd.f32 v0, v1;
	_ =	sdelay $0x1  }
0x24: {  	v0 =	vmax.f32 v0, $1.000000000e+00  }
0x25: {  	(erf) = vrcp.f32 v0;
	_ =	sdelay $0x1  }
0x26: {  	v1 =	vld [tilespmem:s17+$0xA000]  }
0x27: {  	v0 =	vld [tilespmem:s17+$0x8000];
	_ =	sdelay $0x4  }
0x28: {  	v0 =	vadd.f32 v1, v0  }
0x29: {  	v1 =	vpop (erf)  }
0x2a: {  	v0 =	vmul.f32 v1, v0  }
0x2b: {  	s30 =	simm.s32 $0x10;
	s19 =	simm.s32 $0x80  }
0x2c: {  	s31 =	sand.u32 $0xC00, s19;
	s17 =	sand.u32 $0x70, s30;
	[tilespmem:s13+$0x0] =	vst v0  }
0x2d: {  	s21 =	sor.u32 s17, s31;
	[tilespmem:s14+$0x0] =	vst v1  }
0x2e: {  	s20 =	simm.s32 $0x20;
	s18 =	simm.s32 $0x10000;
	s17 =	simm.s32 $0x12000;
	v0 =	vld [tilespmem:s21+$0xE000]  }
.LBB2_2:
0x2f: {  	p0 =	sne.s32 s20, $0x1F0;
	v1 =	vld [tilespmem:s21+$0xC000];
	_ =	sdelay $0x4  }
0x30: {  	v0 =	vadd.f32 v0, v1;
	_ =	sdelay $0x1  }
0x31: {  	v0 =	vmax.f32 v0, $1.000000000e+00  }
0x32: {  	(erf) = vrcp.f32 v0;
	_ =	sdelay $0x1  }
0x33: {  	v0 =	vld [tilespmem:s21+$0x8000]  }
0x34: {  	v1 =	vld [tilespmem:s21+$0xA000];
	_ =	sdelay $0x4  }
0x35: {  	v0 =	vadd.f32 v1, v0  }
0x36: {  	v1 =	vpop (erf)  }
.Ltmp0:
0x37: {  	v0 =	vmul.f32 v1, v0;
	(pc) =	sbr.rel @p0 .LBB2_2-.Ltmp0, $4  }
0x38: {  	s19 =	sadd.s32 $0x80, s19;
	s18 =	sadd.s32 $0x10, s18  }
0x39: {  	s17 =	sadd.s32 $0x10, s17;
	s22 =	sand.u32 $0xC00, s19;
	s21 =	sand.u32 $0x70, s20;
	[tilespmem:s18+$0x0] =	vst v0  }
0x3a: {  	s21 =	sor.u32 s21, s22;
	[tilespmem:s17+$0x0] =	vst v1  }
0x3b: {  	s20 =	sadd.s32 $0x10, s20;
	v0 =	vld [tilespmem:s21+$0xE000]  }
0x3c: {  	v1 =	vld [tilespmem:s21+$0xC000];
	_ =	sdelay $0x4  }
0x3d: {  	v0 =	vadd.f32 v0, v1;
	_ =	sdelay $0x1  }
0x3e: {  	v0 =	vmax.f32 v0, $1.000000000e+00  }
0x3f: {  	(erf) = vrcp.f32 v0;
	_ =	sdelay $0x1  }
0x40: {  	v1 =	vld [tilespmem:s21+$0xA000]  }
0x41: {  	v0 =	vld [tilespmem:s21+$0x8000];
	_ =	sdelay $0x4  }
0x42: {  	v0 =	vadd.f32 v1, v0  }
0x43: {  	v1 =	vpop (erf)  }
0x44: {  	v0 =	vmul.f32 v1, v0  }
0x45: {  	s18 =	sadd.s32 $0x10, s18;
	s19 =	simm.s32 $0x0  }
0x46: {  	s17 =	sadd.s32 $0x10, s17;
	s30 =	sand.u32 $0x70, s19;
	s19 =	sand.u32 $0xC00, s19;
	[tilespmem:s18+$0x0] =	vst v0  }
0x47: {  	[tilespmem:s17+$0x0] =	vst v1;
	s17 =	sor.u32 s30, s19  }
0x48: {  	v0 =	vld [tilespmem:s17+$0xE080]  }
0x49: {  	v1 =	vld [tilespmem:s17+$0xC080];
	_ =	sdelay $0x4  }
0x4a: {  	v0 =	vadd.f32 v0, v1;
	_ =	sdelay $0x1  }
0x4b: {  	v0 =	vmax.f32 v0, $1.000000000e+00  }
0x4c: {  	(erf) = vrcp.f32 v0;
	_ =	sdelay $0x1  }
0x4d: {  	v1 =	vld [tilespmem:s17+$0xA080]  }
0x4e: {  	v0 =	vld [tilespmem:s17+$0x8080];
	_ =	sdelay $0x4  }
0x4f: {  	v0 =	vadd.f32 v1, v0  }
0x50: {  	v1 =	vpop (erf)  }
0x51: {  	v0 =	vmul.f32 v1, v0  }
0x52: {  	s31 =	simm.s32 $0x10;
	s21 =	simm.s32 $0x80;
	s19 =	simm.s32 $0x10200  }
0x53: {  	s20 =	simm.s32 $0x12200;
	s22 =	sand.u32 $0xC00, s21;
	s18 =	sand.u32 $0x70, s31;
	[tilespmem:s19+$0x0] =	vst v0  }
0x54: {  	s23 =	sor.u32 s18, s22;
	[tilespmem:s20+$0x0] =	vst v1  }
0x55: {  	s22 =	simm.s32 $0x20;
	v0 =	vld [tilespmem:s23+$0xE080]  }
.LBB2_4:
0x56: {  	p0 =	sne.s32 s22, $0x1F0;
	v1 =	vld [tilespmem:s23+$0xC080];
	_ =	sdelay $0x4  }
0x57: {  	v0 =	vadd.f32 v0, v1;
	_ =	sdelay $0x1  }
0x58: {  	v0 =	vmax.f32 v0, $1.000000000e+00  }
0x59: {  	(erf) = vrcp.f32 v0;
	_ =	sdelay $0x1  }
0x5a: {  	v0 =	vld [tilespmem:s23+$0x8080]  }
0x5b: {  	v1 =	vld [tilespmem:s23+$0xA080];
	_ =	sdelay $0x4  }
0x5c: {  	v0 =	vadd.f32 v1, v0  }
0x5d: {  	v1 =	vpop (erf)  }
.Ltmp1:
0x5e: {  	v0 =	vmul.f32 v1, v0;
	(pc) =	sbr.rel @p0 .LBB2_4-.Ltmp1, $4  }
0x5f: {  	s21 =	sadd.s32 $0x80, s21;
	s19 =	sadd.s32 $0x10, s19  }
0x60: {  	s20 =	sadd.s32 $0x10, s20;
	s24 =	sand.u32 $0xC00, s21;
	s23 =	sand.u32 $0x70, s22;
	[tilespmem:s19+$0x0] =	vst v0  }
0x61: {  	s23 =	sor.u32 s23, s24;
	[tilespmem:s20+$0x0] =	vst v1  }
0x62: {  	s22 =	sadd.s32 $0x10, s22;
	v0 =	vld [tilespmem:s23+$0xE080]  }
0x63: {  	v1 =	vld [tilespmem:s23+$0xC080];
	_ =	sdelay $0x4  }
0x64: {  	v0 =	vadd.f32 v0, v1;
	_ =	sdelay $0x1  }
0x65: {  	v0 =	vmax.f32 v0, $1.000000000e+00  }
0x66: {  	(erf) = vrcp.f32 v0;
	_ =	sdelay $0x1  }
0x67: {  	v1 =	vld [tilespmem:s23+$0xA080]  }
0x68: {  	v0 =	vld [tilespmem:s23+$0x8080];
	_ =	sdelay $0x4  }
0x69: {  	v0 =	vadd.f32 v1, v0  }
0x6a: {  	v1 =	vpop (erf)  }
0x6b: {  	v0 =	vmul.f32 v1, v0  }
0x6c: {  	s19 =	sadd.s32 $0x10, s19  }
0x6d: {  	s31 =	sadd.s32 $0x10, s20;
	[tilespmem:s19+$0x0] =	vst v0  }
0x6e: {  	[tilespmem:s31+$0x0] =	vst v1  }
0x6f: {  	v0 =	vld [tilespmem:s17+$0xE100]  }
0x70: {  	v1 =	vld [tilespmem:s17+$0xC100];
	_ =	sdelay $0x4  }
0x71: {  	v0 =	vadd.f32 v0, v1;
	_ =	sdelay $0x1  }
0x72: {  	v0 =	vmax.f32 v0, $1.000000000e+00  }
0x73: {  	(erf) = vrcp.f32 v0;
	_ =	sdelay $0x1  }
0x74: {  	v1 =	vld [tilespmem:s17+$0xA100]  }
0x75: {  	v0 =	vld [tilespmem:s17+$0x8100];
	_ =	sdelay $0x4  }
0x76: {  	v0 =	vadd.f32 v1, v0  }
0x77: {  	v1 =	vpop (erf)  }
0x78: {  	v0 =	vmul.f32 v1, v0  }
0x79: {  	s20 =	simm.s32 $0x80;
	s19 =	simm.s32 $0x10400  }
0x7a: {  	s21 =	sand.u32 $0xC00, s20;
	s17 =	simm.s32 $0x12400;
	[tilespmem:s19+$0x0] =	vst v0  }
0x7b: {  	s21 =	sor.u32 s18, s21;
	[tilespmem:s17+$0x0] =	vst v1  }
0x7c: {  	s18 =	simm.s32 $0x20;
	v0 =	vld [tilespmem:s21+$0xE100]  }
.LBB2_6:
0x7d: {  	p0 =	sne.s32 s18, $0x1F0;
	v1 =	vld [tilespmem:s21+$0xC100];
	_ =	sdelay $0x4  }
0x7e: {  	v0 =	vadd.f32 v0, v1;
	_ =	sdelay $0x1  }
0x7f: {  	v0 =	vmax.f32 v0, $1.000000000e+00  }
0x80: {  	(erf) = vrcp.f32 v0;
	_ =	sdelay $0x1  }
0x81: {  	v0 =	vld [tilespmem:s21+$0x8100]  }
0x82: {  	v1 =	vld [tilespmem:s21+$0xA100];
	_ =	sdelay $0x4  }
0x83: {  	v0 =	vadd.f32 v1, v0  }
0x84: {  	v1 =	vpop (erf)  }
.Ltmp2:
0x85: {  	v0 =	vmul.f32 v1, v0;
	(pc) =	sbr.rel @p0 .LBB2_6-.Ltmp2, $4  }
0x86: {  	s20 =	sadd.s32 $0x80, s20;
	s19 =	sadd.s32 $0x10, s19  }
0x87: {  	s17 =	sadd.s32 $0x10, s17;
	s22 =	sand.u32 $0xC00, s20;
	s21 =	sand.u32 $0x70, s18;
	[tilespmem:s19+$0x0] =	vst v0  }
0x88: {  	s21 =	sor.u32 s21, s22;
	[tilespmem:s17+$0x0] =	vst v1  }
0x89: {  	s18 =	sadd.s32 $0x10, s18;
	v0 =	vld [tilespmem:s21+$0xE100]  }
0x8a: {  	v1 =	vld [tilespmem:s21+$0xC100];
	_ =	sdelay $0x4  }
0x8b: {  	v0 =	vadd.f32 v0, v1;
	_ =	sdelay $0x1  }
0x8c: {  	v0 =	vmax.f32 v0, $1.000000000e+00  }
0x8d: {  	(erf) = vrcp.f32 v0;
	_ =	sdelay $0x1  }
0x8e: {  	v58 =	vld [tilespmem:s21+$0x8100]  }
0x8f: {  	v59 =	vld [tilespmem:s21+$0xA100];
	_ =	sdelay $0x4  }
0x90: {  	v0 =	vadd.f32 v59, v58  }
0x91: {  	v60 =	vpop (erf)  }
0x92: {  	s18 =	simm.s32 $0x0;
	v0 =	vmul.f32 v60, v0  }
0x93: {  	s19 =	sadd.s32 $0x10, s19;
	s20 =	sand.u32 $0xFFFFFC00, s18  }
0x94: {  	s17 =	sadd.s32 $0x10, s17;
	s29 =	sadd.s32 $0x0, s20;
	[tilespmem:s19+$0x0] =	vst v0  }
0x95: {  	s30 =	sor.u32 $0x2180, s29;
	[tilespmem:s17+$0x0] =	vst v60  }
0x96: {  	s19 =	sor.u32 $0x180, s29;
	v0 =	vld [tilespmem:s30+$0xC000]  }
0x97: {  	v1 =	vld [tilespmem:s19+$0xC000];
	_ =	sdelay $0x4  }
0x98: {  	v0 =	vadd.f32 v0, v1;
	_ =	sdelay $0x1  }
0x99: {  	v0 =	vmax.f32 v0, $1.000000000e+00  }
0x9a: {  	(erf) = vrcp.f32 v0;
	_ =	sdelay $0x1  }
0x9b: {  	v61 =	vld [tilespmem:s19+$0x8000]  }
0x9c: {  	v62 =	vld [tilespmem:s30+$0x8000];
	_ =	sdelay $0x4  }
0x9d: {  	v0 =	vadd.f32 v62, v61  }
0x9e: {  	v63 =	vpop (erf)  }
0x9f: {  	s17 =	simm.s32 $0x80;
	v0 =	vmul.f32 v63, v0  }
0xa0: {  	s19 =	simm.s32 $0x10600;
	s31 =	sand.u32 $0xFFFFFC00, s17  }
0xa1: {  	s20 =	simm.s32 $0x12600;
	s24 =	sadd.s32 $0x10, s31;
	[tilespmem:s19+$0x0] =	vst v0  }
0xa2: {  	s21 =	simm.s32 $0x10;
	s22 =	simm.s32 $0x100;
	s23 =	sor.u32 $0x2180, s24;
	[tilespmem:s20+$0x0] =	vst v63  }
.LBB2_8:
0xa3: {  	p0 =	sne.s32 s22, $0xF80;
	s24 =	sor.u32 $0x180, s24;
	v0 =	vld [tilespmem:s23+$0xC000]  }
0xa4: {  	v1 =	vld [tilespmem:s24+$0xC000];
	_ =	sdelay $0x4  }
0xa5: {  	v0 =	vadd.f32 v0, v1;
	_ =	sdelay $0x1  }
0xa6: {  	v0 =	vmax.f32 v0, $1.000000000e+00  }
0xa7: {  	(erf) = vrcp.f32 v0;
	_ =	sdelay $0x1  }
0xa8: {  	v0 =	vld [tilespmem:s24+$0x8000]  }
0xa9: {  	v1 =	vld [tilespmem:s23+$0x8000];
	_ =	sdelay $0x4  }
0xaa: {  	v0 =	vadd.f32 v1, v0  }
.Ltmp3:
0xab: {  	v1 =	vpop (erf);
	(pc) =	sbr.rel @p0 .LBB2_8-.Ltmp3, $4  }
0xac: {  	v0 =	vmul.f32 v1, v0  }
0xad: {  	s21 =	sadd.s32 $0x10, s21;
	s19 =	sadd.s32 $0x10, s19;
	s23 =	sand.u32 $0xFFFFFC00, s22  }
0xae: {  	s20 =	sadd.s32 $0x10, s20;
	s24 =	sadd.s32 s23, s21;
	[tilespmem:s19+$0x0] =	vst v0  }
0xaf: {  	s22 =	sadd.s32 $0x80, s22;
	s23 =	sor.u32 $0x2180, s24;
	[tilespmem:s20+$0x0] =	vst v1  }
0xb0: {  	s21 =	sor.u32 $0x180, s24;
	v0 =	vld [tilespmem:s23+$0xC000]  }
0xb1: {  	v1 =	vld [tilespmem:s21+$0xC000];
	_ =	sdelay $0x4  }
0xb2: {  	v0 =	vadd.f32 v0, v1;
	_ =	sdelay $0x1  }
0xb3: {  	v0 =	vmax.f32 v0, $1.000000000e+00  }
0xb4: {  	(erf) = vrcp.f32 v0;
	_ =	sdelay $0x1  }
0xb5: {  	v1 =	vld [tilespmem:s23+$0x8000]  }
0xb6: {  	v0 =	vld [tilespmem:s21+$0x8000];
	_ =	sdelay $0x4  }
0xb7: {  	v0 =	vadd.f32 v1, v0  }
0xb8: {  	v1 =	vpop (erf)  }
0xb9: {  	v0 =	vmul.f32 v1, v0  }
0xba: {  	s19 =	sadd.s32 $0x10, s19  }
0xbb: {  	s26 =	sadd.s32 $0x10, s20;
	s28 =	sand.u32 $0x70, s18;
	s29 =	sand.u32 $0xC00, s18;
	[tilespmem:s19+$0x0] =	vst v0  }
0xbc: {  	s18 =	sor.u32 s28, s29;
	[tilespmem:s26+$0x0] =	vst v1  }
0xbd: {  	v0 =	vld [tilespmem:s18+$0xE200]  }
0xbe: {  	v1 =	vld [tilespmem:s18+$0xC200];
	_ =	sdelay $0x4  }
0xbf: {  	v0 =	vadd.f32 v0, v1;
	_ =	sdelay $0x1  }
0xc0: {  	v0 =	vmax.f32 v0, $1.000000000e+00  }
0xc1: {  	(erf) = vrcp.f32 v0;
	_ =	sdelay $0x1  }
0xc2: {  	v1 =	vld [tilespmem:s18+$0xA200]  }
0xc3: {  	v0 =	vld [tilespmem:s18+$0x8200];
	_ =	sdelay $0x4  }
0xc4: {  	v0 =	vadd.f32 v1, v0  }
0xc5: {  	v1 =	vpop (erf)  }
0xc6: {  	v0 =	vmul.f32 v1, v0  }
0xc7: {  	s30 =	simm.s32 $0x10;
	s19 =	simm.s32 $0x10800  }
0xc8: {  	s31 =	sand.u32 $0xC00, s17;
	s20 =	sand.u32 $0x70, s30;
	s18 =	simm.s32 $0x12800;
	[tilespmem:s19+$0x0] =	vst v0  }
0xc9: {  	s21 =	sor.u32 s20, s31;
	[tilespmem:s18+$0x0] =	vst v1  }
0xca: {  	s20 =	simm.s32 $0x20;
	v0 =	vld [tilespmem:s21+$0xE200]  }
.LBB2_10:
0xcb: {  	p0 =	sne.s32 s20, $0x1F0;
	v1 =	vld [tilespmem:s21+$0xC200];
	_ =	sdelay $0x4  }
0xcc: {  	v0 =	vadd.f32 v0, v1;
	_ =	sdelay $0x1  }
0xcd: {  	v0 =	vmax.f32 v0, $1.000000000e+00  }
0xce: {  	(erf) = vrcp.f32 v0;
	_ =	sdelay $0x1  }
0xcf: {  	v0 =	vld [tilespmem:s21+$0x8200]  }
0xd0: {  	v1 =	vld [tilespmem:s21+$0xA200];
	_ =	sdelay $0x4  }
0xd1: {  	v0 =	vadd.f32 v1, v0  }
0xd2: {  	v1 =	vpop (erf)  }
.Ltmp4:
0xd3: {  	v0 =	vmul.f32 v1, v0;
	(pc) =	sbr.rel @p0 .LBB2_10-.Ltmp4, $4  }
0xd4: {  	s17 =	sadd.s32 $0x80, s17;
	s19 =	sadd.s32 $0x10, s19  }
0xd5: {  	s18 =	sadd.s32 $0x10, s18;
	s22 =	sand.u32 $0xC00, s17;
	s21 =	sand.u32 $0x70, s20;
	[tilespmem:s19+$0x0] =	vst v0  }
0xd6: {  	s21 =	sor.u32 s21, s22;
	[tilespmem:s18+$0x0] =	vst v1  }
0xd7: {  	s20 =	sadd.s32 $0x10, s20;
	v0 =	vld [tilespmem:s21+$0xE200]  }
0xd8: {  	v1 =	vld [tilespmem:s21+$0xC200];
	_ =	sdelay $0x4  }
0xd9: {  	v0 =	vadd.f32 v0, v1;
	_ =	sdelay $0x1  }
0xda: {  	v0 =	vmax.f32 v0, $1.000000000e+00  }
0xdb: {  	(erf) = vrcp.f32 v0;
	_ =	sdelay $0x1  }
0xdc: {  	v1 =	vld [tilespmem:s21+$0xA200]  }
0xdd: {  	v0 =	vld [tilespmem:s21+$0x8200];
	_ =	sdelay $0x4  }
0xde: {  	v0 =	vadd.f32 v1, v0  }
0xdf: {  	v1 =	vpop (erf)  }
0xe0: {  	v0 =	vmul.f32 v1, v0  }
0xe1: {  	s17 =	sadd.s32 $0x10, s19;
	s28 =	simm.s32 $0x0  }
0xe2: {  	s29 =	sadd.s32 $0x10, s18;
	s30 =	sand.u32 $0x70, s28;
	s19 =	sand.u32 $0xC00, s28;
	[tilespmem:s17+$0x0] =	vst v0  }
0xe3: {  	s17 =	sor.u32 s30, s19;
	[tilespmem:s29+$0x0] =	vst v1  }
0xe4: {  	v0 =	vld [tilespmem:s17+$0xE280]  }
0xe5: {  	v1 =	vld [tilespmem:s17+$0xC280];
	_ =	sdelay $0x4  }
0xe6: {  	v0 =	vadd.f32 v0, v1;
	_ =	sdelay $0x1  }
0xe7: {  	v0 =	vmax.f32 v0, $1.000000000e+00  }
0xe8: {  	(erf) = vrcp.f32 v0;
	_ =	sdelay $0x1  }
0xe9: {  	v1 =	vld [tilespmem:s17+$0xA280]  }
0xea: {  	v0 =	vld [tilespmem:s17+$0x8280];
	_ =	sdelay $0x4  }
0xeb: {  	v0 =	vadd.f32 v1, v0  }
0xec: {  	v1 =	vpop (erf)  }
0xed: {  	v0 =	vmul.f32 v1, v0  }
0xee: {  	s31 =	simm.s32 $0x10;
	s21 =	simm.s32 $0x80;
	s19 =	simm.s32 $0x10A00  }
0xef: {  	s20 =	simm.s32 $0x12A00;
	s18 =	sand.u32 $0x70, s31;
	s22 =	sand.u32 $0xC00, s21;
	[tilespmem:s19+$0x0] =	vst v0  }
0xf0: {  	s23 =	sor.u32 s18, s22;
	[tilespmem:s20+$0x0] =	vst v1  }
0xf1: {  	s22 =	simm.s32 $0x20;
	v0 =	vld [tilespmem:s23+$0xE280]  }
.LBB2_12:
0xf2: {  	p0 =	sne.s32 s22, $0x1F0;
	v1 =	vld [tilespmem:s23+$0xC280];
	_ =	sdelay $0x4  }
0xf3: {  	v0 =	vadd.f32 v0, v1;
	_ =	sdelay $0x1  }
0xf4: {  	v0 =	vmax.f32 v0, $1.000000000e+00  }
0xf5: {  	(erf) = vrcp.f32 v0;
	_ =	sdelay $0x1  }
0xf6: {  	v0 =	vld [tilespmem:s23+$0x8280]  }
0xf7: {  	v1 =	vld [tilespmem:s23+$0xA280];
	_ =	sdelay $0x4  }
0xf8: {  	v0 =	vadd.f32 v1, v0  }
0xf9: {  	v1 =	vpop (erf)  }
.Ltmp5:
0xfa: {  	v0 =	vmul.f32 v1, v0;
	(pc) =	sbr.rel @p0 .LBB2_12-.Ltmp5, $4  }
0xfb: {  	s21 =	sadd.s32 $0x80, s21;
	s19 =	sadd.s32 $0x10, s19  }
0xfc: {  	s20 =	sadd.s32 $0x10, s20;
	s24 =	sand.u32 $0xC00, s21;
	s23 =	sand.u32 $0x70, s22;
	[tilespmem:s19+$0x0] =	vst v0  }
0xfd: {  	s23 =	sor.u32 s23, s24;
	[tilespmem:s20+$0x0] =	vst v1  }
0xfe: {  	s22 =	sadd.s32 $0x10, s22;
	v0 =	vld [tilespmem:s23+$0xE280]  }
0xff: {  	v1 =	vld [tilespmem:s23+$0xC280];
	_ =	sdelay $0x4  }
0x100: {  	v0 =	vadd.f32 v0, v1;
	_ =	sdelay $0x1  }
0x101: {  	v0 =	vmax.f32 v0, $1.000000000e+00  }
0x102: {  	(erf) = vrcp.f32 v0;
	_ =	sdelay $0x1  }
0x103: {  	v1 =	vld [tilespmem:s23+$0xA280]  }
0x104: {  	v0 =	vld [tilespmem:s23+$0x8280];
	_ =	sdelay $0x4  }
0x105: {  	v0 =	vadd.f32 v1, v0  }
0x106: {  	v1 =	vpop (erf)  }
0x107: {  	v0 =	vmul.f32 v1, v0  }
0x108: {  	s19 =	sadd.s32 $0x10, s19  }
0x109: {  	s31 =	sadd.s32 $0x10, s20;
	[tilespmem:s19+$0x0] =	vst v0  }
0x10a: {  	[tilespmem:s31+$0x0] =	vst v1  }
0x10b: {  	v0 =	vld [tilespmem:s17+$0xE300]  }
0x10c: {  	v1 =	vld [tilespmem:s17+$0xC300];
	_ =	sdelay $0x4  }
0x10d: {  	v0 =	vadd.f32 v0, v1;
	_ =	sdelay $0x1  }
0x10e: {  	v0 =	vmax.f32 v0, $1.000000000e+00  }
0x10f: {  	(erf) = vrcp.f32 v0;
	_ =	sdelay $0x1  }
0x110: {  	v1 =	vld [tilespmem:s17+$0xA300]  }
0x111: {  	v0 =	vld [tilespmem:s17+$0x8300];
	_ =	sdelay $0x4  }
0x112: {  	v0 =	vadd.f32 v1, v0  }
0x113: {  	v1 =	vpop (erf)  }
0x114: {  	v0 =	vmul.f32 v1, v0  }
0x115: {  	s20 =	simm.s32 $0x80;
	s17 =	simm.s32 $0x10C00  }
0x116: {  	s21 =	sand.u32 $0xC00, s20;
	s19 =	simm.s32 $0x12C00;
	[tilespmem:s17+$0x0] =	vst v0  }
0x117: {  	s21 =	sor.u32 s18, s21;
	[tilespmem:s19+$0x0] =	vst v1  }
0x118: {  	s18 =	simm.s32 $0x20;
	v0 =	vld [tilespmem:s21+$0xE300]  }
.LBB2_14:
0x119: {  	p0 =	sne.s32 s18, $0x1F0;
	v1 =	vld [tilespmem:s21+$0xC300];
	_ =	sdelay $0x4  }
0x11a: {  	v0 =	vadd.f32 v0, v1;
	_ =	sdelay $0x1  }
0x11b: {  	v0 =	vmax.f32 v0, $1.000000000e+00  }
0x11c: {  	(erf) = vrcp.f32 v0;
	_ =	sdelay $0x1  }
0x11d: {  	v0 =	vld [tilespmem:s21+$0x8300]  }
0x11e: {  	v1 =	vld [tilespmem:s21+$0xA300];
	_ =	sdelay $0x4  }
0x11f: {  	v0 =	vadd.f32 v1, v0  }
0x120: {  	v1 =	vpop (erf)  }
.Ltmp6:
0x121: {  	v0 =	vmul.f32 v1, v0;
	(pc) =	sbr.rel @p0 .LBB2_14-.Ltmp6, $4  }
0x122: {  	s20 =	sadd.s32 $0x80, s20;
	s17 =	sadd.s32 $0x10, s17  }
0x123: {  	s19 =	sadd.s32 $0x10, s19;
	s22 =	sand.u32 $0xC00, s20;
	s21 =	sand.u32 $0x70, s18;
	[tilespmem:s17+$0x0] =	vst v0  }
0x124: {  	s21 =	sor.u32 s21, s22;
	[tilespmem:s19+$0x0] =	vst v1  }
0x125: {  	s18 =	sadd.s32 $0x10, s18;
	v0 =	vld [tilespmem:s21+$0xE300]  }
0x126: {  	v1 =	vld [tilespmem:s21+$0xC300];
	_ =	sdelay $0x4  }
0x127: {  	v0 =	vadd.f32 v0, v1;
	_ =	sdelay $0x1  }
0x128: {  	v0 =	vmax.f32 v0, $1.000000000e+00  }
0x129: {  	(erf) = vrcp.f32 v0;
	_ =	sdelay $0x1  }
0x12a: {  	v1 =	vld [tilespmem:s21+$0xA300]  }
0x12b: {  	v0 =	vld [tilespmem:s21+$0x8300];
	_ =	sdelay $0x4  }
0x12c: {  	v0 =	vadd.f32 v1, v0  }
0x12d: {  	v1 =	vpop (erf)  }
0x12e: {  	v0 =	vmul.f32 v1, v0  }
0x12f: {  	s18 =	sadd.s32 $0x10, s17;
	s17 =	simm.s32 $0x0  }
0x130: {  	s29 =	sadd.s32 $0x10, s19;
	s30 =	sor.u32 s17, s17;
	[tilespmem:s18+$0x0] =	vst v0  }
0x131: {  	s31 =	sor.u32 $0x2380, s30;
	[tilespmem:s29+$0x0] =	vst v1  }
0x132: {  	s19 =	sor.u32 $0x380, s30;
	v0 =	vld [tilespmem:s31+$0xC000]  }
0x133: {  	v1 =	vld [tilespmem:s19+$0xC000];
	_ =	sdelay $0x4  }
0x134: {  	v0 =	vadd.f32 v0, v1;
	_ =	sdelay $0x1  }
0x135: {  	v0 =	vmax.f32 v0, $1.000000000e+00  }
0x136: {  	(erf) = vrcp.f32 v0;
	_ =	sdelay $0x1  }
0x137: {  	v1 =	vld [tilespmem:s31+$0x8000]  }
0x138: {  	v0 =	vld [tilespmem:s19+$0x8000];
	_ =	sdelay $0x4  }
0x139: {  	v0 =	vadd.f32 v1, v0  }
0x13a: {  	v1 =	vpop (erf)  }
0x13b: {  	v0 =	vmul.f32 v1, v0  }
0x13c: {  	s21 =	simm.s32 $0x80;
	s18 =	simm.s32 $0x10;
	s19 =	simm.s32 $0x10E00  }
0x13d: {  	s20 =	simm.s32 $0x12E00;
	s22 =	sor.u32 s18, s21;
	[tilespmem:s19+$0x0] =	vst v0  }
0x13e: {  	s23 =	sor.u32 $0x2380, s22;
	[tilespmem:s20+$0x0] =	vst v1  }
0x13f: {  	s24 =	sor.u32 $0x380, s22;
	s22 =	simm.s32 $0x20;
	v0 =	vld [tilespmem:s23+$0xC000]  }
.LBB2_16:
0x140: {  	p0 =	sne.s32 s22, $0x1F0;
	v1 =	vld [tilespmem:s24+$0xC000];
	_ =	sdelay $0x4  }
0x141: {  	v0 =	vadd.f32 v0, v1;
	_ =	sdelay $0x1  }
0x142: {  	v0 =	vmax.f32 v0, $1.000000000e+00  }
0x143: {  	(erf) = vrcp.f32 v0;
	_ =	sdelay $0x1  }
0x144: {  	v0 =	vld [tilespmem:s24+$0x8000]  }
0x145: {  	v1 =	vld [tilespmem:s23+$0x8000];
	_ =	sdelay $0x4  }
0x146: {  	v0 =	vadd.f32 v1, v0  }
0x147: {  	v1 =	vpop (erf)  }
.Ltmp7:
0x148: {  	v0 =	vmul.f32 v1, v0;
	(pc) =	sbr.rel @p0 .LBB2_16-.Ltmp7, $4  }
0x149: {  	s21 =	sadd.s32 $0x80, s21;
	s19 =	sadd.s32 $0x10, s19  }
0x14a: {  	s20 =	sadd.s32 $0x10, s20;
	s24 =	sor.u32 s22, s21;
	[tilespmem:s19+$0x0] =	vst v0  }
0x14b: {  	s23 =	sor.u32 $0x2380, s24;
	[tilespmem:s20+$0x0] =	vst v1  }
0x14c: {  	s22 =	sadd.s32 $0x10, s22;
	s24 =	sor.u32 $0x380, s24;
	v0 =	vld [tilespmem:s23+$0xC000]  }
0x14d: {  	v1 =	vld [tilespmem:s24+$0xC000];
	_ =	sdelay $0x4  }
0x14e: {  	v0 =	vadd.f32 v0, v1;
	_ =	sdelay $0x1  }
0x14f: {  	v0 =	vmax.f32 v0, $1.000000000e+00  }
0x150: {  	(erf) = vrcp.f32 v0;
	_ =	sdelay $0x1  }
0x151: {  	v1 =	vld [tilespmem:s23+$0x8000]  }
0x152: {  	v0 =	vld [tilespmem:s24+$0x8000];
	_ =	sdelay $0x4  }
0x153: {  	v0 =	vadd.f32 v1, v0  }
0x154: {  	v1 =	vpop (erf)  }
0x155: {  	v0 =	vmul.f32 v1, v0  }
0x156: {  	s19 =	sadd.s32 $0x10, s19  }
0x157: {  	s29 =	sadd.s32 $0x10, s20;
	s30 =	sand.u32 $0x70, s17;
	s31 =	sand.u32 $0xC00, s17;
	[tilespmem:s19+$0x0] =	vst v0  }
0x158: {  	s17 =	sor.u32 s30, s31;
	[tilespmem:s29+$0x0] =	vst v1  }
0x159: {  	v0 =	vld [tilespmem:s17+$0xF000]  }
0x15a: {  	v1 =	vld [tilespmem:s17+$0xD000];
	_ =	sdelay $0x4  }
0x15b: {  	v0 =	vadd.f32 v0, v1;
	_ =	sdelay $0x1  }
0x15c: {  	v0 =	vmax.f32 v0, $1.000000000e+00  }
0x15d: {  	(erf) = vrcp.f32 v0;
	_ =	sdelay $0x1  }
0x15e: {  	v1 =	vld [tilespmem:s17+$0xB000]  }
0x15f: {  	v0 =	vld [tilespmem:s17+$0x9000];
	_ =	sdelay $0x4  }
0x160: {  	v0 =	vadd.f32 v1, v0  }
0x161: {  	v1 =	vpop (erf)  }
0x162: {  	v0 =	vmul.f32 v1, v0  }
0x163: {  	s20 =	simm.s32 $0x80;
	s19 =	simm.s32 $0x11000  }
0x164: {  	s18 =	sand.u32 $0x70, s18;
	s21 =	sand.u32 $0xC00, s20;
	s17 =	simm.s32 $0x13000;
	[tilespmem:s19+$0x0] =	vst v0  }
0x165: {  	s21 =	sor.u32 s18, s21;
	[tilespmem:s17+$0x0] =	vst v1  }
0x166: {  	s18 =	simm.s32 $0x20;
	v0 =	vld [tilespmem:s21+$0xF000]  }
.LBB2_18:
0x167: {  	p0 =	sne.s32 s18, $0x1F0;
	v1 =	vld [tilespmem:s21+$0xD000];
	_ =	sdelay $0x4  }
0x168: {  	v0 =	vadd.f32 v0, v1;
	_ =	sdelay $0x1  }
0x169: {  	v0 =	vmax.f32 v0, $1.000000000e+00  }
0x16a: {  	(erf) = vrcp.f32 v0;
	_ =	sdelay $0x1  }
0x16b: {  	v0 =	vld [tilespmem:s21+$0x9000]  }
0x16c: {  	v1 =	vld [tilespmem:s21+$0xB000];
	_ =	sdelay $0x4  }
0x16d: {  	v0 =	vadd.f32 v1, v0  }
0x16e: {  	v1 =	vpop (erf)  }
.Ltmp8:
0x16f: {  	v0 =	vmul.f32 v1, v0;
	(pc) =	sbr.rel @p0 .LBB2_18-.Ltmp8, $4  }
0x170: {  	s20 =	sadd.s32 $0x80, s20;
	s19 =	sadd.s32 $0x10, s19  }
0x171: {  	s17 =	sadd.s32 $0x10, s17;
	s22 =	sand.u32 $0xC00, s20;
	s21 =	sand.u32 $0x70, s18;
	[tilespmem:s19+$0x0] =	vst v0  }
0x172: {  	s21 =	sor.u32 s21, s22;
	[tilespmem:s17+$0x0] =	vst v1  }
0x173: {  	s18 =	sadd.s32 $0x10, s18;
	v0 =	vld [tilespmem:s21+$0xF000]  }
0x174: {  	v1 =	vld [tilespmem:s21+$0xD000];
	_ =	sdelay $0x4  }
0x175: {  	v0 =	vadd.f32 v0, v1;
	_ =	sdelay $0x1  }
0x176: {  	v0 =	vmax.f32 v0, $1.000000000e+00  }
0x177: {  	(erf) = vrcp.f32 v0;
	_ =	sdelay $0x1  }
0x178: {  	v1 =	vld [tilespmem:s21+$0xB000]  }
0x179: {  	v0 =	vld [tilespmem:s21+$0x9000];
	_ =	sdelay $0x4  }
0x17a: {  	v0 =	vadd.f32 v1, v0  }
0x17b: {  	v1 =	vpop (erf)  }
0x17c: {  	v0 =	vmul.f32 v1, v0  }
0x17d: {  	s18 =	sadd.s32 $0x10, s19;
	s29 =	simm.s32 $0x0  }
0x17e: {  	s17 =	sadd.s32 $0x10, s17;
	s30 =	sand.u32 $0x70, s29;
	s19 =	sand.u32 $0xC00, s29;
	[tilespmem:s18+$0x0] =	vst v0  }
0x17f: {  	[tilespmem:s17+$0x0] =	vst v1;
	s17 =	sor.u32 s30, s19  }
0x180: {  	v0 =	vld [tilespmem:s17+$0xF080]  }
0x181: {  	v1 =	vld [tilespmem:s17+$0xD080];
	_ =	sdelay $0x4  }
0x182: {  	v0 =	vadd.f32 v0, v1;
	_ =	sdelay $0x1  }
0x183: {  	v0 =	vmax.f32 v0, $1.000000000e+00  }
0x184: {  	(erf) = vrcp.f32 v0;
	_ =	sdelay $0x1  }
0x185: {  	v1 =	vld [tilespmem:s17+$0xB080]  }
0x186: {  	v0 =	vld [tilespmem:s17+$0x9080];
	_ =	sdelay $0x4  }
0x187: {  	v0 =	vadd.f32 v1, v0  }
0x188: {  	v1 =	vpop (erf)  }
0x189: {  	v0 =	vmul.f32 v1, v0  }
0x18a: {  	s31 =	simm.s32 $0x10;
	s21 =	simm.s32 $0x80;
	s19 =	simm.s32 $0x11200  }
0x18b: {  	s20 =	simm.s32 $0x13200;
	s22 =	sand.u32 $0xC00, s21;
	s18 =	sand.u32 $0x70, s31;
	[tilespmem:s19+$0x0] =	vst v0  }
0x18c: {  	s23 =	sor.u32 s18, s22;
	[tilespmem:s20+$0x0] =	vst v1  }
0x18d: {  	s22 =	simm.s32 $0x20;
	v0 =	vld [tilespmem:s23+$0xF080]  }
.LBB2_20:
0x18e: {  	p0 =	sne.s32 s22, $0x1F0;
	v1 =	vld [tilespmem:s23+$0xD080];
	_ =	sdelay $0x4  }
0x18f: {  	v0 =	vadd.f32 v0, v1;
	_ =	sdelay $0x1  }
0x190: {  	v0 =	vmax.f32 v0, $1.000000000e+00  }
0x191: {  	(erf) = vrcp.f32 v0;
	_ =	sdelay $0x1  }
0x192: {  	v0 =	vld [tilespmem:s23+$0x9080]  }
0x193: {  	v1 =	vld [tilespmem:s23+$0xB080];
	_ =	sdelay $0x4  }
0x194: {  	v0 =	vadd.f32 v1, v0  }
0x195: {  	v1 =	vpop (erf)  }
.Ltmp9:
0x196: {  	v0 =	vmul.f32 v1, v0;
	(pc) =	sbr.rel @p0 .LBB2_20-.Ltmp9, $4  }
0x197: {  	s21 =	sadd.s32 $0x80, s21;
	s19 =	sadd.s32 $0x10, s19  }
0x198: {  	s20 =	sadd.s32 $0x10, s20;
	s24 =	sand.u32 $0xC00, s21;
	s23 =	sand.u32 $0x70, s22;
	[tilespmem:s19+$0x0] =	vst v0  }
0x199: {  	s23 =	sor.u32 s23, s24;
	[tilespmem:s20+$0x0] =	vst v1  }
0x19a: {  	s22 =	sadd.s32 $0x10, s22;
	v0 =	vld [tilespmem:s23+$0xF080]  }
0x19b: {  	v1 =	vld [tilespmem:s23+$0xD080];
	_ =	sdelay $0x4  }
0x19c: {  	v0 =	vadd.f32 v0, v1;
	_ =	sdelay $0x1  }
0x19d: {  	v0 =	vmax.f32 v0, $1.000000000e+00  }
0x19e: {  	(erf) = vrcp.f32 v0;
	_ =	sdelay $0x1  }
0x19f: {  	v1 =	vld [tilespmem:s23+$0xB080]  }
0x1a0: {  	v0 =	vld [tilespmem:s23+$0x9080];
	_ =	sdelay $0x4  }
0x1a1: {  	v0 =	vadd.f32 v1, v0  }
0x1a2: {  	v1 =	vpop (erf)  }
0x1a3: {  	v0 =	vmul.f32 v1, v0  }
0x1a4: {  	s19 =	sadd.s32 $0x10, s19  }
0x1a5: {  	s31 =	sadd.s32 $0x10, s20;
	[tilespmem:s19+$0x0] =	vst v0  }
0x1a6: {  	[tilespmem:s31+$0x0] =	vst v1  }
0x1a7: {  	v0 =	vld [tilespmem:s17+$0xF100]  }
0x1a8: {  	v1 =	vld [tilespmem:s17+$0xD100];
	_ =	sdelay $0x4  }
0x1a9: {  	v0 =	vadd.f32 v0, v1;
	_ =	sdelay $0x1  }
0x1aa: {  	v0 =	vmax.f32 v0, $1.000000000e+00  }
0x1ab: {  	(erf) = vrcp.f32 v0;
	_ =	sdelay $0x1  }
0x1ac: {  	v1 =	vld [tilespmem:s17+$0xB100]  }
0x1ad: {  	v0 =	vld [tilespmem:s17+$0x9100];
	_ =	sdelay $0x4  }
0x1ae: {  	v0 =	vadd.f32 v1, v0  }
0x1af: {  	v1 =	vpop (erf)  }
0x1b0: {  	v0 =	vmul.f32 v1, v0  }
0x1b1: {  	s20 =	simm.s32 $0x80;
	s19 =	simm.s32 $0x11400  }
0x1b2: {  	s21 =	sand.u32 $0xC00, s20;
	s17 =	simm.s32 $0x13400;
	[tilespmem:s19+$0x0] =	vst v0  }
0x1b3: {  	s21 =	sor.u32 s18, s21;
	[tilespmem:s17+$0x0] =	vst v1  }
0x1b4: {  	s18 =	simm.s32 $0x20;
	v0 =	vld [tilespmem:s21+$0xF100]  }
.LBB2_22:
0x1b5: {  	p0 =	sne.s32 s18, $0x1F0;
	v1 =	vld [tilespmem:s21+$0xD100];
	_ =	sdelay $0x4  }
0x1b6: {  	v0 =	vadd.f32 v0, v1;
	_ =	sdelay $0x1  }
0x1b7: {  	v0 =	vmax.f32 v0, $1.000000000e+00  }
0x1b8: {  	(erf) = vrcp.f32 v0;
	_ =	sdelay $0x1  }
0x1b9: {  	v0 =	vld [tilespmem:s21+$0x9100]  }
0x1ba: {  	v1 =	vld [tilespmem:s21+$0xB100];
	_ =	sdelay $0x4  }
0x1bb: {  	v0 =	vadd.f32 v1, v0  }
0x1bc: {  	v1 =	vpop (erf)  }
.Ltmp10:
0x1bd: {  	v0 =	vmul.f32 v1, v0;
	(pc) =	sbr.rel @p0 .LBB2_22-.Ltmp10, $4  }
0x1be: {  	s20 =	sadd.s32 $0x80, s20;
	s19 =	sadd.s32 $0x10, s19  }
0x1bf: {  	s17 =	sadd.s32 $0x10, s17;
	s22 =	sand.u32 $0xC00, s20;
	s21 =	sand.u32 $0x70, s18;
	[tilespmem:s19+$0x0] =	vst v0  }
0x1c0: {  	s21 =	sor.u32 s21, s22;
	[tilespmem:s17+$0x0] =	vst v1  }
0x1c1: {  	s18 =	sadd.s32 $0x10, s18;
	v0 =	vld [tilespmem:s21+$0xF100]  }
0x1c2: {  	v1 =	vld [tilespmem:s21+$0xD100];
	_ =	sdelay $0x4  }
0x1c3: {  	v0 =	vadd.f32 v0, v1;
	_ =	sdelay $0x1  }
0x1c4: {  	v0 =	vmax.f32 v0, $1.000000000e+00  }
0x1c5: {  	(erf) = vrcp.f32 v0;
	_ =	sdelay $0x1  }
0x1c6: {  	v58 =	vld [tilespmem:s21+$0x9100]  }
0x1c7: {  	v59 =	vld [tilespmem:s21+$0xB100];
	_ =	sdelay $0x4  }
0x1c8: {  	v0 =	vadd.f32 v59, v58  }
0x1c9: {  	v60 =	vpop (erf)  }
0x1ca: {  	s18 =	simm.s32 $0x0;
	v0 =	vmul.f32 v60, v0  }
0x1cb: {  	s19 =	sadd.s32 $0x10, s19;
	s20 =	sand.u32 $0xFFFFFC00, s18  }
0x1cc: {  	s17 =	sadd.s32 $0x10, s17;
	s29 =	sadd.s32 $0x0, s20;
	[tilespmem:s19+$0x0] =	vst v0  }
0x1cd: {  	s30 =	sor.u32 $0x3180, s29;
	[tilespmem:s17+$0x0] =	vst v60  }
0x1ce: {  	s19 =	sor.u32 $0x1180, s29;
	v0 =	vld [tilespmem:s30+$0xC000]  }
0x1cf: {  	v1 =	vld [tilespmem:s19+$0xC000];
	_ =	sdelay $0x4  }
0x1d0: {  	v0 =	vadd.f32 v0, v1;
	_ =	sdelay $0x1  }
0x1d1: {  	v0 =	vmax.f32 v0, $1.000000000e+00  }
0x1d2: {  	(erf) = vrcp.f32 v0;
	_ =	sdelay $0x1  }
0x1d3: {  	v61 =	vld [tilespmem:s19+$0x8000]  }
0x1d4: {  	v62 =	vld [tilespmem:s30+$0x8000];
	_ =	sdelay $0x4  }
0x1d5: {  	v0 =	vadd.f32 v62, v61  }
0x1d6: {  	v63 =	vpop (erf)  }
0x1d7: {  	s17 =	simm.s32 $0x80;
	v0 =	vmul.f32 v63, v0  }
0x1d8: {  	s19 =	simm.s32 $0x11600;
	s31 =	sand.u32 $0xFFFFFC00, s17  }
0x1d9: {  	s20 =	simm.s32 $0x13600;
	s24 =	sadd.s32 $0x10, s31;
	[tilespmem:s19+$0x0] =	vst v0  }
0x1da: {  	s21 =	simm.s32 $0x10;
	s22 =	simm.s32 $0x100;
	s23 =	sor.u32 $0x3180, s24;
	[tilespmem:s20+$0x0] =	vst v63  }
.LBB2_24:
0x1db: {  	p0 =	sne.s32 s22, $0xF80;
	s24 =	sor.u32 $0x1180, s24;
	v0 =	vld [tilespmem:s23+$0xC000]  }
0x1dc: {  	v1 =	vld [tilespmem:s24+$0xC000];
	_ =	sdelay $0x4  }
0x1dd: {  	v0 =	vadd.f32 v0, v1;
	_ =	sdelay $0x1  }
0x1de: {  	v0 =	vmax.f32 v0, $1.000000000e+00  }
0x1df: {  	(erf) = vrcp.f32 v0;
	_ =	sdelay $0x1  }
0x1e0: {  	v0 =	vld [tilespmem:s24+$0x8000]  }
0x1e1: {  	v1 =	vld [tilespmem:s23+$0x8000];
	_ =	sdelay $0x4  }
0x1e2: {  	v0 =	vadd.f32 v1, v0  }
.Ltmp11:
0x1e3: {  	v1 =	vpop (erf);
	(pc) =	sbr.rel @p0 .LBB2_24-.Ltmp11, $4  }
0x1e4: {  	v0 =	vmul.f32 v1, v0  }
0x1e5: {  	s21 =	sadd.s32 $0x10, s21;
	s19 =	sadd.s32 $0x10, s19;
	s23 =	sand.u32 $0xFFFFFC00, s22  }
0x1e6: {  	s20 =	sadd.s32 $0x10, s20;
	s24 =	sadd.s32 s23, s21;
	[tilespmem:s19+$0x0] =	vst v0  }
0x1e7: {  	s22 =	sadd.s32 $0x80, s22;
	s23 =	sor.u32 $0x3180, s24;
	[tilespmem:s20+$0x0] =	vst v1  }
0x1e8: {  	s21 =	sor.u32 $0x1180, s24;
	v0 =	vld [tilespmem:s23+$0xC000]  }
0x1e9: {  	v1 =	vld [tilespmem:s21+$0xC000];
	_ =	sdelay $0x4  }
0x1ea: {  	v0 =	vadd.f32 v0, v1;
	_ =	sdelay $0x1  }
0x1eb: {  	v0 =	vmax.f32 v0, $1.000000000e+00  }
0x1ec: {  	(erf) = vrcp.f32 v0;
	_ =	sdelay $0x1  }
0x1ed: {  	v1 =	vld [tilespmem:s23+$0x8000]  }
0x1ee: {  	v0 =	vld [tilespmem:s21+$0x8000];
	_ =	sdelay $0x4  }
0x1ef: {  	v0 =	vadd.f32 v1, v0  }
0x1f0: {  	v1 =	vpop (erf)  }
0x1f1: {  	v0 =	vmul.f32 v1, v0  }
0x1f2: {  	s19 =	sadd.s32 $0x10, s19  }
0x1f3: {  	s26 =	sadd.s32 $0x10, s20;
	s28 =	sand.u32 $0x70, s18;
	s29 =	sand.u32 $0xC00, s18;
	[tilespmem:s19+$0x0] =	vst v0  }
0x1f4: {  	s18 =	sor.u32 s28, s29;
	[tilespmem:s26+$0x0] =	vst v1  }
0x1f5: {  	v0 =	vld [tilespmem:s18+$0xF200]  }
0x1f6: {  	v1 =	vld [tilespmem:s18+$0xD200];
	_ =	sdelay $0x4  }
0x1f7: {  	v0 =	vadd.f32 v0, v1;
	_ =	sdelay $0x1  }
0x1f8: {  	v0 =	vmax.f32 v0, $1.000000000e+00  }
0x1f9: {  	(erf) = vrcp.f32 v0;
	_ =	sdelay $0x1  }
0x1fa: {  	v1 =	vld [tilespmem:s18+$0xB200]  }
0x1fb: {  	v0 =	vld [tilespmem:s18+$0x9200];
	_ =	sdelay $0x4  }
0x1fc: {  	v0 =	vadd.f32 v1, v0  }
0x1fd: {  	v1 =	vpop (erf)  }
0x1fe: {  	v0 =	vmul.f32 v1, v0  }
0x1ff: {  	s30 =	simm.s32 $0x10;
	s19 =	simm.s32 $0x11800  }
0x200: {  	s31 =	sand.u32 $0xC00, s17;
	s20 =	sand.u32 $0x70, s30;
	s18 =	simm.s32 $0x13800;
	[tilespmem:s19+$0x0] =	vst v0  }
0x201: {  	s21 =	sor.u32 s20, s31;
	[tilespmem:s18+$0x0] =	vst v1  }
0x202: {  	s20 =	simm.s32 $0x20;
	v0 =	vld [tilespmem:s21+$0xF200]  }
.LBB2_26:
0x203: {  	p0 =	sne.s32 s20, $0x1F0;
	v1 =	vld [tilespmem:s21+$0xD200];
	_ =	sdelay $0x4  }
0x204: {  	v0 =	vadd.f32 v0, v1;
	_ =	sdelay $0x1  }
0x205: {  	v0 =	vmax.f32 v0, $1.000000000e+00  }
0x206: {  	(erf) = vrcp.f32 v0;
	_ =	sdelay $0x1  }
0x207: {  	v0 =	vld [tilespmem:s21+$0x9200]  }
0x208: {  	v1 =	vld [tilespmem:s21+$0xB200];
	_ =	sdelay $0x4  }
0x209: {  	v0 =	vadd.f32 v1, v0  }
0x20a: {  	v1 =	vpop (erf)  }
.Ltmp12:
0x20b: {  	v0 =	vmul.f32 v1, v0;
	(pc) =	sbr.rel @p0 .LBB2_26-.Ltmp12, $4  }
0x20c: {  	s17 =	sadd.s32 $0x80, s17;
	s19 =	sadd.s32 $0x10, s19  }
0x20d: {  	s18 =	sadd.s32 $0x10, s18;
	s22 =	sand.u32 $0xC00, s17;
	s21 =	sand.u32 $0x70, s20;
	[tilespmem:s19+$0x0] =	vst v0  }
0x20e: {  	s21 =	sor.u32 s21, s22;
	[tilespmem:s18+$0x0] =	vst v1  }
0x20f: {  	s20 =	sadd.s32 $0x10, s20;
	v0 =	vld [tilespmem:s21+$0xF200]  }
0x210: {  	v1 =	vld [tilespmem:s21+$0xD200];
	_ =	sdelay $0x4  }
0x211: {  	v0 =	vadd.f32 v0, v1;
	_ =	sdelay $0x1  }
0x212: {  	v0 =	vmax.f32 v0, $1.000000000e+00  }
0x213: {  	(erf) = vrcp.f32 v0;
	_ =	sdelay $0x1  }
0x214: {  	v1 =	vld [tilespmem:s21+$0xB200]  }
0x215: {  	v0 =	vld [tilespmem:s21+$0x9200];
	_ =	sdelay $0x4  }
0x216: {  	v0 =	vadd.f32 v1, v0  }
0x217: {  	v1 =	vpop (erf)  }
0x218: {  	v0 =	vmul.f32 v1, v0  }
0x219: {  	s17 =	sadd.s32 $0x10, s19;
	s28 =	simm.s32 $0x0  }
0x21a: {  	s29 =	sadd.s32 $0x10, s18;
	s30 =	sand.u32 $0x70, s28;
	s19 =	sand.u32 $0xC00, s28;
	[tilespmem:s17+$0x0] =	vst v0  }
0x21b: {  	s17 =	sor.u32 s30, s19;
	[tilespmem:s29+$0x0] =	vst v1  }
0x21c: {  	v0 =	vld [tilespmem:s17+$0xF280]  }
0x21d: {  	v1 =	vld [tilespmem:s17+$0xD280];
	_ =	sdelay $0x4  }
0x21e: {  	v0 =	vadd.f32 v0, v1;
	_ =	sdelay $0x1  }
0x21f: {  	v0 =	vmax.f32 v0, $1.000000000e+00  }
0x220: {  	(erf) = vrcp.f32 v0;
	_ =	sdelay $0x1  }
0x221: {  	v1 =	vld [tilespmem:s17+$0xB280]  }
0x222: {  	v0 =	vld [tilespmem:s17+$0x9280];
	_ =	sdelay $0x4  }
0x223: {  	v0 =	vadd.f32 v1, v0  }
0x224: {  	v1 =	vpop (erf)  }
0x225: {  	v0 =	vmul.f32 v1, v0  }
0x226: {  	s31 =	simm.s32 $0x10;
	s21 =	simm.s32 $0x80;
	s19 =	simm.s32 $0x11A00  }
0x227: {  	s20 =	simm.s32 $0x13A00;
	s18 =	sand.u32 $0x70, s31;
	s22 =	sand.u32 $0xC00, s21;
	[tilespmem:s19+$0x0] =	vst v0  }
0x228: {  	s23 =	sor.u32 s18, s22;
	[tilespmem:s20+$0x0] =	vst v1  }
0x229: {  	s22 =	simm.s32 $0x20;
	v0 =	vld [tilespmem:s23+$0xF280]  }
.LBB2_28:
0x22a: {  	p0 =	sne.s32 s22, $0x1F0;
	v1 =	vld [tilespmem:s23+$0xD280];
	_ =	sdelay $0x4  }
0x22b: {  	v0 =	vadd.f32 v0, v1;
	_ =	sdelay $0x1  }
0x22c: {  	v0 =	vmax.f32 v0, $1.000000000e+00  }
0x22d: {  	(erf) = vrcp.f32 v0;
	_ =	sdelay $0x1  }
0x22e: {  	v0 =	vld [tilespmem:s23+$0x9280]  }
0x22f: {  	v1 =	vld [tilespmem:s23+$0xB280];
	_ =	sdelay $0x4  }
0x230: {  	v0 =	vadd.f32 v1, v0  }
0x231: {  	v1 =	vpop (erf)  }
.Ltmp13:
0x232: {  	v0 =	vmul.f32 v1, v0;
	(pc) =	sbr.rel @p0 .LBB2_28-.Ltmp13, $4  }
0x233: {  	s21 =	sadd.s32 $0x80, s21;
	s19 =	sadd.s32 $0x10, s19  }
0x234: {  	s20 =	sadd.s32 $0x10, s20;
	s24 =	sand.u32 $0xC00, s21;
	s23 =	sand.u32 $0x70, s22;
	[tilespmem:s19+$0x0] =	vst v0  }
0x235: {  	s23 =	sor.u32 s23, s24;
	[tilespmem:s20+$0x0] =	vst v1  }
0x236: {  	s22 =	sadd.s32 $0x10, s22;
	v0 =	vld [tilespmem:s23+$0xF280]  }
0x237: {  	v1 =	vld [tilespmem:s23+$0xD280];
	_ =	sdelay $0x4  }
0x238: {  	v0 =	vadd.f32 v0, v1;
	_ =	sdelay $0x1  }
0x239: {  	v0 =	vmax.f32 v0, $1.000000000e+00  }
0x23a: {  	(erf) = vrcp.f32 v0;
	_ =	sdelay $0x1  }
0x23b: {  	v1 =	vld [tilespmem:s23+$0xB280]  }
0x23c: {  	v0 =	vld [tilespmem:s23+$0x9280];
	_ =	sdelay $0x4  }
0x23d: {  	v0 =	vadd.f32 v1, v0  }
0x23e: {  	v1 =	vpop (erf)  }
0x23f: {  	v0 =	vmul.f32 v1, v0  }
0x240: {  	s19 =	sadd.s32 $0x10, s19  }
0x241: {  	s31 =	sadd.s32 $0x10, s20;
	[tilespmem:s19+$0x0] =	vst v0  }
0x242: {  	[tilespmem:s31+$0x0] =	vst v1  }
0x243: {  	v0 =	vld [tilespmem:s17+$0xF300]  }
0x244: {  	v1 =	vld [tilespmem:s17+$0xD300];
	_ =	sdelay $0x4  }
0x245: {  	v0 =	vadd.f32 v0, v1;
	_ =	sdelay $0x1  }
0x246: {  	v0 =	vmax.f32 v0, $1.000000000e+00  }
0x247: {  	(erf) = vrcp.f32 v0;
	_ =	sdelay $0x1  }
0x248: {  	v1 =	vld [tilespmem:s17+$0xB300]  }
0x249: {  	v0 =	vld [tilespmem:s17+$0x9300];
	_ =	sdelay $0x4  }
0x24a: {  	v0 =	vadd.f32 v1, v0  }
0x24b: {  	v1 =	vpop (erf)  }
0x24c: {  	v0 =	vmul.f32 v1, v0  }
0x24d: {  	s20 =	simm.s32 $0x80;
	s19 =	simm.s32 $0x11C00  }
0x24e: {  	s21 =	sand.u32 $0xC00, s20;
	s17 =	simm.s32 $0x13C00;
	[tilespmem:s19+$0x0] =	vst v0  }
0x24f: {  	s21 =	sor.u32 s18, s21;
	[tilespmem:s17+$0x0] =	vst v1  }
0x250: {  	s18 =	simm.s32 $0x20;
	v0 =	vld [tilespmem:s21+$0xF300]  }
.LBB2_30:
0x251: {  	p0 =	sne.s32 s18, $0x1F0;
	v1 =	vld [tilespmem:s21+$0xD300];
	_ =	sdelay $0x4  }
0x252: {  	v0 =	vadd.f32 v0, v1;
	_ =	sdelay $0x1  }
0x253: {  	v0 =	vmax.f32 v0, $1.000000000e+00  }
0x254: {  	(erf) = vrcp.f32 v0;
	_ =	sdelay $0x1  }
0x255: {  	v0 =	vld [tilespmem:s21+$0x9300]  }
0x256: {  	v1 =	vld [tilespmem:s21+$0xB300];
	_ =	sdelay $0x4  }
0x257: {  	v0 =	vadd.f32 v1, v0  }
0x258: {  	v1 =	vpop (erf)  }
.Ltmp14:
0x259: {  	v0 =	vmul.f32 v1, v0;
	(pc) =	sbr.rel @p0 .LBB2_30-.Ltmp14, $4  }
0x25a: {  	s20 =	sadd.s32 $0x80, s20;
	s19 =	sadd.s32 $0x10, s19  }
0x25b: {  	s17 =	sadd.s32 $0x10, s17;
	s22 =	sand.u32 $0xC00, s20;
	s21 =	sand.u32 $0x70, s18;
	[tilespmem:s19+$0x0] =	vst v0  }
0x25c: {  	s21 =	sor.u32 s21, s22;
	[tilespmem:s17+$0x0] =	vst v1  }
0x25d: {  	s18 =	sadd.s32 $0x10, s18;
	v0 =	vld [tilespmem:s21+$0xF300]  }
0x25e: {  	v1 =	vld [tilespmem:s21+$0xD300];
	_ =	sdelay $0x4  }
0x25f: {  	v0 =	vadd.f32 v0, v1;
	_ =	sdelay $0x1  }
0x260: {  	v0 =	vmax.f32 v0, $1.000000000e+00  }
0x261: {  	(erf) = vrcp.f32 v0;
	_ =	sdelay $0x1  }
0x262: {  	v1 =	vld [tilespmem:s21+$0xB300]  }
0x263: {  	v0 =	vld [tilespmem:s21+$0x9300];
	_ =	sdelay $0x4  }
0x264: {  	v0 =	vadd.f32 v1, v0  }
0x265: {  	v1 =	vpop (erf)  }
0x266: {  	v0 =	vmul.f32 v1, v0  }
0x267: {  	s18 =	sadd.s32 $0x10, s19;
	s29 =	simm.s32 $0x0  }
0x268: {  	s17 =	sadd.s32 $0x10, s17;
	s30 =	sor.u32 s29, s29;
	[tilespmem:s18+$0x0] =	vst v0  }
0x269: {  	s31 =	sor.u32 $0x3380, s30;
	[tilespmem:s17+$0x0] =	vst v1  }
0x26a: {  	s18 =	sor.u32 $0x1380, s30;
	v0 =	vld [tilespmem:s31+$0xC000]  }
0x26b: {  	v1 =	vld [tilespmem:s18+$0xC000];
	_ =	sdelay $0x4  }
0x26c: {  	v0 =	vadd.f32 v0, v1;
	_ =	sdelay $0x1  }
0x26d: {  	v0 =	vmax.f32 v0, $1.000000000e+00  }
0x26e: {  	(erf) = vrcp.f32 v0;
	_ =	sdelay $0x1  }
0x26f: {  	v1 =	vld [tilespmem:s31+$0x8000]  }
0x270: {  	v0 =	vld [tilespmem:s18+$0x8000];
	_ =	sdelay $0x4  }
0x271: {  	v0 =	vadd.f32 v1, v0  }
0x272: {  	v1 =	vpop (erf)  }
0x273: {  	v0 =	vmul.f32 v1, v0  }
0x274: {  	s20 =	simm.s32 $0x10;
	s19 =	simm.s32 $0x80;
	s17 =	simm.s32 $0x11E00  }
0x275: {  	s20 =	sor.u32 s20, s19;
	s18 =	simm.s32 $0x13E00;
	[tilespmem:s17+$0x0] =	vst v0  }
0x276: {  	s21 =	sor.u32 $0x3380, s20;
	[tilespmem:s18+$0x0] =	vst v1  }
0x277: {  	s22 =	sor.u32 $0x1380, s20;
	s20 =	simm.s32 $0x20;
	v0 =	vld [tilespmem:s21+$0xC000]  }
.LBB2_32:
0x278: {  	p0 =	sne.s32 s20, $0x1F0;
	v1 =	vld [tilespmem:s22+$0xC000];
	_ =	sdelay $0x4  }
0x279: {  	v0 =	vadd.f32 v0, v1;
	_ =	sdelay $0x1  }
0x27a: {  	v0 =	vmax.f32 v0, $1.000000000e+00  }
0x27b: {  	(erf) = vrcp.f32 v0;
	_ =	sdelay $0x1  }
0x27c: {  	v0 =	vld [tilespmem:s22+$0x8000]  }
0x27d: {  	v1 =	vld [tilespmem:s21+$0x8000];
	_ =	sdelay $0x4  }
0x27e: {  	v0 =	vadd.f32 v1, v0  }
0x27f: {  	v1 =	vpop (erf)  }
.Ltmp15:
0x280: {  	v0 =	vmul.f32 v1, v0;
	(pc) =	sbr.rel @p0 .LBB2_32-.Ltmp15, $4  }
0x281: {  	s19 =	sadd.s32 $0x80, s19;
	s17 =	sadd.s32 $0x10, s17  }
0x282: {  	s18 =	sadd.s32 $0x10, s18;
	s22 =	sor.u32 s20, s19;
	[tilespmem:s17+$0x0] =	vst v0  }
0x283: {  	s21 =	sor.u32 $0x3380, s22;
	[tilespmem:s18+$0x0] =	vst v1  }
0x284: {  	s20 =	sadd.s32 $0x10, s20;
	s22 =	sor.u32 $0x1380, s22;
	v0 =	vld [tilespmem:s21+$0xC000]  }
0x285: {  	v1 =	vld [tilespmem:s22+$0xC000];
	_ =	sdelay $0x4  }
0x286: {  	v0 =	vadd.f32 v0, v1;
	_ =	sdelay $0x1  }
0x287: {  	v0 =	vmax.f32 v0, $1.000000000e+00  }
0x288: {  	(erf) = vrcp.f32 v0;
	_ =	sdelay $0x1  }
0x289: {  	v1 =	vld [tilespmem:s21+$0x8000]  }
0x28a: {  	v0 =	vld [tilespmem:s22+$0x8000];
	_ =	sdelay $0x4  }
0x28b: {  	v0 =	vadd.f32 v1, v0  }
0x28c: {  	v1 =	vpop (erf)  }
0x28d: {  	v0 =	vmul.f32 v1, v0  }
0x28e: {  	s17 =	sadd.s32 $0x10, s17  }
0x28f: {  	s29 =	sadd.s32 $0x10, s18;
	[tilespmem:s17+$0x0] =	vst v0  }
0x290: {  	[tilespmem:s29+$0x0] =	vst v1  }
0x291: {  	_ =	strace $0x90000053  }
0x292: {  	s30 =	simm.s32 $0x0;
	_ =	strace $0x80000054  }
0x293: {  	v0 =	vld [tilespmem:s30+$0x0];
	_ =	sdelay $0x5  }
0x294: {  	s31 =	simm.s32 $0x10;
	v2 =	vld [tilespmem:s30+$0x4000]  }
0x295: {  	v1 =	vld [tilespmem:s31+$0x0]  }
0x296: {  	v3 =	vld.idx.msk [tilespmem:v0+s13+$0x0], $0xffff;
	_ =	sdelay $0x2  }
0x297: {  	v4 =	vld.idx.msk [tilespmem:v0+s14+$0x0], $0xffff;
	_ =	sdelay $0x1  }
0x298: {  	v0 =	vsub.f32 v3, v2;
	_ =	sdelay $0x1  }
0x299: {  	v2 =	vld [tilespmem:s31+$0x4000];
	v5 =	vand.u32 $0x7FFFFFFF, v0  }
0x29a: {  	s18 =	simm.s32 $0xC0;
	s17 =	simm.s32 $0x20;
	v3 =	vld.idx.msk [tilespmem:v1+s13+$0x0], $0xffff;
	v0 =	vimm.f32 $0.0e+00;
	v4 =	vmul.f32 v5, v4  }
.LBB2_34:
0x29b: {  	p0 =	sne.s32 s18, $0xFFC0;
	v5 =	vld [tilespmem:s17+$0x0]  }
0x29c: {  	v0 =	vadd.f32 v4, v0  }
0x29d: {  	v4 =	vld.idx.msk [tilespmem:v1+s14+$0x0], $0xffff;
	_ =	sdelay $0x1  }
.Ltmp16:
0x29e: {  	(pc) =	sbr.rel @p0 .LBB2_34-.Ltmp16, $3  }
0x29f: {  	v3 =	vsub.f32 v3, v2;
	v1 =	vmov v5;
	_ =	sdelay $0x1  }
0x2a0: {  	v6 =	vand.u32 $0x7FFFFFFF, v3;
	v2 =	vld [tilespmem:s17+$0x4000]  }
0x2a1: {  	s17 =	sshra.s32 s18, $0x2;
	s18 =	sadd.s32 $0x40, s18;
	v4 =	vmul.f32 v6, v4;
	v3 =	vld.idx.msk [tilespmem:v5+s13+$0x0], $0xffff  }
0x2a2: {  	v5 =	vld [tilespmem:s17+$0x0];
	_ =	sdelay $0x6  }
0x2a3: {  	v6 =	vld [tilespmem:s17+$0x4000]  }
0x2a4: {  	v7 =	vld.idx.msk [tilespmem:v5+s13+$0x0], $0xffff  }
0x2a5: {  	v1 =	vld.idx.msk [tilespmem:v1+s14+$0x0], $0xffff;
	_ =	sdelay $0x1  }
0x2a6: {  	v2 =	vsub.f32 v3, v2;
	v60 =	vld.idx.msk [tilespmem:v5+s14+$0x0], $0xffff;
	_ =	sdelay $0x1  }
0x2a7: {  	v2 =	vand.u32 $0x7FFFFFFF, v2;
	v61 =	vsub.f32 v7, v6  }
0x2a8: {  	v0 =	vadd.f32 v4, v0;
	v1 =	vmul.f32 v2, v1  }
0x2a9: {  	v62 =	vand.u32 $0x7FFFFFFF, v61  }
0x2aa: {  	v0 =	vadd.f32 v1, v0;
	v63 =	vmul.f32 v62, v60;
	_ =	sdelay $0x1  }
0x2ab: {  	v0 =	vadd.f32 v63, v0  }
0x2ac: {  	s16 =	sadd.s32 $0x1, s16  }
0x2ad: {  	p0 =	sne.s32 s16, s8;
	[tilespmem:$0x14000] =	vst v0  }
0x2ae: {  	[hbm4b:s7+s2] =	stream.linear.scatter [tilespmem:s15], [sflag:$0x1], $0x80, $0x200038;
	[tilespmem:$0x14080] =	vst v63  }
.Ltmp17:
0x2af: {  	_ = 	snop;
	(pc) =	sbr.rel @p0 .LBB2_1-.Ltmp17, $4  }
0x2b0: {  	_ =	swait.ge [sflag:s10], $0x80  }
0x2b1: {  	[sflag:s10] =	ssyncset.done $0x0  }
0x2b2: {  	[sflag:s10] =	ssyncadd.s32 $0xFFFFFF80  }
0x2b3: {  	_ =	strace $0x90000054  }
0x2b4: {  	_ =	sfence.sel $0x180000  }
0x2b5: {  	[bflag:$0x0] =	sbarrier.arrive $0xFFFF  }
0x2b6: {  	p0 =	sne.s32 s1, $0x0;
	_ =	strace $0x90000051  }
0x2b7: {  	s0 =	sadd.s32 @!p0 $0x100000, s0;
	[bflag:$0x2] =	sbarrier.arrive $0xFFFF  }
0x2b8: {  	[sflag:s0] =	ssyncadd.tile.s32 @!p0 $0x1;
	_ =	shalt  }
.Lfunc_end2:
_tile_overlayer_lowered:
.L_overlay_start_2:
0x2b9: {  	(tag) =	ssettag $0x2  }
0x2ba: {  	s0 =	rddreg [dreg:$0x0];
	s2 =	stileid.u32  }
0x2bb: {  	s1 =	rddreg [dreg:$0x1];
	p0 =	sne.s32 s2, $0x0  }
0x2bc: {  	s3 =	rddreg [dreg:$0x2];
	[bflag:$0x3] =	sbarrier.arrive $0xFFFF;
	s2 =	simm.s32 @!p0 $0x1C01  }
0x2bd: {  	[timem:s3], [sflag:s2] =	dma.local @!p0 [hbm:s0], s1  }
0x2be: {  	s0 =	simm.s32 @!p0 $0x1  }
0x2bf: {  	_ =	swait.ge @!p0 [sflag:s0], s1  }
0x2c0: {  	s1 =	ssub.s32 @!p0 $0x0, s1;
	[sflag:s0] =	ssyncset.done @!p0 $0x0  }
0x2c1: {  	[sflag:s0] =	ssyncadd.s32 @!p0 s1  }
0x2c2: {  	[bflag:$0x3] =	sbarrier.arrive $0xFFFF  }
0x2c3: {  	_ =	shalt  }

</sc_bundles>
